<compile_context>
chip_gen: v7x
topology: tpu7x:2x2x1
jax: 0.10.2.dev20260603
libtpu: 0.0.44.dev20260713+nightly
codegen_flags: <defaults>
</compile_context>

<pallas_src>
import functools

import jax
import jax.numpy as jnp
from jax import lax
from jax.experimental import pallas as pl
from jax.experimental.pallas import tpu as pltpu
from jax.experimental.pallas import tpu_sc as plsc

_N = 4_000_000
_GN = 256
_NCELL = _GN * _GN * _GN
_SLAB = 1_835_008
_RUNT = 1 << 20
_RUNT_BASE = 8 * _SLAB
_N_PAD = 1 << 22
_NTILE = 16
_TILE_SHARE = _N_PAD // _NTILE
_W = 4096
_NWIN = _TILE_SHARE // _W
_UNROLL = 8


def _cell_idx_body(x_ref, y_ref, z_ref, m_ref, idx_ref, w_ref):
    gmin = jnp.float32(-10.0)
    dx = (jnp.float32(10.0) - gmin) / jnp.float32(_GN - 1)

    def cell(p):
        fi = (p - gmin) / dx + jnp.float32(0.5)
        return jnp.clip(fi, -4.0, 300.0).astype(jnp.int32)

    ix = cell(x_ref[...])
    iy = cell(y_ref[...])
    iz = cell(z_ref[...])
    ok = ((ix >= 0) & (ix < _GN) & (iy >= 0) & (iy < _GN)
          & (iz >= 0) & (iz < _GN))
    flat = (ix * _GN + iy) * _GN + iz
    shp = idx_ref.shape
    dummy = (lax.broadcasted_iota(jnp.int32, shp, 0) * shp[1]
             + lax.broadcasted_iota(jnp.int32, shp, 1))
    idx_ref[...] = jnp.where(ok, flat, dummy & (_NCELL - 1))
    w_ref[...] = jnp.where(ok, m_ref[...], jnp.float32(0.0))


def _cell_idx(x, y, z, m):
    rows, cols = 4096, 1024
    blk = 512
    npad = _N_PAD - _N
    x2, y2, z2 = (jnp.pad(a, (0, npad), constant_values=1e9)
                  .reshape(rows, cols) for a in (x, y, z))
    m2 = jnp.pad(m, (0, npad)).reshape(rows, cols)
    spec = pl.BlockSpec((blk, cols), lambda i: (i, 0))
    idx2, w2 = pl.pallas_call(
        _cell_idx_body,
        grid=(rows // blk,),
        in_specs=[spec] * 4,
        out_specs=[spec] * 2,
        out_shape=[
            jax.ShapeDtypeStruct((rows, cols), jnp.int32),
            jax.ShapeDtypeStruct((rows, cols), jnp.float32),
        ],
    )(x2, y2, z2, m2)
    return idx2.reshape(-1), w2.reshape(-1)


@functools.partial(
    pl.kernel,
    mesh=plsc.VectorSubcoreMesh(core_axis_name="c", subcore_axis_name="s"),
    out_type=jax.ShapeDtypeStruct((_NCELL,), jnp.float32),
    scratch_types=[
        pltpu.VMEM((_W,), jnp.int32),
        pltpu.VMEM((_W,), jnp.float32),
        pltpu.VMEM_SHARED((_SLAB,), jnp.float32),
    ],
    compiler_params=pltpu.CompilerParams(needs_layout_passes=False),
)
def _scatter_kernel(idx_hbm, w_hbm, out_hbm, idxw, ww, acc):
    c = lax.axis_index("c")
    s = lax.axis_index("s")
    pbase = s * _TILE_SHARE
    iota = lax.iota(jnp.int32, 16)
    zv = jnp.zeros((16,), jnp.float32)

    def slab_pass(slab_base, size):
        chunk = size // _NTILE

        def zfill(i, _):
            ww[pl.ds(i * 16, 16)] = zv
            return 0

        lax.fori_loop(0, _W // 16, zfill, 0)
        for k in range(chunk // _W):
            pltpu.sync_copy(ww, acc.at[pl.ds(s * chunk + k * _W, _W)])
        plsc.subcore_barrier()

        def vbody(i, _):
            for u in range(_UNROLL):
                b = i * (16 * _UNROLL) + u * 16
                lv = idxw[pl.ds(b, 16)]
                loc = lv - slab_base
                m = (loc >= 0) & (loc < size)
                idxw[pl.ds(b, 16)] = jnp.where(m, loc, iota + b)
                wv = ww[pl.ds(b, 16)]
                ww[pl.ds(b, 16)] = jnp.where(m, wv, jnp.float32(0.0))
            return 0

        def wbody(win, _):
            off = pbase + win * _W
            pltpu.sync_copy(idx_hbm.at[pl.ds(off, _W)], idxw)
            pltpu.sync_copy(w_hbm.at[pl.ds(off, _W)], ww)
            lax.fori_loop(0, _W // (16 * _UNROLL), vbody, 0)
            pltpu.sync_copy(ww, acc.at[idxw], add=True)
            return 0

        lax.fori_loop(0, _NWIN, wbody, 0)
        plsc.subcore_barrier()

        pltpu.sync_copy(acc.at[pl.ds(s * chunk, chunk)],
                        out_hbm.at[pl.ds(slab_base + s * chunk, chunk)])
        plsc.subcore_barrier()

    for j in range(4):
        slab_pass((c * 4 + j) * _SLAB, _SLAB)
    slab_pass(_RUNT_BASE + c * _RUNT, _RUNT)


def kernel(positions, masses):
    pt = positions.T
    idx, w = _cell_idx(pt[0], pt[1], pt[2], masses)
    grid = _scatter_kernel(idx, w)
    return grid.reshape(_GN, _GN, _GN)

# --- scband reference (transcript-rebuilt; emitter-appended) ---
"""Pipeline reference for scband-force-grid-5875515261578 (READ-ONLY COPY).

The authoritative reference and input builder live on the scoring server;
editing this copy changes nothing except your own understanding.
"""

import jax, jax.numpy as jnp
import numpy as np

N_PART = 4000000
GRID_N = (256, 256, 256)
GRID_EDGE = 10.0


def setup_inputs(seed: int = 0) -> dict:
    key = jax.random.key(seed)
    k1, k2 = jax.random.split(key)
    positions = jax.random.normal(k1, (N_PART, 3), dtype=jnp.float32)
    masses = jax.random.uniform(k2, (N_PART,), dtype=jnp.float32)
    return {"positions": positions, "masses": masses}


def reference(positions, masses):
    # Faithful port of Grid.grid_data(positions, weights=masses, method='nearest')
    # grid_edges = (10,10,10) -> min=-10, max=+10 per dim; n = (256,256,256)
    n = jnp.asarray(GRID_N, dtype=jnp.int64)
    gmin = jnp.asarray([-GRID_EDGE, -GRID_EDGE, -GRID_EDGE], dtype=jnp.float32)
    gmax = -gmin
    dx = (gmax - gmin) / (jnp.asarray(GRID_N, dtype=jnp.float32) - 1.0)
    # float index
    fi = (positions - gmin[None, :]) / dx[None, :]
    # nearest: truncating cast of (fi + 0.5), matching torch .type(torch.int64)
    i = (fi + 0.5).astype(jnp.int64)  # convert_element_type truncates toward zero
    gd = jnp.all((i >= 0) & (i < n[None, :]), axis=1)
    # flatten 3D indices; route invalid particles to cell 0 with zero weight
    flat = (i[:, 0] * GRID_N[1] + i[:, 1]) * GRID_N[2] + i[:, 2]
    flat = jnp.where(gd, flat, 0)
    w = jnp.where(gd, masses, jnp.float32(0.0))
    data = jnp.zeros(GRID_N[0] * GRID_N[1] * GRID_N[2], dtype=jnp.float32)
    data = data.at[flat].add(w)
    return data.reshape(GRID_N)

if __name__ == "__main__":
    import jax
    _d = setup_inputs()
    print(jax.jit(kernel)(*tuple(_d.values())))

</pallas_src>

<mosaic_0001>
#map = affine_map<(d0, d1) -> (0)>
module attributes {stable_mosaic.version = 14 : i64} {
  func.func @_scatter_kernel(%arg0: i32, %arg1: i32, %arg2: memref<4194304xi32, #tpu.memory_space<hbm>>, %arg3: memref<4194304xf32, #tpu.memory_space<hbm>>, %arg4: memref<16777216xf32, #tpu.memory_space<hbm>>, %arg5: memref<4096xi32, #tpu.memory_space<vmem>>, %arg6: memref<4096xf32, #tpu.memory_space<vmem>>, %arg7: memref<1835008xf32, #tpu.memory_space<vmem_shared>>) attributes {dimension_semantics = [#tpu.dimension_semantics<core_parallel>, #tpu.dimension_semantics<subcore_parallel>], iteration_bounds = array<i64: 2, 16>, scalar_prefetch = 0 : i64, scratch_operands = 3 : i64, tpu.core_type = #tpu.core_type<sc_vector_subcore>, window_params = [{transform_indices = #map}, {transform_indices = #map}, {transform_indices = #map}]} {
    %mul3A = arith.constant 262144 : i32
    %mul3A_0 = arith.muli %arg1, %mul3A : i32
    %iota3A = tpu.iota {dimensions = array<i32: 0>} : vector<16xi32>
    %broadcast_in_dim3A = arith.constant 0.000000e+00 : f32
    %broadcast_in_dim3A_1 = vector.broadcast %broadcast_in_dim3A : f32 to vector<16xf32>
    %mul3A_2 = arith.constant 4 : i32
    %mul3A_3 = arith.muli %arg0, %mul3A_2 : i32
    %add3A = arith.constant 0 : i32
    %add3A_4 = arith.addi %mul3A_3, %add3A : i32
    %mul3A_5 = arith.constant 1835008 : i32
    %mul3A_6 = arith.muli %add3A_4, %mul3A_5 : i32
    %scan3A = arith.constant 0 : i32
    %scan3A_7 = arith.constant 0 : i32
    %scan3A_8 = arith.constant 256 : i32
    %scan3A_9 = arith.addi %scan3A_7, %scan3A_8 : i32
    %scan3A_10 = arith.constant 1 : i32
    %scan3A_11 = scf.for %scan3A_649 = %scan3A_7 to %scan3A_9 step %scan3A_10 iter_args(%scan3A_650 = %scan3A) -> (i32)  : i32 {
      %mul3A_651 = arith.constant 16 : i32
      %mul3A_652 = arith.muli %scan3A_649, %mul3A_651 : i32
      %swap3A = arith.index_cast %mul3A_652 : i32 to index
      %swap3A_653 = tpu.vector_load %arg6[%swap3A] {strides = array<i32>} : memref<4096xf32, #tpu.memory_space<vmem>>, vector<16xf32>,
      tpu.vector_store %arg6[%swap3A], %broadcast_in_dim3A_1 {strides = array<i32>} : memref<4096xf32, #tpu.memory_space<vmem>>, vector<16xf32>,
      %scan3A_654 = arith.constant 0 : i32
      scf.yield %scan3A_654 : i32
    }
    %scan3A_12 = arith.constant 256 : i32
    %mul3A_13 = arith.constant 114688 : i32
    %mul3A_14 = arith.muli %arg1, %mul3A_13 : i32
    %add3A_15 = arith.constant 0 : i32
    %add3A_16 = arith.addi %mul3A_14, %add3A_15 : i32
    "tpu.region"() ({
      %run_scoped3A = tpu.sem_alloc : memref<!tpu.dma_semaphore, #tpu.memory_space<semaphore_mem>>
      %dma_start3A = tpu.memref_slice %arg7[%add3A_16] : memref<1835008xf32, #tpu.memory_space<vmem_shared>> -> memref<4096xf32, #tpu.memory_space<vmem_shared>>
      %dma_start3A_649 = tpu.memref_slice %arg7[%add3A_16] : memref<1835008xf32, #tpu.memory_space<vmem_shared>> -> memref<4096xf32, #tpu.memory_space<vmem_shared>>
      tpu.enqueue_dma source(%arg6 : memref<4096xf32, #tpu.memory_space<vmem>>) target(%dma_start3A_649 : memref<4096xf32, #tpu.memory_space<vmem_shared>>) target_semaphore(%run_scoped3A : memref<!tpu.dma_semaphore, #tpu.memory_space<semaphore_mem>>)
      %dma_wait3A = tpu.memref_slice %arg7[%add3A_16] : memref<1835008xf32, #tpu.memory_space<vmem_shared>> -> memref<4096xf32, #tpu.memory_space<vmem_shared>>
      %dma_wait3A_650 = tpu.memref_slice %arg7[%add3A_16] : memref<1835008xf32, #tpu.memory_space<vmem_shared>> -> memref<4096xf32, #tpu.memory_space<vmem_shared>>
      tpu.wait_dma2 semaphore(%run_scoped3A : memref<!tpu.dma_semaphore, #tpu.memory_space<semaphore_mem>>) src(%arg6 : memref<4096xf32, #tpu.memory_space<vmem>>) dst(%dma_wait3A_650 : memref<4096xf32, #tpu.memory_space<vmem_shared>>)
      tpu.yield
    }) : () -> ()
    %mul3A_17 = arith.constant 114688 : i32
    %mul3A_18 = arith.muli %arg1, %mul3A_17 : i32
    %add3A_19 = arith.constant 4096 : i32
    %add3A_20 = arith.addi %mul3A_18, %add3A_19 : i32
    "tpu.region"() ({
      %run_scoped3A = tpu.sem_alloc : memref<!tpu.dma_semaphore, #tpu.memory_space<semaphore_mem>>
      %dma_start3A = tpu.memref_slice %arg7[%add3A_20] : memref<1835008xf32, #tpu.memory_space<vmem_shared>> -> memref<4096xf32, #tpu.memory_space<vmem_shared>>
      %dma_start3A_649 = tpu.memref_slice %arg7[%add3A_20] : memref<1835008xf32, #tpu.memory_space<vmem_shared>> -> memref<4096xf32, #tpu.memory_space<vmem_shared>>
      tpu.enqueue_dma source(%arg6 : memref<4096xf32, #tpu.memory_space<vmem>>) target(%dma_start3A_649 : memref<4096xf32, #tpu.memory_space<vmem_shared>>) target_semaphore(%run_scoped3A : memref<!tpu.dma_semaphore, #tpu.memory_space<semaphore_mem>>)
      %dma_wait3A = tpu.memref_slice %arg7[%add3A_20] : memref<1835008xf32, #tpu.memory_space<vmem_shared>> -> memref<4096xf32, #tpu.memory_space<vmem_shared>>
      %dma_wait3A_650 = tpu.memref_slice %arg7[%add3A_20] : memref<1835008xf32, #tpu.memory_space<vmem_shared>> -> memref<4096xf32, #tpu.memory_space<vmem_shared>>
      tpu.wait_dma2 semaphore(%run_scoped3A : memref<!tpu.dma_semaphore, #tpu.memory_space<semaphore_mem>>) src(%arg6 : memref<4096xf32, #tpu.memory_space<vmem>>) dst(%dma_wait3A_650 : memref<4096xf32, #tpu.memory_space<vmem_shared>>)
      tpu.yield
    }) : () -> ()
    %mul3A_21 = arith.constant 114688 : i32
    %mul3A_22 = arith.muli %arg1, %mul3A_21 : i32
    %add3A_23 = arith.constant 8192 : i32
    %add3A_24 = arith.addi %mul3A_22, %add3A_23 : i32
    "tpu.region"() ({
      %run_scoped3A = tpu.sem_alloc : memref<!tpu.dma_semaphore, #tpu.memory_space<semaphore_mem>>
      %dma_start3A = tpu.memref_slice %arg7[%add3A_24] : memref<1835008xf32, #tpu.memory_space<vmem_shared>> -> memref<4096xf32, #tpu.memory_space<vmem_shared>>
      %dma_start3A_649 = tpu.memref_slice %arg7[%add3A_24] : memref<1835008xf32, #tpu.memory_space<vmem_shared>> -> memref<4096xf32, #tpu.memory_space<vmem_shared>>
      tpu.enqueue_dma source(%arg6 : memref<4096xf32, #tpu.memory_space<vmem>>) target(%dma_start3A_649 : memref<4096xf32, #tpu.memory_space<vmem_shared>>) target_semaphore(%run_scoped3A : memref<!tpu.dma_semaphore, #tpu.memory_space<semaphore_mem>>)
      %dma_wait3A = tpu.memref_slice %arg7[%add3A_24] : memref<1835008xf32, #tpu.memory_space<vmem_shared>> -> memref<4096xf32, #tpu.memory_space<vmem_shared>>
      %dma_wait3A_650 = tpu.memref_slice %arg7[%add3A_24] : memref<1835008xf32, #tpu.memory_space<vmem_shared>> -> memref<4096xf32, #tpu.memory_space<vmem_shared>>
      tpu.wait_dma2 semaphore(%run_scoped3A : memref<!tpu.dma_semaphore, #tpu.memory_space<semaphore_mem>>) src(%arg6 : memref<4096xf32, #tpu.memory_space<vmem>>) dst(%dma_wait3A_650 : memref<4096xf32, #tpu.memory_space<vmem_shared>>)
      tpu.yield
    }) : () -> ()
    %mul3A_25 = arith.constant 114688 : i32
    %mul3A_26 = arith.muli %arg1, %mul3A_25 : i32
    %add3A_27 = arith.constant 12288 : i32
    %add3A_28 = arith.addi %mul3A_26, %add3A_27 : i32
    "tpu.region"() ({
      %run_scoped3A = tpu.sem_alloc : memref<!tpu.dma_semaphore, #tpu.memory_space<semaphore_mem>>
      %dma_start3A = tpu.memref_slice %arg7[%add3A_28] : memref<1835008xf32, #tpu.memory_space<vmem_shared>> -> memref<4096xf32, #tpu.memory_space<vmem_shared>>
      %dma_start3A_649 = tpu.memref_slice %arg7[%add3A_28] : memref<1835008xf32, #tpu.memory_space<vmem_shared>> -> memref<4096xf32, #tpu.memory_space<vmem_shared>>
      tpu.enqueue_dma source(%arg6 : memref<4096xf32, #tpu.memory_space<vmem>>) target(%dma_start3A_649 : memref<4096xf32, #tpu.memory_space<vmem_shared>>) target_semaphore(%run_scoped3A : memref<!tpu.dma_semaphore, #tpu.memory_space<semaphore_mem>>)
      %dma_wait3A = tpu.memref_slice %arg7[%add3A_28] : memref<1835008xf32, #tpu.memory_space<vmem_shared>> -> memref<4096xf32, #tpu.memory_space<vmem_shared>>
      %dma_wait3A_650 = tpu.memref_slice %arg7[%add3A_28] : memref<1835008xf32, #tpu.memory_space<vmem_shared>> -> memref<4096xf32, #tpu.memory_space<vmem_shared>>
      tpu.wait_dma2 semaphore(%run_scoped3A : memref<!tpu.dma_semaphore, #tpu.memory_space<semaphore_mem>>) src(%arg6 : memref<4096xf32, #tpu.memory_space<vmem>>) dst(%dma_wait3A_650 : memref<4096xf32, #tpu.memory_space<vmem_shared>>)
      tpu.yield
    }) : () -> ()
    %mul3A_29 = arith.constant 114688 : i32
    %mul3A_30 = arith.muli %arg1, %mul3A_29 : i32
    %add3A_31 = arith.constant 16384 : i32
    %add3A_32 = arith.addi %mul3A_30, %add3A_31 : i32
    "tpu.region"() ({
      %run_scoped3A = tpu.sem_alloc : memref<!tpu.dma_semaphore, #tpu.memory_space<semaphore_mem>>
      %dma_start3A = tpu.memref_slice %arg7[%add3A_32] : memref<1835008xf32, #tpu.memory_space<vmem_shared>> -> memref<4096xf32, #tpu.memory_space<vmem_shared>>
      %dma_start3A_649 = tpu.memref_slice %arg7[%add3A_32] : memref<1835008xf32, #tpu.memory_space<vmem_shared>> -> memref<4096xf32, #tpu.memory_space<vmem_shared>>
      tpu.enqueue_dma source(%arg6 : memref<4096xf32, #tpu.memory_space<vmem>>) target(%dma_start3A_649 : memref<4096xf32, #tpu.memory_space<vmem_shared>>) target_semaphore(%run_scoped3A : memref<!tpu.dma_semaphore, #tpu.memory_space<semaphore_mem>>)
      %dma_wait3A = tpu.memref_slice %arg7[%add3A_32] : memref<1835008xf32, #tpu.memory_space<vmem_shared>> -> memref<4096xf32, #tpu.memory_space<vmem_shared>>
      %dma_wait3A_650 = tpu.memref_slice %arg7[%add3A_32] : memref<1835008xf32, #tpu.memory_space<vmem_shared>> -> memref<4096xf32, #tpu.memory_space<vmem_shared>>
      tpu.wait_dma2 semaphore(%run_scoped3A : memref<!tpu.dma_semaphore, #tpu.memory_space<semaphore_mem>>) src(%arg6 : memref<4096xf32, #tpu.memory_space<vmem>>) dst(%dma_wait3A_650 : memref<4096xf32, #tpu.memory_space<vmem_shared>>)
      tpu.yield
    }) : () -> ()
    %mul3A_33 = arith.constant 114688 : i32
    %mul3A_34 = arith.muli %arg1, %mul3A_33 : i32
    %add3A_35 = arith.constant 20480 : i32
    %add3A_36 = arith.addi %mul3A_34, %add3A_35 : i32
    "tpu.region"() ({
      %run_scoped3A = tpu.sem_alloc : memref<!tpu.dma_semaphore, #tpu.memory_space<semaphore_mem>>
      %dma_start3A = tpu.memref_slice %arg7[%add3A_36] : memref<1835008xf32, #tpu.memory_space<vmem_shared>> -> memref<4096xf32, #tpu.memory_space<vmem_shared>>
      %dma_start3A_649 = tpu.memref_slice %arg7[%add3A_36] : memref<1835008xf32, #tpu.memory_space<vmem_shared>> -> memref<4096xf32, #tpu.memory_space<vmem_shared>>
      tpu.enqueue_dma source(%arg6 : memref<4096xf32, #tpu.memory_space<vmem>>) target(%dma_start3A_649 : memref<4096xf32, #tpu.memory_space<vmem_shared>>) target_semaphore(%run_scoped3A : memref<!tpu.dma_semaphore, #tpu.memory_space<semaphore_mem>>)
      %dma_wait3A = tpu.memref_slice %arg7[%add3A_36] : memref<1835008xf32, #tpu.memory_space<vmem_shared>> -> memref<4096xf32, #tpu.memory_space<vmem_shared>>
      %dma_wait3A_650 = tpu.memref_slice %arg7[%add3A_36] : memref<1835008xf32, #tpu.memory_space<vmem_shared>> -> memref<4096xf32, #tpu.memory_space<vmem_shared>>
      tpu.wait_dma2 semaphore(%run_scoped3A : memref<!tpu.dma_semaphore, #tpu.memory_space<semaphore_mem>>) src(%arg6 : memref<4096xf32, #tpu.memory_space<vmem>>) dst(%dma_wait3A_650 : memref<4096xf32, #tpu.memory_space<vmem_shared>>)
      tpu.yield
    }) : () -> ()
    %mul3A_37 = arith.constant 114688 : i32
    %mul3A_38 = arith.muli %arg1, %mul3A_37 : i32
    %add3A_39 = arith.constant 24576 : i32
    %add3A_40 = arith.addi %mul3A_38, %add3A_39 : i32
    "tpu.region"() ({
      %run_scoped3A = tpu.sem_alloc : memref<!tpu.dma_semaphore, #tpu.memory_space<semaphore_mem>>
      %dma_start3A = tpu.memref_slice %arg7[%add3A_40] : memref<1835008xf32, #tpu.memory_space<vmem_shared>> -> memref<4096xf32, #tpu.memory_space<vmem_shared>>
      %dma_start3A_649 = tpu.memref_slice %arg7[%add3A_40] : memref<1835008xf32, #tpu.memory_space<vmem_shared>> -> memref<4096xf32, #tpu.memory_space<vmem_shared>>
      tpu.enqueue_dma source(%arg6 : memref<4096xf32, #tpu.memory_space<vmem>>) target(%dma_start3A_649 : memref<4096xf32, #tpu.memory_space<vmem_shared>>) target_semaphore(%run_scoped3A : memref<!tpu.dma_semaphore, #tpu.memory_space<semaphore_mem>>)
      %dma_wait3A = tpu.memref_slice %arg7[%add3A_40] : memref<1835008xf32, #tpu.memory_space<vmem_shared>> -> memref<4096xf32, #tpu.memory_space<vmem_shared>>
      %dma_wait3A_650 = tpu.memref_slice %arg7[%add3A_40] : memref<1835008xf32, #tpu.memory_space<vmem_shared>> -> memref<4096xf32, #tpu.memory_space<vmem_shared>>
      tpu.wait_dma2 semaphore(%run_scoped3A : memref<!tpu.dma_semaphore, #tpu.memory_space<semaphore_mem>>) src(%arg6 : memref<4096xf32, #tpu.memory_space<vmem>>) dst(%dma_wait3A_650 : memref<4096xf32, #tpu.memory_space<vmem_shared>>)
      tpu.yield
    }) : () -> ()
    %mul3A_41 = arith.constant 114688 : i32
    %mul3A_42 = arith.muli %arg1, %mul3A_41 : i32
    %add3A_43 = arith.constant 28672 : i32
    %add3A_44 = arith.addi %mul3A_42, %add3A_43 : i32
    "tpu.region"() ({
      %run_scoped3A = tpu.sem_alloc : memref<!tpu.dma_semaphore, #tpu.memory_space<semaphore_mem>>
      %dma_start3A = tpu.memref_slice %arg7[%add3A_44] : memref<1835008xf32, #tpu.memory_space<vmem_shared>> -> memref<4096xf32, #tpu.memory_space<vmem_shared>>
      %dma_start3A_649 = tpu.memref_slice %arg7[%add3A_44] : memref<1835008xf32, #tpu.memory_space<vmem_shared>> -> memref<4096xf32, #tpu.memory_space<vmem_shared>>
      tpu.enqueue_dma source(%arg6 : memref<4096xf32, #tpu.memory_space<vmem>>) target(%dma_start3A_649 : memref<4096xf32, #tpu.memory_space<vmem_shared>>) target_semaphore(%run_scoped3A : memref<!tpu.dma_semaphore, #tpu.memory_space<semaphore_mem>>)
      %dma_wait3A = tpu.memref_slice %arg7[%add3A_44] : memref<1835008xf32, #tpu.memory_space<vmem_shared>> -> memref<4096xf32, #tpu.memory_space<vmem_shared>>
      %dma_wait3A_650 = tpu.memref_slice %arg7[%add3A_44] : memref<1835008xf32, #tpu.memory_space<vmem_shared>> -> memref<4096xf32, #tpu.memory_space<vmem_shared>>
      tpu.wait_dma2 semaphore(%run_scoped3A : memref<!tpu.dma_semaphore, #tpu.memory_space<semaphore_mem>>) src(%arg6 : memref<4096xf32, #tpu.memory_space<vmem>>) dst(%dma_wait3A_650 : memref<4096xf32, #tpu.memory_space<vmem_shared>>)
      tpu.yield
    }) : () -> ()
    %mul3A_45 = arith.constant 114688 : i32
    %mul3A_46 = arith.muli %arg1, %mul3A_45 : i32
    %add3A_47 = arith.constant 32768 : i32
    %add3A_48 = arith.addi %mul3A_46, %add3A_47 : i32
    "tpu.region"() ({
      %run_scoped3A = tpu.sem_alloc : memref<!tpu.dma_semaphore, #tpu.memory_space<semaphore_mem>>
      %dma_start3A = tpu.memref_slice %arg7[%add3A_48] : memref<1835008xf32, #tpu.memory_space<vmem_shared>> -> memref<4096xf32, #tpu.memory_space<vmem_shared>>
      %dma_start3A_649 = tpu.memref_slice %arg7[%add3A_48] : memref<1835008xf32, #tpu.memory_space<vmem_shared>> -> memref<4096xf32, #tpu.memory_space<vmem_shared>>
      tpu.enqueue_dma source(%arg6 : memref<4096xf32, #tpu.memory_space<vmem>>) target(%dma_start3A_649 : memref<4096xf32, #tpu.memory_space<vmem_shared>>) target_semaphore(%run_scoped3A : memref<!tpu.dma_semaphore, #tpu.memory_space<semaphore_mem>>)
      %dma_wait3A = tpu.memref_slice %arg7[%add3A_48] : memref<1835008xf32, #tpu.memory_space<vmem_shared>> -> memref<4096xf32, #tpu.memory_space<vmem_shared>>
      %dma_wait3A_650 = tpu.memref_slice %arg7[%add3A_48] : memref<1835008xf32, #tpu.memory_space<vmem_shared>> -> memref<4096xf32, #tpu.memory_space<vmem_shared>>
      tpu.wait_dma2 semaphore(%run_scoped3A : memref<!tpu.dma_semaphore, #tpu.memory_space<semaphore_mem>>) src(%arg6 : memref<4096xf32, #tpu.memory_space<vmem>>) dst(%dma_wait3A_650 : memref<4096xf32, #tpu.memory_space<vmem_shared>>)
      tpu.yield
    }) : () -> ()
    %mul3A_49 = arith.constant 114688 : i32
    %mul3A_50 = arith.muli %arg1, %mul3A_49 : i32
    %add3A_51 = arith.constant 36864 : i32
    %add3A_52 = arith.addi %mul3A_50, %add3A_51 : i32
    "tpu.region"() ({
      %run_scoped3A = tpu.sem_alloc : memref<!tpu.dma_semaphore, #tpu.memory_space<semaphore_mem>>
      %dma_start3A = tpu.memref_slice %arg7[%add3A_52] : memref<1835008xf32, #tpu.memory_space<vmem_shared>> -> memref<4096xf32, #tpu.memory_space<vmem_shared>>
      %dma_start3A_649 = tpu.memref_slice %arg7[%add3A_52] : memref<1835008xf32, #tpu.memory_space<vmem_shared>> -> memref<4096xf32, #tpu.memory_space<vmem_shared>>
      tpu.enqueue_dma source(%arg6 : memref<4096xf32, #tpu.memory_space<vmem>>) target(%dma_start3A_649 : memref<4096xf32, #tpu.memory_space<vmem_shared>>) target_semaphore(%run_scoped3A : memref<!tpu.dma_semaphore, #tpu.memory_space<semaphore_mem>>)
      %dma_wait3A = tpu.memref_slice %arg7[%add3A_52] : memref<1835008xf32, #tpu.memory_space<vmem_shared>> -> memref<4096xf32, #tpu.memory_space<vmem_shared>>
      %dma_wait3A_650 = tpu.memref_slice %arg7[%add3A_52] : memref<1835008xf32, #tpu.memory_space<vmem_shared>> -> memref<4096xf32, #tpu.memory_space<vmem_shared>>
      tpu.wait_dma2 semaphore(%run_scoped3A : memref<!tpu.dma_semaphore, #tpu.memory_space<semaphore_mem>>) src(%arg6 : memref<4096xf32, #tpu.memory_space<vmem>>) dst(%dma_wait3A_650 : memref<4096xf32, #tpu.memory_space<vmem_shared>>)
      tpu.yield
    }) : () -> ()
    %mul3A_53 = arith.constant 114688 : i32
    %mul3A_54 = arith.muli %arg1, %mul3A_53 : i32
    %add3A_55 = arith.constant 40960 : i32
    %add3A_56 = arith.addi %mul3A_54, %add3A_55 : i32
    "tpu.region"() ({
      %run_scoped3A = tpu.sem_alloc : memref<!tpu.dma_semaphore, #tpu.memory_space<semaphore_mem>>
      %dma_start3A = tpu.memref_slice %arg7[%add3A_56] : memref<1835008xf32, #tpu.memory_space<vmem_shared>> -> memref<4096xf32, #tpu.memory_space<vmem_shared>>
      %dma_start3A_649 = tpu.memref_slice %arg7[%add3A_56] : memref<1835008xf32, #tpu.memory_space<vmem_shared>> -> memref<4096xf32, #tpu.memory_space<vmem_shared>>
      tpu.enqueue_dma source(%arg6 : memref<4096xf32, #tpu.memory_space<vmem>>) target(%dma_start3A_649 : memref<4096xf32, #tpu.memory_space<vmem_shared>>) target_semaphore(%run_scoped3A : memref<!tpu.dma_semaphore, #tpu.memory_space<semaphore_mem>>)
      %dma_wait3A = tpu.memref_slice %arg7[%add3A_56] : memref<1835008xf32, #tpu.memory_space<vmem_shared>> -> memref<4096xf32, #tpu.memory_space<vmem_shared>>
      %dma_wait3A_650 = tpu.memref_slice %arg7[%add3A_56] : memref<1835008xf32, #tpu.memory_space<vmem_shared>> -> memref<4096xf32, #tpu.memory_space<vmem_shared>>
      tpu.wait_dma2 semaphore(%run_scoped3A : memref<!tpu.dma_semaphore, #tpu.memory_space<semaphore_mem>>) src(%arg6 : memref<4096xf32, #tpu.memory_space<vmem>>) dst(%dma_wait3A_650 : memref<4096xf32, #tpu.memory_space<vmem_shared>>)
      tpu.yield
    }) : () -> ()
    %mul3A_57 = arith.constant 114688 : i32
    %mul3A_58 = arith.muli %arg1, %mul3A_57 : i32
    %add3A_59 = arith.constant 45056 : i32
    %add3A_60 = arith.addi %mul3A_58, %add3A_59 : i32
    "tpu.region"() ({
      %run_scoped3A = tpu.sem_alloc : memref<!tpu.dma_semaphore, #tpu.memory_space<semaphore_mem>>
      %dma_start3A = tpu.memref_slice %arg7[%add3A_60] : memref<1835008xf32, #tpu.memory_space<vmem_shared>> -> memref<4096xf32, #tpu.memory_space<vmem_shared>>
      %dma_start3A_649 = tpu.memref_slice %arg7[%add3A_60] : memref<1835008xf32, #tpu.memory_space<vmem_shared>> -> memref<4096xf32, #tpu.memory_space<vmem_shared>>
      tpu.enqueue_dma source(%arg6 : memref<4096xf32, #tpu.memory_space<vmem>>) target(%dma_start3A_649 : memref<4096xf32, #tpu.memory_space<vmem_shared>>) target_semaphore(%run_scoped3A : memref<!tpu.dma_semaphore, #tpu.memory_space<semaphore_mem>>)
      %dma_wait3A = tpu.memref_slice %arg7[%add3A_60] : memref<1835008xf32, #tpu.memory_space<vmem_shared>> -> memref<4096xf32, #tpu.memory_space<vmem_shared>>
      %dma_wait3A_650 = tpu.memref_slice %arg7[%add3A_60] : memref<1835008xf32, #tpu.memory_space<vmem_shared>> -> memref<4096xf32, #tpu.memory_space<vmem_shared>>
      tpu.wait_dma2 semaphore(%run_scoped3A : memref<!tpu.dma_semaphore, #tpu.memory_space<semaphore_mem>>) src(%arg6 : memref<4096xf32, #tpu.memory_space<vmem>>) dst(%dma_wait3A_650 : memref<4096xf32, #tpu.memory_space<vmem_shared>>)
      tpu.yield
    }) : () -> ()
    %mul3A_61 = arith.constant 114688 : i32
    %mul3A_62 = arith.muli %arg1, %mul3A_61 : i32
    %add3A_63 = arith.constant 49152 : i32
    %add3A_64 = arith.addi %mul3A_62, %add3A_63 : i32
    "tpu.region"() ({
      %run_scoped3A = tpu.sem_alloc : memref<!tpu.dma_semaphore, #tpu.memory_space<semaphore_mem>>
      %dma_start3A = tpu.memref_slice %arg7[%add3A_64] : memref<1835008xf32, #tpu.memory_space<vmem_shared>> -> memref<4096xf32, #tpu.memory_space<vmem_shared>>
      %dma_start3A_649 = tpu.memref_slice %arg7[%add3A_64] : memref<1835008xf32, #tpu.memory_space<vmem_shared>> -> memref<4096xf32, #tpu.memory_space<vmem_shared>>
      tpu.enqueue_dma source(%arg6 : memref<4096xf32, #tpu.memory_space<vmem>>) target(%dma_start3A_649 : memref<4096xf32, #tpu.memory_space<vmem_shared>>) target_semaphore(%run_scoped3A : memref<!tpu.dma_semaphore, #tpu.memory_space<semaphore_mem>>)
      %dma_wait3A = tpu.memref_slice %arg7[%add3A_64] : memref<1835008xf32, #tpu.memory_space<vmem_shared>> -> memref<4096xf32, #tpu.memory_space<vmem_shared>>
      %dma_wait3A_650 = tpu.memref_slice %arg7[%add3A_64] : memref<1835008xf32, #tpu.memory_space<vmem_shared>> -> memref<4096xf32, #tpu.memory_space<vmem_shared>>
      tpu.wait_dma2 semaphore(%run_scoped3A : memref<!tpu.dma_semaphore, #tpu.memory_space<semaphore_mem>>) src(%arg6 : memref<4096xf32, #tpu.memory_space<vmem>>) dst(%dma_wait3A_650 : memref<4096xf32, #tpu.memory_space<vmem_shared>>)
      tpu.yield
    }) : () -> ()
    %mul3A_65 = arith.constant 114688 : i32
    %mul3A_66 = arith.muli %arg1, %mul3A_65 : i32
    %add3A_67 = arith.constant 53248 : i32
    %add3A_68 = arith.addi %mul3A_66, %add3A_67 : i32
    "tpu.region"() ({
      %run_scoped3A = tpu.sem_alloc : memref<!tpu.dma_semaphore, #tpu.memory_space<semaphore_mem>>
      %dma_start3A = tpu.memref_slice %arg7[%add3A_68] : memref<1835008xf32, #tpu.memory_space<vmem_shared>> -> memref<4096xf32, #tpu.memory_space<vmem_shared>>
      %dma_start3A_649 = tpu.memref_slice %arg7[%add3A_68] : memref<1835008xf32, #tpu.memory_space<vmem_shared>> -> memref<4096xf32, #tpu.memory_space<vmem_shared>>
      tpu.enqueue_dma source(%arg6 : memref<4096xf32, #tpu.memory_space<vmem>>) target(%dma_start3A_649 : memref<4096xf32, #tpu.memory_space<vmem_shared>>) target_semaphore(%run_scoped3A : memref<!tpu.dma_semaphore, #tpu.memory_space<semaphore_mem>>)
      %dma_wait3A = tpu.memref_slice %arg7[%add3A_68] : memref<1835008xf32, #tpu.memory_space<vmem_shared>> -> memref<4096xf32, #tpu.memory_space<vmem_shared>>
      %dma_wait3A_650 = tpu.memref_slice %arg7[%add3A_68] : memref<1835008xf32, #tpu.memory_space<vmem_shared>> -> memref<4096xf32, #tpu.memory_space<vmem_shared>>
      tpu.wait_dma2 semaphore(%run_scoped3A : memref<!tpu.dma_semaphore, #tpu.memory_space<semaphore_mem>>) src(%arg6 : memref<4096xf32, #tpu.memory_space<vmem>>) dst(%dma_wait3A_650 : memref<4096xf32, #tpu.memory_space<vmem_shared>>)
      tpu.yield
    }) : () -> ()
    %mul3A_69 = arith.constant 114688 : i32
    %mul3A_70 = arith.muli %arg1, %mul3A_69 : i32
    %add3A_71 = arith.constant 57344 : i32
    %add3A_72 = arith.addi %mul3A_70, %add3A_71 : i32
    "tpu.region"() ({
      %run_scoped3A = tpu.sem_alloc : memref<!tpu.dma_semaphore, #tpu.memory_space<semaphore_mem>>
      %dma_start3A = tpu.memref_slice %arg7[%add3A_72] : memref<1835008xf32, #tpu.memory_space<vmem_shared>> -> memref<4096xf32, #tpu.memory_space<vmem_shared>>
      %dma_start3A_649 = tpu.memref_slice %arg7[%add3A_72] : memref<1835008xf32, #tpu.memory_space<vmem_shared>> -> memref<4096xf32, #tpu.memory_space<vmem_shared>>
      tpu.enqueue_dma source(%arg6 : memref<4096xf32, #tpu.memory_space<vmem>>) target(%dma_start3A_649 : memref<4096xf32, #tpu.memory_space<vmem_shared>>) target_semaphore(%run_scoped3A : memref<!tpu.dma_semaphore, #tpu.memory_space<semaphore_mem>>)
      %dma_wait3A = tpu.memref_slice %arg7[%add3A_72] : memref<1835008xf32, #tpu.memory_space<vmem_shared>> -> memref<4096xf32, #tpu.memory_space<vmem_shared>>
      %dma_wait3A_650 = tpu.memref_slice %arg7[%add3A_72] : memref<1835008xf32, #tpu.memory_space<vmem_shared>> -> memref<4096xf32, #tpu.memory_space<vmem_shared>>
      tpu.wait_dma2 semaphore(%run_scoped3A : memref<!tpu.dma_semaphore, #tpu.memory_space<semaphore_mem>>) src(%arg6 : memref<4096xf32, #tpu.memory_space<vmem>>) dst(%dma_wait3A_650 : memref<4096xf32, #tpu.memory_space<vmem_shared>>)
      tpu.yield
    }) : () -> ()
    %mul3A_73 = arith.constant 114688 : i32
    %mul3A_74 = arith.muli %arg1, %mul3A_73 : i32
    %add3A_75 = arith.constant 61440 : i32
    %add3A_76 = arith.addi %mul3A_74, %add3A_75 : i32
    "tpu.region"() ({
      %run_scoped3A = tpu.sem_alloc : memref<!tpu.dma_semaphore, #tpu.memory_space<semaphore_mem>>
      %dma_start3A = tpu.memref_slice %arg7[%add3A_76] : memref<1835008xf32, #tpu.memory_space<vmem_shared>> -> memref<4096xf32, #tpu.memory_space<vmem_shared>>
      %dma_start3A_649 = tpu.memref_slice %arg7[%add3A_76] : memref<1835008xf32, #tpu.memory_space<vmem_shared>> -> memref<4096xf32, #tpu.memory_space<vmem_shared>>
      tpu.enqueue_dma source(%arg6 : memref<4096xf32, #tpu.memory_space<vmem>>) target(%dma_start3A_649 : memref<4096xf32, #tpu.memory_space<vmem_shared>>) target_semaphore(%run_scoped3A : memref<!tpu.dma_semaphore, #tpu.memory_space<semaphore_mem>>)
      %dma_wait3A = tpu.memref_slice %arg7[%add3A_76] : memref<1835008xf32, #tpu.memory_space<vmem_shared>> -> memref<4096xf32, #tpu.memory_space<vmem_shared>>
      %dma_wait3A_650 = tpu.memref_slice %arg7[%add3A_76] : memref<1835008xf32, #tpu.memory_space<vmem_shared>> -> memref<4096xf32, #tpu.memory_space<vmem_shared>>
      tpu.wait_dma2 semaphore(%run_scoped3A : memref<!tpu.dma_semaphore, #tpu.memory_space<semaphore_mem>>) src(%arg6 : memref<4096xf32, #tpu.memory_space<vmem>>) dst(%dma_wait3A_650 : memref<4096xf32, #tpu.memory_space<vmem_shared>>)
      tpu.yield
    }) : () -> ()
    %mul3A_77 = arith.constant 114688 : i32
    %mul3A_78 = arith.muli %arg1, %mul3A_77 : i32
    %add3A_79 = arith.constant 65536 : i32
    %add3A_80 = arith.addi %mul3A_78, %add3A_79 : i32
    "tpu.region"() ({
      %run_scoped3A = tpu.sem_alloc : memref<!tpu.dma_semaphore, #tpu.memory_space<semaphore_mem>>
      %dma_start3A = tpu.memref_slice %arg7[%add3A_80] : memref<1835008xf32, #tpu.memory_space<vmem_shared>> -> memref<4096xf32, #tpu.memory_space<vmem_shared>>
      %dma_start3A_649 = tpu.memref_slice %arg7[%add3A_80] : memref<1835008xf32, #tpu.memory_space<vmem_shared>> -> memref<4096xf32, #tpu.memory_space<vmem_shared>>
      tpu.enqueue_dma source(%arg6 : memref<4096xf32, #tpu.memory_space<vmem>>) target(%dma_start3A_649 : memref<4096xf32, #tpu.memory_space<vmem_shared>>) target_semaphore(%run_scoped3A : memref<!tpu.dma_semaphore, #tpu.memory_space<semaphore_mem>>)
      %dma_wait3A = tpu.memref_slice %arg7[%add3A_80] : memref<1835008xf32, #tpu.memory_space<vmem_shared>> -> memref<4096xf32, #tpu.memory_space<vmem_shared>>
      %dma_wait3A_650 = tpu.memref_slice %arg7[%add3A_80] : memref<1835008xf32, #tpu.memory_space<vmem_shared>> -> memref<4096xf32, #tpu.memory_space<vmem_shared>>
      tpu.wait_dma2 semaphore(%run_scoped3A : memref<!tpu.dma_semaphore, #tpu.memory_space<semaphore_mem>>) src(%arg6 : memref<4096xf32, #tpu.memory_space<vmem>>) dst(%dma_wait3A_650 : memref<4096xf32, #tpu.memory_space<vmem_shared>>)
      tpu.yield
    }) : () -> ()
    %mul3A_81 = arith.constant 114688 : i32
    %mul3A_82 = arith.muli %arg1, %mul3A_81 : i32
    %add3A_83 = arith.constant 69632 : i32
    %add3A_84 = arith.addi %mul3A_82, %add3A_83 : i32
    "tpu.region"() ({
      %run_scoped3A = tpu.sem_alloc : memref<!tpu.dma_semaphore, #tpu.memory_space<semaphore_mem>>
      %dma_start3A = tpu.memref_slice %arg7[%add3A_84] : memref<1835008xf32, #tpu.memory_space<vmem_shared>> -> memref<4096xf32, #tpu.memory_space<vmem_shared>>
      %dma_start3A_649 = tpu.memref_slice %arg7[%add3A_84] : memref<1835008xf32, #tpu.memory_space<vmem_shared>> -> memref<4096xf32, #tpu.memory_space<vmem_shared>>
      tpu.enqueue_dma source(%arg6 : memref<4096xf32, #tpu.memory_space<vmem>>) target(%dma_start3A_649 : memref<4096xf32, #tpu.memory_space<vmem_shared>>) target_semaphore(%run_scoped3A : memref<!tpu.dma_semaphore, #tpu.memory_space<semaphore_mem>>)
      %dma_wait3A = tpu.memref_slice %arg7[%add3A_84] : memref<1835008xf32, #tpu.memory_space<vmem_shared>> -> memref<4096xf32, #tpu.memory_space<vmem_shared>>
      %dma_wait3A_650 = tpu.memref_slice %arg7[%add3A_84] : memref<1835008xf32, #tpu.memory_space<vmem_shared>> -> memref<4096xf32, #tpu.memory_space<vmem_shared>>
      tpu.wait_dma2 semaphore(%run_scoped3A : memref<!tpu.dma_semaphore, #tpu.memory_space<semaphore_mem>>) src(%arg6 : memref<4096xf32, #tpu.memory_space<vmem>>) dst(%dma_wait3A_650 : memref<4096xf32, #tpu.memory_space<vmem_shared>>)
      tpu.yield
    }) : () -> ()
    %mul3A_85 = arith.constant 114688 : i32
    %mul3A_86 = arith.muli %arg1, %mul3A_85 : i32
    %add3A_87 = arith.constant 73728 : i32
    %add3A_88 = arith.addi %mul3A_86, %add3A_87 : i32
    "tpu.region"() ({
      %run_scoped3A = tpu.sem_alloc : memref<!tpu.dma_semaphore, #tpu.memory_space<semaphore_mem>>
      %dma_start3A = tpu.memref_slice %arg7[%add3A_88] : memref<1835008xf32, #tpu.memory_space<vmem_shared>> -> memref<4096xf32, #tpu.memory_space<vmem_shared>>
      %dma_start3A_649 = tpu.memref_slice %arg7[%add3A_88] : memref<1835008xf32, #tpu.memory_space<vmem_shared>> -> memref<4096xf32, #tpu.memory_space<vmem_shared>>
      tpu.enqueue_dma source(%arg6 : memref<4096xf32, #tpu.memory_space<vmem>>) target(%dma_start3A_649 : memref<4096xf32, #tpu.memory_space<vmem_shared>>) target_semaphore(%run_scoped3A : memref<!tpu.dma_semaphore, #tpu.memory_space<semaphore_mem>>)
      %dma_wait3A = tpu.memref_slice %arg7[%add3A_88] : memref<1835008xf32, #tpu.memory_space<vmem_shared>> -> memref<4096xf32, #tpu.memory_space<vmem_shared>>
      %dma_wait3A_650 = tpu.memref_slice %arg7[%add3A_88] : memref<1835008xf32, #tpu.memory_space<vmem_shared>> -> memref<4096xf32, #tpu.memory_space<vmem_shared>>
      tpu.wait_dma2 semaphore(%run_scoped3A : memref<!tpu.dma_semaphore, #tpu.memory_space<semaphore_mem>>) src(%arg6 : memref<4096xf32, #tpu.memory_space<vmem>>) dst(%dma_wait3A_650 : memref<4096xf32, #tpu.memory_space<vmem_shared>>)
      tpu.yield
    }) : () -> ()
    %mul3A_89 = arith.constant 114688 : i32
    %mul3A_90 = arith.muli %arg1, %mul3A_89 : i32
    %add3A_91 = arith.constant 77824 : i32
    %add3A_92 = arith.addi %mul3A_90, %add3A_91 : i32
    "tpu.region"() ({
      %run_scoped3A = tpu.sem_alloc : memref<!tpu.dma_semaphore, #tpu.memory_space<semaphore_mem>>
      %dma_start3A = tpu.memref_slice %arg7[%add3A_92] : memref<1835008xf32, #tpu.memory_space<vmem_shared>> -> memref<4096xf32, #tpu.memory_space<vmem_shared>>
      %dma_start3A_649 = tpu.memref_slice %arg7[%add3A_92] : memref<1835008xf32, #tpu.memory_space<vmem_shared>> -> memref<4096xf32, #tpu.memory_space<vmem_shared>>
      tpu.enqueue_dma source(%arg6 : memref<4096xf32, #tpu.memory_space<vmem>>) target(%dma_start3A_649 : memref<4096xf32, #tpu.memory_space<vmem_shared>>) target_semaphore(%run_scoped3A : memref<!tpu.dma_semaphore, #tpu.memory_space<semaphore_mem>>)
      %dma_wait3A = tpu.memref_slice %arg7[%add3A_92] : memref<1835008xf32, #tpu.memory_space<vmem_shared>> -> memref<4096xf32, #tpu.memory_space<vmem_shared>>
      %dma_wait3A_650 = tpu.memref_slice %arg7[%add3A_92] : memref<1835008xf32, #tpu.memory_space<vmem_shared>> -> memref<4096xf32, #tpu.memory_space<vmem_shared>>
      tpu.wait_dma2 semaphore(%run_scoped3A : memref<!tpu.dma_semaphore, #tpu.memory_space<semaphore_mem>>) src(%arg6 : memref<4096xf32, #tpu.memory_space<vmem>>) dst(%dma_wait3A_650 : memref<4096xf32, #tpu.memory_space<vmem_shared>>)
      tpu.yield
    }) : () -> ()
    %mul3A_93 = arith.constant 114688 : i32
    %mul3A_94 = arith.muli %arg1, %mul3A_93 : i32
    %add3A_95 = arith.constant 81920 : i32
    %add3A_96 = arith.addi %mul3A_94, %add3A_95 : i32
    "tpu.region"() ({
      %run_scoped3A = tpu.sem_alloc : memref<!tpu.dma_semaphore, #tpu.memory_space<semaphore_mem>>
      %dma_start3A = tpu.memref_slice %arg7[%add3A_96] : memref<1835008xf32, #tpu.memory_space<vmem_shared>> -> memref<4096xf32, #tpu.memory_space<vmem_shared>>
      %dma_start3A_649 = tpu.memref_slice %arg7[%add3A_96] : memref<1835008xf32, #tpu.memory_space<vmem_shared>> -> memref<4096xf32, #tpu.memory_space<vmem_shared>>
      tpu.enqueue_dma source(%arg6 : memref<4096xf32, #tpu.memory_space<vmem>>) target(%dma_start3A_649 : memref<4096xf32, #tpu.memory_space<vmem_shared>>) target_semaphore(%run_scoped3A : memref<!tpu.dma_semaphore, #tpu.memory_space<semaphore_mem>>)
      %dma_wait3A = tpu.memref_slice %arg7[%add3A_96] : memref<1835008xf32, #tpu.memory_space<vmem_shared>> -> memref<4096xf32, #tpu.memory_space<vmem_shared>>
      %dma_wait3A_650 = tpu.memref_slice %arg7[%add3A_96] : memref<1835008xf32, #tpu.memory_space<vmem_shared>> -> memref<4096xf32, #tpu.memory_space<vmem_shared>>
      tpu.wait_dma2 semaphore(%run_scoped3A : memref<!tpu.dma_semaphore, #tpu.memory_space<semaphore_mem>>) src(%arg6 : memref<4096xf32, #tpu.memory_space<vmem>>) dst(%dma_wait3A_650 : memref<4096xf32, #tpu.memory_space<vmem_shared>>)
      tpu.yield
    }) : () -> ()
    %mul3A_97 = arith.constant 114688 : i32
    %mul3A_98 = arith.muli %arg1, %mul3A_97 : i32
    %add3A_99 = arith.constant 86016 : i32
    %add3A_100 = arith.addi %mul3A_98, %add3A_99 : i32
    "tpu.region"() ({
      %run_scoped3A = tpu.sem_alloc : memref<!tpu.dma_semaphore, #tpu.memory_space<semaphore_mem>>
      %dma_start3A = tpu.memref_slice %arg7[%add3A_100] : memref<1835008xf32, #tpu.memory_space<vmem_shared>> -> memref<4096xf32, #tpu.memory_space<vmem_shared>>
      %dma_start3A_649 = tpu.memref_slice %arg7[%add3A_100] : memref<1835008xf32, #tpu.memory_space<vmem_shared>> -> memref<4096xf32, #tpu.memory_space<vmem_shared>>
      tpu.enqueue_dma source(%arg6 : memref<4096xf32, #tpu.memory_space<vmem>>) target(%dma_start3A_649 : memref<4096xf32, #tpu.memory_space<vmem_shared>>) target_semaphore(%run_scoped3A : memref<!tpu.dma_semaphore, #tpu.memory_space<semaphore_mem>>)
      %dma_wait3A = tpu.memref_slice %arg7[%add3A_100] : memref<1835008xf32, #tpu.memory_space<vmem_shared>> -> memref<4096xf32, #tpu.memory_space<vmem_shared>>
      %dma_wait3A_650 = tpu.memref_slice %arg7[%add3A_100] : memref<1835008xf32, #tpu.memory_space<vmem_shared>> -> memref<4096xf32, #tpu.memory_space<vmem_shared>>
      tpu.wait_dma2 semaphore(%run_scoped3A : memref<!tpu.dma_semaphore, #tpu.memory_space<semaphore_mem>>) src(%arg6 : memref<4096xf32, #tpu.memory_space<vmem>>) dst(%dma_wait3A_650 : memref<4096xf32, #tpu.memory_space<vmem_shared>>)
      tpu.yield
    }) : () -> ()
    %mul3A_101 = arith.constant 114688 : i32
    %mul3A_102 = arith.muli %arg1, %mul3A_101 : i32
    %add3A_103 = arith.constant 90112 : i32
    %add3A_104 = arith.addi %mul3A_102, %add3A_103 : i32
    "tpu.region"() ({
      %run_scoped3A = tpu.sem_alloc : memref<!tpu.dma_semaphore, #tpu.memory_space<semaphore_mem>>
      %dma_start3A = tpu.memref_slice %arg7[%add3A_104] : memref<1835008xf32, #tpu.memory_space<vmem_shared>> -> memref<4096xf32, #tpu.memory_space<vmem_shared>>
      %dma_start3A_649 = tpu.memref_slice %arg7[%add3A_104] : memref<1835008xf32, #tpu.memory_space<vmem_shared>> -> memref<4096xf32, #tpu.memory_space<vmem_shared>>
      tpu.enqueue_dma source(%arg6 : memref<4096xf32, #tpu.memory_space<vmem>>) target(%dma_start3A_649 : memref<4096xf32, #tpu.memory_space<vmem_shared>>) target_semaphore(%run_scoped3A : memref<!tpu.dma_semaphore, #tpu.memory_space<semaphore_mem>>)
      %dma_wait3A = tpu.memref_slice %arg7[%add3A_104] : memref<1835008xf32, #tpu.memory_space<vmem_shared>> -> memref<4096xf32, #tpu.memory_space<vmem_shared>>
      %dma_wait3A_650 = tpu.memref_slice %arg7[%add3A_104] : memref<1835008xf32, #tpu.memory_space<vmem_shared>> -> memref<4096xf32, #tpu.memory_space<vmem_shared>>
      tpu.wait_dma2 semaphore(%run_scoped3A : memref<!tpu.dma_semaphore, #tpu.memory_space<semaphore_mem>>) src(%arg6 : memref<4096xf32, #tpu.memory_space<vmem>>) dst(%dma_wait3A_650 : memref<4096xf32, #tpu.memory_space<vmem_shared>>)
      tpu.yield
    }) : () -> ()
    %mul3A_105 = arith.constant 114688 : i32
    %mul3A_106 = arith.muli %arg1, %mul3A_105 : i32
    %add3A_107 = arith.constant 94208 : i32
    %add3A_108 = arith.addi %mul3A_106, %add3A_107 : i32
    "tpu.region"() ({
      %run_scoped3A = tpu.sem_alloc : memref<!tpu.dma_semaphore, #tpu.memory_space<semaphore_mem>>
      %dma_start3A = tpu.memref_slice %arg7[%add3A_108] : memref<1835008xf32, #tpu.memory_space<vmem_shared>> -> memref<4096xf32, #tpu.memory_space<vmem_shared>>
      %dma_start3A_649 = tpu.memref_slice %arg7[%add3A_108] : memref<1835008xf32, #tpu.memory_space<vmem_shared>> -> memref<4096xf32, #tpu.memory_space<vmem_shared>>
      tpu.enqueue_dma source(%arg6 : memref<4096xf32, #tpu.memory_space<vmem>>) target(%dma_start3A_649 : memref<4096xf32, #tpu.memory_space<vmem_shared>>) target_semaphore(%run_scoped3A : memref<!tpu.dma_semaphore, #tpu.memory_space<semaphore_mem>>)
      %dma_wait3A = tpu.memref_slice %arg7[%add3A_108] : memref<1835008xf32, #tpu.memory_space<vmem_shared>> -> memref<4096xf32, #tpu.memory_space<vmem_shared>>
      %dma_wait3A_650 = tpu.memref_slice %arg7[%add3A_108] : memref<1835008xf32, #tpu.memory_space<vmem_shared>> -> memref<4096xf32, #tpu.memory_space<vmem_shared>>
      tpu.wait_dma2 semaphore(%run_scoped3A : memref<!tpu.dma_semaphore, #tpu.memory_space<semaphore_mem>>) src(%arg6 : memref<4096xf32, #tpu.memory_space<vmem>>) dst(%dma_wait3A_650 : memref<4096xf32, #tpu.memory_space<vmem_shared>>)
      tpu.yield
    }) : () -> ()
    %mul3A_109 = arith.constant 114688 : i32
    %mul3A_110 = arith.muli %arg1, %mul3A_109 : i32
    %add3A_111 = arith.constant 98304 : i32
    %add3A_112 = arith.addi %mul3A_110, %add3A_111 : i32
    "tpu.region"() ({
      %run_scoped3A = tpu.sem_alloc : memref<!tpu.dma_semaphore, #tpu.memory_space<semaphore_mem>>
      %dma_start3A = tpu.memref_slice %arg7[%add3A_112] : memref<1835008xf32, #tpu.memory_space<vmem_shared>> -> memref<4096xf32, #tpu.memory_space<vmem_shared>>
      %dma_start3A_649 = tpu.memref_slice %arg7[%add3A_112] : memref<1835008xf32, #tpu.memory_space<vmem_shared>> -> memref<4096xf32, #tpu.memory_space<vmem_shared>>
      tpu.enqueue_dma source(%arg6 : memref<4096xf32, #tpu.memory_space<vmem>>) target(%dma_start3A_649 : memref<4096xf32, #tpu.memory_space<vmem_shared>>) target_semaphore(%run_scoped3A : memref<!tpu.dma_semaphore, #tpu.memory_space<semaphore_mem>>)
      %dma_wait3A = tpu.memref_slice %arg7[%add3A_112] : memref<1835008xf32, #tpu.memory_space<vmem_shared>> -> memref<4096xf32, #tpu.memory_space<vmem_shared>>
      %dma_wait3A_650 = tpu.memref_slice %arg7[%add3A_112] : memref<1835008xf32, #tpu.memory_space<vmem_shared>> -> memref<4096xf32, #tpu.memory_space<vmem_shared>>
      tpu.wait_dma2 semaphore(%run_scoped3A : memref<!tpu.dma_semaphore, #tpu.memory_space<semaphore_mem>>) src(%arg6 : memref<4096xf32, #tpu.memory_space<vmem>>) dst(%dma_wait3A_650 : memref<4096xf32, #tpu.memory_space<vmem_shared>>)
      tpu.yield
    }) : () -> ()
    %mul3A_113 = arith.constant 114688 : i32
    %mul3A_114 = arith.muli %arg1, %mul3A_113 : i32
    %add3A_115 = arith.constant 102400 : i32
    %add3A_116 = arith.addi %mul3A_114, %add3A_115 : i32
    "tpu.region"() ({
      %run_scoped3A = tpu.sem_alloc : memref<!tpu.dma_semaphore, #tpu.memory_space<semaphore_mem>>
      %dma_start3A = tpu.memref_slice %arg7[%add3A_116] : memref<1835008xf32, #tpu.memory_space<vmem_shared>> -> memref<4096xf32, #tpu.memory_space<vmem_shared>>
      %dma_start3A_649 = tpu.memref_slice %arg7[%add3A_116] : memref<1835008xf32, #tpu.memory_space<vmem_shared>> -> memref<4096xf32, #tpu.memory_space<vmem_shared>>
      tpu.enqueue_dma source(%arg6 : memref<4096xf32, #tpu.memory_space<vmem>>) target(%dma_start3A_649 : memref<4096xf32, #tpu.memory_space<vmem_shared>>) target_semaphore(%run_scoped3A : memref<!tpu.dma_semaphore, #tpu.memory_space<semaphore_mem>>)
      %dma_wait3A = tpu.memref_slice %arg7[%add3A_116] : memref<1835008xf32, #tpu.memory_space<vmem_shared>> -> memref<4096xf32, #tpu.memory_space<vmem_shared>>
      %dma_wait3A_650 = tpu.memref_slice %arg7[%add3A_116] : memref<1835008xf32, #tpu.memory_space<vmem_shared>> -> memref<4096xf32, #tpu.memory_space<vmem_shared>>
      tpu.wait_dma2 semaphore(%run_scoped3A : memref<!tpu.dma_semaphore, #tpu.memory_space<semaphore_mem>>) src(%arg6 : memref<4096xf32, #tpu.memory_space<vmem>>) dst(%dma_wait3A_650 : memref<4096xf32, #tpu.memory_space<vmem_shared>>)
      tpu.yield
    }) : () -> ()
    %mul3A_117 = arith.constant 114688 : i32
    %mul3A_118 = arith.muli %arg1, %mul3A_117 : i32
    %add3A_119 = arith.constant 106496 : i32
    %add3A_120 = arith.addi %mul3A_118, %add3A_119 : i32
    "tpu.region"() ({
      %run_scoped3A = tpu.sem_alloc : memref<!tpu.dma_semaphore, #tpu.memory_space<semaphore_mem>>
      %dma_start3A = tpu.memref_slice %arg7[%add3A_120] : memref<1835008xf32, #tpu.memory_space<vmem_shared>> -> memref<4096xf32, #tpu.memory_space<vmem_shared>>
      %dma_start3A_649 = tpu.memref_slice %arg7[%add3A_120] : memref<1835008xf32, #tpu.memory_space<vmem_shared>> -> memref<4096xf32, #tpu.memory_space<vmem_shared>>
      tpu.enqueue_dma source(%arg6 : memref<4096xf32, #tpu.memory_space<vmem>>) target(%dma_start3A_649 : memref<4096xf32, #tpu.memory_space<vmem_shared>>) target_semaphore(%run_scoped3A : memref<!tpu.dma_semaphore, #tpu.memory_space<semaphore_mem>>)
      %dma_wait3A = tpu.memref_slice %arg7[%add3A_120] : memref<1835008xf32, #tpu.memory_space<vmem_shared>> -> memref<4096xf32, #tpu.memory_space<vmem_shared>>
      %dma_wait3A_650 = tpu.memref_slice %arg7[%add3A_120] : memref<1835008xf32, #tpu.memory_space<vmem_shared>> -> memref<4096xf32, #tpu.memory_space<vmem_shared>>
      tpu.wait_dma2 semaphore(%run_scoped3A : memref<!tpu.dma_semaphore, #tpu.memory_space<semaphore_mem>>) src(%arg6 : memref<4096xf32, #tpu.memory_space<vmem>>) dst(%dma_wait3A_650 : memref<4096xf32, #tpu.memory_space<vmem_shared>>)
      tpu.yield
    }) : () -> ()
    %mul3A_121 = arith.constant 114688 : i32
    %mul3A_122 = arith.muli %arg1, %mul3A_121 : i32
    %add3A_123 = arith.constant 110592 : i32
    %add3A_124 = arith.addi %mul3A_122, %add3A_123 : i32
    "tpu.region"() ({
      %run_scoped3A = tpu.sem_alloc : memref<!tpu.dma_semaphore, #tpu.memory_space<semaphore_mem>>
      %dma_start3A = tpu.memref_slice %arg7[%add3A_124] : memref<1835008xf32, #tpu.memory_space<vmem_shared>> -> memref<4096xf32, #tpu.memory_space<vmem_shared>>
      %dma_start3A_649 = tpu.memref_slice %arg7[%add3A_124] : memref<1835008xf32, #tpu.memory_space<vmem_shared>> -> memref<4096xf32, #tpu.memory_space<vmem_shared>>
      tpu.enqueue_dma source(%arg6 : memref<4096xf32, #tpu.memory_space<vmem>>) target(%dma_start3A_649 : memref<4096xf32, #tpu.memory_space<vmem_shared>>) target_semaphore(%run_scoped3A : memref<!tpu.dma_semaphore, #tpu.memory_space<semaphore_mem>>)
      %dma_wait3A = tpu.memref_slice %arg7[%add3A_124] : memref<1835008xf32, #tpu.memory_space<vmem_shared>> -> memref<4096xf32, #tpu.memory_space<vmem_shared>>
      %dma_wait3A_650 = tpu.memref_slice %arg7[%add3A_124] : memref<1835008xf32, #tpu.memory_space<vmem_shared>> -> memref<4096xf32, #tpu.memory_space<vmem_shared>>
      tpu.wait_dma2 semaphore(%run_scoped3A : memref<!tpu.dma_semaphore, #tpu.memory_space<semaphore_mem>>) src(%arg6 : memref<4096xf32, #tpu.memory_space<vmem>>) dst(%dma_wait3A_650 : memref<4096xf32, #tpu.memory_space<vmem_shared>>)
      tpu.yield
    }) : () -> ()
    %barrier3A = arith.constant 0 : index
    tpu.barrier barrier_id(%barrier3A)
    %scan3A_125 = arith.constant 0 : i32
    %scan3A_126 = arith.constant 0 : i32
    %scan3A_127 = arith.constant 64 : i32
    %scan3A_128 = arith.addi %scan3A_126, %scan3A_127 : i32
    %scan3A_129 = arith.constant 1 : i32
    %scan3A_130 = scf.for %scan3A_649 = %scan3A_126 to %scan3A_128 step %scan3A_129 iter_args(%scan3A_650 = %scan3A_125) -> (i32)  : i32 {
      %mul3A_651 = arith.constant 4096 : i32
      %mul3A_652 = arith.muli %scan3A_649, %mul3A_651 : i32
      %add3A_653 = arith.addi %mul3A_0, %mul3A_652 : i32
      "tpu.region"() ({
        %run_scoped3A = tpu.sem_alloc : memref<!tpu.dma_semaphore, #tpu.memory_space<semaphore_mem>>
        %dma_start3A = tpu.memref_slice %arg2[%add3A_653] : memref<4194304xi32, #tpu.memory_space<hbm>> -> memref<4096xi32, #tpu.memory_space<hbm>>
        %dma_start3A_662 = tpu.memref_slice %arg2[%add3A_653] : memref<4194304xi32, #tpu.memory_space<hbm>> -> memref<4096xi32, #tpu.memory_space<hbm>>
        tpu.enqueue_dma source(%dma_start3A_662 : memref<4096xi32, #tpu.memory_space<hbm>>) target(%arg5 : memref<4096xi32, #tpu.memory_space<vmem>>) target_semaphore(%run_scoped3A : memref<!tpu.dma_semaphore, #tpu.memory_space<semaphore_mem>>)
        %dma_wait3A = tpu.memref_slice %arg2[%add3A_653] : memref<4194304xi32, #tpu.memory_space<hbm>> -> memref<4096xi32, #tpu.memory_space<hbm>>
        %dma_wait3A_663 = tpu.memref_slice %arg2[%add3A_653] : memref<4194304xi32, #tpu.memory_space<hbm>> -> memref<4096xi32, #tpu.memory_space<hbm>>
        tpu.wait_dma2 semaphore(%run_scoped3A : memref<!tpu.dma_semaphore, #tpu.memory_space<semaphore_mem>>) src(%dma_wait3A_663 : memref<4096xi32, #tpu.memory_space<hbm>>) dst(%arg5 : memref<4096xi32, #tpu.memory_space<vmem>>)
        tpu.yield
      }) : () -> ()
      "tpu.region"() ({
        %run_scoped3A = tpu.sem_alloc : memref<!tpu.dma_semaphore, #tpu.memory_space<semaphore_mem>>
        %dma_start3A = tpu.memref_slice %arg3[%add3A_653] : memref<4194304xf32, #tpu.memory_space<hbm>> -> memref<4096xf32, #tpu.memory_space<hbm>>
        %dma_start3A_662 = tpu.memref_slice %arg3[%add3A_653] : memref<4194304xf32, #tpu.memory_space<hbm>> -> memref<4096xf32, #tpu.memory_space<hbm>>
        tpu.enqueue_dma source(%dma_start3A_662 : memref<4096xf32, #tpu.memory_space<hbm>>) target(%arg6 : memref<4096xf32, #tpu.memory_space<vmem>>) target_semaphore(%run_scoped3A : memref<!tpu.dma_semaphore, #tpu.memory_space<semaphore_mem>>)
        %dma_wait3A = tpu.memref_slice %arg3[%add3A_653] : memref<4194304xf32, #tpu.memory_space<hbm>> -> memref<4096xf32, #tpu.memory_space<hbm>>
        %dma_wait3A_663 = tpu.memref_slice %arg3[%add3A_653] : memref<4194304xf32, #tpu.memory_space<hbm>> -> memref<4096xf32, #tpu.memory_space<hbm>>
        tpu.wait_dma2 semaphore(%run_scoped3A : memref<!tpu.dma_semaphore, #tpu.memory_space<semaphore_mem>>) src(%dma_wait3A_663 : memref<4096xf32, #tpu.memory_space<hbm>>) dst(%arg6 : memref<4096xf32, #tpu.memory_space<vmem>>)
        tpu.yield
      }) : () -> ()
      %scan3A_654 = arith.constant 0 : i32
      %scan3A_655 = arith.constant 0 : i32
      %scan3A_656 = arith.constant 32 : i32
      %scan3A_657 = arith.addi %scan3A_655, %scan3A_656 : i32
      %scan3A_658 = arith.constant 1 : i32
      %scan3A_659 = scf.for %scan3A_662 = %scan3A_655 to %scan3A_657 step %scan3A_658 iter_args(%scan3A_663 = %scan3A_654) -> (i32)  : i32 {
        %mul3A_664 = arith.constant 128 : i32
        %mul3A_665 = arith.muli %scan3A_662, %mul3A_664 : i32
        %add3A_666 = arith.constant 0 : i32
        %add3A_667 = arith.addi %mul3A_665, %add3A_666 : i32
        %get3A = arith.index_cast %add3A_667 : i32 to index
        %get3A_668 = tpu.vector_load %arg5[%get3A] {strides = array<i32>} : memref<4096xi32, #tpu.memory_space<vmem>>, vector<16xi32>,
        %sub3A = vector.broadcast %mul3A_6 : i32 to vector<16xi32>
        %sub3A_669 = arith.subi %get3A_668, %sub3A : vector<16xi32>
        %ge3A = arith.constant 0 : i32
        %ge3A_670 = vector.broadcast %ge3A : i32 to vector<16xi32>
        %ge3A_671 = arith.cmpi sge, %sub3A_669, %ge3A_670 : vector<16xi32>
        %lt3A = arith.constant 1835008 : i32
        %lt3A_672 = vector.broadcast %lt3A : i32 to vector<16xi32>
        %lt3A_673 = arith.cmpi slt, %sub3A_669, %lt3A_672 : vector<16xi32>
        %and3A = arith.andi %ge3A_671, %lt3A_673 : vector<16xi1>
        %add3A_674 = vector.broadcast %add3A_667 : i32 to vector<16xi32>
        %add3A_675 = arith.addi %iota3A, %add3A_674 : vector<16xi32>
        %select_n3A = arith.select %and3A, %sub3A_669, %add3A_675 : vector<16xi1>, vector<16xi32>
        %swap3A = arith.index_cast %add3A_667 : i32 to index
        %swap3A_676 = tpu.vector_load %arg5[%swap3A] {strides = array<i32>} : memref<4096xi32, #tpu.memory_space<vmem>>, vector<16xi32>,
        tpu.vector_store %arg5[%swap3A], %select_n3A {strides = array<i32>} : memref<4096xi32, #tpu.memory_space<vmem>>, vector<16xi32>,
        %get3A_677 = arith.index_cast %add3A_667 : i32 to index
        %get3A_678 = tpu.vector_load %arg6[%get3A_677] {strides = array<i32>} : memref<4096xf32, #tpu.memory_space<vmem>>, vector<16xf32>,
        %jit3A = arith.constant 0.000000e+00 : f32
        %broadcast_in_dim3A_679 = vector.broadcast %jit3A : f32 to vector<16xf32>
        %select_n3A_680 = arith.select %and3A, %get3A_678, %broadcast_in_dim3A_679 : vector<16xi1>, vector<16xf32>
        %swap3A_681 = arith.index_cast %add3A_667 : i32 to index
        %swap3A_682 = tpu.vector_load %arg6[%swap3A_681] {strides = array<i32>} : memref<4096xf32, #tpu.memory_space<vmem>>, vector<16xf32>,
        tpu.vector_store %arg6[%swap3A_681], %select_n3A_680 {strides = array<i32>} : memref<4096xf32, #tpu.memory_space<vmem>>, vector<16xf32>,
        %mul3A_683 = arith.constant 128 : i32
        %mul3A_684 = arith.muli %scan3A_662, %mul3A_683 : i32
        %add3A_685 = arith.constant 16 : i32
        %add3A_686 = arith.addi %mul3A_684, %add3A_685 : i32
        %get3A_687 = arith.index_cast %add3A_686 : i32 to index
        %get3A_688 = tpu.vector_load %arg5[%get3A_687] {strides = array<i32>} : memref<4096xi32, #tpu.memory_space<vmem>>, vector<16xi32>,
        %sub3A_689 = vector.broadcast %mul3A_6 : i32 to vector<16xi32>
        %sub3A_690 = arith.subi %get3A_688, %sub3A_689 : vector<16xi32>
        %ge3A_691 = arith.constant 0 : i32
        %ge3A_692 = vector.broadcast %ge3A_691 : i32 to vector<16xi32>
        %ge3A_693 = arith.cmpi sge, %sub3A_690, %ge3A_692 : vector<16xi32>
        %lt3A_694 = arith.constant 1835008 : i32
        %lt3A_695 = vector.broadcast %lt3A_694 : i32 to vector<16xi32>
        %lt3A_696 = arith.cmpi slt, %sub3A_690, %lt3A_695 : vector<16xi32>
        %and3A_697 = arith.andi %ge3A_693, %lt3A_696 : vector<16xi1>
        %add3A_698 = vector.broadcast %add3A_686 : i32 to vector<16xi32>
        %add3A_699 = arith.addi %iota3A, %add3A_698 : vector<16xi32>
        %select_n3A_700 = arith.select %and3A_697, %sub3A_690, %add3A_699 : vector<16xi1>, vector<16xi32>
        %swap3A_701 = arith.index_cast %add3A_686 : i32 to index
        %swap3A_702 = tpu.vector_load %arg5[%swap3A_701] {strides = array<i32>} : memref<4096xi32, #tpu.memory_space<vmem>>, vector<16xi32>,
        tpu.vector_store %arg5[%swap3A_701], %select_n3A_700 {strides = array<i32>} : memref<4096xi32, #tpu.memory_space<vmem>>, vector<16xi32>,
        %get3A_703 = arith.index_cast %add3A_686 : i32 to index
        %get3A_704 = tpu.vector_load %arg6[%get3A_703] {strides = array<i32>} : memref<4096xf32, #tpu.memory_space<vmem>>, vector<16xf32>,
        %jit3A_705 = arith.constant 0.000000e+00 : f32
        %broadcast_in_dim3A_706 = vector.broadcast %jit3A_705 : f32 to vector<16xf32>
        %select_n3A_707 = arith.select %and3A_697, %get3A_704, %broadcast_in_dim3A_706 : vector<16xi1>, vector<16xf32>
        %swap3A_708 = arith.index_cast %add3A_686 : i32 to index
        %swap3A_709 = tpu.vector_load %arg6[%swap3A_708] {strides = array<i32>} : memref<4096xf32, #tpu.memory_space<vmem>>, vector<16xf32>,
        tpu.vector_store %arg6[%swap3A_708], %select_n3A_707 {strides = array<i32>} : memref<4096xf32, #tpu.memory_space<vmem>>, vector<16xf32>,
        %mul3A_710 = arith.constant 128 : i32
        %mul3A_711 = arith.muli %scan3A_662, %mul3A_710 : i32
        %add3A_712 = arith.constant 32 : i32
        %add3A_713 = arith.addi %mul3A_711, %add3A_712 : i32
        %get3A_714 = arith.index_cast %add3A_713 : i32 to index
        %get3A_715 = tpu.vector_load %arg5[%get3A_714] {strides = array<i32>} : memref<4096xi32, #tpu.memory_space<vmem>>, vector<16xi32>,
        %sub3A_716 = vector.broadcast %mul3A_6 : i32 to vector<16xi32>
        %sub3A_717 = arith.subi %get3A_715, %sub3A_716 : vector<16xi32>
        %ge3A_718 = arith.constant 0 : i32
        %ge3A_719 = vector.broadcast %ge3A_718 : i32 to vector<16xi32>
        %ge3A_720 = arith.cmpi sge, %sub3A_717, %ge3A_719 : vector<16xi32>
        %lt3A_721 = arith.constant 1835008 : i32
        %lt3A_722 = vector.broadcast %lt3A_721 : i32 to vector<16xi32>
        %lt3A_723 = arith.cmpi slt, %sub3A_717, %lt3A_722 : vector<16xi32>
        %and3A_724 = arith.andi %ge3A_720, %lt3A_723 : vector<16xi1>
        %add3A_725 = vector.broadcast %add3A_713 : i32 to vector<16xi32>
        %add3A_726 = arith.addi %iota3A, %add3A_725 : vector<16xi32>
        %select_n3A_727 = arith.select %and3A_724, %sub3A_717, %add3A_726 : vector<16xi1>, vector<16xi32>
        %swap3A_728 = arith.index_cast %add3A_713 : i32 to index
        %swap3A_729 = tpu.vector_load %arg5[%swap3A_728] {strides = array<i32>} : memref<4096xi32, #tpu.memory_space<vmem>>, vector<16xi32>,
        tpu.vector_store %arg5[%swap3A_728], %select_n3A_727 {strides = array<i32>} : memref<4096xi32, #tpu.memory_space<vmem>>, vector<16xi32>,
        %get3A_730 = arith.index_cast %add3A_713 : i32 to index
        %get3A_731 = tpu.vector_load %arg6[%get3A_730] {strides = array<i32>} : memref<4096xf32, #tpu.memory_space<vmem>>, vector<16xf32>,
        %jit3A_732 = arith.constant 0.000000e+00 : f32
        %broadcast_in_dim3A_733 = vector.broadcast %jit3A_732 : f32 to vector<16xf32>
        %select_n3A_734 = arith.select %and3A_724, %get3A_731, %broadcast_in_dim3A_733 : vector<16xi1>, vector<16xf32>
        %swap3A_735 = arith.index_cast %add3A_713 : i32 to index
        %swap3A_736 = tpu.vector_load %arg6[%swap3A_735] {strides = array<i32>} : memref<4096xf32, #tpu.memory_space<vmem>>, vector<16xf32>,
        tpu.vector_store %arg6[%swap3A_735], %select_n3A_734 {strides = array<i32>} : memref<4096xf32, #tpu.memory_space<vmem>>, vector<16xf32>,
        %mul3A_737 = arith.constant 128 : i32
        %mul3A_738 = arith.muli %scan3A_662, %mul3A_737 : i32
        %add3A_739 = arith.constant 48 : i32
        %add3A_740 = arith.addi %mul3A_738, %add3A_739 : i32
        %get3A_741 = arith.index_cast %add3A_740 : i32 to index
        %get3A_742 = tpu.vector_load %arg5[%get3A_741] {strides = array<i32>} : memref<4096xi32, #tpu.memory_space<vmem>>, vector<16xi32>,
        %sub3A_743 = vector.broadcast %mul3A_6 : i32 to vector<16xi32>
        %sub3A_744 = arith.subi %get3A_742, %sub3A_743 : vector<16xi32>
        %ge3A_745 = arith.constant 0 : i32
        %ge3A_746 = vector.broadcast %ge3A_745 : i32 to vector<16xi32>
        %ge3A_747 = arith.cmpi sge, %sub3A_744, %ge3A_746 : vector<16xi32>
        %lt3A_748 = arith.constant 1835008 : i32
        %lt3A_749 = vector.broadcast %lt3A_748 : i32 to vector<16xi32>
        %lt3A_750 = arith.cmpi slt, %sub3A_744, %lt3A_749 : vector<16xi32>
        %and3A_751 = arith.andi %ge3A_747, %lt3A_750 : vector<16xi1>
        %add3A_752 = vector.broadcast %add3A_740 : i32 to vector<16xi32>
        %add3A_753 = arith.addi %iota3A, %add3A_752 : vector<16xi32>
        %select_n3A_754 = arith.select %and3A_751, %sub3A_744, %add3A_753 : vector<16xi1>, vector<16xi32>
        %swap3A_755 = arith.index_cast %add3A_740 : i32 to index
        %swap3A_756 = tpu.vector_load %arg5[%swap3A_755] {strides = array<i32>} : memref<4096xi32, #tpu.memory_space<vmem>>, vector<16xi32>,
        tpu.vector_store %arg5[%swap3A_755], %select_n3A_754 {strides = array<i32>} : memref<4096xi32, #tpu.memory_space<vmem>>, vector<16xi32>,
        %get3A_757 = arith.index_cast %add3A_740 : i32 to index
        %get3A_758 = tpu.vector_load %arg6[%get3A_757] {strides = array<i32>} : memref<4096xf32, #tpu.memory_space<vmem>>, vector<16xf32>,
        %jit3A_759 = arith.constant 0.000000e+00 : f32
        %broadcast_in_dim3A_760 = vector.broadcast %jit3A_759 : f32 to vector<16xf32>
        %select_n3A_761 = arith.select %and3A_751, %get3A_758, %broadcast_in_dim3A_760 : vector<16xi1>, vector<16xf32>
        %swap3A_762 = arith.index_cast %add3A_740 : i32 to index
        %swap3A_763 = tpu.vector_load %arg6[%swap3A_762] {strides = array<i32>} : memref<4096xf32, #tpu.memory_space<vmem>>, vector<16xf32>,
        tpu.vector_store %arg6[%swap3A_762], %select_n3A_761 {strides = array<i32>} : memref<4096xf32, #tpu.memory_space<vmem>>, vector<16xf32>,
        %mul3A_764 = arith.constant 128 : i32
        %mul3A_765 = arith.muli %scan3A_662, %mul3A_764 : i32
        %add3A_766 = arith.constant 64 : i32
        %add3A_767 = arith.addi %mul3A_765, %add3A_766 : i32
        %get3A_768 = arith.index_cast %add3A_767 : i32 to index
        %get3A_769 = tpu.vector_load %arg5[%get3A_768] {strides = array<i32>} : memref<4096xi32, #tpu.memory_space<vmem>>, vector<16xi32>,
        %sub3A_770 = vector.broadcast %mul3A_6 : i32 to vector<16xi32>
        %sub3A_771 = arith.subi %get3A_769, %sub3A_770 : vector<16xi32>
        %ge3A_772 = arith.constant 0 : i32
        %ge3A_773 = vector.broadcast %ge3A_772 : i32 to vector<16xi32>
        %ge3A_774 = arith.cmpi sge, %sub3A_771, %ge3A_773 : vector<16xi32>
        %lt3A_775 = arith.constant 1835008 : i32
        %lt3A_776 = vector.broadcast %lt3A_775 : i32 to vector<16xi32>
        %lt3A_777 = arith.cmpi slt, %sub3A_771, %lt3A_776 : vector<16xi32>
        %and3A_778 = arith.andi %ge3A_774, %lt3A_777 : vector<16xi1>
        %add3A_779 = vector.broadcast %add3A_767 : i32 to vector<16xi32>
        %add3A_780 = arith.addi %iota3A, %add3A_779 : vector<16xi32>
        %select_n3A_781 = arith.select %and3A_778, %sub3A_771, %add3A_780 : vector<16xi1>, vector<16xi32>
        %swap3A_782 = arith.index_cast %add3A_767 : i32 to index
        %swap3A_783 = tpu.vector_load %arg5[%swap3A_782] {strides = array<i32>} : memref<4096xi32, #tpu.memory_space<vmem>>, vector<16xi32>,
        tpu.vector_store %arg5[%swap3A_782], %select_n3A_781 {strides = array<i32>} : memref<4096xi32, #tpu.memory_space<vmem>>, vector<16xi32>,
        %get3A_784 = arith.index_cast %add3A_767 : i32 to index
        %get3A_785 = tpu.vector_load %arg6[%get3A_784] {strides = array<i32>} : memref<4096xf32, #tpu.memory_space<vmem>>, vector<16xf32>,
        %jit3A_786 = arith.constant 0.000000e+00 : f32
        %broadcast_in_dim3A_787 = vector.broadcast %jit3A_786 : f32 to vector<16xf32>
        %select_n3A_788 = arith.select %and3A_778, %get3A_785, %broadcast_in_dim3A_787 : vector<16xi1>, vector<16xf32>
        %swap3A_789 = arith.index_cast %add3A_767 : i32 to index
        %swap3A_790 = tpu.vector_load %arg6[%swap3A_789] {strides = array<i32>} : memref<4096xf32, #tpu.memory_space<vmem>>, vector<16xf32>,
        tpu.vector_store %arg6[%swap3A_789], %select_n3A_788 {strides = array<i32>} : memref<4096xf32, #tpu.memory_space<vmem>>, vector<16xf32>,
        %mul3A_791 = arith.constant 128 : i32
        %mul3A_792 = arith.muli %scan3A_662, %mul3A_791 : i32
        %add3A_793 = arith.constant 80 : i32
        %add3A_794 = arith.addi %mul3A_792, %add3A_793 : i32
        %get3A_795 = arith.index_cast %add3A_794 : i32 to index
        %get3A_796 = tpu.vector_load %arg5[%get3A_795] {strides = array<i32>} : memref<4096xi32, #tpu.memory_space<vmem>>, vector<16xi32>,
        %sub3A_797 = vector.broadcast %mul3A_6 : i32 to vector<16xi32>
        %sub3A_798 = arith.subi %get3A_796, %sub3A_797 : vector<16xi32>
        %ge3A_799 = arith.constant 0 : i32
        %ge3A_800 = vector.broadcast %ge3A_799 : i32 to vector<16xi32>
        %ge3A_801 = arith.cmpi sge, %sub3A_798, %ge3A_800 : vector<16xi32>
        %lt3A_802 = arith.constant 1835008 : i32
        %lt3A_803 = vector.broadcast %lt3A_802 : i32 to vector<16xi32>
        %lt3A_804 = arith.cmpi slt, %sub3A_798, %lt3A_803 : vector<16xi32>
        %and3A_805 = arith.andi %ge3A_801, %lt3A_804 : vector<16xi1>
        %add3A_806 = vector.broadcast %add3A_794 : i32 to vector<16xi32>
        %add3A_807 = arith.addi %iota3A, %add3A_806 : vector<16xi32>
        %select_n3A_808 = arith.select %and3A_805, %sub3A_798, %add3A_807 : vector<16xi1>, vector<16xi32>
        %swap3A_809 = arith.index_cast %add3A_794 : i32 to index
        %swap3A_810 = tpu.vector_load %arg5[%swap3A_809] {strides = array<i32>} : memref<4096xi32, #tpu.memory_space<vmem>>, vector<16xi32>,
        tpu.vector_store %arg5[%swap3A_809], %select_n3A_808 {strides = array<i32>} : memref<4096xi32, #tpu.memory_space<vmem>>, vector<16xi32>,
        %get3A_811 = arith.index_cast %add3A_794 : i32 to index
        %get3A_812 = tpu.vector_load %arg6[%get3A_811] {strides = array<i32>} : memref<4096xf32, #tpu.memory_space<vmem>>, vector<16xf32>,
        %jit3A_813 = arith.constant 0.000000e+00 : f32
        %broadcast_in_dim3A_814 = vector.broadcast %jit3A_813 : f32 to vector<16xf32>
        %select_n3A_815 = arith.select %and3A_805, %get3A_812, %broadcast_in_dim3A_814 : vector<16xi1>, vector<16xf32>
        %swap3A_816 = arith.index_cast %add3A_794 : i32 to index
        %swap3A_817 = tpu.vector_load %arg6[%swap3A_816] {strides = array<i32>} : memref<4096xf32, #tpu.memory_space<vmem>>, vector<16xf32>,
        tpu.vector_store %arg6[%swap3A_816], %select_n3A_815 {strides = array<i32>} : memref<4096xf32, #tpu.memory_space<vmem>>, vector<16xf32>,
        %mul3A_818 = arith.constant 128 : i32
        %mul3A_819 = arith.muli %scan3A_662, %mul3A_818 : i32
        %add3A_820 = arith.constant 96 : i32
        %add3A_821 = arith.addi %mul3A_819, %add3A_820 : i32
        %get3A_822 = arith.index_cast %add3A_821 : i32 to index
        %get3A_823 = tpu.vector_load %arg5[%get3A_822] {strides = array<i32>} : memref<4096xi32, #tpu.memory_space<vmem>>, vector<16xi32>,
        %sub3A_824 = vector.broadcast %mul3A_6 : i32 to vector<16xi32>
        %sub3A_825 = arith.subi %get3A_823, %sub3A_824 : vector<16xi32>
        %ge3A_826 = arith.constant 0 : i32
        %ge3A_827 = vector.broadcast %ge3A_826 : i32 to vector<16xi32>
        %ge3A_828 = arith.cmpi sge, %sub3A_825, %ge3A_827 : vector<16xi32>
        %lt3A_829 = arith.constant 1835008 : i32
        %lt3A_830 = vector.broadcast %lt3A_829 : i32 to vector<16xi32>
        %lt3A_831 = arith.cmpi slt, %sub3A_825, %lt3A_830 : vector<16xi32>
        %and3A_832 = arith.andi %ge3A_828, %lt3A_831 : vector<16xi1>
        %add3A_833 = vector.broadcast %add3A_821 : i32 to vector<16xi32>
        %add3A_834 = arith.addi %iota3A, %add3A_833 : vector<16xi32>
        %select_n3A_835 = arith.select %and3A_832, %sub3A_825, %add3A_834 : vector<16xi1>, vector<16xi32>
        %swap3A_836 = arith.index_cast %add3A_821 : i32 to index
        %swap3A_837 = tpu.vector_load %arg5[%swap3A_836] {strides = array<i32>} : memref<4096xi32, #tpu.memory_space<vmem>>, vector<16xi32>,
        tpu.vector_store %arg5[%swap3A_836], %select_n3A_835 {strides = array<i32>} : memref<4096xi32, #tpu.memory_space<vmem>>, vector<16xi32>,
        %get3A_838 = arith.index_cast %add3A_821 : i32 to index
        %get3A_839 = tpu.vector_load %arg6[%get3A_838] {strides = array<i32>} : memref<4096xf32, #tpu.memory_space<vmem>>, vector<16xf32>,
        %jit3A_840 = arith.constant 0.000000e+00 : f32
        %broadcast_in_dim3A_841 = vector.broadcast %jit3A_840 : f32 to vector<16xf32>
        %select_n3A_842 = arith.select %and3A_832, %get3A_839, %broadcast_in_dim3A_841 : vector<16xi1>, vector<16xf32>
        %swap3A_843 = arith.index_cast %add3A_821 : i32 to index
        %swap3A_844 = tpu.vector_load %arg6[%swap3A_843] {strides = array<i32>} : memref<4096xf32, #tpu.memory_space<vmem>>, vector<16xf32>,
        tpu.vector_store %arg6[%swap3A_843], %select_n3A_842 {strides = array<i32>} : memref<4096xf32, #tpu.memory_space<vmem>>, vector<16xf32>,
        %mul3A_845 = arith.constant 128 : i32
        %mul3A_846 = arith.muli %scan3A_662, %mul3A_845 : i32
        %add3A_847 = arith.constant 112 : i32
        %add3A_848 = arith.addi %mul3A_846, %add3A_847 : i32
        %get3A_849 = arith.index_cast %add3A_848 : i32 to index
        %get3A_850 = tpu.vector_load %arg5[%get3A_849] {strides = array<i32>} : memref<4096xi32, #tpu.memory_space<vmem>>, vector<16xi32>,
        %sub3A_851 = vector.broadcast %mul3A_6 : i32 to vector<16xi32>
        %sub3A_852 = arith.subi %get3A_850, %sub3A_851 : vector<16xi32>
        %ge3A_853 = arith.constant 0 : i32
        %ge3A_854 = vector.broadcast %ge3A_853 : i32 to vector<16xi32>
        %ge3A_855 = arith.cmpi sge, %sub3A_852, %ge3A_854 : vector<16xi32>
        %lt3A_856 = arith.constant 1835008 : i32
        %lt3A_857 = vector.broadcast %lt3A_856 : i32 to vector<16xi32>
        %lt3A_858 = arith.cmpi slt, %sub3A_852, %lt3A_857 : vector<16xi32>
        %and3A_859 = arith.andi %ge3A_855, %lt3A_858 : vector<16xi1>
        %add3A_860 = vector.broadcast %add3A_848 : i32 to vector<16xi32>
        %add3A_861 = arith.addi %iota3A, %add3A_860 : vector<16xi32>
        %select_n3A_862 = arith.select %and3A_859, %sub3A_852, %add3A_861 : vector<16xi1>, vector<16xi32>
        %swap3A_863 = arith.index_cast %add3A_848 : i32 to index
        %swap3A_864 = tpu.vector_load %arg5[%swap3A_863] {strides = array<i32>} : memref<4096xi32, #tpu.memory_space<vmem>>, vector<16xi32>,
        tpu.vector_store %arg5[%swap3A_863], %select_n3A_862 {strides = array<i32>} : memref<4096xi32, #tpu.memory_space<vmem>>, vector<16xi32>,
        %get3A_865 = arith.index_cast %add3A_848 : i32 to index
        %get3A_866 = tpu.vector_load %arg6[%get3A_865] {strides = array<i32>} : memref<4096xf32, #tpu.memory_space<vmem>>, vector<16xf32>,
        %jit3A_867 = arith.constant 0.000000e+00 : f32
        %broadcast_in_dim3A_868 = vector.broadcast %jit3A_867 : f32 to vector<16xf32>
        %select_n3A_869 = arith.select %and3A_859, %get3A_866, %broadcast_in_dim3A_868 : vector<16xi1>, vector<16xf32>
        %swap3A_870 = arith.index_cast %add3A_848 : i32 to index
        %swap3A_871 = tpu.vector_load %arg6[%swap3A_870] {strides = array<i32>} : memref<4096xf32, #tpu.memory_space<vmem>>, vector<16xf32>,
        tpu.vector_store %arg6[%swap3A_870], %select_n3A_869 {strides = array<i32>} : memref<4096xf32, #tpu.memory_space<vmem>>, vector<16xf32>,
        %scan3A_872 = arith.constant 0 : i32
        scf.yield %scan3A_872 : i32
      }
      %scan3A_660 = arith.constant 32 : i32
      "tpu.region"() ({
        %run_scoped3A = tpu.sem_alloc : memref<!tpu.dma_semaphore, #tpu.memory_space<semaphore_mem>>
        %dma_start3A = arith.constant 0 : i32
        %dma_start3A_662 = tpu.memref_slice %arg7[%dma_start3A] : memref<1835008xf32, #tpu.memory_space<vmem_shared>> -> memref<1835008xf32, #tpu.memory_space<vmem_shared>>
        tpu.enqueue_indirect_dma source(%arg6 : memref<4096xf32, #tpu.memory_space<vmem>>) target(%dma_start3A_662 : memref<1835008xf32, #tpu.memory_space<vmem_shared>>) offsets(%arg5 : memref<4096xi32, #tpu.memory_space<vmem>>) semaphore(%run_scoped3A : memref<!tpu.dma_semaphore, #tpu.memory_space<semaphore_mem>>) {add = true}
        %dma_wait3A = arith.constant 0 : i32
        %dma_wait3A_663 = tpu.memref_slice %arg7[%dma_wait3A] : memref<1835008xf32, #tpu.memory_space<vmem_shared>> -> memref<1835008xf32, #tpu.memory_space<vmem_shared>>
        tpu.wait_indirect_dma semaphore(%run_scoped3A : memref<!tpu.dma_semaphore, #tpu.memory_space<semaphore_mem>>) src(%arg6 : memref<4096xf32, #tpu.memory_space<vmem>>) dst(%dma_wait3A_663 : memref<1835008xf32, #tpu.memory_space<vmem_shared>>)
        tpu.yield
      }) : () -> ()
      %scan3A_661 = arith.constant 0 : i32
      scf.yield %scan3A_661 : i32
    }
    %scan3A_131 = arith.constant 64 : i32
    %barrier3A_132 = arith.constant 0 : index
    tpu.barrier barrier_id(%barrier3A_132)
    %mul3A_133 = arith.constant 114688 : i32
    %mul3A_134 = arith.muli %arg1, %mul3A_133 : i32
    %mul3A_135 = arith.constant 114688 : i32
    %mul3A_136 = arith.muli %arg1, %mul3A_135 : i32
    %add3A_137 = arith.addi %mul3A_6, %mul3A_136 : i32
    "tpu.region"() ({
      %run_scoped3A = tpu.sem_alloc : memref<!tpu.dma_semaphore, #tpu.memory_space<semaphore_mem>>
      %dma_start3A = tpu.memref_slice %arg4[%add3A_137] : memref<16777216xf32, #tpu.memory_space<hbm>> -> memref<114688xf32, #tpu.memory_space<hbm>>
      %dma_start3A_649 = tpu.memref_slice %arg7[%mul3A_134] : memref<1835008xf32, #tpu.memory_space<vmem_shared>> -> memref<114688xf32, #tpu.memory_space<vmem_shared>>
      tpu.enqueue_dma source(%dma_start3A_649 : memref<114688xf32, #tpu.memory_space<vmem_shared>>) target(%dma_start3A : memref<114688xf32, #tpu.memory_space<hbm>>) target_semaphore(%run_scoped3A : memref<!tpu.dma_semaphore, #tpu.memory_space<semaphore_mem>>)
      %dma_wait3A = tpu.memref_slice %arg4[%add3A_137] : memref<16777216xf32, #tpu.memory_space<hbm>> -> memref<114688xf32, #tpu.memory_space<hbm>>
      %dma_wait3A_650 = tpu.memref_slice %arg7[%mul3A_134] : memref<1835008xf32, #tpu.memory_space<vmem_shared>> -> memref<114688xf32, #tpu.memory_space<vmem_shared>>
      tpu.wait_dma2 semaphore(%run_scoped3A : memref<!tpu.dma_semaphore, #tpu.memory_space<semaphore_mem>>) src(%dma_wait3A_650 : memref<114688xf32, #tpu.memory_space<vmem_shared>>) dst(%dma_wait3A : memref<114688xf32, #tpu.memory_space<hbm>>)
      tpu.yield
    }) : () -> ()
    %barrier3A_138 = arith.constant 0 : index
    tpu.barrier barrier_id(%barrier3A_138)
    %mul3A_139 = arith.constant 4 : i32
    %mul3A_140 = arith.muli %arg0, %mul3A_139 : i32
    %add3A_141 = arith.constant 1 : i32
    %add3A_142 = arith.addi %mul3A_140, %add3A_141 : i32
    %mul3A_143 = arith.constant 1835008 : i32
    %mul3A_144 = arith.muli %add3A_142, %mul3A_143 : i32
    %scan3A_145 = arith.constant 0 : i32
    %scan3A_146 = arith.constant 0 : i32
    %scan3A_147 = arith.constant 256 : i32
    %scan3A_148 = arith.addi %scan3A_146, %scan3A_147 : i32
    %scan3A_149 = arith.constant 1 : i32
    %scan3A_150 = scf.for %scan3A_649 = %scan3A_146 to %scan3A_148 step %scan3A_149 iter_args(%scan3A_650 = %scan3A_145) -> (i32)  : i32 {
      %mul3A_651 = arith.constant 16 : i32
      %mul3A_652 = arith.muli %scan3A_649, %mul3A_651 : i32
      %swap3A = arith.index_cast %mul3A_652 : i32 to index
      %swap3A_653 = tpu.vector_load %arg6[%swap3A] {strides = array<i32>} : memref<4096xf32, #tpu.memory_space<vmem>>, vector<16xf32>,
      tpu.vector_store %arg6[%swap3A], %broadcast_in_dim3A_1 {strides = array<i32>} : memref<4096xf32, #tpu.memory_space<vmem>>, vector<16xf32>,
      %scan3A_654 = arith.constant 0 : i32
      scf.yield %scan3A_654 : i32
    }
    %scan3A_151 = arith.constant 256 : i32
    %mul3A_152 = arith.constant 114688 : i32
    %mul3A_153 = arith.muli %arg1, %mul3A_152 : i32
    %add3A_154 = arith.constant 0 : i32
    %add3A_155 = arith.addi %mul3A_153, %add3A_154 : i32
    "tpu.region"() ({
      %run_scoped3A = tpu.sem_alloc : memref<!tpu.dma_semaphore, #tpu.memory_space<semaphore_mem>>
      %dma_start3A = tpu.memref_slice %arg7[%add3A_155] : memref<1835008xf32, #tpu.memory_space<vmem_shared>> -> memref<4096xf32, #tpu.memory_space<vmem_shared>>
      %dma_start3A_649 = tpu.memref_slice %arg7[%add3A_155] : memref<1835008xf32, #tpu.memory_space<vmem_shared>> -> memref<4096xf32, #tpu.memory_space<vmem_shared>>
      tpu.enqueue_dma source(%arg6 : memref<4096xf32, #tpu.memory_space<vmem>>) target(%dma_start3A_649 : memref<4096xf32, #tpu.memory_space<vmem_shared>>) target_semaphore(%run_scoped3A : memref<!tpu.dma_semaphore, #tpu.memory_space<semaphore_mem>>)
      %dma_wait3A = tpu.memref_slice %arg7[%add3A_155] : memref<1835008xf32, #tpu.memory_space<vmem_shared>> -> memref<4096xf32, #tpu.memory_space<vmem_shared>>
      %dma_wait3A_650 = tpu.memref_slice %arg7[%add3A_155] : memref<1835008xf32, #tpu.memory_space<vmem_shared>> -> memref<4096xf32, #tpu.memory_space<vmem_shared>>
      tpu.wait_dma2 semaphore(%run_scoped3A : memref<!tpu.dma_semaphore, #tpu.memory_space<semaphore_mem>>) src(%arg6 : memref<4096xf32, #tpu.memory_space<vmem>>) dst(%dma_wait3A_650 : memref<4096xf32, #tpu.memory_space<vmem_shared>>)
      tpu.yield
    }) : () -> ()
    %mul3A_156 = arith.constant 114688 : i32
    %mul3A_157 = arith.muli %arg1, %mul3A_156 : i32
    %add3A_158 = arith.constant 4096 : i32
    %add3A_159 = arith.addi %mul3A_157, %add3A_158 : i32
    "tpu.region"() ({
      %run_scoped3A = tpu.sem_alloc : memref<!tpu.dma_semaphore, #tpu.memory_space<semaphore_mem>>
      %dma_start3A = tpu.memref_slice %arg7[%add3A_159] : memref<1835008xf32, #tpu.memory_space<vmem_shared>> -> memref<4096xf32, #tpu.memory_space<vmem_shared>>
      %dma_start3A_649 = tpu.memref_slice %arg7[%add3A_159] : memref<1835008xf32, #tpu.memory_space<vmem_shared>> -> memref<4096xf32, #tpu.memory_space<vmem_shared>>
      tpu.enqueue_dma source(%arg6 : memref<4096xf32, #tpu.memory_space<vmem>>) target(%dma_start3A_649 : memref<4096xf32, #tpu.memory_space<vmem_shared>>) target_semaphore(%run_scoped3A : memref<!tpu.dma_semaphore, #tpu.memory_space<semaphore_mem>>)
      %dma_wait3A = tpu.memref_slice %arg7[%add3A_159] : memref<1835008xf32, #tpu.memory_space<vmem_shared>> -> memref<4096xf32, #tpu.memory_space<vmem_shared>>
      %dma_wait3A_650 = tpu.memref_slice %arg7[%add3A_159] : memref<1835008xf32, #tpu.memory_space<vmem_shared>> -> memref<4096xf32, #tpu.memory_space<vmem_shared>>
      tpu.wait_dma2 semaphore(%run_scoped3A : memref<!tpu.dma_semaphore, #tpu.memory_space<semaphore_mem>>) src(%arg6 : memref<4096xf32, #tpu.memory_space<vmem>>) dst(%dma_wait3A_650 : memref<4096xf32, #tpu.memory_space<vmem_shared>>)
      tpu.yield
    }) : () -> ()
    %mul3A_160 = arith.constant 114688 : i32
    %mul3A_161 = arith.muli %arg1, %mul3A_160 : i32
    %add3A_162 = arith.constant 8192 : i32
    %add3A_163 = arith.addi %mul3A_161, %add3A_162 : i32
    "tpu.region"() ({
      %run_scoped3A = tpu.sem_alloc : memref<!tpu.dma_semaphore, #tpu.memory_space<semaphore_mem>>
      %dma_start3A = tpu.memref_slice %arg7[%add3A_163] : memref<1835008xf32, #tpu.memory_space<vmem_shared>> -> memref<4096xf32, #tpu.memory_space<vmem_shared>>
      %dma_start3A_649 = tpu.memref_slice %arg7[%add3A_163] : memref<1835008xf32, #tpu.memory_space<vmem_shared>> -> memref<4096xf32, #tpu.memory_space<vmem_shared>>
      tpu.enqueue_dma source(%arg6 : memref<4096xf32, #tpu.memory_space<vmem>>) target(%dma_start3A_649 : memref<4096xf32, #tpu.memory_space<vmem_shared>>) target_semaphore(%run_scoped3A : memref<!tpu.dma_semaphore, #tpu.memory_space<semaphore_mem>>)
      %dma_wait3A = tpu.memref_slice %arg7[%add3A_163] : memref<1835008xf32, #tpu.memory_space<vmem_shared>> -> memref<4096xf32, #tpu.memory_space<vmem_shared>>
      %dma_wait3A_650 = tpu.memref_slice %arg7[%add3A_163] : memref<1835008xf32, #tpu.memory_space<vmem_shared>> -> memref<4096xf32, #tpu.memory_space<vmem_shared>>
      tpu.wait_dma2 semaphore(%run_scoped3A : memref<!tpu.dma_semaphore, #tpu.memory_space<semaphore_mem>>) src(%arg6 : memref<4096xf32, #tpu.memory_space<vmem>>) dst(%dma_wait3A_650 : memref<4096xf32, #tpu.memory_space<vmem_shared>>)
      tpu.yield
    }) : () -> ()
    %mul3A_164 = arith.constant 114688 : i32
    %mul3A_165 = arith.muli %arg1, %mul3A_164 : i32
    %add3A_166 = arith.constant 12288 : i32
    %add3A_167 = arith.addi %mul3A_165, %add3A_166 : i32
    "tpu.region"() ({
      %run_scoped3A = tpu.sem_alloc : memref<!tpu.dma_semaphore, #tpu.memory_space<semaphore_mem>>
      %dma_start3A = tpu.memref_slice %arg7[%add3A_167] : memref<1835008xf32, #tpu.memory_space<vmem_shared>> -> memref<4096xf32, #tpu.memory_space<vmem_shared>>
      %dma_start3A_649 = tpu.memref_slice %arg7[%add3A_167] : memref<1835008xf32, #tpu.memory_space<vmem_shared>> -> memref<4096xf32, #tpu.memory_space<vmem_shared>>
      tpu.enqueue_dma source(%arg6 : memref<4096xf32, #tpu.memory_space<vmem>>) target(%dma_start3A_649 : memref<4096xf32, #tpu.memory_space<vmem_shared>>) target_semaphore(%run_scoped3A : memref<!tpu.dma_semaphore, #tpu.memory_space<semaphore_mem>>)
      %dma_wait3A = tpu.memref_slice %arg7[%add3A_167] : memref<1835008xf32, #tpu.memory_space<vmem_shared>> -> memref<4096xf32, #tpu.memory_space<vmem_shared>>
      %dma_wait3A_650 = tpu.memref_slice %arg7[%add3A_167] : memref<1835008xf32, #tpu.memory_space<vmem_shared>> -> memref<4096xf32, #tpu.memory_space<vmem_shared>>
      tpu.wait_dma2 semaphore(%run_scoped3A : memref<!tpu.dma_semaphore, #tpu.memory_space<semaphore_mem>>) src(%arg6 : memref<4096xf32, #tpu.memory_space<vmem>>) dst(%dma_wait3A_650 : memref<4096xf32, #tpu.memory_space<vmem_shared>>)
      tpu.yield
    }) : () -> ()
    %mul3A_168 = arith.constant 114688 : i32
    %mul3A_169 = arith.muli %arg1, %mul3A_168 : i32
    %add3A_170 = arith.constant 16384 : i32
    %add3A_171 = arith.addi %mul3A_169, %add3A_170 : i32
    "tpu.region"() ({
      %run_scoped3A = tpu.sem_alloc : memref<!tpu.dma_semaphore, #tpu.memory_space<semaphore_mem>>
      %dma_start3A = tpu.memref_slice %arg7[%add3A_171] : memref<1835008xf32, #tpu.memory_space<vmem_shared>> -> memref<4096xf32, #tpu.memory_space<vmem_shared>>
      %dma_start3A_649 = tpu.memref_slice %arg7[%add3A_171] : memref<1835008xf32, #tpu.memory_space<vmem_shared>> -> memref<4096xf32, #tpu.memory_space<vmem_shared>>
      tpu.enqueue_dma source(%arg6 : memref<4096xf32, #tpu.memory_space<vmem>>) target(%dma_start3A_649 : memref<4096xf32, #tpu.memory_space<vmem_shared>>) target_semaphore(%run_scoped3A : memref<!tpu.dma_semaphore, #tpu.memory_space<semaphore_mem>>)
      %dma_wait3A = tpu.memref_slice %arg7[%add3A_171] : memref<1835008xf32, #tpu.memory_space<vmem_shared>> -> memref<4096xf32, #tpu.memory_space<vmem_shared>>
      %dma_wait3A_650 = tpu.memref_slice %arg7[%add3A_171] : memref<1835008xf32, #tpu.memory_space<vmem_shared>> -> memref<4096xf32, #tpu.memory_space<vmem_shared>>
      tpu.wait_dma2 semaphore(%run_scoped3A : memref<!tpu.dma_semaphore, #tpu.memory_space<semaphore_mem>>) src(%arg6 : memref<4096xf32, #tpu.memory_space<vmem>>) dst(%dma_wait3A_650 : memref<4096xf32, #tpu.memory_space<vmem_shared>>)
      tpu.yield
    }) : () -> ()
    %mul3A_172 = arith.constant 114688 : i32
    %mul3A_173 = arith.muli %arg1, %mul3A_172 : i32
    %add3A_174 = arith.constant 20480 : i32
    %add3A_175 = arith.addi %mul3A_173, %add3A_174 : i32
    "tpu.region"() ({
      %run_scoped3A = tpu.sem_alloc : memref<!tpu.dma_semaphore, #tpu.memory_space<semaphore_mem>>
      %dma_start3A = tpu.memref_slice %arg7[%add3A_175] : memref<1835008xf32, #tpu.memory_space<vmem_shared>> -> memref<4096xf32, #tpu.memory_space<vmem_shared>>
      %dma_start3A_649 = tpu.memref_slice %arg7[%add3A_175] : memref<1835008xf32, #tpu.memory_space<vmem_shared>> -> memref<4096xf32, #tpu.memory_space<vmem_shared>>
      tpu.enqueue_dma source(%arg6 : memref<4096xf32, #tpu.memory_space<vmem>>) target(%dma_start3A_649 : memref<4096xf32, #tpu.memory_space<vmem_shared>>) target_semaphore(%run_scoped3A : memref<!tpu.dma_semaphore, #tpu.memory_space<semaphore_mem>>)
      %dma_wait3A = tpu.memref_slice %arg7[%add3A_175] : memref<1835008xf32, #tpu.memory_space<vmem_shared>> -> memref<4096xf32, #tpu.memory_space<vmem_shared>>
      %dma_wait3A_650 = tpu.memref_slice %arg7[%add3A_175] : memref<1835008xf32, #tpu.memory_space<vmem_shared>> -> memref<4096xf32, #tpu.memory_space<vmem_shared>>
      tpu.wait_dma2 semaphore(%run_scoped3A : memref<!tpu.dma_semaphore, #tpu.memory_space<semaphore_mem>>) src(%arg6 : memref<4096xf32, #tpu.memory_space<vmem>>) dst(%dma_wait3A_650 : memref<4096xf32, #tpu.memory_space<vmem_shared>>)
      tpu.yield
    }) : () -> ()
    %mul3A_176 = arith.constant 114688 : i32
    %mul3A_177 = arith.muli %arg1, %mul3A_176 : i32
    %add3A_178 = arith.constant 24576 : i32
    %add3A_179 = arith.addi %mul3A_177, %add3A_178 : i32
    "tpu.region"() ({
      %run_scoped3A = tpu.sem_alloc : memref<!tpu.dma_semaphore, #tpu.memory_space<semaphore_mem>>
      %dma_start3A = tpu.memref_slice %arg7[%add3A_179] : memref<1835008xf32, #tpu.memory_space<vmem_shared>> -> memref<4096xf32, #tpu.memory_space<vmem_shared>>
      %dma_start3A_649 = tpu.memref_slice %arg7[%add3A_179] : memref<1835008xf32, #tpu.memory_space<vmem_shared>> -> memref<4096xf32, #tpu.memory_space<vmem_shared>>
      tpu.enqueue_dma source(%arg6 : memref<4096xf32, #tpu.memory_space<vmem>>) target(%dma_start3A_649 : memref<4096xf32, #tpu.memory_space<vmem_shared>>) target_semaphore(%run_scoped3A : memref<!tpu.dma_semaphore, #tpu.memory_space<semaphore_mem>>)
      %dma_wait3A = tpu.memref_slice %arg7[%add3A_179] : memref<1835008xf32, #tpu.memory_space<vmem_shared>> -> memref<4096xf32, #tpu.memory_space<vmem_shared>>
      %dma_wait3A_650 = tpu.memref_slice %arg7[%add3A_179] : memref<1835008xf32, #tpu.memory_space<vmem_shared>> -> memref<4096xf32, #tpu.memory_space<vmem_shared>>
      tpu.wait_dma2 semaphore(%run_scoped3A : memref<!tpu.dma_semaphore, #tpu.memory_space<semaphore_mem>>) src(%arg6 : memref<4096xf32, #tpu.memory_space<vmem>>) dst(%dma_wait3A_650 : memref<4096xf32, #tpu.memory_space<vmem_shared>>)
      tpu.yield
    }) : () -> ()
    %mul3A_180 = arith.constant 114688 : i32
    %mul3A_181 = arith.muli %arg1, %mul3A_180 : i32
    %add3A_182 = arith.constant 28672 : i32
    %add3A_183 = arith.addi %mul3A_181, %add3A_182 : i32
    "tpu.region"() ({
      %run_scoped3A = tpu.sem_alloc : memref<!tpu.dma_semaphore, #tpu.memory_space<semaphore_mem>>
      %dma_start3A = tpu.memref_slice %arg7[%add3A_183] : memref<1835008xf32, #tpu.memory_space<vmem_shared>> -> memref<4096xf32, #tpu.memory_space<vmem_shared>>
      %dma_start3A_649 = tpu.memref_slice %arg7[%add3A_183] : memref<1835008xf32, #tpu.memory_space<vmem_shared>> -> memref<4096xf32, #tpu.memory_space<vmem_shared>>
      tpu.enqueue_dma source(%arg6 : memref<4096xf32, #tpu.memory_space<vmem>>) target(%dma_start3A_649 : memref<4096xf32, #tpu.memory_space<vmem_shared>>) target_semaphore(%run_scoped3A : memref<!tpu.dma_semaphore, #tpu.memory_space<semaphore_mem>>)
      %dma_wait3A = tpu.memref_slice %arg7[%add3A_183] : memref<1835008xf32, #tpu.memory_space<vmem_shared>> -> memref<4096xf32, #tpu.memory_space<vmem_shared>>
      %dma_wait3A_650 = tpu.memref_slice %arg7[%add3A_183] : memref<1835008xf32, #tpu.memory_space<vmem_shared>> -> memref<4096xf32, #tpu.memory_space<vmem_shared>>
      tpu.wait_dma2 semaphore(%run_scoped3A : memref<!tpu.dma_semaphore, #tpu.memory_space<semaphore_mem>>) src(%arg6 : memref<4096xf32, #tpu.memory_space<vmem>>) dst(%dma_wait3A_650 : memref<4096xf32, #tpu.memory_space<vmem_shared>>)
      tpu.yield
    }) : () -> ()
    %mul3A_184 = arith.constant 114688 : i32
    %mul3A_185 = arith.muli %arg1, %mul3A_184 : i32
    %add3A_186 = arith.constant 32768 : i32
    %add3A_187 = arith.addi %mul3A_185, %add3A_186 : i32
    "tpu.region"() ({
      %run_scoped3A = tpu.sem_alloc : memref<!tpu.dma_semaphore, #tpu.memory_space<semaphore_mem>>
      %dma_start3A = tpu.memref_slice %arg7[%add3A_187] : memref<1835008xf32, #tpu.memory_space<vmem_shared>> -> memref<4096xf32, #tpu.memory_space<vmem_shared>>
      %dma_start3A_649 = tpu.memref_slice %arg7[%add3A_187] : memref<1835008xf32, #tpu.memory_space<vmem_shared>> -> memref<4096xf32, #tpu.memory_space<vmem_shared>>
      tpu.enqueue_dma source(%arg6 : memref<4096xf32, #tpu.memory_space<vmem>>) target(%dma_start3A_649 : memref<4096xf32, #tpu.memory_space<vmem_shared>>) target_semaphore(%run_scoped3A : memref<!tpu.dma_semaphore, #tpu.memory_space<semaphore_mem>>)
      %dma_wait3A = tpu.memref_slice %arg7[%add3A_187] : memref<1835008xf32, #tpu.memory_space<vmem_shared>> -> memref<4096xf32, #tpu.memory_space<vmem_shared>>
      %dma_wait3A_650 = tpu.memref_slice %arg7[%add3A_187] : memref<1835008xf32, #tpu.memory_space<vmem_shared>> -> memref<4096xf32, #tpu.memory_space<vmem_shared>>
      tpu.wait_dma2 semaphore(%run_scoped3A : memref<!tpu.dma_semaphore, #tpu.memory_space<semaphore_mem>>) src(%arg6 : memref<4096xf32, #tpu.memory_space<vmem>>) dst(%dma_wait3A_650 : memref<4096xf32, #tpu.memory_space<vmem_shared>>)
      tpu.yield
    }) : () -> ()
    %mul3A_188 = arith.constant 114688 : i32
    %mul3A_189 = arith.muli %arg1, %mul3A_188 : i32
    %add3A_190 = arith.constant 36864 : i32
    %add3A_191 = arith.addi %mul3A_189, %add3A_190 : i32
    "tpu.region"() ({
      %run_scoped3A = tpu.sem_alloc : memref<!tpu.dma_semaphore, #tpu.memory_space<semaphore_mem>>
      %dma_start3A = tpu.memref_slice %arg7[%add3A_191] : memref<1835008xf32, #tpu.memory_space<vmem_shared>> -> memref<4096xf32, #tpu.memory_space<vmem_shared>>
      %dma_start3A_649 = tpu.memref_slice %arg7[%add3A_191] : memref<1835008xf32, #tpu.memory_space<vmem_shared>> -> memref<4096xf32, #tpu.memory_space<vmem_shared>>
      tpu.enqueue_dma source(%arg6 : memref<4096xf32, #tpu.memory_space<vmem>>) target(%dma_start3A_649 : memref<4096xf32, #tpu.memory_space<vmem_shared>>) target_semaphore(%run_scoped3A : memref<!tpu.dma_semaphore, #tpu.memory_space<semaphore_mem>>)
      %dma_wait3A = tpu.memref_slice %arg7[%add3A_191] : memref<1835008xf32, #tpu.memory_space<vmem_shared>> -> memref<4096xf32, #tpu.memory_space<vmem_shared>>
      %dma_wait3A_650 = tpu.memref_slice %arg7[%add3A_191] : memref<1835008xf32, #tpu.memory_space<vmem_shared>> -> memref<4096xf32, #tpu.memory_space<vmem_shared>>
      tpu.wait_dma2 semaphore(%run_scoped3A : memref<!tpu.dma_semaphore, #tpu.memory_space<semaphore_mem>>) src(%arg6 : memref<4096xf32, #tpu.memory_space<vmem>>) dst(%dma_wait3A_650 : memref<4096xf32, #tpu.memory_space<vmem_shared>>)
      tpu.yield
    }) : () -> ()
    %mul3A_192 = arith.constant 114688 : i32
    %mul3A_193 = arith.muli %arg1, %mul3A_192 : i32
    %add3A_194 = arith.constant 40960 : i32
    %add3A_195 = arith.addi %mul3A_193, %add3A_194 : i32
    "tpu.region"() ({
      %run_scoped3A = tpu.sem_alloc : memref<!tpu.dma_semaphore, #tpu.memory_space<semaphore_mem>>
      %dma_start3A = tpu.memref_slice %arg7[%add3A_195] : memref<1835008xf32, #tpu.memory_space<vmem_shared>> -> memref<4096xf32, #tpu.memory_space<vmem_shared>>
      %dma_start3A_649 = tpu.memref_slice %arg7[%add3A_195] : memref<1835008xf32, #tpu.memory_space<vmem_shared>> -> memref<4096xf32, #tpu.memory_space<vmem_shared>>
      tpu.enqueue_dma source(%arg6 : memref<4096xf32, #tpu.memory_space<vmem>>) target(%dma_start3A_649 : memref<4096xf32, #tpu.memory_space<vmem_shared>>) target_semaphore(%run_scoped3A : memref<!tpu.dma_semaphore, #tpu.memory_space<semaphore_mem>>)
      %dma_wait3A = tpu.memref_slice %arg7[%add3A_195] : memref<1835008xf32, #tpu.memory_space<vmem_shared>> -> memref<4096xf32, #tpu.memory_space<vmem_shared>>
      %dma_wait3A_650 = tpu.memref_slice %arg7[%add3A_195] : memref<1835008xf32, #tpu.memory_space<vmem_shared>> -> memref<4096xf32, #tpu.memory_space<vmem_shared>>
      tpu.wait_dma2 semaphore(%run_scoped3A : memref<!tpu.dma_semaphore, #tpu.memory_space<semaphore_mem>>) src(%arg6 : memref<4096xf32, #tpu.memory_space<vmem>>) dst(%dma_wait3A_650 : memref<4096xf32, #tpu.memory_space<vmem_shared>>)
      tpu.yield
    }) : () -> ()
    %mul3A_196 = arith.constant 114688 : i32
    %mul3A_197 = arith.muli %arg1, %mul3A_196 : i32
    %add3A_198 = arith.constant 45056 : i32
    %add3A_199 = arith.addi %mul3A_197, %add3A_198 : i32
    "tpu.region"() ({
      %run_scoped3A = tpu.sem_alloc : memref<!tpu.dma_semaphore, #tpu.memory_space<semaphore_mem>>
      %dma_start3A = tpu.memref_slice %arg7[%add3A_199] : memref<1835008xf32, #tpu.memory_space<vmem_shared>> -> memref<4096xf32, #tpu.memory_space<vmem_shared>>
      %dma_start3A_649 = tpu.memref_slice %arg7[%add3A_199] : memref<1835008xf32, #tpu.memory_space<vmem_shared>> -> memref<4096xf32, #tpu.memory_space<vmem_shared>>
      tpu.enqueue_dma source(%arg6 : memref<4096xf32, #tpu.memory_space<vmem>>) target(%dma_start3A_649 : memref<4096xf32, #tpu.memory_space<vmem_shared>>) target_semaphore(%run_scoped3A : memref<!tpu.dma_semaphore, #tpu.memory_space<semaphore_mem>>)
      %dma_wait3A = tpu.memref_slice %arg7[%add3A_199] : memref<1835008xf32, #tpu.memory_space<vmem_shared>> -> memref<4096xf32, #tpu.memory_space<vmem_shared>>
      %dma_wait3A_650 = tpu.memref_slice %arg7[%add3A_199] : memref<1835008xf32, #tpu.memory_space<vmem_shared>> -> memref<4096xf32, #tpu.memory_space<vmem_shared>>
      tpu.wait_dma2 semaphore(%run_scoped3A : memref<!tpu.dma_semaphore, #tpu.memory_space<semaphore_mem>>) src(%arg6 : memref<4096xf32, #tpu.memory_space<vmem>>) dst(%dma_wait3A_650 : memref<4096xf32, #tpu.memory_space<vmem_shared>>)
      tpu.yield
    }) : () -> ()
    %mul3A_200 = arith.constant 114688 : i32
    %mul3A_201 = arith.muli %arg1, %mul3A_200 : i32
    %add3A_202 = arith.constant 49152 : i32
    %add3A_203 = arith.addi %mul3A_201, %add3A_202 : i32
    "tpu.region"() ({
      %run_scoped3A = tpu.sem_alloc : memref<!tpu.dma_semaphore, #tpu.memory_space<semaphore_mem>>
      %dma_start3A = tpu.memref_slice %arg7[%add3A_203] : memref<1835008xf32, #tpu.memory_space<vmem_shared>> -> memref<4096xf32, #tpu.memory_space<vmem_shared>>
      %dma_start3A_649 = tpu.memref_slice %arg7[%add3A_203] : memref<1835008xf32, #tpu.memory_space<vmem_shared>> -> memref<4096xf32, #tpu.memory_space<vmem_shared>>
      tpu.enqueue_dma source(%arg6 : memref<4096xf32, #tpu.memory_space<vmem>>) target(%dma_start3A_649 : memref<4096xf32, #tpu.memory_space<vmem_shared>>) target_semaphore(%run_scoped3A : memref<!tpu.dma_semaphore, #tpu.memory_space<semaphore_mem>>)
      %dma_wait3A = tpu.memref_slice %arg7[%add3A_203] : memref<1835008xf32, #tpu.memory_space<vmem_shared>> -> memref<4096xf32, #tpu.memory_space<vmem_shared>>
      %dma_wait3A_650 = tpu.memref_slice %arg7[%add3A_203] : memref<1835008xf32, #tpu.memory_space<vmem_shared>> -> memref<4096xf32, #tpu.memory_space<vmem_shared>>
      tpu.wait_dma2 semaphore(%run_scoped3A : memref<!tpu.dma_semaphore, #tpu.memory_space<semaphore_mem>>) src(%arg6 : memref<4096xf32, #tpu.memory_space<vmem>>) dst(%dma_wait3A_650 : memref<4096xf32, #tpu.memory_space<vmem_shared>>)
      tpu.yield
    }) : () -> ()
    %mul3A_204 = arith.constant 114688 : i32
    %mul3A_205 = arith.muli %arg1, %mul3A_204 : i32
    %add3A_206 = arith.constant 53248 : i32
    %add3A_207 = arith.addi %mul3A_205, %add3A_206 : i32
    "tpu.region"() ({
      %run_scoped3A = tpu.sem_alloc : memref<!tpu.dma_semaphore, #tpu.memory_space<semaphore_mem>>
      %dma_start3A = tpu.memref_slice %arg7[%add3A_207] : memref<1835008xf32, #tpu.memory_space<vmem_shared>> -> memref<4096xf32, #tpu.memory_space<vmem_shared>>
      %dma_start3A_649 = tpu.memref_slice %arg7[%add3A_207] : memref<1835008xf32, #tpu.memory_space<vmem_shared>> -> memref<4096xf32, #tpu.memory_space<vmem_shared>>
      tpu.enqueue_dma source(%arg6 : memref<4096xf32, #tpu.memory_space<vmem>>) target(%dma_start3A_649 : memref<4096xf32, #tpu.memory_space<vmem_shared>>) target_semaphore(%run_scoped3A : memref<!tpu.dma_semaphore, #tpu.memory_space<semaphore_mem>>)
      %dma_wait3A = tpu.memref_slice %arg7[%add3A_207] : memref<1835008xf32, #tpu.memory_space<vmem_shared>> -> memref<4096xf32, #tpu.memory_space<vmem_shared>>
      %dma_wait3A_650 = tpu.memref_slice %arg7[%add3A_207] : memref<1835008xf32, #tpu.memory_space<vmem_shared>> -> memref<4096xf32, #tpu.memory_space<vmem_shared>>
      tpu.wait_dma2 semaphore(%run_scoped3A : memref<!tpu.dma_semaphore, #tpu.memory_space<semaphore_mem>>) src(%arg6 : memref<4096xf32, #tpu.memory_space<vmem>>) dst(%dma_wait3A_650 : memref<4096xf32, #tpu.memory_space<vmem_shared>>)
      tpu.yield
    }) : () -> ()
    %mul3A_208 = arith.constant 114688 : i32
    %mul3A_209 = arith.muli %arg1, %mul3A_208 : i32
    %add3A_210 = arith.constant 57344 : i32
    %add3A_211 = arith.addi %mul3A_209, %add3A_210 : i32
    "tpu.region"() ({
      %run_scoped3A = tpu.sem_alloc : memref<!tpu.dma_semaphore, #tpu.memory_space<semaphore_mem>>
      %dma_start3A = tpu.memref_slice %arg7[%add3A_211] : memref<1835008xf32, #tpu.memory_space<vmem_shared>> -> memref<4096xf32, #tpu.memory_space<vmem_shared>>
      %dma_start3A_649 = tpu.memref_slice %arg7[%add3A_211] : memref<1835008xf32, #tpu.memory_space<vmem_shared>> -> memref<4096xf32, #tpu.memory_space<vmem_shared>>
      tpu.enqueue_dma source(%arg6 : memref<4096xf32, #tpu.memory_space<vmem>>) target(%dma_start3A_649 : memref<4096xf32, #tpu.memory_space<vmem_shared>>) target_semaphore(%run_scoped3A : memref<!tpu.dma_semaphore, #tpu.memory_space<semaphore_mem>>)
      %dma_wait3A = tpu.memref_slice %arg7[%add3A_211] : memref<1835008xf32, #tpu.memory_space<vmem_shared>> -> memref<4096xf32, #tpu.memory_space<vmem_shared>>
      %dma_wait3A_650 = tpu.memref_slice %arg7[%add3A_211] : memref<1835008xf32, #tpu.memory_space<vmem_shared>> -> memref<4096xf32, #tpu.memory_space<vmem_shared>>
      tpu.wait_dma2 semaphore(%run_scoped3A : memref<!tpu.dma_semaphore, #tpu.memory_space<semaphore_mem>>) src(%arg6 : memref<4096xf32, #tpu.memory_space<vmem>>) dst(%dma_wait3A_650 : memref<4096xf32, #tpu.memory_space<vmem_shared>>)
      tpu.yield
    }) : () -> ()
    %mul3A_212 = arith.constant 114688 : i32
    %mul3A_213 = arith.muli %arg1, %mul3A_212 : i32
    %add3A_214 = arith.constant 61440 : i32
    %add3A_215 = arith.addi %mul3A_213, %add3A_214 : i32
    "tpu.region"() ({
      %run_scoped3A = tpu.sem_alloc : memref<!tpu.dma_semaphore, #tpu.memory_space<semaphore_mem>>
      %dma_start3A = tpu.memref_slice %arg7[%add3A_215] : memref<1835008xf32, #tpu.memory_space<vmem_shared>> -> memref<4096xf32, #tpu.memory_space<vmem_shared>>
      %dma_start3A_649 = tpu.memref_slice %arg7[%add3A_215] : memref<1835008xf32, #tpu.memory_space<vmem_shared>> -> memref<4096xf32, #tpu.memory_space<vmem_shared>>
      tpu.enqueue_dma source(%arg6 : memref<4096xf32, #tpu.memory_space<vmem>>) target(%dma_start3A_649 : memref<4096xf32, #tpu.memory_space<vmem_shared>>) target_semaphore(%run_scoped3A : memref<!tpu.dma_semaphore, #tpu.memory_space<semaphore_mem>>)
      %dma_wait3A = tpu.memref_slice %arg7[%add3A_215] : memref<1835008xf32, #tpu.memory_space<vmem_shared>> -> memref<4096xf32, #tpu.memory_space<vmem_shared>>
      %dma_wait3A_650 = tpu.memref_slice %arg7[%add3A_215] : memref<1835008xf32, #tpu.memory_space<vmem_shared>> -> memref<4096xf32, #tpu.memory_space<vmem_shared>>
      tpu.wait_dma2 semaphore(%run_scoped3A : memref<!tpu.dma_semaphore, #tpu.memory_space<semaphore_mem>>) src(%arg6 : memref<4096xf32, #tpu.memory_space<vmem>>) dst(%dma_wait3A_650 : memref<4096xf32, #tpu.memory_space<vmem_shared>>)
      tpu.yield
    }) : () -> ()
    %mul3A_216 = arith.constant 114688 : i32
    %mul3A_217 = arith.muli %arg1, %mul3A_216 : i32
    %add3A_218 = arith.constant 65536 : i32
    %add3A_219 = arith.addi %mul3A_217, %add3A_218 : i32
    "tpu.region"() ({
      %run_scoped3A = tpu.sem_alloc : memref<!tpu.dma_semaphore, #tpu.memory_space<semaphore_mem>>
      %dma_start3A = tpu.memref_slice %arg7[%add3A_219] : memref<1835008xf32, #tpu.memory_space<vmem_shared>> -> memref<4096xf32, #tpu.memory_space<vmem_shared>>
      %dma_start3A_649 = tpu.memref_slice %arg7[%add3A_219] : memref<1835008xf32, #tpu.memory_space<vmem_shared>> -> memref<4096xf32, #tpu.memory_space<vmem_shared>>
      tpu.enqueue_dma source(%arg6 : memref<4096xf32, #tpu.memory_space<vmem>>) target(%dma_start3A_649 : memref<4096xf32, #tpu.memory_space<vmem_shared>>) target_semaphore(%run_scoped3A : memref<!tpu.dma_semaphore, #tpu.memory_space<semaphore_mem>>)
      %dma_wait3A = tpu.memref_slice %arg7[%add3A_219] : memref<1835008xf32, #tpu.memory_space<vmem_shared>> -> memref<4096xf32, #tpu.memory_space<vmem_shared>>
      %dma_wait3A_650 = tpu.memref_slice %arg7[%add3A_219] : memref<1835008xf32, #tpu.memory_space<vmem_shared>> -> memref<4096xf32, #tpu.memory_space<vmem_shared>>
      tpu.wait_dma2 semaphore(%run_scoped3A : memref<!tpu.dma_semaphore, #tpu.memory_space<semaphore_mem>>) src(%arg6 : memref<4096xf32, #tpu.memory_space<vmem>>) dst(%dma_wait3A_650 : memref<4096xf32, #tpu.memory_space<vmem_shared>>)
      tpu.yield
    }) : () -> ()
    %mul3A_220 = arith.constant 114688 : i32
    %mul3A_221 = arith.muli %arg1, %mul3A_220 : i32
    %add3A_222 = arith.constant 69632 : i32
    %add3A_223 = arith.addi %mul3A_221, %add3A_222 : i32
    "tpu.region"() ({
      %run_scoped3A = tpu.sem_alloc : memref<!tpu.dma_semaphore, #tpu.memory_space<semaphore_mem>>
      %dma_start3A = tpu.memref_slice %arg7[%add3A_223] : memref<1835008xf32, #tpu.memory_space<vmem_shared>> -> memref<4096xf32, #tpu.memory_space<vmem_shared>>
      %dma_start3A_649 = tpu.memref_slice %arg7[%add3A_223] : memref<1835008xf32, #tpu.memory_space<vmem_shared>> -> memref<4096xf32, #tpu.memory_space<vmem_shared>>
      tpu.enqueue_dma source(%arg6 : memref<4096xf32, #tpu.memory_space<vmem>>) target(%dma_start3A_649 : memref<4096xf32, #tpu.memory_space<vmem_shared>>) target_semaphore(%run_scoped3A : memref<!tpu.dma_semaphore, #tpu.memory_space<semaphore_mem>>)
      %dma_wait3A = tpu.memref_slice %arg7[%add3A_223] : memref<1835008xf32, #tpu.memory_space<vmem_shared>> -> memref<4096xf32, #tpu.memory_space<vmem_shared>>
      %dma_wait3A_650 = tpu.memref_slice %arg7[%add3A_223] : memref<1835008xf32, #tpu.memory_space<vmem_shared>> -> memref<4096xf32, #tpu.memory_space<vmem_shared>>
      tpu.wait_dma2 semaphore(%run_scoped3A : memref<!tpu.dma_semaphore, #tpu.memory_space<semaphore_mem>>) src(%arg6 : memref<4096xf32, #tpu.memory_space<vmem>>) dst(%dma_wait3A_650 : memref<4096xf32, #tpu.memory_space<vmem_shared>>)
      tpu.yield
    }) : () -> ()
    %mul3A_224 = arith.constant 114688 : i32
    %mul3A_225 = arith.muli %arg1, %mul3A_224 : i32
    %add3A_226 = arith.constant 73728 : i32
    %add3A_227 = arith.addi %mul3A_225, %add3A_226 : i32
    "tpu.region"() ({
      %run_scoped3A = tpu.sem_alloc : memref<!tpu.dma_semaphore, #tpu.memory_space<semaphore_mem>>
      %dma_start3A = tpu.memref_slice %arg7[%add3A_227] : memref<1835008xf32, #tpu.memory_space<vmem_shared>> -> memref<4096xf32, #tpu.memory_space<vmem_shared>>
      %dma_start3A_649 = tpu.memref_slice %arg7[%add3A_227] : memref<1835008xf32, #tpu.memory_space<vmem_shared>> -> memref<4096xf32, #tpu.memory_space<vmem_shared>>
      tpu.enqueue_dma source(%arg6 : memref<4096xf32, #tpu.memory_space<vmem>>) target(%dma_start3A_649 : memref<4096xf32, #tpu.memory_space<vmem_shared>>) target_semaphore(%run_scoped3A : memref<!tpu.dma_semaphore, #tpu.memory_space<semaphore_mem>>)
      %dma_wait3A = tpu.memref_slice %arg7[%add3A_227] : memref<1835008xf32, #tpu.memory_space<vmem_shared>> -> memref<4096xf32, #tpu.memory_space<vmem_shared>>
      %dma_wait3A_650 = tpu.memref_slice %arg7[%add3A_227] : memref<1835008xf32, #tpu.memory_space<vmem_shared>> -> memref<4096xf32, #tpu.memory_space<vmem_shared>>
      tpu.wait_dma2 semaphore(%run_scoped3A : memref<!tpu.dma_semaphore, #tpu.memory_space<semaphore_mem>>) src(%arg6 : memref<4096xf32, #tpu.memory_space<vmem>>) dst(%dma_wait3A_650 : memref<4096xf32, #tpu.memory_space<vmem_shared>>)
      tpu.yield
    }) : () -> ()
    %mul3A_228 = arith.constant 114688 : i32
    %mul3A_229 = arith.muli %arg1, %mul3A_228 : i32
    %add3A_230 = arith.constant 77824 : i32
    %add3A_231 = arith.addi %mul3A_229, %add3A_230 : i32
    "tpu.region"() ({
      %run_scoped3A = tpu.sem_alloc : memref<!tpu.dma_semaphore, #tpu.memory_space<semaphore_mem>>
      %dma_start3A = tpu.memref_slice %arg7[%add3A_231] : memref<1835008xf32, #tpu.memory_space<vmem_shared>> -> memref<4096xf32, #tpu.memory_space<vmem_shared>>
      %dma_start3A_649 = tpu.memref_slice %arg7[%add3A_231] : memref<1835008xf32, #tpu.memory_space<vmem_shared>> -> memref<4096xf32, #tpu.memory_space<vmem_shared>>
      tpu.enqueue_dma source(%arg6 : memref<4096xf32, #tpu.memory_space<vmem>>) target(%dma_start3A_649 : memref<4096xf32, #tpu.memory_space<vmem_shared>>) target_semaphore(%run_scoped3A : memref<!tpu.dma_semaphore, #tpu.memory_space<semaphore_mem>>)
      %dma_wait3A = tpu.memref_slice %arg7[%add3A_231] : memref<1835008xf32, #tpu.memory_space<vmem_shared>> -> memref<4096xf32, #tpu.memory_space<vmem_shared>>
      %dma_wait3A_650 = tpu.memref_slice %arg7[%add3A_231] : memref<1835008xf32, #tpu.memory_space<vmem_shared>> -> memref<4096xf32, #tpu.memory_space<vmem_shared>>
      tpu.wait_dma2 semaphore(%run_scoped3A : memref<!tpu.dma_semaphore, #tpu.memory_space<semaphore_mem>>) src(%arg6 : memref<4096xf32, #tpu.memory_space<vmem>>) dst(%dma_wait3A_650 : memref<4096xf32, #tpu.memory_space<vmem_shared>>)
      tpu.yield
    }) : () -> ()
    %mul3A_232 = arith.constant 114688 : i32
    %mul3A_233 = arith.muli %arg1, %mul3A_232 : i32
    %add3A_234 = arith.constant 81920 : i32
    %add3A_235 = arith.addi %mul3A_233, %add3A_234 : i32
    "tpu.region"() ({
      %run_scoped3A = tpu.sem_alloc : memref<!tpu.dma_semaphore, #tpu.memory_space<semaphore_mem>>
      %dma_start3A = tpu.memref_slice %arg7[%add3A_235] : memref<1835008xf32, #tpu.memory_space<vmem_shared>> -> memref<4096xf32, #tpu.memory_space<vmem_shared>>
      %dma_start3A_649 = tpu.memref_slice %arg7[%add3A_235] : memref<1835008xf32, #tpu.memory_space<vmem_shared>> -> memref<4096xf32, #tpu.memory_space<vmem_shared>>
      tpu.enqueue_dma source(%arg6 : memref<4096xf32, #tpu.memory_space<vmem>>) target(%dma_start3A_649 : memref<4096xf32, #tpu.memory_space<vmem_shared>>) target_semaphore(%run_scoped3A : memref<!tpu.dma_semaphore, #tpu.memory_space<semaphore_mem>>)
      %dma_wait3A = tpu.memref_slice %arg7[%add3A_235] : memref<1835008xf32, #tpu.memory_space<vmem_shared>> -> memref<4096xf32, #tpu.memory_space<vmem_shared>>
      %dma_wait3A_650 = tpu.memref_slice %arg7[%add3A_235] : memref<1835008xf32, #tpu.memory_space<vmem_shared>> -> memref<4096xf32, #tpu.memory_space<vmem_shared>>
      tpu.wait_dma2 semaphore(%run_scoped3A : memref<!tpu.dma_semaphore, #tpu.memory_space<semaphore_mem>>) src(%arg6 : memref<4096xf32, #tpu.memory_space<vmem>>) dst(%dma_wait3A_650 : memref<4096xf32, #tpu.memory_space<vmem_shared>>)
      tpu.yield
    }) : () -> ()
    %mul3A_236 = arith.constant 114688 : i32
    %mul3A_237 = arith.muli %arg1, %mul3A_236 : i32
    %add3A_238 = arith.constant 86016 : i32
    %add3A_239 = arith.addi %mul3A_237, %add3A_238 : i32
    "tpu.region"() ({
      %run_scoped3A = tpu.sem_alloc : memref<!tpu.dma_semaphore, #tpu.memory_space<semaphore_mem>>
      %dma_start3A = tpu.memref_slice %arg7[%add3A_239] : memref<1835008xf32, #tpu.memory_space<vmem_shared>> -> memref<4096xf32, #tpu.memory_space<vmem_shared>>
      %dma_start3A_649 = tpu.memref_slice %arg7[%add3A_239] : memref<1835008xf32, #tpu.memory_space<vmem_shared>> -> memref<4096xf32, #tpu.memory_space<vmem_shared>>
      tpu.enqueue_dma source(%arg6 : memref<4096xf32, #tpu.memory_space<vmem>>) target(%dma_start3A_649 : memref<4096xf32, #tpu.memory_space<vmem_shared>>) target_semaphore(%run_scoped3A : memref<!tpu.dma_semaphore, #tpu.memory_space<semaphore_mem>>)
      %dma_wait3A = tpu.memref_slice %arg7[%add3A_239] : memref<1835008xf32, #tpu.memory_space<vmem_shared>> -> memref<4096xf32, #tpu.memory_space<vmem_shared>>
      %dma_wait3A_650 = tpu.memref_slice %arg7[%add3A_239] : memref<1835008xf32, #tpu.memory_space<vmem_shared>> -> memref<4096xf32, #tpu.memory_space<vmem_shared>>
      tpu.wait_dma2 semaphore(%run_scoped3A : memref<!tpu.dma_semaphore, #tpu.memory_space<semaphore_mem>>) src(%arg6 : memref<4096xf32, #tpu.memory_space<vmem>>) dst(%dma_wait3A_650 : memref<4096xf32, #tpu.memory_space<vmem_shared>>)
      tpu.yield
    }) : () -> ()
    %mul3A_240 = arith.constant 114688 : i32
    %mul3A_241 = arith.muli %arg1, %mul3A_240 : i32
    %add3A_242 = arith.constant 90112 : i32
    %add3A_243 = arith.addi %mul3A_241, %add3A_242 : i32
    "tpu.region"() ({
      %run_scoped3A = tpu.sem_alloc : memref<!tpu.dma_semaphore, #tpu.memory_space<semaphore_mem>>
      %dma_start3A = tpu.memref_slice %arg7[%add3A_243] : memref<1835008xf32, #tpu.memory_space<vmem_shared>> -> memref<4096xf32, #tpu.memory_space<vmem_shared>>
      %dma_start3A_649 = tpu.memref_slice %arg7[%add3A_243] : memref<1835008xf32, #tpu.memory_space<vmem_shared>> -> memref<4096xf32, #tpu.memory_space<vmem_shared>>
      tpu.enqueue_dma source(%arg6 : memref<4096xf32, #tpu.memory_space<vmem>>) target(%dma_start3A_649 : memref<4096xf32, #tpu.memory_space<vmem_shared>>) target_semaphore(%run_scoped3A : memref<!tpu.dma_semaphore, #tpu.memory_space<semaphore_mem>>)
      %dma_wait3A = tpu.memref_slice %arg7[%add3A_243] : memref<1835008xf32, #tpu.memory_space<vmem_shared>> -> memref<4096xf32, #tpu.memory_space<vmem_shared>>
      %dma_wait3A_650 = tpu.memref_slice %arg7[%add3A_243] : memref<1835008xf32, #tpu.memory_space<vmem_shared>> -> memref<4096xf32, #tpu.memory_space<vmem_shared>>
      tpu.wait_dma2 semaphore(%run_scoped3A : memref<!tpu.dma_semaphore, #tpu.memory_space<semaphore_mem>>) src(%arg6 : memref<4096xf32, #tpu.memory_space<vmem>>) dst(%dma_wait3A_650 : memref<4096xf32, #tpu.memory_space<vmem_shared>>)
      tpu.yield
    }) : () -> ()
    %mul3A_244 = arith.constant 114688 : i32
    %mul3A_245 = arith.muli %arg1, %mul3A_244 : i32
    %add3A_246 = arith.constant 94208 : i32
    %add3A_247 = arith.addi %mul3A_245, %add3A_246 : i32
    "tpu.region"() ({
      %run_scoped3A = tpu.sem_alloc : memref<!tpu.dma_semaphore, #tpu.memory_space<semaphore_mem>>
      %dma_start3A = tpu.memref_slice %arg7[%add3A_247] : memref<1835008xf32, #tpu.memory_space<vmem_shared>> -> memref<4096xf32, #tpu.memory_space<vmem_shared>>
      %dma_start3A_649 = tpu.memref_slice %arg7[%add3A_247] : memref<1835008xf32, #tpu.memory_space<vmem_shared>> -> memref<4096xf32, #tpu.memory_space<vmem_shared>>
      tpu.enqueue_dma source(%arg6 : memref<4096xf32, #tpu.memory_space<vmem>>) target(%dma_start3A_649 : memref<4096xf32, #tpu.memory_space<vmem_shared>>) target_semaphore(%run_scoped3A : memref<!tpu.dma_semaphore, #tpu.memory_space<semaphore_mem>>)
      %dma_wait3A = tpu.memref_slice %arg7[%add3A_247] : memref<1835008xf32, #tpu.memory_space<vmem_shared>> -> memref<4096xf32, #tpu.memory_space<vmem_shared>>
      %dma_wait3A_650 = tpu.memref_slice %arg7[%add3A_247] : memref<1835008xf32, #tpu.memory_space<vmem_shared>> -> memref<4096xf32, #tpu.memory_space<vmem_shared>>
      tpu.wait_dma2 semaphore(%run_scoped3A : memref<!tpu.dma_semaphore, #tpu.memory_space<semaphore_mem>>) src(%arg6 : memref<4096xf32, #tpu.memory_space<vmem>>) dst(%dma_wait3A_650 : memref<4096xf32, #tpu.memory_space<vmem_shared>>)
      tpu.yield
    }) : () -> ()
    %mul3A_248 = arith.constant 114688 : i32
    %mul3A_249 = arith.muli %arg1, %mul3A_248 : i32
    %add3A_250 = arith.constant 98304 : i32
    %add3A_251 = arith.addi %mul3A_249, %add3A_250 : i32
    "tpu.region"() ({
      %run_scoped3A = tpu.sem_alloc : memref<!tpu.dma_semaphore, #tpu.memory_space<semaphore_mem>>
      %dma_start3A = tpu.memref_slice %arg7[%add3A_251] : memref<1835008xf32, #tpu.memory_space<vmem_shared>> -> memref<4096xf32, #tpu.memory_space<vmem_shared>>
      %dma_start3A_649 = tpu.memref_slice %arg7[%add3A_251] : memref<1835008xf32, #tpu.memory_space<vmem_shared>> -> memref<4096xf32, #tpu.memory_space<vmem_shared>>
      tpu.enqueue_dma source(%arg6 : memref<4096xf32, #tpu.memory_space<vmem>>) target(%dma_start3A_649 : memref<4096xf32, #tpu.memory_space<vmem_shared>>) target_semaphore(%run_scoped3A : memref<!tpu.dma_semaphore, #tpu.memory_space<semaphore_mem>>)
      %dma_wait3A = tpu.memref_slice %arg7[%add3A_251] : memref<1835008xf32, #tpu.memory_space<vmem_shared>> -> memref<4096xf32, #tpu.memory_space<vmem_shared>>
      %dma_wait3A_650 = tpu.memref_slice %arg7[%add3A_251] : memref<1835008xf32, #tpu.memory_space<vmem_shared>> -> memref<4096xf32, #tpu.memory_space<vmem_shared>>
      tpu.wait_dma2 semaphore(%run_scoped3A : memref<!tpu.dma_semaphore, #tpu.memory_space<semaphore_mem>>) src(%arg6 : memref<4096xf32, #tpu.memory_space<vmem>>) dst(%dma_wait3A_650 : memref<4096xf32, #tpu.memory_space<vmem_shared>>)
      tpu.yield
    }) : () -> ()
    %mul3A_252 = arith.constant 114688 : i32
    %mul3A_253 = arith.muli %arg1, %mul3A_252 : i32
    %add3A_254 = arith.constant 102400 : i32
    %add3A_255 = arith.addi %mul3A_253, %add3A_254 : i32
    "tpu.region"() ({
      %run_scoped3A = tpu.sem_alloc : memref<!tpu.dma_semaphore, #tpu.memory_space<semaphore_mem>>
      %dma_start3A = tpu.memref_slice %arg7[%add3A_255] : memref<1835008xf32, #tpu.memory_space<vmem_shared>> -> memref<4096xf32, #tpu.memory_space<vmem_shared>>
      %dma_start3A_649 = tpu.memref_slice %arg7[%add3A_255] : memref<1835008xf32, #tpu.memory_space<vmem_shared>> -> memref<4096xf32, #tpu.memory_space<vmem_shared>>
      tpu.enqueue_dma source(%arg6 : memref<4096xf32, #tpu.memory_space<vmem>>) target(%dma_start3A_649 : memref<4096xf32, #tpu.memory_space<vmem_shared>>) target_semaphore(%run_scoped3A : memref<!tpu.dma_semaphore, #tpu.memory_space<semaphore_mem>>)
      %dma_wait3A = tpu.memref_slice %arg7[%add3A_255] : memref<1835008xf32, #tpu.memory_space<vmem_shared>> -> memref<4096xf32, #tpu.memory_space<vmem_shared>>
      %dma_wait3A_650 = tpu.memref_slice %arg7[%add3A_255] : memref<1835008xf32, #tpu.memory_space<vmem_shared>> -> memref<4096xf32, #tpu.memory_space<vmem_shared>>
      tpu.wait_dma2 semaphore(%run_scoped3A : memref<!tpu.dma_semaphore, #tpu.memory_space<semaphore_mem>>) src(%arg6 : memref<4096xf32, #tpu.memory_space<vmem>>) dst(%dma_wait3A_650 : memref<4096xf32, #tpu.memory_space<vmem_shared>>)
      tpu.yield
    }) : () -> ()
    %mul3A_256 = arith.constant 114688 : i32
    %mul3A_257 = arith.muli %arg1, %mul3A_256 : i32
    %add3A_258 = arith.constant 106496 : i32
    %add3A_259 = arith.addi %mul3A_257, %add3A_258 : i32
    "tpu.region"() ({
      %run_scoped3A = tpu.sem_alloc : memref<!tpu.dma_semaphore, #tpu.memory_space<semaphore_mem>>
      %dma_start3A = tpu.memref_slice %arg7[%add3A_259] : memref<1835008xf32, #tpu.memory_space<vmem_shared>> -> memref<4096xf32, #tpu.memory_space<vmem_shared>>
      %dma_start3A_649 = tpu.memref_slice %arg7[%add3A_259] : memref<1835008xf32, #tpu.memory_space<vmem_shared>> -> memref<4096xf32, #tpu.memory_space<vmem_shared>>
      tpu.enqueue_dma source(%arg6 : memref<4096xf32, #tpu.memory_space<vmem>>) target(%dma_start3A_649 : memref<4096xf32, #tpu.memory_space<vmem_shared>>) target_semaphore(%run_scoped3A : memref<!tpu.dma_semaphore, #tpu.memory_space<semaphore_mem>>)
      %dma_wait3A = tpu.memref_slice %arg7[%add3A_259] : memref<1835008xf32, #tpu.memory_space<vmem_shared>> -> memref<4096xf32, #tpu.memory_space<vmem_shared>>
      %dma_wait3A_650 = tpu.memref_slice %arg7[%add3A_259] : memref<1835008xf32, #tpu.memory_space<vmem_shared>> -> memref<4096xf32, #tpu.memory_space<vmem_shared>>
      tpu.wait_dma2 semaphore(%run_scoped3A : memref<!tpu.dma_semaphore, #tpu.memory_space<semaphore_mem>>) src(%arg6 : memref<4096xf32, #tpu.memory_space<vmem>>) dst(%dma_wait3A_650 : memref<4096xf32, #tpu.memory_space<vmem_shared>>)
      tpu.yield
    }) : () -> ()
    %mul3A_260 = arith.constant 114688 : i32
    %mul3A_261 = arith.muli %arg1, %mul3A_260 : i32
    %add3A_262 = arith.constant 110592 : i32
    %add3A_263 = arith.addi %mul3A_261, %add3A_262 : i32
    "tpu.region"() ({
      %run_scoped3A = tpu.sem_alloc : memref<!tpu.dma_semaphore, #tpu.memory_space<semaphore_mem>>
      %dma_start3A = tpu.memref_slice %arg7[%add3A_263] : memref<1835008xf32, #tpu.memory_space<vmem_shared>> -> memref<4096xf32, #tpu.memory_space<vmem_shared>>
      %dma_start3A_649 = tpu.memref_slice %arg7[%add3A_263] : memref<1835008xf32, #tpu.memory_space<vmem_shared>> -> memref<4096xf32, #tpu.memory_space<vmem_shared>>
      tpu.enqueue_dma source(%arg6 : memref<4096xf32, #tpu.memory_space<vmem>>) target(%dma_start3A_649 : memref<4096xf32, #tpu.memory_space<vmem_shared>>) target_semaphore(%run_scoped3A : memref<!tpu.dma_semaphore, #tpu.memory_space<semaphore_mem>>)
      %dma_wait3A = tpu.memref_slice %arg7[%add3A_263] : memref<1835008xf32, #tpu.memory_space<vmem_shared>> -> memref<4096xf32, #tpu.memory_space<vmem_shared>>
      %dma_wait3A_650 = tpu.memref_slice %arg7[%add3A_263] : memref<1835008xf32, #tpu.memory_space<vmem_shared>> -> memref<4096xf32, #tpu.memory_space<vmem_shared>>
      tpu.wait_dma2 semaphore(%run_scoped3A : memref<!tpu.dma_semaphore, #tpu.memory_space<semaphore_mem>>) src(%arg6 : memref<4096xf32, #tpu.memory_space<vmem>>) dst(%dma_wait3A_650 : memref<4096xf32, #tpu.memory_space<vmem_shared>>)
      tpu.yield
    }) : () -> ()
    %barrier3A_264 = arith.constant 0 : index
    tpu.barrier barrier_id(%barrier3A_264)
    %scan3A_265 = arith.constant 0 : i32
    %scan3A_266 = arith.constant 0 : i32
    %scan3A_267 = arith.constant 64 : i32
    %scan3A_268 = arith.addi %scan3A_266, %scan3A_267 : i32
    %scan3A_269 = arith.constant 1 : i32
    %scan3A_270 = scf.for %scan3A_649 = %scan3A_266 to %scan3A_268 step %scan3A_269 iter_args(%scan3A_650 = %scan3A_265) -> (i32)  : i32 {
      %mul3A_651 = arith.constant 4096 : i32
      %mul3A_652 = arith.muli %scan3A_649, %mul3A_651 : i32
      %add3A_653 = arith.addi %mul3A_0, %mul3A_652 : i32
      "tpu.region"() ({
        %run_scoped3A = tpu.sem_alloc : memref<!tpu.dma_semaphore, #tpu.memory_space<semaphore_mem>>
        %dma_start3A = tpu.memref_slice %arg2[%add3A_653] : memref<4194304xi32, #tpu.memory_space<hbm>> -> memref<4096xi32, #tpu.memory_space<hbm>>
        %dma_start3A_662 = tpu.memref_slice %arg2[%add3A_653] : memref<4194304xi32, #tpu.memory_space<hbm>> -> memref<4096xi32, #tpu.memory_space<hbm>>
        tpu.enqueue_dma source(%dma_start3A_662 : memref<4096xi32, #tpu.memory_space<hbm>>) target(%arg5 : memref<4096xi32, #tpu.memory_space<vmem>>) target_semaphore(%run_scoped3A : memref<!tpu.dma_semaphore, #tpu.memory_space<semaphore_mem>>)
        %dma_wait3A = tpu.memref_slice %arg2[%add3A_653] : memref<4194304xi32, #tpu.memory_space<hbm>> -> memref<4096xi32, #tpu.memory_space<hbm>>
        %dma_wait3A_663 = tpu.memref_slice %arg2[%add3A_653] : memref<4194304xi32, #tpu.memory_space<hbm>> -> memref<4096xi32, #tpu.memory_space<hbm>>
        tpu.wait_dma2 semaphore(%run_scoped3A : memref<!tpu.dma_semaphore, #tpu.memory_space<semaphore_mem>>) src(%dma_wait3A_663 : memref<4096xi32, #tpu.memory_space<hbm>>) dst(%arg5 : memref<4096xi32, #tpu.memory_space<vmem>>)
        tpu.yield
      }) : () -> ()
      "tpu.region"() ({
        %run_scoped3A = tpu.sem_alloc : memref<!tpu.dma_semaphore, #tpu.memory_space<semaphore_mem>>
        %dma_start3A = tpu.memref_slice %arg3[%add3A_653] : memref<4194304xf32, #tpu.memory_space<hbm>> -> memref<4096xf32, #tpu.memory_space<hbm>>
        %dma_start3A_662 = tpu.memref_slice %arg3[%add3A_653] : memref<4194304xf32, #tpu.memory_space<hbm>> -> memref<4096xf32, #tpu.memory_space<hbm>>
        tpu.enqueue_dma source(%dma_start3A_662 : memref<4096xf32, #tpu.memory_space<hbm>>) target(%arg6 : memref<4096xf32, #tpu.memory_space<vmem>>) target_semaphore(%run_scoped3A : memref<!tpu.dma_semaphore, #tpu.memory_space<semaphore_mem>>)
        %dma_wait3A = tpu.memref_slice %arg3[%add3A_653] : memref<4194304xf32, #tpu.memory_space<hbm>> -> memref<4096xf32, #tpu.memory_space<hbm>>
        %dma_wait3A_663 = tpu.memref_slice %arg3[%add3A_653] : memref<4194304xf32, #tpu.memory_space<hbm>> -> memref<4096xf32, #tpu.memory_space<hbm>>
        tpu.wait_dma2 semaphore(%run_scoped3A : memref<!tpu.dma_semaphore, #tpu.memory_space<semaphore_mem>>) src(%dma_wait3A_663 : memref<4096xf32, #tpu.memory_space<hbm>>) dst(%arg6 : memref<4096xf32, #tpu.memory_space<vmem>>)
        tpu.yield
      }) : () -> ()
      %scan3A_654 = arith.constant 0 : i32
      %scan3A_655 = arith.constant 0 : i32
      %scan3A_656 = arith.constant 32 : i32
      %scan3A_657 = arith.addi %scan3A_655, %scan3A_656 : i32
      %scan3A_658 = arith.constant 1 : i32
      %scan3A_659 = scf.for %scan3A_662 = %scan3A_655 to %scan3A_657 step %scan3A_658 iter_args(%scan3A_663 = %scan3A_654) -> (i32)  : i32 {
        %mul3A_664 = arith.constant 128 : i32
        %mul3A_665 = arith.muli %scan3A_662, %mul3A_664 : i32
        %add3A_666 = arith.constant 0 : i32
        %add3A_667 = arith.addi %mul3A_665, %add3A_666 : i32
        %get3A = arith.index_cast %add3A_667 : i32 to index
        %get3A_668 = tpu.vector_load %arg5[%get3A] {strides = array<i32>} : memref<4096xi32, #tpu.memory_space<vmem>>, vector<16xi32>,
        %sub3A = vector.broadcast %mul3A_144 : i32 to vector<16xi32>
        %sub3A_669 = arith.subi %get3A_668, %sub3A : vector<16xi32>
        %ge3A = arith.constant 0 : i32
        %ge3A_670 = vector.broadcast %ge3A : i32 to vector<16xi32>
        %ge3A_671 = arith.cmpi sge, %sub3A_669, %ge3A_670 : vector<16xi32>
        %lt3A = arith.constant 1835008 : i32
        %lt3A_672 = vector.broadcast %lt3A : i32 to vector<16xi32>
        %lt3A_673 = arith.cmpi slt, %sub3A_669, %lt3A_672 : vector<16xi32>
        %and3A = arith.andi %ge3A_671, %lt3A_673 : vector<16xi1>
        %add3A_674 = vector.broadcast %add3A_667 : i32 to vector<16xi32>
        %add3A_675 = arith.addi %iota3A, %add3A_674 : vector<16xi32>
        %select_n3A = arith.select %and3A, %sub3A_669, %add3A_675 : vector<16xi1>, vector<16xi32>
        %swap3A = arith.index_cast %add3A_667 : i32 to index
        %swap3A_676 = tpu.vector_load %arg5[%swap3A] {strides = array<i32>} : memref<4096xi32, #tpu.memory_space<vmem>>, vector<16xi32>,
        tpu.vector_store %arg5[%swap3A], %select_n3A {strides = array<i32>} : memref<4096xi32, #tpu.memory_space<vmem>>, vector<16xi32>,
        %get3A_677 = arith.index_cast %add3A_667 : i32 to index
        %get3A_678 = tpu.vector_load %arg6[%get3A_677] {strides = array<i32>} : memref<4096xf32, #tpu.memory_space<vmem>>, vector<16xf32>,
        %jit3A = arith.constant 0.000000e+00 : f32
        %broadcast_in_dim3A_679 = vector.broadcast %jit3A : f32 to vector<16xf32>
        %select_n3A_680 = arith.select %and3A, %get3A_678, %broadcast_in_dim3A_679 : vector<16xi1>, vector<16xf32>
        %swap3A_681 = arith.index_cast %add3A_667 : i32 to index
        %swap3A_682 = tpu.vector_load %arg6[%swap3A_681] {strides = array<i32>} : memref<4096xf32, #tpu.memory_space<vmem>>, vector<16xf32>,
        tpu.vector_store %arg6[%swap3A_681], %select_n3A_680 {strides = array<i32>} : memref<4096xf32, #tpu.memory_space<vmem>>, vector<16xf32>,
        %mul3A_683 = arith.constant 128 : i32
        %mul3A_684 = arith.muli %scan3A_662, %mul3A_683 : i32
        %add3A_685 = arith.constant 16 : i32
        %add3A_686 = arith.addi %mul3A_684, %add3A_685 : i32
        %get3A_687 = arith.index_cast %add3A_686 : i32 to index
        %get3A_688 = tpu.vector_load %arg5[%get3A_687] {strides = array<i32>} : memref<4096xi32, #tpu.memory_space<vmem>>, vector<16xi32>,
        %sub3A_689 = vector.broadcast %mul3A_144 : i32 to vector<16xi32>
        %sub3A_690 = arith.subi %get3A_688, %sub3A_689 : vector<16xi32>
        %ge3A_691 = arith.constant 0 : i32
        %ge3A_692 = vector.broadcast %ge3A_691 : i32 to vector<16xi32>
        %ge3A_693 = arith.cmpi sge, %sub3A_690, %ge3A_692 : vector<16xi32>
        %lt3A_694 = arith.constant 1835008 : i32
        %lt3A_695 = vector.broadcast %lt3A_694 : i32 to vector<16xi32>
        %lt3A_696 = arith.cmpi slt, %sub3A_690, %lt3A_695 : vector<16xi32>
        %and3A_697 = arith.andi %ge3A_693, %lt3A_696 : vector<16xi1>
        %add3A_698 = vector.broadcast %add3A_686 : i32 to vector<16xi32>
        %add3A_699 = arith.addi %iota3A, %add3A_698 : vector<16xi32>
        %select_n3A_700 = arith.select %and3A_697, %sub3A_690, %add3A_699 : vector<16xi1>, vector<16xi32>
        %swap3A_701 = arith.index_cast %add3A_686 : i32 to index
        %swap3A_702 = tpu.vector_load %arg5[%swap3A_701] {strides = array<i32>} : memref<4096xi32, #tpu.memory_space<vmem>>, vector<16xi32>,
        tpu.vector_store %arg5[%swap3A_701], %select_n3A_700 {strides = array<i32>} : memref<4096xi32, #tpu.memory_space<vmem>>, vector<16xi32>,
        %get3A_703 = arith.index_cast %add3A_686 : i32 to index
        %get3A_704 = tpu.vector_load %arg6[%get3A_703] {strides = array<i32>} : memref<4096xf32, #tpu.memory_space<vmem>>, vector<16xf32>,
        %jit3A_705 = arith.constant 0.000000e+00 : f32
        %broadcast_in_dim3A_706 = vector.broadcast %jit3A_705 : f32 to vector<16xf32>
        %select_n3A_707 = arith.select %and3A_697, %get3A_704, %broadcast_in_dim3A_706 : vector<16xi1>, vector<16xf32>
        %swap3A_708 = arith.index_cast %add3A_686 : i32 to index
        %swap3A_709 = tpu.vector_load %arg6[%swap3A_708] {strides = array<i32>} : memref<4096xf32, #tpu.memory_space<vmem>>, vector<16xf32>,
        tpu.vector_store %arg6[%swap3A_708], %select_n3A_707 {strides = array<i32>} : memref<4096xf32, #tpu.memory_space<vmem>>, vector<16xf32>,
        %mul3A_710 = arith.constant 128 : i32
        %mul3A_711 = arith.muli %scan3A_662, %mul3A_710 : i32
        %add3A_712 = arith.constant 32 : i32
        %add3A_713 = arith.addi %mul3A_711, %add3A_712 : i32
        %get3A_714 = arith.index_cast %add3A_713 : i32 to index
        %get3A_715 = tpu.vector_load %arg5[%get3A_714] {strides = array<i32>} : memref<4096xi32, #tpu.memory_space<vmem>>, vector<16xi32>,
        %sub3A_716 = vector.broadcast %mul3A_144 : i32 to vector<16xi32>
        %sub3A_717 = arith.subi %get3A_715, %sub3A_716 : vector<16xi32>
        %ge3A_718 = arith.constant 0 : i32
        %ge3A_719 = vector.broadcast %ge3A_718 : i32 to vector<16xi32>
        %ge3A_720 = arith.cmpi sge, %sub3A_717, %ge3A_719 : vector<16xi32>
        %lt3A_721 = arith.constant 1835008 : i32
        %lt3A_722 = vector.broadcast %lt3A_721 : i32 to vector<16xi32>
        %lt3A_723 = arith.cmpi slt, %sub3A_717, %lt3A_722 : vector<16xi32>
        %and3A_724 = arith.andi %ge3A_720, %lt3A_723 : vector<16xi1>
        %add3A_725 = vector.broadcast %add3A_713 : i32 to vector<16xi32>
        %add3A_726 = arith.addi %iota3A, %add3A_725 : vector<16xi32>
        %select_n3A_727 = arith.select %and3A_724, %sub3A_717, %add3A_726 : vector<16xi1>, vector<16xi32>
        %swap3A_728 = arith.index_cast %add3A_713 : i32 to index
        %swap3A_729 = tpu.vector_load %arg5[%swap3A_728] {strides = array<i32>} : memref<4096xi32, #tpu.memory_space<vmem>>, vector<16xi32>,
        tpu.vector_store %arg5[%swap3A_728], %select_n3A_727 {strides = array<i32>} : memref<4096xi32, #tpu.memory_space<vmem>>, vector<16xi32>,
        %get3A_730 = arith.index_cast %add3A_713 : i32 to index
        %get3A_731 = tpu.vector_load %arg6[%get3A_730] {strides = array<i32>} : memref<4096xf32, #tpu.memory_space<vmem>>, vector<16xf32>,
        %jit3A_732 = arith.constant 0.000000e+00 : f32
        %broadcast_in_dim3A_733 = vector.broadcast %jit3A_732 : f32 to vector<16xf32>
        %select_n3A_734 = arith.select %and3A_724, %get3A_731, %broadcast_in_dim3A_733 : vector<16xi1>, vector<16xf32>
        %swap3A_735 = arith.index_cast %add3A_713 : i32 to index
        %swap3A_736 = tpu.vector_load %arg6[%swap3A_735] {strides = array<i32>} : memref<4096xf32, #tpu.memory_space<vmem>>, vector<16xf32>,
        tpu.vector_store %arg6[%swap3A_735], %select_n3A_734 {strides = array<i32>} : memref<4096xf32, #tpu.memory_space<vmem>>, vector<16xf32>,
        %mul3A_737 = arith.constant 128 : i32
        %mul3A_738 = arith.muli %scan3A_662, %mul3A_737 : i32
        %add3A_739 = arith.constant 48 : i32
        %add3A_740 = arith.addi %mul3A_738, %add3A_739 : i32
        %get3A_741 = arith.index_cast %add3A_740 : i32 to index
        %get3A_742 = tpu.vector_load %arg5[%get3A_741] {strides = array<i32>} : memref<4096xi32, #tpu.memory_space<vmem>>, vector<16xi32>,
        %sub3A_743 = vector.broadcast %mul3A_144 : i32 to vector<16xi32>
        %sub3A_744 = arith.subi %get3A_742, %sub3A_743 : vector<16xi32>
        %ge3A_745 = arith.constant 0 : i32
        %ge3A_746 = vector.broadcast %ge3A_745 : i32 to vector<16xi32>
        %ge3A_747 = arith.cmpi sge, %sub3A_744, %ge3A_746 : vector<16xi32>
        %lt3A_748 = arith.constant 1835008 : i32
        %lt3A_749 = vector.broadcast %lt3A_748 : i32 to vector<16xi32>
        %lt3A_750 = arith.cmpi slt, %sub3A_744, %lt3A_749 : vector<16xi32>
        %and3A_751 = arith.andi %ge3A_747, %lt3A_750 : vector<16xi1>
        %add3A_752 = vector.broadcast %add3A_740 : i32 to vector<16xi32>
        %add3A_753 = arith.addi %iota3A, %add3A_752 : vector<16xi32>
        %select_n3A_754 = arith.select %and3A_751, %sub3A_744, %add3A_753 : vector<16xi1>, vector<16xi32>
        %swap3A_755 = arith.index_cast %add3A_740 : i32 to index
        %swap3A_756 = tpu.vector_load %arg5[%swap3A_755] {strides = array<i32>} : memref<4096xi32, #tpu.memory_space<vmem>>, vector<16xi32>,
        tpu.vector_store %arg5[%swap3A_755], %select_n3A_754 {strides = array<i32>} : memref<4096xi32, #tpu.memory_space<vmem>>, vector<16xi32>,
        %get3A_757 = arith.index_cast %add3A_740 : i32 to index
        %get3A_758 = tpu.vector_load %arg6[%get3A_757] {strides = array<i32>} : memref<4096xf32, #tpu.memory_space<vmem>>, vector<16xf32>,
        %jit3A_759 = arith.constant 0.000000e+00 : f32
        %broadcast_in_dim3A_760 = vector.broadcast %jit3A_759 : f32 to vector<16xf32>
        %select_n3A_761 = arith.select %and3A_751, %get3A_758, %broadcast_in_dim3A_760 : vector<16xi1>, vector<16xf32>
        %swap3A_762 = arith.index_cast %add3A_740 : i32 to index
        %swap3A_763 = tpu.vector_load %arg6[%swap3A_762] {strides = array<i32>} : memref<4096xf32, #tpu.memory_space<vmem>>, vector<16xf32>,
        tpu.vector_store %arg6[%swap3A_762], %select_n3A_761 {strides = array<i32>} : memref<4096xf32, #tpu.memory_space<vmem>>, vector<16xf32>,
        %mul3A_764 = arith.constant 128 : i32
        %mul3A_765 = arith.muli %scan3A_662, %mul3A_764 : i32
        %add3A_766 = arith.constant 64 : i32
        %add3A_767 = arith.addi %mul3A_765, %add3A_766 : i32
        %get3A_768 = arith.index_cast %add3A_767 : i32 to index
        %get3A_769 = tpu.vector_load %arg5[%get3A_768] {strides = array<i32>} : memref<4096xi32, #tpu.memory_space<vmem>>, vector<16xi32>,
        %sub3A_770 = vector.broadcast %mul3A_144 : i32 to vector<16xi32>
        %sub3A_771 = arith.subi %get3A_769, %sub3A_770 : vector<16xi32>
        %ge3A_772 = arith.constant 0 : i32
        %ge3A_773 = vector.broadcast %ge3A_772 : i32 to vector<16xi32>
        %ge3A_774 = arith.cmpi sge, %sub3A_771, %ge3A_773 : vector<16xi32>
        %lt3A_775 = arith.constant 1835008 : i32
        %lt3A_776 = vector.broadcast %lt3A_775 : i32 to vector<16xi32>
        %lt3A_777 = arith.cmpi slt, %sub3A_771, %lt3A_776 : vector<16xi32>
        %and3A_778 = arith.andi %ge3A_774, %lt3A_777 : vector<16xi1>
        %add3A_779 = vector.broadcast %add3A_767 : i32 to vector<16xi32>
        %add3A_780 = arith.addi %iota3A, %add3A_779 : vector<16xi32>
        %select_n3A_781 = arith.select %and3A_778, %sub3A_771, %add3A_780 : vector<16xi1>, vector<16xi32>
        %swap3A_782 = arith.index_cast %add3A_767 : i32 to index
        %swap3A_783 = tpu.vector_load %arg5[%swap3A_782] {strides = array<i32>} : memref<4096xi32, #tpu.memory_space<vmem>>, vector<16xi32>,
        tpu.vector_store %arg5[%swap3A_782], %select_n3A_781 {strides = array<i32>} : memref<4096xi32, #tpu.memory_space<vmem>>, vector<16xi32>,
        %get3A_784 = arith.index_cast %add3A_767 : i32 to index
        %get3A_785 = tpu.vector_load %arg6[%get3A_784] {strides = array<i32>} : memref<4096xf32, #tpu.memory_space<vmem>>, vector<16xf32>,
        %jit3A_786 = arith.constant 0.000000e+00 : f32
        %broadcast_in_dim3A_787 = vector.broadcast %jit3A_786 : f32 to vector<16xf32>
        %select_n3A_788 = arith.select %and3A_778, %get3A_785, %broadcast_in_dim3A_787 : vector<16xi1>, vector<16xf32>
        %swap3A_789 = arith.index_cast %add3A_767 : i32 to index
        %swap3A_790 = tpu.vector_load %arg6[%swap3A_789] {strides = array<i32>} : memref<4096xf32, #tpu.memory_space<vmem>>, vector<16xf32>,
        tpu.vector_store %arg6[%swap3A_789], %select_n3A_788 {strides = array<i32>} : memref<4096xf32, #tpu.memory_space<vmem>>, vector<16xf32>,
        %mul3A_791 = arith.constant 128 : i32
        %mul3A_792 = arith.muli %scan3A_662, %mul3A_791 : i32
        %add3A_793 = arith.constant 80 : i32
        %add3A_794 = arith.addi %mul3A_792, %add3A_793 : i32
        %get3A_795 = arith.index_cast %add3A_794 : i32 to index
        %get3A_796 = tpu.vector_load %arg5[%get3A_795] {strides = array<i32>} : memref<4096xi32, #tpu.memory_space<vmem>>, vector<16xi32>,
        %sub3A_797 = vector.broadcast %mul3A_144 : i32 to vector<16xi32>
        %sub3A_798 = arith.subi %get3A_796, %sub3A_797 : vector<16xi32>
        %ge3A_799 = arith.constant 0 : i32
        %ge3A_800 = vector.broadcast %ge3A_799 : i32 to vector<16xi32>
        %ge3A_801 = arith.cmpi sge, %sub3A_798, %ge3A_800 : vector<16xi32>
        %lt3A_802 = arith.constant 1835008 : i32
        %lt3A_803 = vector.broadcast %lt3A_802 : i32 to vector<16xi32>
        %lt3A_804 = arith.cmpi slt, %sub3A_798, %lt3A_803 : vector<16xi32>
        %and3A_805 = arith.andi %ge3A_801, %lt3A_804 : vector<16xi1>
        %add3A_806 = vector.broadcast %add3A_794 : i32 to vector<16xi32>
        %add3A_807 = arith.addi %iota3A, %add3A_806 : vector<16xi32>
        %select_n3A_808 = arith.select %and3A_805, %sub3A_798, %add3A_807 : vector<16xi1>, vector<16xi32>
        %swap3A_809 = arith.index_cast %add3A_794 : i32 to index
        %swap3A_810 = tpu.vector_load %arg5[%swap3A_809] {strides = array<i32>} : memref<4096xi32, #tpu.memory_space<vmem>>, vector<16xi32>,
        tpu.vector_store %arg5[%swap3A_809], %select_n3A_808 {strides = array<i32>} : memref<4096xi32, #tpu.memory_space<vmem>>, vector<16xi32>,
        %get3A_811 = arith.index_cast %add3A_794 : i32 to index
        %get3A_812 = tpu.vector_load %arg6[%get3A_811] {strides = array<i32>} : memref<4096xf32, #tpu.memory_space<vmem>>, vector<16xf32>,
        %jit3A_813 = arith.constant 0.000000e+00 : f32
        %broadcast_in_dim3A_814 = vector.broadcast %jit3A_813 : f32 to vector<16xf32>
        %select_n3A_815 = arith.select %and3A_805, %get3A_812, %broadcast_in_dim3A_814 : vector<16xi1>, vector<16xf32>
        %swap3A_816 = arith.index_cast %add3A_794 : i32 to index
        %swap3A_817 = tpu.vector_load %arg6[%swap3A_816] {strides = array<i32>} : memref<4096xf32, #tpu.memory_space<vmem>>, vector<16xf32>,
        tpu.vector_store %arg6[%swap3A_816], %select_n3A_815 {strides = array<i32>} : memref<4096xf32, #tpu.memory_space<vmem>>, vector<16xf32>,
        %mul3A_818 = arith.constant 128 : i32
        %mul3A_819 = arith.muli %scan3A_662, %mul3A_818 : i32
        %add3A_820 = arith.constant 96 : i32
        %add3A_821 = arith.addi %mul3A_819, %add3A_820 : i32
        %get3A_822 = arith.index_cast %add3A_821 : i32 to index
        %get3A_823 = tpu.vector_load %arg5[%get3A_822] {strides = array<i32>} : memref<4096xi32, #tpu.memory_space<vmem>>, vector<16xi32>,
        %sub3A_824 = vector.broadcast %mul3A_144 : i32 to vector<16xi32>
        %sub3A_825 = arith.subi %get3A_823, %sub3A_824 : vector<16xi32>
        %ge3A_826 = arith.constant 0 : i32
        %ge3A_827 = vector.broadcast %ge3A_826 : i32 to vector<16xi32>
        %ge3A_828 = arith.cmpi sge, %sub3A_825, %ge3A_827 : vector<16xi32>
        %lt3A_829 = arith.constant 1835008 : i32
        %lt3A_830 = vector.broadcast %lt3A_829 : i32 to vector<16xi32>
        %lt3A_831 = arith.cmpi slt, %sub3A_825, %lt3A_830 : vector<16xi32>
        %and3A_832 = arith.andi %ge3A_828, %lt3A_831 : vector<16xi1>
        %add3A_833 = vector.broadcast %add3A_821 : i32 to vector<16xi32>
        %add3A_834 = arith.addi %iota3A, %add3A_833 : vector<16xi32>
        %select_n3A_835 = arith.select %and3A_832, %sub3A_825, %add3A_834 : vector<16xi1>, vector<16xi32>
        %swap3A_836 = arith.index_cast %add3A_821 : i32 to index
        %swap3A_837 = tpu.vector_load %arg5[%swap3A_836] {strides = array<i32>} : memref<4096xi32, #tpu.memory_space<vmem>>, vector<16xi32>,
        tpu.vector_store %arg5[%swap3A_836], %select_n3A_835 {strides = array<i32>} : memref<4096xi32, #tpu.memory_space<vmem>>, vector<16xi32>,
        %get3A_838 = arith.index_cast %add3A_821 : i32 to index
        %get3A_839 = tpu.vector_load %arg6[%get3A_838] {strides = array<i32>} : memref<4096xf32, #tpu.memory_space<vmem>>, vector<16xf32>,
        %jit3A_840 = arith.constant 0.000000e+00 : f32
        %broadcast_in_dim3A_841 = vector.broadcast %jit3A_840 : f32 to vector<16xf32>
        %select_n3A_842 = arith.select %and3A_832, %get3A_839, %broadcast_in_dim3A_841 : vector<16xi1>, vector<16xf32>
        %swap3A_843 = arith.index_cast %add3A_821 : i32 to index
        %swap3A_844 = tpu.vector_load %arg6[%swap3A_843] {strides = array<i32>} : memref<4096xf32, #tpu.memory_space<vmem>>, vector<16xf32>,
        tpu.vector_store %arg6[%swap3A_843], %select_n3A_842 {strides = array<i32>} : memref<4096xf32, #tpu.memory_space<vmem>>, vector<16xf32>,
        %mul3A_845 = arith.constant 128 : i32
        %mul3A_846 = arith.muli %scan3A_662, %mul3A_845 : i32
        %add3A_847 = arith.constant 112 : i32
        %add3A_848 = arith.addi %mul3A_846, %add3A_847 : i32
        %get3A_849 = arith.index_cast %add3A_848 : i32 to index
        %get3A_850 = tpu.vector_load %arg5[%get3A_849] {strides = array<i32>} : memref<4096xi32, #tpu.memory_space<vmem>>, vector<16xi32>,
        %sub3A_851 = vector.broadcast %mul3A_144 : i32 to vector<16xi32>
        %sub3A_852 = arith.subi %get3A_850, %sub3A_851 : vector<16xi32>
        %ge3A_853 = arith.constant 0 : i32
        %ge3A_854 = vector.broadcast %ge3A_853 : i32 to vector<16xi32>
        %ge3A_855 = arith.cmpi sge, %sub3A_852, %ge3A_854 : vector<16xi32>
        %lt3A_856 = arith.constant 1835008 : i32
        %lt3A_857 = vector.broadcast %lt3A_856 : i32 to vector<16xi32>
        %lt3A_858 = arith.cmpi slt, %sub3A_852, %lt3A_857 : vector<16xi32>
        %and3A_859 = arith.andi %ge3A_855, %lt3A_858 : vector<16xi1>
        %add3A_860 = vector.broadcast %add3A_848 : i32 to vector<16xi32>
        %add3A_861 = arith.addi %iota3A, %add3A_860 : vector<16xi32>
        %select_n3A_862 = arith.select %and3A_859, %sub3A_852, %add3A_861 : vector<16xi1>, vector<16xi32>
        %swap3A_863 = arith.index_cast %add3A_848 : i32 to index
        %swap3A_864 = tpu.vector_load %arg5[%swap3A_863] {strides = array<i32>} : memref<4096xi32, #tpu.memory_space<vmem>>, vector<16xi32>,
        tpu.vector_store %arg5[%swap3A_863], %select_n3A_862 {strides = array<i32>} : memref<4096xi32, #tpu.memory_space<vmem>>, vector<16xi32>,
        %get3A_865 = arith.index_cast %add3A_848 : i32 to index
        %get3A_866 = tpu.vector_load %arg6[%get3A_865] {strides = array<i32>} : memref<4096xf32, #tpu.memory_space<vmem>>, vector<16xf32>,
        %jit3A_867 = arith.constant 0.000000e+00 : f32
        %broadcast_in_dim3A_868 = vector.broadcast %jit3A_867 : f32 to vector<16xf32>
        %select_n3A_869 = arith.select %and3A_859, %get3A_866, %broadcast_in_dim3A_868 : vector<16xi1>, vector<16xf32>
        %swap3A_870 = arith.index_cast %add3A_848 : i32 to index
        %swap3A_871 = tpu.vector_load %arg6[%swap3A_870] {strides = array<i32>} : memref<4096xf32, #tpu.memory_space<vmem>>, vector<16xf32>,
        tpu.vector_store %arg6[%swap3A_870], %select_n3A_869 {strides = array<i32>} : memref<4096xf32, #tpu.memory_space<vmem>>, vector<16xf32>,
        %scan3A_872 = arith.constant 0 : i32
        scf.yield %scan3A_872 : i32
      }
      %scan3A_660 = arith.constant 32 : i32
      "tpu.region"() ({
        %run_scoped3A = tpu.sem_alloc : memref<!tpu.dma_semaphore, #tpu.memory_space<semaphore_mem>>
        %dma_start3A = arith.constant 0 : i32
        %dma_start3A_662 = tpu.memref_slice %arg7[%dma_start3A] : memref<1835008xf32, #tpu.memory_space<vmem_shared>> -> memref<1835008xf32, #tpu.memory_space<vmem_shared>>
        tpu.enqueue_indirect_dma source(%arg6 : memref<4096xf32, #tpu.memory_space<vmem>>) target(%dma_start3A_662 : memref<1835008xf32, #tpu.memory_space<vmem_shared>>) offsets(%arg5 : memref<4096xi32, #tpu.memory_space<vmem>>) semaphore(%run_scoped3A : memref<!tpu.dma_semaphore, #tpu.memory_space<semaphore_mem>>) {add = true}
        %dma_wait3A = arith.constant 0 : i32
        %dma_wait3A_663 = tpu.memref_slice %arg7[%dma_wait3A] : memref<1835008xf32, #tpu.memory_space<vmem_shared>> -> memref<1835008xf32, #tpu.memory_space<vmem_shared>>
        tpu.wait_indirect_dma semaphore(%run_scoped3A : memref<!tpu.dma_semaphore, #tpu.memory_space<semaphore_mem>>) src(%arg6 : memref<4096xf32, #tpu.memory_space<vmem>>) dst(%dma_wait3A_663 : memref<1835008xf32, #tpu.memory_space<vmem_shared>>)
        tpu.yield
      }) : () -> ()
      %scan3A_661 = arith.constant 0 : i32
      scf.yield %scan3A_661 : i32
    }
    %scan3A_271 = arith.constant 64 : i32
    %barrier3A_272 = arith.constant 0 : index
    tpu.barrier barrier_id(%barrier3A_272)
    %mul3A_273 = arith.constant 114688 : i32
    %mul3A_274 = arith.muli %arg1, %mul3A_273 : i32
    %mul3A_275 = arith.constant 114688 : i32
    %mul3A_276 = arith.muli %arg1, %mul3A_275 : i32
    %add3A_277 = arith.addi %mul3A_144, %mul3A_276 : i32
    "tpu.region"() ({
      %run_scoped3A = tpu.sem_alloc : memref<!tpu.dma_semaphore, #tpu.memory_space<semaphore_mem>>
      %dma_start3A = tpu.memref_slice %arg4[%add3A_277] : memref<16777216xf32, #tpu.memory_space<hbm>> -> memref<114688xf32, #tpu.memory_space<hbm>>
      %dma_start3A_649 = tpu.memref_slice %arg7[%mul3A_274] : memref<1835008xf32, #tpu.memory_space<vmem_shared>> -> memref<114688xf32, #tpu.memory_space<vmem_shared>>
      tpu.enqueue_dma source(%dma_start3A_649 : memref<114688xf32, #tpu.memory_space<vmem_shared>>) target(%dma_start3A : memref<114688xf32, #tpu.memory_space<hbm>>) target_semaphore(%run_scoped3A : memref<!tpu.dma_semaphore, #tpu.memory_space<semaphore_mem>>)
      %dma_wait3A = tpu.memref_slice %arg4[%add3A_277] : memref<16777216xf32, #tpu.memory_space<hbm>> -> memref<114688xf32, #tpu.memory_space<hbm>>
      %dma_wait3A_650 = tpu.memref_slice %arg7[%mul3A_274] : memref<1835008xf32, #tpu.memory_space<vmem_shared>> -> memref<114688xf32, #tpu.memory_space<vmem_shared>>
      tpu.wait_dma2 semaphore(%run_scoped3A : memref<!tpu.dma_semaphore, #tpu.memory_space<semaphore_mem>>) src(%dma_wait3A_650 : memref<114688xf32, #tpu.memory_space<vmem_shared>>) dst(%dma_wait3A : memref<114688xf32, #tpu.memory_space<hbm>>)
      tpu.yield
    }) : () -> ()
    %barrier3A_278 = arith.constant 0 : index
    tpu.barrier barrier_id(%barrier3A_278)
    %mul3A_279 = arith.constant 4 : i32
    %mul3A_280 = arith.muli %arg0, %mul3A_279 : i32
    %add3A_281 = arith.constant 2 : i32
    %add3A_282 = arith.addi %mul3A_280, %add3A_281 : i32
    %mul3A_283 = arith.constant 1835008 : i32
    %mul3A_284 = arith.muli %add3A_282, %mul3A_283 : i32
    %scan3A_285 = arith.constant 0 : i32
    %scan3A_286 = arith.constant 0 : i32
    %scan3A_287 = arith.constant 256 : i32
    %scan3A_288 = arith.addi %scan3A_286, %scan3A_287 : i32
    %scan3A_289 = arith.constant 1 : i32
    %scan3A_290 = scf.for %scan3A_649 = %scan3A_286 to %scan3A_288 step %scan3A_289 iter_args(%scan3A_650 = %scan3A_285) -> (i32)  : i32 {
      %mul3A_651 = arith.constant 16 : i32
      %mul3A_652 = arith.muli %scan3A_649, %mul3A_651 : i32
      %swap3A = arith.index_cast %mul3A_652 : i32 to index
      %swap3A_653 = tpu.vector_load %arg6[%swap3A] {strides = array<i32>} : memref<4096xf32, #tpu.memory_space<vmem>>, vector<16xf32>,
      tpu.vector_store %arg6[%swap3A], %broadcast_in_dim3A_1 {strides = array<i32>} : memref<4096xf32, #tpu.memory_space<vmem>>, vector<16xf32>,
      %scan3A_654 = arith.constant 0 : i32
      scf.yield %scan3A_654 : i32
    }
    %scan3A_291 = arith.constant 256 : i32
    %mul3A_292 = arith.constant 114688 : i32
    %mul3A_293 = arith.muli %arg1, %mul3A_292 : i32
    %add3A_294 = arith.constant 0 : i32
    %add3A_295 = arith.addi %mul3A_293, %add3A_294 : i32
    "tpu.region"() ({
      %run_scoped3A = tpu.sem_alloc : memref<!tpu.dma_semaphore, #tpu.memory_space<semaphore_mem>>
      %dma_start3A = tpu.memref_slice %arg7[%add3A_295] : memref<1835008xf32, #tpu.memory_space<vmem_shared>> -> memref<4096xf32, #tpu.memory_space<vmem_shared>>
      %dma_start3A_649 = tpu.memref_slice %arg7[%add3A_295] : memref<1835008xf32, #tpu.memory_space<vmem_shared>> -> memref<4096xf32, #tpu.memory_space<vmem_shared>>
      tpu.enqueue_dma source(%arg6 : memref<4096xf32, #tpu.memory_space<vmem>>) target(%dma_start3A_649 : memref<4096xf32, #tpu.memory_space<vmem_shared>>) target_semaphore(%run_scoped3A : memref<!tpu.dma_semaphore, #tpu.memory_space<semaphore_mem>>)
      %dma_wait3A = tpu.memref_slice %arg7[%add3A_295] : memref<1835008xf32, #tpu.memory_space<vmem_shared>> -> memref<4096xf32, #tpu.memory_space<vmem_shared>>
      %dma_wait3A_650 = tpu.memref_slice %arg7[%add3A_295] : memref<1835008xf32, #tpu.memory_space<vmem_shared>> -> memref<4096xf32, #tpu.memory_space<vmem_shared>>
      tpu.wait_dma2 semaphore(%run_scoped3A : memref<!tpu.dma_semaphore, #tpu.memory_space<semaphore_mem>>) src(%arg6 : memref<4096xf32, #tpu.memory_space<vmem>>) dst(%dma_wait3A_650 : memref<4096xf32, #tpu.memory_space<vmem_shared>>)
      tpu.yield
    }) : () -> ()
    %mul3A_296 = arith.constant 114688 : i32
    %mul3A_297 = arith.muli %arg1, %mul3A_296 : i32
    %add3A_298 = arith.constant 4096 : i32
    %add3A_299 = arith.addi %mul3A_297, %add3A_298 : i32
    "tpu.region"() ({
      %run_scoped3A = tpu.sem_alloc : memref<!tpu.dma_semaphore, #tpu.memory_space<semaphore_mem>>
      %dma_start3A = tpu.memref_slice %arg7[%add3A_299] : memref<1835008xf32, #tpu.memory_space<vmem_shared>> -> memref<4096xf32, #tpu.memory_space<vmem_shared>>
      %dma_start3A_649 = tpu.memref_slice %arg7[%add3A_299] : memref<1835008xf32, #tpu.memory_space<vmem_shared>> -> memref<4096xf32, #tpu.memory_space<vmem_shared>>
      tpu.enqueue_dma source(%arg6 : memref<4096xf32, #tpu.memory_space<vmem>>) target(%dma_start3A_649 : memref<4096xf32, #tpu.memory_space<vmem_shared>>) target_semaphore(%run_scoped3A : memref<!tpu.dma_semaphore, #tpu.memory_space<semaphore_mem>>)
      %dma_wait3A = tpu.memref_slice %arg7[%add3A_299] : memref<1835008xf32, #tpu.memory_space<vmem_shared>> -> memref<4096xf32, #tpu.memory_space<vmem_shared>>
      %dma_wait3A_650 = tpu.memref_slice %arg7[%add3A_299] : memref<1835008xf32, #tpu.memory_space<vmem_shared>> -> memref<4096xf32, #tpu.memory_space<vmem_shared>>
      tpu.wait_dma2 semaphore(%run_scoped3A : memref<!tpu.dma_semaphore, #tpu.memory_space<semaphore_mem>>) src(%arg6 : memref<4096xf32, #tpu.memory_space<vmem>>) dst(%dma_wait3A_650 : memref<4096xf32, #tpu.memory_space<vmem_shared>>)
      tpu.yield
    }) : () -> ()
    %mul3A_300 = arith.constant 114688 : i32
    %mul3A_301 = arith.muli %arg1, %mul3A_300 : i32
    %add3A_302 = arith.constant 8192 : i32
    %add3A_303 = arith.addi %mul3A_301, %add3A_302 : i32
    "tpu.region"() ({
      %run_scoped3A = tpu.sem_alloc : memref<!tpu.dma_semaphore, #tpu.memory_space<semaphore_mem>>
      %dma_start3A = tpu.memref_slice %arg7[%add3A_303] : memref<1835008xf32, #tpu.memory_space<vmem_shared>> -> memref<4096xf32, #tpu.memory_space<vmem_shared>>
      %dma_start3A_649 = tpu.memref_slice %arg7[%add3A_303] : memref<1835008xf32, #tpu.memory_space<vmem_shared>> -> memref<4096xf32, #tpu.memory_space<vmem_shared>>
      tpu.enqueue_dma source(%arg6 : memref<4096xf32, #tpu.memory_space<vmem>>) target(%dma_start3A_649 : memref<4096xf32, #tpu.memory_space<vmem_shared>>) target_semaphore(%run_scoped3A : memref<!tpu.dma_semaphore, #tpu.memory_space<semaphore_mem>>)
      %dma_wait3A = tpu.memref_slice %arg7[%add3A_303] : memref<1835008xf32, #tpu.memory_space<vmem_shared>> -> memref<4096xf32, #tpu.memory_space<vmem_shared>>
      %dma_wait3A_650 = tpu.memref_slice %arg7[%add3A_303] : memref<1835008xf32, #tpu.memory_space<vmem_shared>> -> memref<4096xf32, #tpu.memory_space<vmem_shared>>
      tpu.wait_dma2 semaphore(%run_scoped3A : memref<!tpu.dma_semaphore, #tpu.memory_space<semaphore_mem>>) src(%arg6 : memref<4096xf32, #tpu.memory_space<vmem>>) dst(%dma_wait3A_650 : memref<4096xf32, #tpu.memory_space<vmem_shared>>)
      tpu.yield
    }) : () -> ()
    %mul3A_304 = arith.constant 114688 : i32
    %mul3A_305 = arith.muli %arg1, %mul3A_304 : i32
    %add3A_306 = arith.constant 12288 : i32
    %add3A_307 = arith.addi %mul3A_305, %add3A_306 : i32
    "tpu.region"() ({
      %run_scoped3A = tpu.sem_alloc : memref<!tpu.dma_semaphore, #tpu.memory_space<semaphore_mem>>
      %dma_start3A = tpu.memref_slice %arg7[%add3A_307] : memref<1835008xf32, #tpu.memory_space<vmem_shared>> -> memref<4096xf32, #tpu.memory_space<vmem_shared>>
      %dma_start3A_649 = tpu.memref_slice %arg7[%add3A_307] : memref<1835008xf32, #tpu.memory_space<vmem_shared>> -> memref<4096xf32, #tpu.memory_space<vmem_shared>>
      tpu.enqueue_dma source(%arg6 : memref<4096xf32, #tpu.memory_space<vmem>>) target(%dma_start3A_649 : memref<4096xf32, #tpu.memory_space<vmem_shared>>) target_semaphore(%run_scoped3A : memref<!tpu.dma_semaphore, #tpu.memory_space<semaphore_mem>>)
      %dma_wait3A = tpu.memref_slice %arg7[%add3A_307] : memref<1835008xf32, #tpu.memory_space<vmem_shared>> -> memref<4096xf32, #tpu.memory_space<vmem_shared>>
      %dma_wait3A_650 = tpu.memref_slice %arg7[%add3A_307] : memref<1835008xf32, #tpu.memory_space<vmem_shared>> -> memref<4096xf32, #tpu.memory_space<vmem_shared>>
      tpu.wait_dma2 semaphore(%run_scoped3A : memref<!tpu.dma_semaphore, #tpu.memory_space<semaphore_mem>>) src(%arg6 : memref<4096xf32, #tpu.memory_space<vmem>>) dst(%dma_wait3A_650 : memref<4096xf32, #tpu.memory_space<vmem_shared>>)
      tpu.yield
    }) : () -> ()
    %mul3A_308 = arith.constant 114688 : i32
    %mul3A_309 = arith.muli %arg1, %mul3A_308 : i32
    %add3A_310 = arith.constant 16384 : i32
    %add3A_311 = arith.addi %mul3A_309, %add3A_310 : i32
    "tpu.region"() ({
      %run_scoped3A = tpu.sem_alloc : memref<!tpu.dma_semaphore, #tpu.memory_space<semaphore_mem>>
      %dma_start3A = tpu.memref_slice %arg7[%add3A_311] : memref<1835008xf32, #tpu.memory_space<vmem_shared>> -> memref<4096xf32, #tpu.memory_space<vmem_shared>>
      %dma_start3A_649 = tpu.memref_slice %arg7[%add3A_311] : memref<1835008xf32, #tpu.memory_space<vmem_shared>> -> memref<4096xf32, #tpu.memory_space<vmem_shared>>
      tpu.enqueue_dma source(%arg6 : memref<4096xf32, #tpu.memory_space<vmem>>) target(%dma_start3A_649 : memref<4096xf32, #tpu.memory_space<vmem_shared>>) target_semaphore(%run_scoped3A : memref<!tpu.dma_semaphore, #tpu.memory_space<semaphore_mem>>)
      %dma_wait3A = tpu.memref_slice %arg7[%add3A_311] : memref<1835008xf32, #tpu.memory_space<vmem_shared>> -> memref<4096xf32, #tpu.memory_space<vmem_shared>>
      %dma_wait3A_650 = tpu.memref_slice %arg7[%add3A_311] : memref<1835008xf32, #tpu.memory_space<vmem_shared>> -> memref<4096xf32, #tpu.memory_space<vmem_shared>>
      tpu.wait_dma2 semaphore(%run_scoped3A : memref<!tpu.dma_semaphore, #tpu.memory_space<semaphore_mem>>) src(%arg6 : memref<4096xf32, #tpu.memory_space<vmem>>) dst(%dma_wait3A_650 : memref<4096xf32, #tpu.memory_space<vmem_shared>>)
      tpu.yield
    }) : () -> ()
    %mul3A_312 = arith.constant 114688 : i32
    %mul3A_313 = arith.muli %arg1, %mul3A_312 : i32
    %add3A_314 = arith.constant 20480 : i32
    %add3A_315 = arith.addi %mul3A_313, %add3A_314 : i32
    "tpu.region"() ({
      %run_scoped3A = tpu.sem_alloc : memref<!tpu.dma_semaphore, #tpu.memory_space<semaphore_mem>>
      %dma_start3A = tpu.memref_slice %arg7[%add3A_315] : memref<1835008xf32, #tpu.memory_space<vmem_shared>> -> memref<4096xf32, #tpu.memory_space<vmem_shared>>
      %dma_start3A_649 = tpu.memref_slice %arg7[%add3A_315] : memref<1835008xf32, #tpu.memory_space<vmem_shared>> -> memref<4096xf32, #tpu.memory_space<vmem_shared>>
      tpu.enqueue_dma source(%arg6 : memref<4096xf32, #tpu.memory_space<vmem>>) target(%dma_start3A_649 : memref<4096xf32, #tpu.memory_space<vmem_shared>>) target_semaphore(%run_scoped3A : memref<!tpu.dma_semaphore, #tpu.memory_space<semaphore_mem>>)
      %dma_wait3A = tpu.memref_slice %arg7[%add3A_315] : memref<1835008xf32, #tpu.memory_space<vmem_shared>> -> memref<4096xf32, #tpu.memory_space<vmem_shared>>
      %dma_wait3A_650 = tpu.memref_slice %arg7[%add3A_315] : memref<1835008xf32, #tpu.memory_space<vmem_shared>> -> memref<4096xf32, #tpu.memory_space<vmem_shared>>
      tpu.wait_dma2 semaphore(%run_scoped3A : memref<!tpu.dma_semaphore, #tpu.memory_space<semaphore_mem>>) src(%arg6 : memref<4096xf32, #tpu.memory_space<vmem>>) dst(%dma_wait3A_650 : memref<4096xf32, #tpu.memory_space<vmem_shared>>)
      tpu.yield
    }) : () -> ()
    %mul3A_316 = arith.constant 114688 : i32
    %mul3A_317 = arith.muli %arg1, %mul3A_316 : i32
    %add3A_318 = arith.constant 24576 : i32
    %add3A_319 = arith.addi %mul3A_317, %add3A_318 : i32
    "tpu.region"() ({
      %run_scoped3A = tpu.sem_alloc : memref<!tpu.dma_semaphore, #tpu.memory_space<semaphore_mem>>
      %dma_start3A = tpu.memref_slice %arg7[%add3A_319] : memref<1835008xf32, #tpu.memory_space<vmem_shared>> -> memref<4096xf32, #tpu.memory_space<vmem_shared>>
      %dma_start3A_649 = tpu.memref_slice %arg7[%add3A_319] : memref<1835008xf32, #tpu.memory_space<vmem_shared>> -> memref<4096xf32, #tpu.memory_space<vmem_shared>>
      tpu.enqueue_dma source(%arg6 : memref<4096xf32, #tpu.memory_space<vmem>>) target(%dma_start3A_649 : memref<4096xf32, #tpu.memory_space<vmem_shared>>) target_semaphore(%run_scoped3A : memref<!tpu.dma_semaphore, #tpu.memory_space<semaphore_mem>>)
      %dma_wait3A = tpu.memref_slice %arg7[%add3A_319] : memref<1835008xf32, #tpu.memory_space<vmem_shared>> -> memref<4096xf32, #tpu.memory_space<vmem_shared>>
      %dma_wait3A_650 = tpu.memref_slice %arg7[%add3A_319] : memref<1835008xf32, #tpu.memory_space<vmem_shared>> -> memref<4096xf32, #tpu.memory_space<vmem_shared>>
      tpu.wait_dma2 semaphore(%run_scoped3A : memref<!tpu.dma_semaphore, #tpu.memory_space<semaphore_mem>>) src(%arg6 : memref<4096xf32, #tpu.memory_space<vmem>>) dst(%dma_wait3A_650 : memref<4096xf32, #tpu.memory_space<vmem_shared>>)
      tpu.yield
    }) : () -> ()
    %mul3A_320 = arith.constant 114688 : i32
    %mul3A_321 = arith.muli %arg1, %mul3A_320 : i32
    %add3A_322 = arith.constant 28672 : i32
    %add3A_323 = arith.addi %mul3A_321, %add3A_322 : i32
    "tpu.region"() ({
      %run_scoped3A = tpu.sem_alloc : memref<!tpu.dma_semaphore, #tpu.memory_space<semaphore_mem>>
      %dma_start3A = tpu.memref_slice %arg7[%add3A_323] : memref<1835008xf32, #tpu.memory_space<vmem_shared>> -> memref<4096xf32, #tpu.memory_space<vmem_shared>>
      %dma_start3A_649 = tpu.memref_slice %arg7[%add3A_323] : memref<1835008xf32, #tpu.memory_space<vmem_shared>> -> memref<4096xf32, #tpu.memory_space<vmem_shared>>
      tpu.enqueue_dma source(%arg6 : memref<4096xf32, #tpu.memory_space<vmem>>) target(%dma_start3A_649 : memref<4096xf32, #tpu.memory_space<vmem_shared>>) target_semaphore(%run_scoped3A : memref<!tpu.dma_semaphore, #tpu.memory_space<semaphore_mem>>)
      %dma_wait3A = tpu.memref_slice %arg7[%add3A_323] : memref<1835008xf32, #tpu.memory_space<vmem_shared>> -> memref<4096xf32, #tpu.memory_space<vmem_shared>>
      %dma_wait3A_650 = tpu.memref_slice %arg7[%add3A_323] : memref<1835008xf32, #tpu.memory_space<vmem_shared>> -> memref<4096xf32, #tpu.memory_space<vmem_shared>>
      tpu.wait_dma2 semaphore(%run_scoped3A : memref<!tpu.dma_semaphore, #tpu.memory_space<semaphore_mem>>) src(%arg6 : memref<4096xf32, #tpu.memory_space<vmem>>) dst(%dma_wait3A_650 : memref<4096xf32, #tpu.memory_space<vmem_shared>>)
      tpu.yield
    }) : () -> ()
    %mul3A_324 = arith.constant 114688 : i32
    %mul3A_325 = arith.muli %arg1, %mul3A_324 : i32
    %add3A_326 = arith.constant 32768 : i32
    %add3A_327 = arith.addi %mul3A_325, %add3A_326 : i32
    "tpu.region"() ({
      %run_scoped3A = tpu.sem_alloc : memref<!tpu.dma_semaphore, #tpu.memory_space<semaphore_mem>>
      %dma_start3A = tpu.memref_slice %arg7[%add3A_327] : memref<1835008xf32, #tpu.memory_space<vmem_shared>> -> memref<4096xf32, #tpu.memory_space<vmem_shared>>
      %dma_start3A_649 = tpu.memref_slice %arg7[%add3A_327] : memref<1835008xf32, #tpu.memory_space<vmem_shared>> -> memref<4096xf32, #tpu.memory_space<vmem_shared>>
      tpu.enqueue_dma source(%arg6 : memref<4096xf32, #tpu.memory_space<vmem>>) target(%dma_start3A_649 : memref<4096xf32, #tpu.memory_space<vmem_shared>>) target_semaphore(%run_scoped3A : memref<!tpu.dma_semaphore, #tpu.memory_space<semaphore_mem>>)
      %dma_wait3A = tpu.memref_slice %arg7[%add3A_327] : memref<1835008xf32, #tpu.memory_space<vmem_shared>> -> memref<4096xf32, #tpu.memory_space<vmem_shared>>
      %dma_wait3A_650 = tpu.memref_slice %arg7[%add3A_327] : memref<1835008xf32, #tpu.memory_space<vmem_shared>> -> memref<4096xf32, #tpu.memory_space<vmem_shared>>
      tpu.wait_dma2 semaphore(%run_scoped3A : memref<!tpu.dma_semaphore, #tpu.memory_space<semaphore_mem>>) src(%arg6 : memref<4096xf32, #tpu.memory_space<vmem>>) dst(%dma_wait3A_650 : memref<4096xf32, #tpu.memory_space<vmem_shared>>)
      tpu.yield
    }) : () -> ()
    %mul3A_328 = arith.constant 114688 : i32
    %mul3A_329 = arith.muli %arg1, %mul3A_328 : i32
    %add3A_330 = arith.constant 36864 : i32
    %add3A_331 = arith.addi %mul3A_329, %add3A_330 : i32
    "tpu.region"() ({
      %run_scoped3A = tpu.sem_alloc : memref<!tpu.dma_semaphore, #tpu.memory_space<semaphore_mem>>
      %dma_start3A = tpu.memref_slice %arg7[%add3A_331] : memref<1835008xf32, #tpu.memory_space<vmem_shared>> -> memref<4096xf32, #tpu.memory_space<vmem_shared>>
      %dma_start3A_649 = tpu.memref_slice %arg7[%add3A_331] : memref<1835008xf32, #tpu.memory_space<vmem_shared>> -> memref<4096xf32, #tpu.memory_space<vmem_shared>>
      tpu.enqueue_dma source(%arg6 : memref<4096xf32, #tpu.memory_space<vmem>>) target(%dma_start3A_649 : memref<4096xf32, #tpu.memory_space<vmem_shared>>) target_semaphore(%run_scoped3A : memref<!tpu.dma_semaphore, #tpu.memory_space<semaphore_mem>>)
      %dma_wait3A = tpu.memref_slice %arg7[%add3A_331] : memref<1835008xf32, #tpu.memory_space<vmem_shared>> -> memref<4096xf32, #tpu.memory_space<vmem_shared>>
      %dma_wait3A_650 = tpu.memref_slice %arg7[%add3A_331] : memref<1835008xf32, #tpu.memory_space<vmem_shared>> -> memref<4096xf32, #tpu.memory_space<vmem_shared>>
      tpu.wait_dma2 semaphore(%run_scoped3A : memref<!tpu.dma_semaphore, #tpu.memory_space<semaphore_mem>>) src(%arg6 : memref<4096xf32, #tpu.memory_space<vmem>>) dst(%dma_wait3A_650 : memref<4096xf32, #tpu.memory_space<vmem_shared>>)
      tpu.yield
    }) : () -> ()
    %mul3A_332 = arith.constant 114688 : i32
    %mul3A_333 = arith.muli %arg1, %mul3A_332 : i32
    %add3A_334 = arith.constant 40960 : i32
    %add3A_335 = arith.addi %mul3A_333, %add3A_334 : i32
    "tpu.region"() ({
      %run_scoped3A = tpu.sem_alloc : memref<!tpu.dma_semaphore, #tpu.memory_space<semaphore_mem>>
      %dma_start3A = tpu.memref_slice %arg7[%add3A_335] : memref<1835008xf32, #tpu.memory_space<vmem_shared>> -> memref<4096xf32, #tpu.memory_space<vmem_shared>>
      %dma_start3A_649 = tpu.memref_slice %arg7[%add3A_335] : memref<1835008xf32, #tpu.memory_space<vmem_shared>> -> memref<4096xf32, #tpu.memory_space<vmem_shared>>
      tpu.enqueue_dma source(%arg6 : memref<4096xf32, #tpu.memory_space<vmem>>) target(%dma_start3A_649 : memref<4096xf32, #tpu.memory_space<vmem_shared>>) target_semaphore(%run_scoped3A : memref<!tpu.dma_semaphore, #tpu.memory_space<semaphore_mem>>)
      %dma_wait3A = tpu.memref_slice %arg7[%add3A_335] : memref<1835008xf32, #tpu.memory_space<vmem_shared>> -> memref<4096xf32, #tpu.memory_space<vmem_shared>>
      %dma_wait3A_650 = tpu.memref_slice %arg7[%add3A_335] : memref<1835008xf32, #tpu.memory_space<vmem_shared>> -> memref<4096xf32, #tpu.memory_space<vmem_shared>>
      tpu.wait_dma2 semaphore(%run_scoped3A : memref<!tpu.dma_semaphore, #tpu.memory_space<semaphore_mem>>) src(%arg6 : memref<4096xf32, #tpu.memory_space<vmem>>) dst(%dma_wait3A_650 : memref<4096xf32, #tpu.memory_space<vmem_shared>>)
      tpu.yield
    }) : () -> ()
    %mul3A_336 = arith.constant 114688 : i32
    %mul3A_337 = arith.muli %arg1, %mul3A_336 : i32
    %add3A_338 = arith.constant 45056 : i32
    %add3A_339 = arith.addi %mul3A_337, %add3A_338 : i32
    "tpu.region"() ({
      %run_scoped3A = tpu.sem_alloc : memref<!tpu.dma_semaphore, #tpu.memory_space<semaphore_mem>>
      %dma_start3A = tpu.memref_slice %arg7[%add3A_339] : memref<1835008xf32, #tpu.memory_space<vmem_shared>> -> memref<4096xf32, #tpu.memory_space<vmem_shared>>
      %dma_start3A_649 = tpu.memref_slice %arg7[%add3A_339] : memref<1835008xf32, #tpu.memory_space<vmem_shared>> -> memref<4096xf32, #tpu.memory_space<vmem_shared>>
      tpu.enqueue_dma source(%arg6 : memref<4096xf32, #tpu.memory_space<vmem>>) target(%dma_start3A_649 : memref<4096xf32, #tpu.memory_space<vmem_shared>>) target_semaphore(%run_scoped3A : memref<!tpu.dma_semaphore, #tpu.memory_space<semaphore_mem>>)
      %dma_wait3A = tpu.memref_slice %arg7[%add3A_339] : memref<1835008xf32, #tpu.memory_space<vmem_shared>> -> memref<4096xf32, #tpu.memory_space<vmem_shared>>
      %dma_wait3A_650 = tpu.memref_slice %arg7[%add3A_339] : memref<1835008xf32, #tpu.memory_space<vmem_shared>> -> memref<4096xf32, #tpu.memory_space<vmem_shared>>
      tpu.wait_dma2 semaphore(%run_scoped3A : memref<!tpu.dma_semaphore, #tpu.memory_space<semaphore_mem>>) src(%arg6 : memref<4096xf32, #tpu.memory_space<vmem>>) dst(%dma_wait3A_650 : memref<4096xf32, #tpu.memory_space<vmem_shared>>)
      tpu.yield
    }) : () -> ()
    %mul3A_340 = arith.constant 114688 : i32
    %mul3A_341 = arith.muli %arg1, %mul3A_340 : i32
    %add3A_342 = arith.constant 49152 : i32
    %add3A_343 = arith.addi %mul3A_341, %add3A_342 : i32
    "tpu.region"() ({
      %run_scoped3A = tpu.sem_alloc : memref<!tpu.dma_semaphore, #tpu.memory_space<semaphore_mem>>
      %dma_start3A = tpu.memref_slice %arg7[%add3A_343] : memref<1835008xf32, #tpu.memory_space<vmem_shared>> -> memref<4096xf32, #tpu.memory_space<vmem_shared>>
      %dma_start3A_649 = tpu.memref_slice %arg7[%add3A_343] : memref<1835008xf32, #tpu.memory_space<vmem_shared>> -> memref<4096xf32, #tpu.memory_space<vmem_shared>>
      tpu.enqueue_dma source(%arg6 : memref<4096xf32, #tpu.memory_space<vmem>>) target(%dma_start3A_649 : memref<4096xf32, #tpu.memory_space<vmem_shared>>) target_semaphore(%run_scoped3A : memref<!tpu.dma_semaphore, #tpu.memory_space<semaphore_mem>>)
      %dma_wait3A = tpu.memref_slice %arg7[%add3A_343] : memref<1835008xf32, #tpu.memory_space<vmem_shared>> -> memref<4096xf32, #tpu.memory_space<vmem_shared>>
      %dma_wait3A_650 = tpu.memref_slice %arg7[%add3A_343] : memref<1835008xf32, #tpu.memory_space<vmem_shared>> -> memref<4096xf32, #tpu.memory_space<vmem_shared>>
      tpu.wait_dma2 semaphore(%run_scoped3A : memref<!tpu.dma_semaphore, #tpu.memory_space<semaphore_mem>>) src(%arg6 : memref<4096xf32, #tpu.memory_space<vmem>>) dst(%dma_wait3A_650 : memref<4096xf32, #tpu.memory_space<vmem_shared>>)
      tpu.yield
    }) : () -> ()
    %mul3A_344 = arith.constant 114688 : i32
    %mul3A_345 = arith.muli %arg1, %mul3A_344 : i32
    %add3A_346 = arith.constant 53248 : i32
    %add3A_347 = arith.addi %mul3A_345, %add3A_346 : i32
    "tpu.region"() ({
      %run_scoped3A = tpu.sem_alloc : memref<!tpu.dma_semaphore, #tpu.memory_space<semaphore_mem>>
      %dma_start3A = tpu.memref_slice %arg7[%add3A_347] : memref<1835008xf32, #tpu.memory_space<vmem_shared>> -> memref<4096xf32, #tpu.memory_space<vmem_shared>>
      %dma_start3A_649 = tpu.memref_slice %arg7[%add3A_347] : memref<1835008xf32, #tpu.memory_space<vmem_shared>> -> memref<4096xf32, #tpu.memory_space<vmem_shared>>
      tpu.enqueue_dma source(%arg6 : memref<4096xf32, #tpu.memory_space<vmem>>) target(%dma_start3A_649 : memref<4096xf32, #tpu.memory_space<vmem_shared>>) target_semaphore(%run_scoped3A : memref<!tpu.dma_semaphore, #tpu.memory_space<semaphore_mem>>)
      %dma_wait3A = tpu.memref_slice %arg7[%add3A_347] : memref<1835008xf32, #tpu.memory_space<vmem_shared>> -> memref<4096xf32, #tpu.memory_space<vmem_shared>>
      %dma_wait3A_650 = tpu.memref_slice %arg7[%add3A_347] : memref<1835008xf32, #tpu.memory_space<vmem_shared>> -> memref<4096xf32, #tpu.memory_space<vmem_shared>>
      tpu.wait_dma2 semaphore(%run_scoped3A : memref<!tpu.dma_semaphore, #tpu.memory_space<semaphore_mem>>) src(%arg6 : memref<4096xf32, #tpu.memory_space<vmem>>) dst(%dma_wait3A_650 : memref<4096xf32, #tpu.memory_space<vmem_shared>>)
      tpu.yield
    }) : () -> ()
    %mul3A_348 = arith.constant 114688 : i32
    %mul3A_349 = arith.muli %arg1, %mul3A_348 : i32
    %add3A_350 = arith.constant 57344 : i32
    %add3A_351 = arith.addi %mul3A_349, %add3A_350 : i32
    "tpu.region"() ({
      %run_scoped3A = tpu.sem_alloc : memref<!tpu.dma_semaphore, #tpu.memory_space<semaphore_mem>>
      %dma_start3A = tpu.memref_slice %arg7[%add3A_351] : memref<1835008xf32, #tpu.memory_space<vmem_shared>> -> memref<4096xf32, #tpu.memory_space<vmem_shared>>
      %dma_start3A_649 = tpu.memref_slice %arg7[%add3A_351] : memref<1835008xf32, #tpu.memory_space<vmem_shared>> -> memref<4096xf32, #tpu.memory_space<vmem_shared>>
      tpu.enqueue_dma source(%arg6 : memref<4096xf32, #tpu.memory_space<vmem>>) target(%dma_start3A_649 : memref<4096xf32, #tpu.memory_space<vmem_shared>>) target_semaphore(%run_scoped3A : memref<!tpu.dma_semaphore, #tpu.memory_space<semaphore_mem>>)
      %dma_wait3A = tpu.memref_slice %arg7[%add3A_351] : memref<1835008xf32, #tpu.memory_space<vmem_shared>> -> memref<4096xf32, #tpu.memory_space<vmem_shared>>
      %dma_wait3A_650 = tpu.memref_slice %arg7[%add3A_351] : memref<1835008xf32, #tpu.memory_space<vmem_shared>> -> memref<4096xf32, #tpu.memory_space<vmem_shared>>
      tpu.wait_dma2 semaphore(%run_scoped3A : memref<!tpu.dma_semaphore, #tpu.memory_space<semaphore_mem>>) src(%arg6 : memref<4096xf32, #tpu.memory_space<vmem>>) dst(%dma_wait3A_650 : memref<4096xf32, #tpu.memory_space<vmem_shared>>)
      tpu.yield
    }) : () -> ()
    %mul3A_352 = arith.constant 114688 : i32
    %mul3A_353 = arith.muli %arg1, %mul3A_352 : i32
    %add3A_354 = arith.constant 61440 : i32
    %add3A_355 = arith.addi %mul3A_353, %add3A_354 : i32
    "tpu.region"() ({
      %run_scoped3A = tpu.sem_alloc : memref<!tpu.dma_semaphore, #tpu.memory_space<semaphore_mem>>
      %dma_start3A = tpu.memref_slice %arg7[%add3A_355] : memref<1835008xf32, #tpu.memory_space<vmem_shared>> -> memref<4096xf32, #tpu.memory_space<vmem_shared>>
      %dma_start3A_649 = tpu.memref_slice %arg7[%add3A_355] : memref<1835008xf32, #tpu.memory_space<vmem_shared>> -> memref<4096xf32, #tpu.memory_space<vmem_shared>>
      tpu.enqueue_dma source(%arg6 : memref<4096xf32, #tpu.memory_space<vmem>>) target(%dma_start3A_649 : memref<4096xf32, #tpu.memory_space<vmem_shared>>) target_semaphore(%run_scoped3A : memref<!tpu.dma_semaphore, #tpu.memory_space<semaphore_mem>>)
      %dma_wait3A = tpu.memref_slice %arg7[%add3A_355] : memref<1835008xf32, #tpu.memory_space<vmem_shared>> -> memref<4096xf32, #tpu.memory_space<vmem_shared>>
      %dma_wait3A_650 = tpu.memref_slice %arg7[%add3A_355] : memref<1835008xf32, #tpu.memory_space<vmem_shared>> -> memref<4096xf32, #tpu.memory_space<vmem_shared>>
      tpu.wait_dma2 semaphore(%run_scoped3A : memref<!tpu.dma_semaphore, #tpu.memory_space<semaphore_mem>>) src(%arg6 : memref<4096xf32, #tpu.memory_space<vmem>>) dst(%dma_wait3A_650 : memref<4096xf32, #tpu.memory_space<vmem_shared>>)
      tpu.yield
    }) : () -> ()
    %mul3A_356 = arith.constant 114688 : i32
    %mul3A_357 = arith.muli %arg1, %mul3A_356 : i32
    %add3A_358 = arith.constant 65536 : i32
    %add3A_359 = arith.addi %mul3A_357, %add3A_358 : i32
    "tpu.region"() ({
      %run_scoped3A = tpu.sem_alloc : memref<!tpu.dma_semaphore, #tpu.memory_space<semaphore_mem>>
      %dma_start3A = tpu.memref_slice %arg7[%add3A_359] : memref<1835008xf32, #tpu.memory_space<vmem_shared>> -> memref<4096xf32, #tpu.memory_space<vmem_shared>>
      %dma_start3A_649 = tpu.memref_slice %arg7[%add3A_359] : memref<1835008xf32, #tpu.memory_space<vmem_shared>> -> memref<4096xf32, #tpu.memory_space<vmem_shared>>
      tpu.enqueue_dma source(%arg6 : memref<4096xf32, #tpu.memory_space<vmem>>) target(%dma_start3A_649 : memref<4096xf32, #tpu.memory_space<vmem_shared>>) target_semaphore(%run_scoped3A : memref<!tpu.dma_semaphore, #tpu.memory_space<semaphore_mem>>)
      %dma_wait3A = tpu.memref_slice %arg7[%add3A_359] : memref<1835008xf32, #tpu.memory_space<vmem_shared>> -> memref<4096xf32, #tpu.memory_space<vmem_shared>>
      %dma_wait3A_650 = tpu.memref_slice %arg7[%add3A_359] : memref<1835008xf32, #tpu.memory_space<vmem_shared>> -> memref<4096xf32, #tpu.memory_space<vmem_shared>>
      tpu.wait_dma2 semaphore(%run_scoped3A : memref<!tpu.dma_semaphore, #tpu.memory_space<semaphore_mem>>) src(%arg6 : memref<4096xf32, #tpu.memory_space<vmem>>) dst(%dma_wait3A_650 : memref<4096xf32, #tpu.memory_space<vmem_shared>>)
      tpu.yield
    }) : () -> ()
    %mul3A_360 = arith.constant 114688 : i32
    %mul3A_361 = arith.muli %arg1, %mul3A_360 : i32
    %add3A_362 = arith.constant 69632 : i32
    %add3A_363 = arith.addi %mul3A_361, %add3A_362 : i32
    "tpu.region"() ({
      %run_scoped3A = tpu.sem_alloc : memref<!tpu.dma_semaphore, #tpu.memory_space<semaphore_mem>>
      %dma_start3A = tpu.memref_slice %arg7[%add3A_363] : memref<1835008xf32, #tpu.memory_space<vmem_shared>> -> memref<4096xf32, #tpu.memory_space<vmem_shared>>
      %dma_start3A_649 = tpu.memref_slice %arg7[%add3A_363] : memref<1835008xf32, #tpu.memory_space<vmem_shared>> -> memref<4096xf32, #tpu.memory_space<vmem_shared>>
      tpu.enqueue_dma source(%arg6 : memref<4096xf32, #tpu.memory_space<vmem>>) target(%dma_start3A_649 : memref<4096xf32, #tpu.memory_space<vmem_shared>>) target_semaphore(%run_scoped3A : memref<!tpu.dma_semaphore, #tpu.memory_space<semaphore_mem>>)
      %dma_wait3A = tpu.memref_slice %arg7[%add3A_363] : memref<1835008xf32, #tpu.memory_space<vmem_shared>> -> memref<4096xf32, #tpu.memory_space<vmem_shared>>
      %dma_wait3A_650 = tpu.memref_slice %arg7[%add3A_363] : memref<1835008xf32, #tpu.memory_space<vmem_shared>> -> memref<4096xf32, #tpu.memory_space<vmem_shared>>
      tpu.wait_dma2 semaphore(%run_scoped3A : memref<!tpu.dma_semaphore, #tpu.memory_space<semaphore_mem>>) src(%arg6 : memref<4096xf32, #tpu.memory_space<vmem>>) dst(%dma_wait3A_650 : memref<4096xf32, #tpu.memory_space<vmem_shared>>)
      tpu.yield
    }) : () -> ()
    %mul3A_364 = arith.constant 114688 : i32
    %mul3A_365 = arith.muli %arg1, %mul3A_364 : i32
    %add3A_366 = arith.constant 73728 : i32
    %add3A_367 = arith.addi %mul3A_365, %add3A_366 : i32
    "tpu.region"() ({
      %run_scoped3A = tpu.sem_alloc : memref<!tpu.dma_semaphore, #tpu.memory_space<semaphore_mem>>
      %dma_start3A = tpu.memref_slice %arg7[%add3A_367] : memref<1835008xf32, #tpu.memory_space<vmem_shared>> -> memref<4096xf32, #tpu.memory_space<vmem_shared>>
      %dma_start3A_649 = tpu.memref_slice %arg7[%add3A_367] : memref<1835008xf32, #tpu.memory_space<vmem_shared>> -> memref<4096xf32, #tpu.memory_space<vmem_shared>>
      tpu.enqueue_dma source(%arg6 : memref<4096xf32, #tpu.memory_space<vmem>>) target(%dma_start3A_649 : memref<4096xf32, #tpu.memory_space<vmem_shared>>) target_semaphore(%run_scoped3A : memref<!tpu.dma_semaphore, #tpu.memory_space<semaphore_mem>>)
      %dma_wait3A = tpu.memref_slice %arg7[%add3A_367] : memref<1835008xf32, #tpu.memory_space<vmem_shared>> -> memref<4096xf32, #tpu.memory_space<vmem_shared>>
      %dma_wait3A_650 = tpu.memref_slice %arg7[%add3A_367] : memref<1835008xf32, #tpu.memory_space<vmem_shared>> -> memref<4096xf32, #tpu.memory_space<vmem_shared>>
      tpu.wait_dma2 semaphore(%run_scoped3A : memref<!tpu.dma_semaphore, #tpu.memory_space<semaphore_mem>>) src(%arg6 : memref<4096xf32, #tpu.memory_space<vmem>>) dst(%dma_wait3A_650 : memref<4096xf32, #tpu.memory_space<vmem_shared>>)
      tpu.yield
    }) : () -> ()
    %mul3A_368 = arith.constant 114688 : i32
    %mul3A_369 = arith.muli %arg1, %mul3A_368 : i32
    %add3A_370 = arith.constant 77824 : i32
    %add3A_371 = arith.addi %mul3A_369, %add3A_370 : i32
    "tpu.region"() ({
      %run_scoped3A = tpu.sem_alloc : memref<!tpu.dma_semaphore, #tpu.memory_space<semaphore_mem>>
      %dma_start3A = tpu.memref_slice %arg7[%add3A_371] : memref<1835008xf32, #tpu.memory_space<vmem_shared>> -> memref<4096xf32, #tpu.memory_space<vmem_shared>>
      %dma_start3A_649 = tpu.memref_slice %arg7[%add3A_371] : memref<1835008xf32, #tpu.memory_space<vmem_shared>> -> memref<4096xf32, #tpu.memory_space<vmem_shared>>
      tpu.enqueue_dma source(%arg6 : memref<4096xf32, #tpu.memory_space<vmem>>) target(%dma_start3A_649 : memref<4096xf32, #tpu.memory_space<vmem_shared>>) target_semaphore(%run_scoped3A : memref<!tpu.dma_semaphore, #tpu.memory_space<semaphore_mem>>)
      %dma_wait3A = tpu.memref_slice %arg7[%add3A_371] : memref<1835008xf32, #tpu.memory_space<vmem_shared>> -> memref<4096xf32, #tpu.memory_space<vmem_shared>>
      %dma_wait3A_650 = tpu.memref_slice %arg7[%add3A_371] : memref<1835008xf32, #tpu.memory_space<vmem_shared>> -> memref<4096xf32, #tpu.memory_space<vmem_shared>>
      tpu.wait_dma2 semaphore(%run_scoped3A : memref<!tpu.dma_semaphore, #tpu.memory_space<semaphore_mem>>) src(%arg6 : memref<4096xf32, #tpu.memory_space<vmem>>) dst(%dma_wait3A_650 : memref<4096xf32, #tpu.memory_space<vmem_shared>>)
      tpu.yield
    }) : () -> ()
    %mul3A_372 = arith.constant 114688 : i32
    %mul3A_373 = arith.muli %arg1, %mul3A_372 : i32
    %add3A_374 = arith.constant 81920 : i32
    %add3A_375 = arith.addi %mul3A_373, %add3A_374 : i32
    "tpu.region"() ({
      %run_scoped3A = tpu.sem_alloc : memref<!tpu.dma_semaphore, #tpu.memory_space<semaphore_mem>>
      %dma_start3A = tpu.memref_slice %arg7[%add3A_375] : memref<1835008xf32, #tpu.memory_space<vmem_shared>> -> memref<4096xf32, #tpu.memory_space<vmem_shared>>
      %dma_start3A_649 = tpu.memref_slice %arg7[%add3A_375] : memref<1835008xf32, #tpu.memory_space<vmem_shared>> -> memref<4096xf32, #tpu.memory_space<vmem_shared>>
      tpu.enqueue_dma source(%arg6 : memref<4096xf32, #tpu.memory_space<vmem>>) target(%dma_start3A_649 : memref<4096xf32, #tpu.memory_space<vmem_shared>>) target_semaphore(%run_scoped3A : memref<!tpu.dma_semaphore, #tpu.memory_space<semaphore_mem>>)
      %dma_wait3A = tpu.memref_slice %arg7[%add3A_375] : memref<1835008xf32, #tpu.memory_space<vmem_shared>> -> memref<4096xf32, #tpu.memory_space<vmem_shared>>
      %dma_wait3A_650 = tpu.memref_slice %arg7[%add3A_375] : memref<1835008xf32, #tpu.memory_space<vmem_shared>> -> memref<4096xf32, #tpu.memory_space<vmem_shared>>
      tpu.wait_dma2 semaphore(%run_scoped3A : memref<!tpu.dma_semaphore, #tpu.memory_space<semaphore_mem>>) src(%arg6 : memref<4096xf32, #tpu.memory_space<vmem>>) dst(%dma_wait3A_650 : memref<4096xf32, #tpu.memory_space<vmem_shared>>)
      tpu.yield
    }) : () -> ()
    %mul3A_376 = arith.constant 114688 : i32
    %mul3A_377 = arith.muli %arg1, %mul3A_376 : i32
    %add3A_378 = arith.constant 86016 : i32
    %add3A_379 = arith.addi %mul3A_377, %add3A_378 : i32
    "tpu.region"() ({
      %run_scoped3A = tpu.sem_alloc : memref<!tpu.dma_semaphore, #tpu.memory_space<semaphore_mem>>
      %dma_start3A = tpu.memref_slice %arg7[%add3A_379] : memref<1835008xf32, #tpu.memory_space<vmem_shared>> -> memref<4096xf32, #tpu.memory_space<vmem_shared>>
      %dma_start3A_649 = tpu.memref_slice %arg7[%add3A_379] : memref<1835008xf32, #tpu.memory_space<vmem_shared>> -> memref<4096xf32, #tpu.memory_space<vmem_shared>>
      tpu.enqueue_dma source(%arg6 : memref<4096xf32, #tpu.memory_space<vmem>>) target(%dma_start3A_649 : memref<4096xf32, #tpu.memory_space<vmem_shared>>) target_semaphore(%run_scoped3A : memref<!tpu.dma_semaphore, #tpu.memory_space<semaphore_mem>>)
      %dma_wait3A = tpu.memref_slice %arg7[%add3A_379] : memref<1835008xf32, #tpu.memory_space<vmem_shared>> -> memref<4096xf32, #tpu.memory_space<vmem_shared>>
      %dma_wait3A_650 = tpu.memref_slice %arg7[%add3A_379] : memref<1835008xf32, #tpu.memory_space<vmem_shared>> -> memref<4096xf32, #tpu.memory_space<vmem_shared>>
      tpu.wait_dma2 semaphore(%run_scoped3A : memref<!tpu.dma_semaphore, #tpu.memory_space<semaphore_mem>>) src(%arg6 : memref<4096xf32, #tpu.memory_space<vmem>>) dst(%dma_wait3A_650 : memref<4096xf32, #tpu.memory_space<vmem_shared>>)
      tpu.yield
    }) : () -> ()
    %mul3A_380 = arith.constant 114688 : i32
    %mul3A_381 = arith.muli %arg1, %mul3A_380 : i32
    %add3A_382 = arith.constant 90112 : i32
    %add3A_383 = arith.addi %mul3A_381, %add3A_382 : i32
    "tpu.region"() ({
      %run_scoped3A = tpu.sem_alloc : memref<!tpu.dma_semaphore, #tpu.memory_space<semaphore_mem>>
      %dma_start3A = tpu.memref_slice %arg7[%add3A_383] : memref<1835008xf32, #tpu.memory_space<vmem_shared>> -> memref<4096xf32, #tpu.memory_space<vmem_shared>>
      %dma_start3A_649 = tpu.memref_slice %arg7[%add3A_383] : memref<1835008xf32, #tpu.memory_space<vmem_shared>> -> memref<4096xf32, #tpu.memory_space<vmem_shared>>
      tpu.enqueue_dma source(%arg6 : memref<4096xf32, #tpu.memory_space<vmem>>) target(%dma_start3A_649 : memref<4096xf32, #tpu.memory_space<vmem_shared>>) target_semaphore(%run_scoped3A : memref<!tpu.dma_semaphore, #tpu.memory_space<semaphore_mem>>)
      %dma_wait3A = tpu.memref_slice %arg7[%add3A_383] : memref<1835008xf32, #tpu.memory_space<vmem_shared>> -> memref<4096xf32, #tpu.memory_space<vmem_shared>>
      %dma_wait3A_650 = tpu.memref_slice %arg7[%add3A_383] : memref<1835008xf32, #tpu.memory_space<vmem_shared>> -> memref<4096xf32, #tpu.memory_space<vmem_shared>>
      tpu.wait_dma2 semaphore(%run_scoped3A : memref<!tpu.dma_semaphore, #tpu.memory_space<semaphore_mem>>) src(%arg6 : memref<4096xf32, #tpu.memory_space<vmem>>) dst(%dma_wait3A_650 : memref<4096xf32, #tpu.memory_space<vmem_shared>>)
      tpu.yield
    }) : () -> ()
    %mul3A_384 = arith.constant 114688 : i32
    %mul3A_385 = arith.muli %arg1, %mul3A_384 : i32
    %add3A_386 = arith.constant 94208 : i32
    %add3A_387 = arith.addi %mul3A_385, %add3A_386 : i32
    "tpu.region"() ({
      %run_scoped3A = tpu.sem_alloc : memref<!tpu.dma_semaphore, #tpu.memory_space<semaphore_mem>>
      %dma_start3A = tpu.memref_slice %arg7[%add3A_387] : memref<1835008xf32, #tpu.memory_space<vmem_shared>> -> memref<4096xf32, #tpu.memory_space<vmem_shared>>
      %dma_start3A_649 = tpu.memref_slice %arg7[%add3A_387] : memref<1835008xf32, #tpu.memory_space<vmem_shared>> -> memref<4096xf32, #tpu.memory_space<vmem_shared>>
      tpu.enqueue_dma source(%arg6 : memref<4096xf32, #tpu.memory_space<vmem>>) target(%dma_start3A_649 : memref<4096xf32, #tpu.memory_space<vmem_shared>>) target_semaphore(%run_scoped3A : memref<!tpu.dma_semaphore, #tpu.memory_space<semaphore_mem>>)
      %dma_wait3A = tpu.memref_slice %arg7[%add3A_387] : memref<1835008xf32, #tpu.memory_space<vmem_shared>> -> memref<4096xf32, #tpu.memory_space<vmem_shared>>
      %dma_wait3A_650 = tpu.memref_slice %arg7[%add3A_387] : memref<1835008xf32, #tpu.memory_space<vmem_shared>> -> memref<4096xf32, #tpu.memory_space<vmem_shared>>
      tpu.wait_dma2 semaphore(%run_scoped3A : memref<!tpu.dma_semaphore, #tpu.memory_space<semaphore_mem>>) src(%arg6 : memref<4096xf32, #tpu.memory_space<vmem>>) dst(%dma_wait3A_650 : memref<4096xf32, #tpu.memory_space<vmem_shared>>)
      tpu.yield
    }) : () -> ()
    %mul3A_388 = arith.constant 114688 : i32
    %mul3A_389 = arith.muli %arg1, %mul3A_388 : i32
    %add3A_390 = arith.constant 98304 : i32
    %add3A_391 = arith.addi %mul3A_389, %add3A_390 : i32
    "tpu.region"() ({
      %run_scoped3A = tpu.sem_alloc : memref<!tpu.dma_semaphore, #tpu.memory_space<semaphore_mem>>
      %dma_start3A = tpu.memref_slice %arg7[%add3A_391] : memref<1835008xf32, #tpu.memory_space<vmem_shared>> -> memref<4096xf32, #tpu.memory_space<vmem_shared>>
      %dma_start3A_649 = tpu.memref_slice %arg7[%add3A_391] : memref<1835008xf32, #tpu.memory_space<vmem_shared>> -> memref<4096xf32, #tpu.memory_space<vmem_shared>>
      tpu.enqueue_dma source(%arg6 : memref<4096xf32, #tpu.memory_space<vmem>>) target(%dma_start3A_649 : memref<4096xf32, #tpu.memory_space<vmem_shared>>) target_semaphore(%run_scoped3A : memref<!tpu.dma_semaphore, #tpu.memory_space<semaphore_mem>>)
      %dma_wait3A = tpu.memref_slice %arg7[%add3A_391] : memref<1835008xf32, #tpu.memory_space<vmem_shared>> -> memref<4096xf32, #tpu.memory_space<vmem_shared>>
      %dma_wait3A_650 = tpu.memref_slice %arg7[%add3A_391] : memref<1835008xf32, #tpu.memory_space<vmem_shared>> -> memref<4096xf32, #tpu.memory_space<vmem_shared>>
      tpu.wait_dma2 semaphore(%run_scoped3A : memref<!tpu.dma_semaphore, #tpu.memory_space<semaphore_mem>>) src(%arg6 : memref<4096xf32, #tpu.memory_space<vmem>>) dst(%dma_wait3A_650 : memref<4096xf32, #tpu.memory_space<vmem_shared>>)
      tpu.yield
    }) : () -> ()
    %mul3A_392 = arith.constant 114688 : i32
    %mul3A_393 = arith.muli %arg1, %mul3A_392 : i32
    %add3A_394 = arith.constant 102400 : i32
    %add3A_395 = arith.addi %mul3A_393, %add3A_394 : i32
    "tpu.region"() ({
      %run_scoped3A = tpu.sem_alloc : memref<!tpu.dma_semaphore, #tpu.memory_space<semaphore_mem>>
      %dma_start3A = tpu.memref_slice %arg7[%add3A_395] : memref<1835008xf32, #tpu.memory_space<vmem_shared>> -> memref<4096xf32, #tpu.memory_space<vmem_shared>>
      %dma_start3A_649 = tpu.memref_slice %arg7[%add3A_395] : memref<1835008xf32, #tpu.memory_space<vmem_shared>> -> memref<4096xf32, #tpu.memory_space<vmem_shared>>
      tpu.enqueue_dma source(%arg6 : memref<4096xf32, #tpu.memory_space<vmem>>) target(%dma_start3A_649 : memref<4096xf32, #tpu.memory_space<vmem_shared>>) target_semaphore(%run_scoped3A : memref<!tpu.dma_semaphore, #tpu.memory_space<semaphore_mem>>)
      %dma_wait3A = tpu.memref_slice %arg7[%add3A_395] : memref<1835008xf32, #tpu.memory_space<vmem_shared>> -> memref<4096xf32, #tpu.memory_space<vmem_shared>>
      %dma_wait3A_650 = tpu.memref_slice %arg7[%add3A_395] : memref<1835008xf32, #tpu.memory_space<vmem_shared>> -> memref<4096xf32, #tpu.memory_space<vmem_shared>>
      tpu.wait_dma2 semaphore(%run_scoped3A : memref<!tpu.dma_semaphore, #tpu.memory_space<semaphore_mem>>) src(%arg6 : memref<4096xf32, #tpu.memory_space<vmem>>) dst(%dma_wait3A_650 : memref<4096xf32, #tpu.memory_space<vmem_shared>>)
      tpu.yield
    }) : () -> ()
    %mul3A_396 = arith.constant 114688 : i32
    %mul3A_397 = arith.muli %arg1, %mul3A_396 : i32
    %add3A_398 = arith.constant 106496 : i32
    %add3A_399 = arith.addi %mul3A_397, %add3A_398 : i32
    "tpu.region"() ({
      %run_scoped3A = tpu.sem_alloc : memref<!tpu.dma_semaphore, #tpu.memory_space<semaphore_mem>>
      %dma_start3A = tpu.memref_slice %arg7[%add3A_399] : memref<1835008xf32, #tpu.memory_space<vmem_shared>> -> memref<4096xf32, #tpu.memory_space<vmem_shared>>
      %dma_start3A_649 = tpu.memref_slice %arg7[%add3A_399] : memref<1835008xf32, #tpu.memory_space<vmem_shared>> -> memref<4096xf32, #tpu.memory_space<vmem_shared>>
      tpu.enqueue_dma source(%arg6 : memref<4096xf32, #tpu.memory_space<vmem>>) target(%dma_start3A_649 : memref<4096xf32, #tpu.memory_space<vmem_shared>>) target_semaphore(%run_scoped3A : memref<!tpu.dma_semaphore, #tpu.memory_space<semaphore_mem>>)
      %dma_wait3A = tpu.memref_slice %arg7[%add3A_399] : memref<1835008xf32, #tpu.memory_space<vmem_shared>> -> memref<4096xf32, #tpu.memory_space<vmem_shared>>
      %dma_wait3A_650 = tpu.memref_slice %arg7[%add3A_399] : memref<1835008xf32, #tpu.memory_space<vmem_shared>> -> memref<4096xf32, #tpu.memory_space<vmem_shared>>
      tpu.wait_dma2 semaphore(%run_scoped3A : memref<!tpu.dma_semaphore, #tpu.memory_space<semaphore_mem>>) src(%arg6 : memref<4096xf32, #tpu.memory_space<vmem>>) dst(%dma_wait3A_650 : memref<4096xf32, #tpu.memory_space<vmem_shared>>)
      tpu.yield
    }) : () -> ()
    %mul3A_400 = arith.constant 114688 : i32
    %mul3A_401 = arith.muli %arg1, %mul3A_400 : i32
    %add3A_402 = arith.constant 110592 : i32
    %add3A_403 = arith.addi %mul3A_401, %add3A_402 : i32
    "tpu.region"() ({
      %run_scoped3A = tpu.sem_alloc : memref<!tpu.dma_semaphore, #tpu.memory_space<semaphore_mem>>
      %dma_start3A = tpu.memref_slice %arg7[%add3A_403] : memref<1835008xf32, #tpu.memory_space<vmem_shared>> -> memref<4096xf32, #tpu.memory_space<vmem_shared>>
      %dma_start3A_649 = tpu.memref_slice %arg7[%add3A_403] : memref<1835008xf32, #tpu.memory_space<vmem_shared>> -> memref<4096xf32, #tpu.memory_space<vmem_shared>>
      tpu.enqueue_dma source(%arg6 : memref<4096xf32, #tpu.memory_space<vmem>>) target(%dma_start3A_649 : memref<4096xf32, #tpu.memory_space<vmem_shared>>) target_semaphore(%run_scoped3A : memref<!tpu.dma_semaphore, #tpu.memory_space<semaphore_mem>>)
      %dma_wait3A = tpu.memref_slice %arg7[%add3A_403] : memref<1835008xf32, #tpu.memory_space<vmem_shared>> -> memref<4096xf32, #tpu.memory_space<vmem_shared>>
      %dma_wait3A_650 = tpu.memref_slice %arg7[%add3A_403] : memref<1835008xf32, #tpu.memory_space<vmem_shared>> -> memref<4096xf32, #tpu.memory_space<vmem_shared>>
      tpu.wait_dma2 semaphore(%run_scoped3A : memref<!tpu.dma_semaphore, #tpu.memory_space<semaphore_mem>>) src(%arg6 : memref<4096xf32, #tpu.memory_space<vmem>>) dst(%dma_wait3A_650 : memref<4096xf32, #tpu.memory_space<vmem_shared>>)
      tpu.yield
    }) : () -> ()
    %barrier3A_404 = arith.constant 0 : index
    tpu.barrier barrier_id(%barrier3A_404)
    %scan3A_405 = arith.constant 0 : i32
    %scan3A_406 = arith.constant 0 : i32
    %scan3A_407 = arith.constant 64 : i32
    %scan3A_408 = arith.addi %scan3A_406, %scan3A_407 : i32
    %scan3A_409 = arith.constant 1 : i32
    %scan3A_410 = scf.for %scan3A_649 = %scan3A_406 to %scan3A_408 step %scan3A_409 iter_args(%scan3A_650 = %scan3A_405) -> (i32)  : i32 {
      %mul3A_651 = arith.constant 4096 : i32
      %mul3A_652 = arith.muli %scan3A_649, %mul3A_651 : i32
      %add3A_653 = arith.addi %mul3A_0, %mul3A_652 : i32
      "tpu.region"() ({
        %run_scoped3A = tpu.sem_alloc : memref<!tpu.dma_semaphore, #tpu.memory_space<semaphore_mem>>
        %dma_start3A = tpu.memref_slice %arg2[%add3A_653] : memref<4194304xi32, #tpu.memory_space<hbm>> -> memref<4096xi32, #tpu.memory_space<hbm>>
        %dma_start3A_662 = tpu.memref_slice %arg2[%add3A_653] : memref<4194304xi32, #tpu.memory_space<hbm>> -> memref<4096xi32, #tpu.memory_space<hbm>>
        tpu.enqueue_dma source(%dma_start3A_662 : memref<4096xi32, #tpu.memory_space<hbm>>) target(%arg5 : memref<4096xi32, #tpu.memory_space<vmem>>) target_semaphore(%run_scoped3A : memref<!tpu.dma_semaphore, #tpu.memory_space<semaphore_mem>>)
        %dma_wait3A = tpu.memref_slice %arg2[%add3A_653] : memref<4194304xi32, #tpu.memory_space<hbm>> -> memref<4096xi32, #tpu.memory_space<hbm>>
        %dma_wait3A_663 = tpu.memref_slice %arg2[%add3A_653] : memref<4194304xi32, #tpu.memory_space<hbm>> -> memref<4096xi32, #tpu.memory_space<hbm>>
        tpu.wait_dma2 semaphore(%run_scoped3A : memref<!tpu.dma_semaphore, #tpu.memory_space<semaphore_mem>>) src(%dma_wait3A_663 : memref<4096xi32, #tpu.memory_space<hbm>>) dst(%arg5 : memref<4096xi32, #tpu.memory_space<vmem>>)
        tpu.yield
      }) : () -> ()
      "tpu.region"() ({
        %run_scoped3A = tpu.sem_alloc : memref<!tpu.dma_semaphore, #tpu.memory_space<semaphore_mem>>
        %dma_start3A = tpu.memref_slice %arg3[%add3A_653] : memref<4194304xf32, #tpu.memory_space<hbm>> -> memref<4096xf32, #tpu.memory_space<hbm>>
        %dma_start3A_662 = tpu.memref_slice %arg3[%add3A_653] : memref<4194304xf32, #tpu.memory_space<hbm>> -> memref<4096xf32, #tpu.memory_space<hbm>>
        tpu.enqueue_dma source(%dma_start3A_662 : memref<4096xf32, #tpu.memory_space<hbm>>) target(%arg6 : memref<4096xf32, #tpu.memory_space<vmem>>) target_semaphore(%run_scoped3A : memref<!tpu.dma_semaphore, #tpu.memory_space<semaphore_mem>>)
        %dma_wait3A = tpu.memref_slice %arg3[%add3A_653] : memref<4194304xf32, #tpu.memory_space<hbm>> -> memref<4096xf32, #tpu.memory_space<hbm>>
        %dma_wait3A_663 = tpu.memref_slice %arg3[%add3A_653] : memref<4194304xf32, #tpu.memory_space<hbm>> -> memref<4096xf32, #tpu.memory_space<hbm>>
        tpu.wait_dma2 semaphore(%run_scoped3A : memref<!tpu.dma_semaphore, #tpu.memory_space<semaphore_mem>>) src(%dma_wait3A_663 : memref<4096xf32, #tpu.memory_space<hbm>>) dst(%arg6 : memref<4096xf32, #tpu.memory_space<vmem>>)
        tpu.yield
      }) : () -> ()
      %scan3A_654 = arith.constant 0 : i32
      %scan3A_655 = arith.constant 0 : i32
      %scan3A_656 = arith.constant 32 : i32
      %scan3A_657 = arith.addi %scan3A_655, %scan3A_656 : i32
      %scan3A_658 = arith.constant 1 : i32
      %scan3A_659 = scf.for %scan3A_662 = %scan3A_655 to %scan3A_657 step %scan3A_658 iter_args(%scan3A_663 = %scan3A_654) -> (i32)  : i32 {
        %mul3A_664 = arith.constant 128 : i32
        %mul3A_665 = arith.muli %scan3A_662, %mul3A_664 : i32
        %add3A_666 = arith.constant 0 : i32
        %add3A_667 = arith.addi %mul3A_665, %add3A_666 : i32
        %get3A = arith.index_cast %add3A_667 : i32 to index
        %get3A_668 = tpu.vector_load %arg5[%get3A] {strides = array<i32>} : memref<4096xi32, #tpu.memory_space<vmem>>, vector<16xi32>,
        %sub3A = vector.broadcast %mul3A_284 : i32 to vector<16xi32>
        %sub3A_669 = arith.subi %get3A_668, %sub3A : vector<16xi32>
        %ge3A = arith.constant 0 : i32
        %ge3A_670 = vector.broadcast %ge3A : i32 to vector<16xi32>
        %ge3A_671 = arith.cmpi sge, %sub3A_669, %ge3A_670 : vector<16xi32>
        %lt3A = arith.constant 1835008 : i32
        %lt3A_672 = vector.broadcast %lt3A : i32 to vector<16xi32>
        %lt3A_673 = arith.cmpi slt, %sub3A_669, %lt3A_672 : vector<16xi32>
        %and3A = arith.andi %ge3A_671, %lt3A_673 : vector<16xi1>
        %add3A_674 = vector.broadcast %add3A_667 : i32 to vector<16xi32>
        %add3A_675 = arith.addi %iota3A, %add3A_674 : vector<16xi32>
        %select_n3A = arith.select %and3A, %sub3A_669, %add3A_675 : vector<16xi1>, vector<16xi32>
        %swap3A = arith.index_cast %add3A_667 : i32 to index
        %swap3A_676 = tpu.vector_load %arg5[%swap3A] {strides = array<i32>} : memref<4096xi32, #tpu.memory_space<vmem>>, vector<16xi32>,
        tpu.vector_store %arg5[%swap3A], %select_n3A {strides = array<i32>} : memref<4096xi32, #tpu.memory_space<vmem>>, vector<16xi32>,
        %get3A_677 = arith.index_cast %add3A_667 : i32 to index
        %get3A_678 = tpu.vector_load %arg6[%get3A_677] {strides = array<i32>} : memref<4096xf32, #tpu.memory_space<vmem>>, vector<16xf32>,
        %jit3A = arith.constant 0.000000e+00 : f32
        %broadcast_in_dim3A_679 = vector.broadcast %jit3A : f32 to vector<16xf32>
        %select_n3A_680 = arith.select %and3A, %get3A_678, %broadcast_in_dim3A_679 : vector<16xi1>, vector<16xf32>
        %swap3A_681 = arith.index_cast %add3A_667 : i32 to index
        %swap3A_682 = tpu.vector_load %arg6[%swap3A_681] {strides = array<i32>} : memref<4096xf32, #tpu.memory_space<vmem>>, vector<16xf32>,
        tpu.vector_store %arg6[%swap3A_681], %select_n3A_680 {strides = array<i32>} : memref<4096xf32, #tpu.memory_space<vmem>>, vector<16xf32>,
        %mul3A_683 = arith.constant 128 : i32
        %mul3A_684 = arith.muli %scan3A_662, %mul3A_683 : i32
        %add3A_685 = arith.constant 16 : i32
        %add3A_686 = arith.addi %mul3A_684, %add3A_685 : i32
        %get3A_687 = arith.index_cast %add3A_686 : i32 to index
        %get3A_688 = tpu.vector_load %arg5[%get3A_687] {strides = array<i32>} : memref<4096xi32, #tpu.memory_space<vmem>>, vector<16xi32>,
        %sub3A_689 = vector.broadcast %mul3A_284 : i32 to vector<16xi32>
        %sub3A_690 = arith.subi %get3A_688, %sub3A_689 : vector<16xi32>
        %ge3A_691 = arith.constant 0 : i32
        %ge3A_692 = vector.broadcast %ge3A_691 : i32 to vector<16xi32>
        %ge3A_693 = arith.cmpi sge, %sub3A_690, %ge3A_692 : vector<16xi32>
        %lt3A_694 = arith.constant 1835008 : i32
        %lt3A_695 = vector.broadcast %lt3A_694 : i32 to vector<16xi32>
        %lt3A_696 = arith.cmpi slt, %sub3A_690, %lt3A_695 : vector<16xi32>
        %and3A_697 = arith.andi %ge3A_693, %lt3A_696 : vector<16xi1>
        %add3A_698 = vector.broadcast %add3A_686 : i32 to vector<16xi32>
        %add3A_699 = arith.addi %iota3A, %add3A_698 : vector<16xi32>
        %select_n3A_700 = arith.select %and3A_697, %sub3A_690, %add3A_699 : vector<16xi1>, vector<16xi32>
        %swap3A_701 = arith.index_cast %add3A_686 : i32 to index
        %swap3A_702 = tpu.vector_load %arg5[%swap3A_701] {strides = array<i32>} : memref<4096xi32, #tpu.memory_space<vmem>>, vector<16xi32>,
        tpu.vector_store %arg5[%swap3A_701], %select_n3A_700 {strides = array<i32>} : memref<4096xi32, #tpu.memory_space<vmem>>, vector<16xi32>,
        %get3A_703 = arith.index_cast %add3A_686 : i32 to index
        %get3A_704 = tpu.vector_load %arg6[%get3A_703] {strides = array<i32>} : memref<4096xf32, #tpu.memory_space<vmem>>, vector<16xf32>,
        %jit3A_705 = arith.constant 0.000000e+00 : f32
        %broadcast_in_dim3A_706 = vector.broadcast %jit3A_705 : f32 to vector<16xf32>
        %select_n3A_707 = arith.select %and3A_697, %get3A_704, %broadcast_in_dim3A_706 : vector<16xi1>, vector<16xf32>
        %swap3A_708 = arith.index_cast %add3A_686 : i32 to index
        %swap3A_709 = tpu.vector_load %arg6[%swap3A_708] {strides = array<i32>} : memref<4096xf32, #tpu.memory_space<vmem>>, vector<16xf32>,
        tpu.vector_store %arg6[%swap3A_708], %select_n3A_707 {strides = array<i32>} : memref<4096xf32, #tpu.memory_space<vmem>>, vector<16xf32>,
        %mul3A_710 = arith.constant 128 : i32
        %mul3A_711 = arith.muli %scan3A_662, %mul3A_710 : i32
        %add3A_712 = arith.constant 32 : i32
        %add3A_713 = arith.addi %mul3A_711, %add3A_712 : i32
        %get3A_714 = arith.index_cast %add3A_713 : i32 to index
        %get3A_715 = tpu.vector_load %arg5[%get3A_714] {strides = array<i32>} : memref<4096xi32, #tpu.memory_space<vmem>>, vector<16xi32>,
        %sub3A_716 = vector.broadcast %mul3A_284 : i32 to vector<16xi32>
        %sub3A_717 = arith.subi %get3A_715, %sub3A_716 : vector<16xi32>
        %ge3A_718 = arith.constant 0 : i32
        %ge3A_719 = vector.broadcast %ge3A_718 : i32 to vector<16xi32>
        %ge3A_720 = arith.cmpi sge, %sub3A_717, %ge3A_719 : vector<16xi32>
        %lt3A_721 = arith.constant 1835008 : i32
        %lt3A_722 = vector.broadcast %lt3A_721 : i32 to vector<16xi32>
        %lt3A_723 = arith.cmpi slt, %sub3A_717, %lt3A_722 : vector<16xi32>
        %and3A_724 = arith.andi %ge3A_720, %lt3A_723 : vector<16xi1>
        %add3A_725 = vector.broadcast %add3A_713 : i32 to vector<16xi32>
        %add3A_726 = arith.addi %iota3A, %add3A_725 : vector<16xi32>
        %select_n3A_727 = arith.select %and3A_724, %sub3A_717, %add3A_726 : vector<16xi1>, vector<16xi32>
        %swap3A_728 = arith.index_cast %add3A_713 : i32 to index
        %swap3A_729 = tpu.vector_load %arg5[%swap3A_728] {strides = array<i32>} : memref<4096xi32, #tpu.memory_space<vmem>>, vector<16xi32>,
        tpu.vector_store %arg5[%swap3A_728], %select_n3A_727 {strides = array<i32>} : memref<4096xi32, #tpu.memory_space<vmem>>, vector<16xi32>,
        %get3A_730 = arith.index_cast %add3A_713 : i32 to index
        %get3A_731 = tpu.vector_load %arg6[%get3A_730] {strides = array<i32>} : memref<4096xf32, #tpu.memory_space<vmem>>, vector<16xf32>,
        %jit3A_732 = arith.constant 0.000000e+00 : f32
        %broadcast_in_dim3A_733 = vector.broadcast %jit3A_732 : f32 to vector<16xf32>
        %select_n3A_734 = arith.select %and3A_724, %get3A_731, %broadcast_in_dim3A_733 : vector<16xi1>, vector<16xf32>
        %swap3A_735 = arith.index_cast %add3A_713 : i32 to index
        %swap3A_736 = tpu.vector_load %arg6[%swap3A_735] {strides = array<i32>} : memref<4096xf32, #tpu.memory_space<vmem>>, vector<16xf32>,
        tpu.vector_store %arg6[%swap3A_735], %select_n3A_734 {strides = array<i32>} : memref<4096xf32, #tpu.memory_space<vmem>>, vector<16xf32>,
        %mul3A_737 = arith.constant 128 : i32
        %mul3A_738 = arith.muli %scan3A_662, %mul3A_737 : i32
        %add3A_739 = arith.constant 48 : i32
        %add3A_740 = arith.addi %mul3A_738, %add3A_739 : i32
        %get3A_741 = arith.index_cast %add3A_740 : i32 to index
        %get3A_742 = tpu.vector_load %arg5[%get3A_741] {strides = array<i32>} : memref<4096xi32, #tpu.memory_space<vmem>>, vector<16xi32>,
        %sub3A_743 = vector.broadcast %mul3A_284 : i32 to vector<16xi32>
        %sub3A_744 = arith.subi %get3A_742, %sub3A_743 : vector<16xi32>
        %ge3A_745 = arith.constant 0 : i32
        %ge3A_746 = vector.broadcast %ge3A_745 : i32 to vector<16xi32>
        %ge3A_747 = arith.cmpi sge, %sub3A_744, %ge3A_746 : vector<16xi32>
        %lt3A_748 = arith.constant 1835008 : i32
        %lt3A_749 = vector.broadcast %lt3A_748 : i32 to vector<16xi32>
        %lt3A_750 = arith.cmpi slt, %sub3A_744, %lt3A_749 : vector<16xi32>
        %and3A_751 = arith.andi %ge3A_747, %lt3A_750 : vector<16xi1>
        %add3A_752 = vector.broadcast %add3A_740 : i32 to vector<16xi32>
        %add3A_753 = arith.addi %iota3A, %add3A_752 : vector<16xi32>
        %select_n3A_754 = arith.select %and3A_751, %sub3A_744, %add3A_753 : vector<16xi1>, vector<16xi32>
        %swap3A_755 = arith.index_cast %add3A_740 : i32 to index
        %swap3A_756 = tpu.vector_load %arg5[%swap3A_755] {strides = array<i32>} : memref<4096xi32, #tpu.memory_space<vmem>>, vector<16xi32>,
        tpu.vector_store %arg5[%swap3A_755], %select_n3A_754 {strides = array<i32>} : memref<4096xi32, #tpu.memory_space<vmem>>, vector<16xi32>,
        %get3A_757 = arith.index_cast %add3A_740 : i32 to index
        %get3A_758 = tpu.vector_load %arg6[%get3A_757] {strides = array<i32>} : memref<4096xf32, #tpu.memory_space<vmem>>, vector<16xf32>,
        %jit3A_759 = arith.constant 0.000000e+00 : f32
        %broadcast_in_dim3A_760 = vector.broadcast %jit3A_759 : f32 to vector<16xf32>
        %select_n3A_761 = arith.select %and3A_751, %get3A_758, %broadcast_in_dim3A_760 : vector<16xi1>, vector<16xf32>
        %swap3A_762 = arith.index_cast %add3A_740 : i32 to index
        %swap3A_763 = tpu.vector_load %arg6[%swap3A_762] {strides = array<i32>} : memref<4096xf32, #tpu.memory_space<vmem>>, vector<16xf32>,
        tpu.vector_store %arg6[%swap3A_762], %select_n3A_761 {strides = array<i32>} : memref<4096xf32, #tpu.memory_space<vmem>>, vector<16xf32>,
        %mul3A_764 = arith.constant 128 : i32
        %mul3A_765 = arith.muli %scan3A_662, %mul3A_764 : i32
        %add3A_766 = arith.constant 64 : i32
        %add3A_767 = arith.addi %mul3A_765, %add3A_766 : i32
        %get3A_768 = arith.index_cast %add3A_767 : i32 to index
        %get3A_769 = tpu.vector_load %arg5[%get3A_768] {strides = array<i32>} : memref<4096xi32, #tpu.memory_space<vmem>>, vector<16xi32>,
        %sub3A_770 = vector.broadcast %mul3A_284 : i32 to vector<16xi32>
        %sub3A_771 = arith.subi %get3A_769, %sub3A_770 : vector<16xi32>
        %ge3A_772 = arith.constant 0 : i32
        %ge3A_773 = vector.broadcast %ge3A_772 : i32 to vector<16xi32>
        %ge3A_774 = arith.cmpi sge, %sub3A_771, %ge3A_773 : vector<16xi32>
        %lt3A_775 = arith.constant 1835008 : i32
        %lt3A_776 = vector.broadcast %lt3A_775 : i32 to vector<16xi32>
        %lt3A_777 = arith.cmpi slt, %sub3A_771, %lt3A_776 : vector<16xi32>
        %and3A_778 = arith.andi %ge3A_774, %lt3A_777 : vector<16xi1>
        %add3A_779 = vector.broadcast %add3A_767 : i32 to vector<16xi32>
        %add3A_780 = arith.addi %iota3A, %add3A_779 : vector<16xi32>
        %select_n3A_781 = arith.select %and3A_778, %sub3A_771, %add3A_780 : vector<16xi1>, vector<16xi32>
        %swap3A_782 = arith.index_cast %add3A_767 : i32 to index
        %swap3A_783 = tpu.vector_load %arg5[%swap3A_782] {strides = array<i32>} : memref<4096xi32, #tpu.memory_space<vmem>>, vector<16xi32>,
        tpu.vector_store %arg5[%swap3A_782], %select_n3A_781 {strides = array<i32>} : memref<4096xi32, #tpu.memory_space<vmem>>, vector<16xi32>,
        %get3A_784 = arith.index_cast %add3A_767 : i32 to index
        %get3A_785 = tpu.vector_load %arg6[%get3A_784] {strides = array<i32>} : memref<4096xf32, #tpu.memory_space<vmem>>, vector<16xf32>,
        %jit3A_786 = arith.constant 0.000000e+00 : f32
        %broadcast_in_dim3A_787 = vector.broadcast %jit3A_786 : f32 to vector<16xf32>
        %select_n3A_788 = arith.select %and3A_778, %get3A_785, %broadcast_in_dim3A_787 : vector<16xi1>, vector<16xf32>
        %swap3A_789 = arith.index_cast %add3A_767 : i32 to index
        %swap3A_790 = tpu.vector_load %arg6[%swap3A_789] {strides = array<i32>} : memref<4096xf32, #tpu.memory_space<vmem>>, vector<16xf32>,
        tpu.vector_store %arg6[%swap3A_789], %select_n3A_788 {strides = array<i32>} : memref<4096xf32, #tpu.memory_space<vmem>>, vector<16xf32>,
        %mul3A_791 = arith.constant 128 : i32
        %mul3A_792 = arith.muli %scan3A_662, %mul3A_791 : i32
        %add3A_793 = arith.constant 80 : i32
        %add3A_794 = arith.addi %mul3A_792, %add3A_793 : i32
        %get3A_795 = arith.index_cast %add3A_794 : i32 to index
        %get3A_796 = tpu.vector_load %arg5[%get3A_795] {strides = array<i32>} : memref<4096xi32, #tpu.memory_space<vmem>>, vector<16xi32>,
        %sub3A_797 = vector.broadcast %mul3A_284 : i32 to vector<16xi32>
        %sub3A_798 = arith.subi %get3A_796, %sub3A_797 : vector<16xi32>
        %ge3A_799 = arith.constant 0 : i32
        %ge3A_800 = vector.broadcast %ge3A_799 : i32 to vector<16xi32>
        %ge3A_801 = arith.cmpi sge, %sub3A_798, %ge3A_800 : vector<16xi32>
        %lt3A_802 = arith.constant 1835008 : i32
        %lt3A_803 = vector.broadcast %lt3A_802 : i32 to vector<16xi32>
        %lt3A_804 = arith.cmpi slt, %sub3A_798, %lt3A_803 : vector<16xi32>
        %and3A_805 = arith.andi %ge3A_801, %lt3A_804 : vector<16xi1>
        %add3A_806 = vector.broadcast %add3A_794 : i32 to vector<16xi32>
        %add3A_807 = arith.addi %iota3A, %add3A_806 : vector<16xi32>
        %select_n3A_808 = arith.select %and3A_805, %sub3A_798, %add3A_807 : vector<16xi1>, vector<16xi32>
        %swap3A_809 = arith.index_cast %add3A_794 : i32 to index
        %swap3A_810 = tpu.vector_load %arg5[%swap3A_809] {strides = array<i32>} : memref<4096xi32, #tpu.memory_space<vmem>>, vector<16xi32>,
        tpu.vector_store %arg5[%swap3A_809], %select_n3A_808 {strides = array<i32>} : memref<4096xi32, #tpu.memory_space<vmem>>, vector<16xi32>,
        %get3A_811 = arith.index_cast %add3A_794 : i32 to index
        %get3A_812 = tpu.vector_load %arg6[%get3A_811] {strides = array<i32>} : memref<4096xf32, #tpu.memory_space<vmem>>, vector<16xf32>,
        %jit3A_813 = arith.constant 0.000000e+00 : f32
        %broadcast_in_dim3A_814 = vector.broadcast %jit3A_813 : f32 to vector<16xf32>
        %select_n3A_815 = arith.select %and3A_805, %get3A_812, %broadcast_in_dim3A_814 : vector<16xi1>, vector<16xf32>
        %swap3A_816 = arith.index_cast %add3A_794 : i32 to index
        %swap3A_817 = tpu.vector_load %arg6[%swap3A_816] {strides = array<i32>} : memref<4096xf32, #tpu.memory_space<vmem>>, vector<16xf32>,
        tpu.vector_store %arg6[%swap3A_816], %select_n3A_815 {strides = array<i32>} : memref<4096xf32, #tpu.memory_space<vmem>>, vector<16xf32>,
        %mul3A_818 = arith.constant 128 : i32
        %mul3A_819 = arith.muli %scan3A_662, %mul3A_818 : i32
        %add3A_820 = arith.constant 96 : i32
        %add3A_821 = arith.addi %mul3A_819, %add3A_820 : i32
        %get3A_822 = arith.index_cast %add3A_821 : i32 to index
        %get3A_823 = tpu.vector_load %arg5[%get3A_822] {strides = array<i32>} : memref<4096xi32, #tpu.memory_space<vmem>>, vector<16xi32>,
        %sub3A_824 = vector.broadcast %mul3A_284 : i32 to vector<16xi32>
        %sub3A_825 = arith.subi %get3A_823, %sub3A_824 : vector<16xi32>
        %ge3A_826 = arith.constant 0 : i32
        %ge3A_827 = vector.broadcast %ge3A_826 : i32 to vector<16xi32>
        %ge3A_828 = arith.cmpi sge, %sub3A_825, %ge3A_827 : vector<16xi32>
        %lt3A_829 = arith.constant 1835008 : i32
        %lt3A_830 = vector.broadcast %lt3A_829 : i32 to vector<16xi32>
        %lt3A_831 = arith.cmpi slt, %sub3A_825, %lt3A_830 : vector<16xi32>
        %and3A_832 = arith.andi %ge3A_828, %lt3A_831 : vector<16xi1>
        %add3A_833 = vector.broadcast %add3A_821 : i32 to vector<16xi32>
        %add3A_834 = arith.addi %iota3A, %add3A_833 : vector<16xi32>
        %select_n3A_835 = arith.select %and3A_832, %sub3A_825, %add3A_834 : vector<16xi1>, vector<16xi32>
        %swap3A_836 = arith.index_cast %add3A_821 : i32 to index
        %swap3A_837 = tpu.vector_load %arg5[%swap3A_836] {strides = array<i32>} : memref<4096xi32, #tpu.memory_space<vmem>>, vector<16xi32>,
        tpu.vector_store %arg5[%swap3A_836], %select_n3A_835 {strides = array<i32>} : memref<4096xi32, #tpu.memory_space<vmem>>, vector<16xi32>,
        %get3A_838 = arith.index_cast %add3A_821 : i32 to index
        %get3A_839 = tpu.vector_load %arg6[%get3A_838] {strides = array<i32>} : memref<4096xf32, #tpu.memory_space<vmem>>, vector<16xf32>,
        %jit3A_840 = arith.constant 0.000000e+00 : f32
        %broadcast_in_dim3A_841 = vector.broadcast %jit3A_840 : f32 to vector<16xf32>
        %select_n3A_842 = arith.select %and3A_832, %get3A_839, %broadcast_in_dim3A_841 : vector<16xi1>, vector<16xf32>
        %swap3A_843 = arith.index_cast %add3A_821 : i32 to index
        %swap3A_844 = tpu.vector_load %arg6[%swap3A_843] {strides = array<i32>} : memref<4096xf32, #tpu.memory_space<vmem>>, vector<16xf32>,
        tpu.vector_store %arg6[%swap3A_843], %select_n3A_842 {strides = array<i32>} : memref<4096xf32, #tpu.memory_space<vmem>>, vector<16xf32>,
        %mul3A_845 = arith.constant 128 : i32
        %mul3A_846 = arith.muli %scan3A_662, %mul3A_845 : i32
        %add3A_847 = arith.constant 112 : i32
        %add3A_848 = arith.addi %mul3A_846, %add3A_847 : i32
        %get3A_849 = arith.index_cast %add3A_848 : i32 to index
        %get3A_850 = tpu.vector_load %arg5[%get3A_849] {strides = array<i32>} : memref<4096xi32, #tpu.memory_space<vmem>>, vector<16xi32>,
        %sub3A_851 = vector.broadcast %mul3A_284 : i32 to vector<16xi32>
        %sub3A_852 = arith.subi %get3A_850, %sub3A_851 : vector<16xi32>
        %ge3A_853 = arith.constant 0 : i32
        %ge3A_854 = vector.broadcast %ge3A_853 : i32 to vector<16xi32>
        %ge3A_855 = arith.cmpi sge, %sub3A_852, %ge3A_854 : vector<16xi32>
        %lt3A_856 = arith.constant 1835008 : i32
        %lt3A_857 = vector.broadcast %lt3A_856 : i32 to vector<16xi32>
        %lt3A_858 = arith.cmpi slt, %sub3A_852, %lt3A_857 : vector<16xi32>
        %and3A_859 = arith.andi %ge3A_855, %lt3A_858 : vector<16xi1>
        %add3A_860 = vector.broadcast %add3A_848 : i32 to vector<16xi32>
        %add3A_861 = arith.addi %iota3A, %add3A_860 : vector<16xi32>
        %select_n3A_862 = arith.select %and3A_859, %sub3A_852, %add3A_861 : vector<16xi1>, vector<16xi32>
        %swap3A_863 = arith.index_cast %add3A_848 : i32 to index
        %swap3A_864 = tpu.vector_load %arg5[%swap3A_863] {strides = array<i32>} : memref<4096xi32, #tpu.memory_space<vmem>>, vector<16xi32>,
        tpu.vector_store %arg5[%swap3A_863], %select_n3A_862 {strides = array<i32>} : memref<4096xi32, #tpu.memory_space<vmem>>, vector<16xi32>,
        %get3A_865 = arith.index_cast %add3A_848 : i32 to index
        %get3A_866 = tpu.vector_load %arg6[%get3A_865] {strides = array<i32>} : memref<4096xf32, #tpu.memory_space<vmem>>, vector<16xf32>,
        %jit3A_867 = arith.constant 0.000000e+00 : f32
        %broadcast_in_dim3A_868 = vector.broadcast %jit3A_867 : f32 to vector<16xf32>
        %select_n3A_869 = arith.select %and3A_859, %get3A_866, %broadcast_in_dim3A_868 : vector<16xi1>, vector<16xf32>
        %swap3A_870 = arith.index_cast %add3A_848 : i32 to index
        %swap3A_871 = tpu.vector_load %arg6[%swap3A_870] {strides = array<i32>} : memref<4096xf32, #tpu.memory_space<vmem>>, vector<16xf32>,
        tpu.vector_store %arg6[%swap3A_870], %select_n3A_869 {strides = array<i32>} : memref<4096xf32, #tpu.memory_space<vmem>>, vector<16xf32>,
        %scan3A_872 = arith.constant 0 : i32
        scf.yield %scan3A_872 : i32
      }
      %scan3A_660 = arith.constant 32 : i32
      "tpu.region"() ({
        %run_scoped3A = tpu.sem_alloc : memref<!tpu.dma_semaphore, #tpu.memory_space<semaphore_mem>>
        %dma_start3A = arith.constant 0 : i32
        %dma_start3A_662 = tpu.memref_slice %arg7[%dma_start3A] : memref<1835008xf32, #tpu.memory_space<vmem_shared>> -> memref<1835008xf32, #tpu.memory_space<vmem_shared>>
        tpu.enqueue_indirect_dma source(%arg6 : memref<4096xf32, #tpu.memory_space<vmem>>) target(%dma_start3A_662 : memref<1835008xf32, #tpu.memory_space<vmem_shared>>) offsets(%arg5 : memref<4096xi32, #tpu.memory_space<vmem>>) semaphore(%run_scoped3A : memref<!tpu.dma_semaphore, #tpu.memory_space<semaphore_mem>>) {add = true}
        %dma_wait3A = arith.constant 0 : i32
        %dma_wait3A_663 = tpu.memref_slice %arg7[%dma_wait3A] : memref<1835008xf32, #tpu.memory_space<vmem_shared>> -> memref<1835008xf32, #tpu.memory_space<vmem_shared>>
        tpu.wait_indirect_dma semaphore(%run_scoped3A : memref<!tpu.dma_semaphore, #tpu.memory_space<semaphore_mem>>) src(%arg6 : memref<4096xf32, #tpu.memory_space<vmem>>) dst(%dma_wait3A_663 : memref<1835008xf32, #tpu.memory_space<vmem_shared>>)
        tpu.yield
      }) : () -> ()
      %scan3A_661 = arith.constant 0 : i32
      scf.yield %scan3A_661 : i32
    }
    %scan3A_411 = arith.constant 64 : i32
    %barrier3A_412 = arith.constant 0 : index
    tpu.barrier barrier_id(%barrier3A_412)
    %mul3A_413 = arith.constant 114688 : i32
    %mul3A_414 = arith.muli %arg1, %mul3A_413 : i32
    %mul3A_415 = arith.constant 114688 : i32
    %mul3A_416 = arith.muli %arg1, %mul3A_415 : i32
    %add3A_417 = arith.addi %mul3A_284, %mul3A_416 : i32
    "tpu.region"() ({
      %run_scoped3A = tpu.sem_alloc : memref<!tpu.dma_semaphore, #tpu.memory_space<semaphore_mem>>
      %dma_start3A = tpu.memref_slice %arg4[%add3A_417] : memref<16777216xf32, #tpu.memory_space<hbm>> -> memref<114688xf32, #tpu.memory_space<hbm>>
      %dma_start3A_649 = tpu.memref_slice %arg7[%mul3A_414] : memref<1835008xf32, #tpu.memory_space<vmem_shared>> -> memref<114688xf32, #tpu.memory_space<vmem_shared>>
      tpu.enqueue_dma source(%dma_start3A_649 : memref<114688xf32, #tpu.memory_space<vmem_shared>>) target(%dma_start3A : memref<114688xf32, #tpu.memory_space<hbm>>) target_semaphore(%run_scoped3A : memref<!tpu.dma_semaphore, #tpu.memory_space<semaphore_mem>>)
      %dma_wait3A = tpu.memref_slice %arg4[%add3A_417] : memref<16777216xf32, #tpu.memory_space<hbm>> -> memref<114688xf32, #tpu.memory_space<hbm>>
      %dma_wait3A_650 = tpu.memref_slice %arg7[%mul3A_414] : memref<1835008xf32, #tpu.memory_space<vmem_shared>> -> memref<114688xf32, #tpu.memory_space<vmem_shared>>
      tpu.wait_dma2 semaphore(%run_scoped3A : memref<!tpu.dma_semaphore, #tpu.memory_space<semaphore_mem>>) src(%dma_wait3A_650 : memref<114688xf32, #tpu.memory_space<vmem_shared>>) dst(%dma_wait3A : memref<114688xf32, #tpu.memory_space<hbm>>)
      tpu.yield
    }) : () -> ()
    %barrier3A_418 = arith.constant 0 : index
    tpu.barrier barrier_id(%barrier3A_418)
    %mul3A_419 = arith.constant 4 : i32
    %mul3A_420 = arith.muli %arg0, %mul3A_419 : i32
    %add3A_421 = arith.constant 3 : i32
    %add3A_422 = arith.addi %mul3A_420, %add3A_421 : i32
    %mul3A_423 = arith.constant 1835008 : i32
    %mul3A_424 = arith.muli %add3A_422, %mul3A_423 : i32
    %scan3A_425 = arith.constant 0 : i32
    %scan3A_426 = arith.constant 0 : i32
    %scan3A_427 = arith.constant 256 : i32
    %scan3A_428 = arith.addi %scan3A_426, %scan3A_427 : i32
    %scan3A_429 = arith.constant 1 : i32
    %scan3A_430 = scf.for %scan3A_649 = %scan3A_426 to %scan3A_428 step %scan3A_429 iter_args(%scan3A_650 = %scan3A_425) -> (i32)  : i32 {
      %mul3A_651 = arith.constant 16 : i32
      %mul3A_652 = arith.muli %scan3A_649, %mul3A_651 : i32
      %swap3A = arith.index_cast %mul3A_652 : i32 to index
      %swap3A_653 = tpu.vector_load %arg6[%swap3A] {strides = array<i32>} : memref<4096xf32, #tpu.memory_space<vmem>>, vector<16xf32>,
      tpu.vector_store %arg6[%swap3A], %broadcast_in_dim3A_1 {strides = array<i32>} : memref<4096xf32, #tpu.memory_space<vmem>>, vector<16xf32>,
      %scan3A_654 = arith.constant 0 : i32
      scf.yield %scan3A_654 : i32
    }
    %scan3A_431 = arith.constant 256 : i32
    %mul3A_432 = arith.constant 114688 : i32
    %mul3A_433 = arith.muli %arg1, %mul3A_432 : i32
    %add3A_434 = arith.constant 0 : i32
    %add3A_435 = arith.addi %mul3A_433, %add3A_434 : i32
    "tpu.region"() ({
      %run_scoped3A = tpu.sem_alloc : memref<!tpu.dma_semaphore, #tpu.memory_space<semaphore_mem>>
      %dma_start3A = tpu.memref_slice %arg7[%add3A_435] : memref<1835008xf32, #tpu.memory_space<vmem_shared>> -> memref<4096xf32, #tpu.memory_space<vmem_shared>>
      %dma_start3A_649 = tpu.memref_slice %arg7[%add3A_435] : memref<1835008xf32, #tpu.memory_space<vmem_shared>> -> memref<4096xf32, #tpu.memory_space<vmem_shared>>
      tpu.enqueue_dma source(%arg6 : memref<4096xf32, #tpu.memory_space<vmem>>) target(%dma_start3A_649 : memref<4096xf32, #tpu.memory_space<vmem_shared>>) target_semaphore(%run_scoped3A : memref<!tpu.dma_semaphore, #tpu.memory_space<semaphore_mem>>)
      %dma_wait3A = tpu.memref_slice %arg7[%add3A_435] : memref<1835008xf32, #tpu.memory_space<vmem_shared>> -> memref<4096xf32, #tpu.memory_space<vmem_shared>>
      %dma_wait3A_650 = tpu.memref_slice %arg7[%add3A_435] : memref<1835008xf32, #tpu.memory_space<vmem_shared>> -> memref<4096xf32, #tpu.memory_space<vmem_shared>>
      tpu.wait_dma2 semaphore(%run_scoped3A : memref<!tpu.dma_semaphore, #tpu.memory_space<semaphore_mem>>) src(%arg6 : memref<4096xf32, #tpu.memory_space<vmem>>) dst(%dma_wait3A_650 : memref<4096xf32, #tpu.memory_space<vmem_shared>>)
      tpu.yield
    }) : () -> ()
    %mul3A_436 = arith.constant 114688 : i32
    %mul3A_437 = arith.muli %arg1, %mul3A_436 : i32
    %add3A_438 = arith.constant 4096 : i32
    %add3A_439 = arith.addi %mul3A_437, %add3A_438 : i32
    "tpu.region"() ({
      %run_scoped3A = tpu.sem_alloc : memref<!tpu.dma_semaphore, #tpu.memory_space<semaphore_mem>>
      %dma_start3A = tpu.memref_slice %arg7[%add3A_439] : memref<1835008xf32, #tpu.memory_space<vmem_shared>> -> memref<4096xf32, #tpu.memory_space<vmem_shared>>
      %dma_start3A_649 = tpu.memref_slice %arg7[%add3A_439] : memref<1835008xf32, #tpu.memory_space<vmem_shared>> -> memref<4096xf32, #tpu.memory_space<vmem_shared>>
      tpu.enqueue_dma source(%arg6 : memref<4096xf32, #tpu.memory_space<vmem>>) target(%dma_start3A_649 : memref<4096xf32, #tpu.memory_space<vmem_shared>>) target_semaphore(%run_scoped3A : memref<!tpu.dma_semaphore, #tpu.memory_space<semaphore_mem>>)
      %dma_wait3A = tpu.memref_slice %arg7[%add3A_439] : memref<1835008xf32, #tpu.memory_space<vmem_shared>> -> memref<4096xf32, #tpu.memory_space<vmem_shared>>
      %dma_wait3A_650 = tpu.memref_slice %arg7[%add3A_439] : memref<1835008xf32, #tpu.memory_space<vmem_shared>> -> memref<4096xf32, #tpu.memory_space<vmem_shared>>
      tpu.wait_dma2 semaphore(%run_scoped3A : memref<!tpu.dma_semaphore, #tpu.memory_space<semaphore_mem>>) src(%arg6 : memref<4096xf32, #tpu.memory_space<vmem>>) dst(%dma_wait3A_650 : memref<4096xf32, #tpu.memory_space<vmem_shared>>)
      tpu.yield
    }) : () -> ()
    %mul3A_440 = arith.constant 114688 : i32
    %mul3A_441 = arith.muli %arg1, %mul3A_440 : i32
    %add3A_442 = arith.constant 8192 : i32
    %add3A_443 = arith.addi %mul3A_441, %add3A_442 : i32
    "tpu.region"() ({
      %run_scoped3A = tpu.sem_alloc : memref<!tpu.dma_semaphore, #tpu.memory_space<semaphore_mem>>
      %dma_start3A = tpu.memref_slice %arg7[%add3A_443] : memref<1835008xf32, #tpu.memory_space<vmem_shared>> -> memref<4096xf32, #tpu.memory_space<vmem_shared>>
      %dma_start3A_649 = tpu.memref_slice %arg7[%add3A_443] : memref<1835008xf32, #tpu.memory_space<vmem_shared>> -> memref<4096xf32, #tpu.memory_space<vmem_shared>>
      tpu.enqueue_dma source(%arg6 : memref<4096xf32, #tpu.memory_space<vmem>>) target(%dma_start3A_649 : memref<4096xf32, #tpu.memory_space<vmem_shared>>) target_semaphore(%run_scoped3A : memref<!tpu.dma_semaphore, #tpu.memory_space<semaphore_mem>>)
      %dma_wait3A = tpu.memref_slice %arg7[%add3A_443] : memref<1835008xf32, #tpu.memory_space<vmem_shared>> -> memref<4096xf32, #tpu.memory_space<vmem_shared>>
      %dma_wait3A_650 = tpu.memref_slice %arg7[%add3A_443] : memref<1835008xf32, #tpu.memory_space<vmem_shared>> -> memref<4096xf32, #tpu.memory_space<vmem_shared>>
      tpu.wait_dma2 semaphore(%run_scoped3A : memref<!tpu.dma_semaphore, #tpu.memory_space<semaphore_mem>>) src(%arg6 : memref<4096xf32, #tpu.memory_space<vmem>>) dst(%dma_wait3A_650 : memref<4096xf32, #tpu.memory_space<vmem_shared>>)
      tpu.yield
    }) : () -> ()
    %mul3A_444 = arith.constant 114688 : i32
    %mul3A_445 = arith.muli %arg1, %mul3A_444 : i32
    %add3A_446 = arith.constant 12288 : i32
    %add3A_447 = arith.addi %mul3A_445, %add3A_446 : i32
    "tpu.region"() ({
      %run_scoped3A = tpu.sem_alloc : memref<!tpu.dma_semaphore, #tpu.memory_space<semaphore_mem>>
      %dma_start3A = tpu.memref_slice %arg7[%add3A_447] : memref<1835008xf32, #tpu.memory_space<vmem_shared>> -> memref<4096xf32, #tpu.memory_space<vmem_shared>>
      %dma_start3A_649 = tpu.memref_slice %arg7[%add3A_447] : memref<1835008xf32, #tpu.memory_space<vmem_shared>> -> memref<4096xf32, #tpu.memory_space<vmem_shared>>
      tpu.enqueue_dma source(%arg6 : memref<4096xf32, #tpu.memory_space<vmem>>) target(%dma_start3A_649 : memref<4096xf32, #tpu.memory_space<vmem_shared>>) target_semaphore(%run_scoped3A : memref<!tpu.dma_semaphore, #tpu.memory_space<semaphore_mem>>)
      %dma_wait3A = tpu.memref_slice %arg7[%add3A_447] : memref<1835008xf32, #tpu.memory_space<vmem_shared>> -> memref<4096xf32, #tpu.memory_space<vmem_shared>>
      %dma_wait3A_650 = tpu.memref_slice %arg7[%add3A_447] : memref<1835008xf32, #tpu.memory_space<vmem_shared>> -> memref<4096xf32, #tpu.memory_space<vmem_shared>>
      tpu.wait_dma2 semaphore(%run_scoped3A : memref<!tpu.dma_semaphore, #tpu.memory_space<semaphore_mem>>) src(%arg6 : memref<4096xf32, #tpu.memory_space<vmem>>) dst(%dma_wait3A_650 : memref<4096xf32, #tpu.memory_space<vmem_shared>>)
      tpu.yield
    }) : () -> ()
    %mul3A_448 = arith.constant 114688 : i32
    %mul3A_449 = arith.muli %arg1, %mul3A_448 : i32
    %add3A_450 = arith.constant 16384 : i32
    %add3A_451 = arith.addi %mul3A_449, %add3A_450 : i32
    "tpu.region"() ({
      %run_scoped3A = tpu.sem_alloc : memref<!tpu.dma_semaphore, #tpu.memory_space<semaphore_mem>>
      %dma_start3A = tpu.memref_slice %arg7[%add3A_451] : memref<1835008xf32, #tpu.memory_space<vmem_shared>> -> memref<4096xf32, #tpu.memory_space<vmem_shared>>
      %dma_start3A_649 = tpu.memref_slice %arg7[%add3A_451] : memref<1835008xf32, #tpu.memory_space<vmem_shared>> -> memref<4096xf32, #tpu.memory_space<vmem_shared>>
      tpu.enqueue_dma source(%arg6 : memref<4096xf32, #tpu.memory_space<vmem>>) target(%dma_start3A_649 : memref<4096xf32, #tpu.memory_space<vmem_shared>>) target_semaphore(%run_scoped3A : memref<!tpu.dma_semaphore, #tpu.memory_space<semaphore_mem>>)
      %dma_wait3A = tpu.memref_slice %arg7[%add3A_451] : memref<1835008xf32, #tpu.memory_space<vmem_shared>> -> memref<4096xf32, #tpu.memory_space<vmem_shared>>
      %dma_wait3A_650 = tpu.memref_slice %arg7[%add3A_451] : memref<1835008xf32, #tpu.memory_space<vmem_shared>> -> memref<4096xf32, #tpu.memory_space<vmem_shared>>
      tpu.wait_dma2 semaphore(%run_scoped3A : memref<!tpu.dma_semaphore, #tpu.memory_space<semaphore_mem>>) src(%arg6 : memref<4096xf32, #tpu.memory_space<vmem>>) dst(%dma_wait3A_650 : memref<4096xf32, #tpu.memory_space<vmem_shared>>)
      tpu.yield
    }) : () -> ()
    %mul3A_452 = arith.constant 114688 : i32
    %mul3A_453 = arith.muli %arg1, %mul3A_452 : i32
    %add3A_454 = arith.constant 20480 : i32
    %add3A_455 = arith.addi %mul3A_453, %add3A_454 : i32
    "tpu.region"() ({
      %run_scoped3A = tpu.sem_alloc : memref<!tpu.dma_semaphore, #tpu.memory_space<semaphore_mem>>
      %dma_start3A = tpu.memref_slice %arg7[%add3A_455] : memref<1835008xf32, #tpu.memory_space<vmem_shared>> -> memref<4096xf32, #tpu.memory_space<vmem_shared>>
      %dma_start3A_649 = tpu.memref_slice %arg7[%add3A_455] : memref<1835008xf32, #tpu.memory_space<vmem_shared>> -> memref<4096xf32, #tpu.memory_space<vmem_shared>>
      tpu.enqueue_dma source(%arg6 : memref<4096xf32, #tpu.memory_space<vmem>>) target(%dma_start3A_649 : memref<4096xf32, #tpu.memory_space<vmem_shared>>) target_semaphore(%run_scoped3A : memref<!tpu.dma_semaphore, #tpu.memory_space<semaphore_mem>>)
      %dma_wait3A = tpu.memref_slice %arg7[%add3A_455] : memref<1835008xf32, #tpu.memory_space<vmem_shared>> -> memref<4096xf32, #tpu.memory_space<vmem_shared>>
      %dma_wait3A_650 = tpu.memref_slice %arg7[%add3A_455] : memref<1835008xf32, #tpu.memory_space<vmem_shared>> -> memref<4096xf32, #tpu.memory_space<vmem_shared>>
      tpu.wait_dma2 semaphore(%run_scoped3A : memref<!tpu.dma_semaphore, #tpu.memory_space<semaphore_mem>>) src(%arg6 : memref<4096xf32, #tpu.memory_space<vmem>>) dst(%dma_wait3A_650 : memref<4096xf32, #tpu.memory_space<vmem_shared>>)
      tpu.yield
    }) : () -> ()
    %mul3A_456 = arith.constant 114688 : i32
    %mul3A_457 = arith.muli %arg1, %mul3A_456 : i32
    %add3A_458 = arith.constant 24576 : i32
    %add3A_459 = arith.addi %mul3A_457, %add3A_458 : i32
    "tpu.region"() ({
      %run_scoped3A = tpu.sem_alloc : memref<!tpu.dma_semaphore, #tpu.memory_space<semaphore_mem>>
      %dma_start3A = tpu.memref_slice %arg7[%add3A_459] : memref<1835008xf32, #tpu.memory_space<vmem_shared>> -> memref<4096xf32, #tpu.memory_space<vmem_shared>>
      %dma_start3A_649 = tpu.memref_slice %arg7[%add3A_459] : memref<1835008xf32, #tpu.memory_space<vmem_shared>> -> memref<4096xf32, #tpu.memory_space<vmem_shared>>
      tpu.enqueue_dma source(%arg6 : memref<4096xf32, #tpu.memory_space<vmem>>) target(%dma_start3A_649 : memref<4096xf32, #tpu.memory_space<vmem_shared>>) target_semaphore(%run_scoped3A : memref<!tpu.dma_semaphore, #tpu.memory_space<semaphore_mem>>)
      %dma_wait3A = tpu.memref_slice %arg7[%add3A_459] : memref<1835008xf32, #tpu.memory_space<vmem_shared>> -> memref<4096xf32, #tpu.memory_space<vmem_shared>>
      %dma_wait3A_650 = tpu.memref_slice %arg7[%add3A_459] : memref<1835008xf32, #tpu.memory_space<vmem_shared>> -> memref<4096xf32, #tpu.memory_space<vmem_shared>>
      tpu.wait_dma2 semaphore(%run_scoped3A : memref<!tpu.dma_semaphore, #tpu.memory_space<semaphore_mem>>) src(%arg6 : memref<4096xf32, #tpu.memory_space<vmem>>) dst(%dma_wait3A_650 : memref<4096xf32, #tpu.memory_space<vmem_shared>>)
      tpu.yield
    }) : () -> ()
    %mul3A_460 = arith.constant 114688 : i32
    %mul3A_461 = arith.muli %arg1, %mul3A_460 : i32
    %add3A_462 = arith.constant 28672 : i32
    %add3A_463 = arith.addi %mul3A_461, %add3A_462 : i32
    "tpu.region"() ({
      %run_scoped3A = tpu.sem_alloc : memref<!tpu.dma_semaphore, #tpu.memory_space<semaphore_mem>>
      %dma_start3A = tpu.memref_slice %arg7[%add3A_463] : memref<1835008xf32, #tpu.memory_space<vmem_shared>> -> memref<4096xf32, #tpu.memory_space<vmem_shared>>
      %dma_start3A_649 = tpu.memref_slice %arg7[%add3A_463] : memref<1835008xf32, #tpu.memory_space<vmem_shared>> -> memref<4096xf32, #tpu.memory_space<vmem_shared>>
      tpu.enqueue_dma source(%arg6 : memref<4096xf32, #tpu.memory_space<vmem>>) target(%dma_start3A_649 : memref<4096xf32, #tpu.memory_space<vmem_shared>>) target_semaphore(%run_scoped3A : memref<!tpu.dma_semaphore, #tpu.memory_space<semaphore_mem>>)
      %dma_wait3A = tpu.memref_slice %arg7[%add3A_463] : memref<1835008xf32, #tpu.memory_space<vmem_shared>> -> memref<4096xf32, #tpu.memory_space<vmem_shared>>
      %dma_wait3A_650 = tpu.memref_slice %arg7[%add3A_463] : memref<1835008xf32, #tpu.memory_space<vmem_shared>> -> memref<4096xf32, #tpu.memory_space<vmem_shared>>
      tpu.wait_dma2 semaphore(%run_scoped3A : memref<!tpu.dma_semaphore, #tpu.memory_space<semaphore_mem>>) src(%arg6 : memref<4096xf32, #tpu.memory_space<vmem>>) dst(%dma_wait3A_650 : memref<4096xf32, #tpu.memory_space<vmem_shared>>)
      tpu.yield
    }) : () -> ()
    %mul3A_464 = arith.constant 114688 : i32
    %mul3A_465 = arith.muli %arg1, %mul3A_464 : i32
    %add3A_466 = arith.constant 32768 : i32
    %add3A_467 = arith.addi %mul3A_465, %add3A_466 : i32
    "tpu.region"() ({
      %run_scoped3A = tpu.sem_alloc : memref<!tpu.dma_semaphore, #tpu.memory_space<semaphore_mem>>
      %dma_start3A = tpu.memref_slice %arg7[%add3A_467] : memref<1835008xf32, #tpu.memory_space<vmem_shared>> -> memref<4096xf32, #tpu.memory_space<vmem_shared>>
      %dma_start3A_649 = tpu.memref_slice %arg7[%add3A_467] : memref<1835008xf32, #tpu.memory_space<vmem_shared>> -> memref<4096xf32, #tpu.memory_space<vmem_shared>>
      tpu.enqueue_dma source(%arg6 : memref<4096xf32, #tpu.memory_space<vmem>>) target(%dma_start3A_649 : memref<4096xf32, #tpu.memory_space<vmem_shared>>) target_semaphore(%run_scoped3A : memref<!tpu.dma_semaphore, #tpu.memory_space<semaphore_mem>>)
      %dma_wait3A = tpu.memref_slice %arg7[%add3A_467] : memref<1835008xf32, #tpu.memory_space<vmem_shared>> -> memref<4096xf32, #tpu.memory_space<vmem_shared>>
      %dma_wait3A_650 = tpu.memref_slice %arg7[%add3A_467] : memref<1835008xf32, #tpu.memory_space<vmem_shared>> -> memref<4096xf32, #tpu.memory_space<vmem_shared>>
      tpu.wait_dma2 semaphore(%run_scoped3A : memref<!tpu.dma_semaphore, #tpu.memory_space<semaphore_mem>>) src(%arg6 : memref<4096xf32, #tpu.memory_space<vmem>>) dst(%dma_wait3A_650 : memref<4096xf32, #tpu.memory_space<vmem_shared>>)
      tpu.yield
    }) : () -> ()
    %mul3A_468 = arith.constant 114688 : i32
    %mul3A_469 = arith.muli %arg1, %mul3A_468 : i32
    %add3A_470 = arith.constant 36864 : i32
    %add3A_471 = arith.addi %mul3A_469, %add3A_470 : i32
    "tpu.region"() ({
      %run_scoped3A = tpu.sem_alloc : memref<!tpu.dma_semaphore, #tpu.memory_space<semaphore_mem>>
      %dma_start3A = tpu.memref_slice %arg7[%add3A_471] : memref<1835008xf32, #tpu.memory_space<vmem_shared>> -> memref<4096xf32, #tpu.memory_space<vmem_shared>>
      %dma_start3A_649 = tpu.memref_slice %arg7[%add3A_471] : memref<1835008xf32, #tpu.memory_space<vmem_shared>> -> memref<4096xf32, #tpu.memory_space<vmem_shared>>
      tpu.enqueue_dma source(%arg6 : memref<4096xf32, #tpu.memory_space<vmem>>) target(%dma_start3A_649 : memref<4096xf32, #tpu.memory_space<vmem_shared>>) target_semaphore(%run_scoped3A : memref<!tpu.dma_semaphore, #tpu.memory_space<semaphore_mem>>)
      %dma_wait3A = tpu.memref_slice %arg7[%add3A_471] : memref<1835008xf32, #tpu.memory_space<vmem_shared>> -> memref<4096xf32, #tpu.memory_space<vmem_shared>>
      %dma_wait3A_650 = tpu.memref_slice %arg7[%add3A_471] : memref<1835008xf32, #tpu.memory_space<vmem_shared>> -> memref<4096xf32, #tpu.memory_space<vmem_shared>>
      tpu.wait_dma2 semaphore(%run_scoped3A : memref<!tpu.dma_semaphore, #tpu.memory_space<semaphore_mem>>) src(%arg6 : memref<4096xf32, #tpu.memory_space<vmem>>) dst(%dma_wait3A_650 : memref<4096xf32, #tpu.memory_space<vmem_shared>>)
      tpu.yield
    }) : () -> ()
    %mul3A_472 = arith.constant 114688 : i32
    %mul3A_473 = arith.muli %arg1, %mul3A_472 : i32
    %add3A_474 = arith.constant 40960 : i32
    %add3A_475 = arith.addi %mul3A_473, %add3A_474 : i32
    "tpu.region"() ({
      %run_scoped3A = tpu.sem_alloc : memref<!tpu.dma_semaphore, #tpu.memory_space<semaphore_mem>>
      %dma_start3A = tpu.memref_slice %arg7[%add3A_475] : memref<1835008xf32, #tpu.memory_space<vmem_shared>> -> memref<4096xf32, #tpu.memory_space<vmem_shared>>
      %dma_start3A_649 = tpu.memref_slice %arg7[%add3A_475] : memref<1835008xf32, #tpu.memory_space<vmem_shared>> -> memref<4096xf32, #tpu.memory_space<vmem_shared>>
      tpu.enqueue_dma source(%arg6 : memref<4096xf32, #tpu.memory_space<vmem>>) target(%dma_start3A_649 : memref<4096xf32, #tpu.memory_space<vmem_shared>>) target_semaphore(%run_scoped3A : memref<!tpu.dma_semaphore, #tpu.memory_space<semaphore_mem>>)
      %dma_wait3A = tpu.memref_slice %arg7[%add3A_475] : memref<1835008xf32, #tpu.memory_space<vmem_shared>> -> memref<4096xf32, #tpu.memory_space<vmem_shared>>
      %dma_wait3A_650 = tpu.memref_slice %arg7[%add3A_475] : memref<1835008xf32, #tpu.memory_space<vmem_shared>> -> memref<4096xf32, #tpu.memory_space<vmem_shared>>
      tpu.wait_dma2 semaphore(%run_scoped3A : memref<!tpu.dma_semaphore, #tpu.memory_space<semaphore_mem>>) src(%arg6 : memref<4096xf32, #tpu.memory_space<vmem>>) dst(%dma_wait3A_650 : memref<4096xf32, #tpu.memory_space<vmem_shared>>)
      tpu.yield
    }) : () -> ()
    %mul3A_476 = arith.constant 114688 : i32
    %mul3A_477 = arith.muli %arg1, %mul3A_476 : i32
    %add3A_478 = arith.constant 45056 : i32
    %add3A_479 = arith.addi %mul3A_477, %add3A_478 : i32
    "tpu.region"() ({
      %run_scoped3A = tpu.sem_alloc : memref<!tpu.dma_semaphore, #tpu.memory_space<semaphore_mem>>
      %dma_start3A = tpu.memref_slice %arg7[%add3A_479] : memref<1835008xf32, #tpu.memory_space<vmem_shared>> -> memref<4096xf32, #tpu.memory_space<vmem_shared>>
      %dma_start3A_649 = tpu.memref_slice %arg7[%add3A_479] : memref<1835008xf32, #tpu.memory_space<vmem_shared>> -> memref<4096xf32, #tpu.memory_space<vmem_shared>>
      tpu.enqueue_dma source(%arg6 : memref<4096xf32, #tpu.memory_space<vmem>>) target(%dma_start3A_649 : memref<4096xf32, #tpu.memory_space<vmem_shared>>) target_semaphore(%run_scoped3A : memref<!tpu.dma_semaphore, #tpu.memory_space<semaphore_mem>>)
      %dma_wait3A = tpu.memref_slice %arg7[%add3A_479] : memref<1835008xf32, #tpu.memory_space<vmem_shared>> -> memref<4096xf32, #tpu.memory_space<vmem_shared>>
      %dma_wait3A_650 = tpu.memref_slice %arg7[%add3A_479] : memref<1835008xf32, #tpu.memory_space<vmem_shared>> -> memref<4096xf32, #tpu.memory_space<vmem_shared>>
      tpu.wait_dma2 semaphore(%run_scoped3A : memref<!tpu.dma_semaphore, #tpu.memory_space<semaphore_mem>>) src(%arg6 : memref<4096xf32, #tpu.memory_space<vmem>>) dst(%dma_wait3A_650 : memref<4096xf32, #tpu.memory_space<vmem_shared>>)
      tpu.yield
    }) : () -> ()
    %mul3A_480 = arith.constant 114688 : i32
    %mul3A_481 = arith.muli %arg1, %mul3A_480 : i32
    %add3A_482 = arith.constant 49152 : i32
    %add3A_483 = arith.addi %mul3A_481, %add3A_482 : i32
    "tpu.region"() ({
      %run_scoped3A = tpu.sem_alloc : memref<!tpu.dma_semaphore, #tpu.memory_space<semaphore_mem>>
      %dma_start3A = tpu.memref_slice %arg7[%add3A_483] : memref<1835008xf32, #tpu.memory_space<vmem_shared>> -> memref<4096xf32, #tpu.memory_space<vmem_shared>>
      %dma_start3A_649 = tpu.memref_slice %arg7[%add3A_483] : memref<1835008xf32, #tpu.memory_space<vmem_shared>> -> memref<4096xf32, #tpu.memory_space<vmem_shared>>
      tpu.enqueue_dma source(%arg6 : memref<4096xf32, #tpu.memory_space<vmem>>) target(%dma_start3A_649 : memref<4096xf32, #tpu.memory_space<vmem_shared>>) target_semaphore(%run_scoped3A : memref<!tpu.dma_semaphore, #tpu.memory_space<semaphore_mem>>)
      %dma_wait3A = tpu.memref_slice %arg7[%add3A_483] : memref<1835008xf32, #tpu.memory_space<vmem_shared>> -> memref<4096xf32, #tpu.memory_space<vmem_shared>>
      %dma_wait3A_650 = tpu.memref_slice %arg7[%add3A_483] : memref<1835008xf32, #tpu.memory_space<vmem_shared>> -> memref<4096xf32, #tpu.memory_space<vmem_shared>>
      tpu.wait_dma2 semaphore(%run_scoped3A : memref<!tpu.dma_semaphore, #tpu.memory_space<semaphore_mem>>) src(%arg6 : memref<4096xf32, #tpu.memory_space<vmem>>) dst(%dma_wait3A_650 : memref<4096xf32, #tpu.memory_space<vmem_shared>>)
      tpu.yield
    }) : () -> ()
    %mul3A_484 = arith.constant 114688 : i32
    %mul3A_485 = arith.muli %arg1, %mul3A_484 : i32
    %add3A_486 = arith.constant 53248 : i32
    %add3A_487 = arith.addi %mul3A_485, %add3A_486 : i32
    "tpu.region"() ({
      %run_scoped3A = tpu.sem_alloc : memref<!tpu.dma_semaphore, #tpu.memory_space<semaphore_mem>>
      %dma_start3A = tpu.memref_slice %arg7[%add3A_487] : memref<1835008xf32, #tpu.memory_space<vmem_shared>> -> memref<4096xf32, #tpu.memory_space<vmem_shared>>
      %dma_start3A_649 = tpu.memref_slice %arg7[%add3A_487] : memref<1835008xf32, #tpu.memory_space<vmem_shared>> -> memref<4096xf32, #tpu.memory_space<vmem_shared>>
      tpu.enqueue_dma source(%arg6 : memref<4096xf32, #tpu.memory_space<vmem>>) target(%dma_start3A_649 : memref<4096xf32, #tpu.memory_space<vmem_shared>>) target_semaphore(%run_scoped3A : memref<!tpu.dma_semaphore, #tpu.memory_space<semaphore_mem>>)
      %dma_wait3A = tpu.memref_slice %arg7[%add3A_487] : memref<1835008xf32, #tpu.memory_space<vmem_shared>> -> memref<4096xf32, #tpu.memory_space<vmem_shared>>
      %dma_wait3A_650 = tpu.memref_slice %arg7[%add3A_487] : memref<1835008xf32, #tpu.memory_space<vmem_shared>> -> memref<4096xf32, #tpu.memory_space<vmem_shared>>
      tpu.wait_dma2 semaphore(%run_scoped3A : memref<!tpu.dma_semaphore, #tpu.memory_space<semaphore_mem>>) src(%arg6 : memref<4096xf32, #tpu.memory_space<vmem>>) dst(%dma_wait3A_650 : memref<4096xf32, #tpu.memory_space<vmem_shared>>)
      tpu.yield
    }) : () -> ()
    %mul3A_488 = arith.constant 114688 : i32
    %mul3A_489 = arith.muli %arg1, %mul3A_488 : i32
    %add3A_490 = arith.constant 57344 : i32
    %add3A_491 = arith.addi %mul3A_489, %add3A_490 : i32
    "tpu.region"() ({
      %run_scoped3A = tpu.sem_alloc : memref<!tpu.dma_semaphore, #tpu.memory_space<semaphore_mem>>
      %dma_start3A = tpu.memref_slice %arg7[%add3A_491] : memref<1835008xf32, #tpu.memory_space<vmem_shared>> -> memref<4096xf32, #tpu.memory_space<vmem_shared>>
      %dma_start3A_649 = tpu.memref_slice %arg7[%add3A_491] : memref<1835008xf32, #tpu.memory_space<vmem_shared>> -> memref<4096xf32, #tpu.memory_space<vmem_shared>>
      tpu.enqueue_dma source(%arg6 : memref<4096xf32, #tpu.memory_space<vmem>>) target(%dma_start3A_649 : memref<4096xf32, #tpu.memory_space<vmem_shared>>) target_semaphore(%run_scoped3A : memref<!tpu.dma_semaphore, #tpu.memory_space<semaphore_mem>>)
      %dma_wait3A = tpu.memref_slice %arg7[%add3A_491] : memref<1835008xf32, #tpu.memory_space<vmem_shared>> -> memref<4096xf32, #tpu.memory_space<vmem_shared>>
      %dma_wait3A_650 = tpu.memref_slice %arg7[%add3A_491] : memref<1835008xf32, #tpu.memory_space<vmem_shared>> -> memref<4096xf32, #tpu.memory_space<vmem_shared>>
      tpu.wait_dma2 semaphore(%run_scoped3A : memref<!tpu.dma_semaphore, #tpu.memory_space<semaphore_mem>>) src(%arg6 : memref<4096xf32, #tpu.memory_space<vmem>>) dst(%dma_wait3A_650 : memref<4096xf32, #tpu.memory_space<vmem_shared>>)
      tpu.yield
    }) : () -> ()
    %mul3A_492 = arith.constant 114688 : i32
    %mul3A_493 = arith.muli %arg1, %mul3A_492 : i32
    %add3A_494 = arith.constant 61440 : i32
    %add3A_495 = arith.addi %mul3A_493, %add3A_494 : i32
    "tpu.region"() ({
      %run_scoped3A = tpu.sem_alloc : memref<!tpu.dma_semaphore, #tpu.memory_space<semaphore_mem>>
      %dma_start3A = tpu.memref_slice %arg7[%add3A_495] : memref<1835008xf32, #tpu.memory_space<vmem_shared>> -> memref<4096xf32, #tpu.memory_space<vmem_shared>>
      %dma_start3A_649 = tpu.memref_slice %arg7[%add3A_495] : memref<1835008xf32, #tpu.memory_space<vmem_shared>> -> memref<4096xf32, #tpu.memory_space<vmem_shared>>
      tpu.enqueue_dma source(%arg6 : memref<4096xf32, #tpu.memory_space<vmem>>) target(%dma_start3A_649 : memref<4096xf32, #tpu.memory_space<vmem_shared>>) target_semaphore(%run_scoped3A : memref<!tpu.dma_semaphore, #tpu.memory_space<semaphore_mem>>)
      %dma_wait3A = tpu.memref_slice %arg7[%add3A_495] : memref<1835008xf32, #tpu.memory_space<vmem_shared>> -> memref<4096xf32, #tpu.memory_space<vmem_shared>>
      %dma_wait3A_650 = tpu.memref_slice %arg7[%add3A_495] : memref<1835008xf32, #tpu.memory_space<vmem_shared>> -> memref<4096xf32, #tpu.memory_space<vmem_shared>>
      tpu.wait_dma2 semaphore(%run_scoped3A : memref<!tpu.dma_semaphore, #tpu.memory_space<semaphore_mem>>) src(%arg6 : memref<4096xf32, #tpu.memory_space<vmem>>) dst(%dma_wait3A_650 : memref<4096xf32, #tpu.memory_space<vmem_shared>>)
      tpu.yield
    }) : () -> ()
    %mul3A_496 = arith.constant 114688 : i32
    %mul3A_497 = arith.muli %arg1, %mul3A_496 : i32
    %add3A_498 = arith.constant 65536 : i32
    %add3A_499 = arith.addi %mul3A_497, %add3A_498 : i32
    "tpu.region"() ({
      %run_scoped3A = tpu.sem_alloc : memref<!tpu.dma_semaphore, #tpu.memory_space<semaphore_mem>>
      %dma_start3A = tpu.memref_slice %arg7[%add3A_499] : memref<1835008xf32, #tpu.memory_space<vmem_shared>> -> memref<4096xf32, #tpu.memory_space<vmem_shared>>
      %dma_start3A_649 = tpu.memref_slice %arg7[%add3A_499] : memref<1835008xf32, #tpu.memory_space<vmem_shared>> -> memref<4096xf32, #tpu.memory_space<vmem_shared>>
      tpu.enqueue_dma source(%arg6 : memref<4096xf32, #tpu.memory_space<vmem>>) target(%dma_start3A_649 : memref<4096xf32, #tpu.memory_space<vmem_shared>>) target_semaphore(%run_scoped3A : memref<!tpu.dma_semaphore, #tpu.memory_space<semaphore_mem>>)
      %dma_wait3A = tpu.memref_slice %arg7[%add3A_499] : memref<1835008xf32, #tpu.memory_space<vmem_shared>> -> memref<4096xf32, #tpu.memory_space<vmem_shared>>
      %dma_wait3A_650 = tpu.memref_slice %arg7[%add3A_499] : memref<1835008xf32, #tpu.memory_space<vmem_shared>> -> memref<4096xf32, #tpu.memory_space<vmem_shared>>
      tpu.wait_dma2 semaphore(%run_scoped3A : memref<!tpu.dma_semaphore, #tpu.memory_space<semaphore_mem>>) src(%arg6 : memref<4096xf32, #tpu.memory_space<vmem>>) dst(%dma_wait3A_650 : memref<4096xf32, #tpu.memory_space<vmem_shared>>)
      tpu.yield
    }) : () -> ()
    %mul3A_500 = arith.constant 114688 : i32
    %mul3A_501 = arith.muli %arg1, %mul3A_500 : i32
    %add3A_502 = arith.constant 69632 : i32
    %add3A_503 = arith.addi %mul3A_501, %add3A_502 : i32
    "tpu.region"() ({
      %run_scoped3A = tpu.sem_alloc : memref<!tpu.dma_semaphore, #tpu.memory_space<semaphore_mem>>
      %dma_start3A = tpu.memref_slice %arg7[%add3A_503] : memref<1835008xf32, #tpu.memory_space<vmem_shared>> -> memref<4096xf32, #tpu.memory_space<vmem_shared>>
      %dma_start3A_649 = tpu.memref_slice %arg7[%add3A_503] : memref<1835008xf32, #tpu.memory_space<vmem_shared>> -> memref<4096xf32, #tpu.memory_space<vmem_shared>>
      tpu.enqueue_dma source(%arg6 : memref<4096xf32, #tpu.memory_space<vmem>>) target(%dma_start3A_649 : memref<4096xf32, #tpu.memory_space<vmem_shared>>) target_semaphore(%run_scoped3A : memref<!tpu.dma_semaphore, #tpu.memory_space<semaphore_mem>>)
      %dma_wait3A = tpu.memref_slice %arg7[%add3A_503] : memref<1835008xf32, #tpu.memory_space<vmem_shared>> -> memref<4096xf32, #tpu.memory_space<vmem_shared>>
      %dma_wait3A_650 = tpu.memref_slice %arg7[%add3A_503] : memref<1835008xf32, #tpu.memory_space<vmem_shared>> -> memref<4096xf32, #tpu.memory_space<vmem_shared>>
      tpu.wait_dma2 semaphore(%run_scoped3A : memref<!tpu.dma_semaphore, #tpu.memory_space<semaphore_mem>>) src(%arg6 : memref<4096xf32, #tpu.memory_space<vmem>>) dst(%dma_wait3A_650 : memref<4096xf32, #tpu.memory_space<vmem_shared>>)
      tpu.yield
    }) : () -> ()
    %mul3A_504 = arith.constant 114688 : i32
    %mul3A_505 = arith.muli %arg1, %mul3A_504 : i32
    %add3A_506 = arith.constant 73728 : i32
    %add3A_507 = arith.addi %mul3A_505, %add3A_506 : i32
    "tpu.region"() ({
      %run_scoped3A = tpu.sem_alloc : memref<!tpu.dma_semaphore, #tpu.memory_space<semaphore_mem>>
      %dma_start3A = tpu.memref_slice %arg7[%add3A_507] : memref<1835008xf32, #tpu.memory_space<vmem_shared>> -> memref<4096xf32, #tpu.memory_space<vmem_shared>>
      %dma_start3A_649 = tpu.memref_slice %arg7[%add3A_507] : memref<1835008xf32, #tpu.memory_space<vmem_shared>> -> memref<4096xf32, #tpu.memory_space<vmem_shared>>
      tpu.enqueue_dma source(%arg6 : memref<4096xf32, #tpu.memory_space<vmem>>) target(%dma_start3A_649 : memref<4096xf32, #tpu.memory_space<vmem_shared>>) target_semaphore(%run_scoped3A : memref<!tpu.dma_semaphore, #tpu.memory_space<semaphore_mem>>)
      %dma_wait3A = tpu.memref_slice %arg7[%add3A_507] : memref<1835008xf32, #tpu.memory_space<vmem_shared>> -> memref<4096xf32, #tpu.memory_space<vmem_shared>>
      %dma_wait3A_650 = tpu.memref_slice %arg7[%add3A_507] : memref<1835008xf32, #tpu.memory_space<vmem_shared>> -> memref<4096xf32, #tpu.memory_space<vmem_shared>>
      tpu.wait_dma2 semaphore(%run_scoped3A : memref<!tpu.dma_semaphore, #tpu.memory_space<semaphore_mem>>) src(%arg6 : memref<4096xf32, #tpu.memory_space<vmem>>) dst(%dma_wait3A_650 : memref<4096xf32, #tpu.memory_space<vmem_shared>>)
      tpu.yield
    }) : () -> ()
    %mul3A_508 = arith.constant 114688 : i32
    %mul3A_509 = arith.muli %arg1, %mul3A_508 : i32
    %add3A_510 = arith.constant 77824 : i32
    %add3A_511 = arith.addi %mul3A_509, %add3A_510 : i32
    "tpu.region"() ({
      %run_scoped3A = tpu.sem_alloc : memref<!tpu.dma_semaphore, #tpu.memory_space<semaphore_mem>>
      %dma_start3A = tpu.memref_slice %arg7[%add3A_511] : memref<1835008xf32, #tpu.memory_space<vmem_shared>> -> memref<4096xf32, #tpu.memory_space<vmem_shared>>
      %dma_start3A_649 = tpu.memref_slice %arg7[%add3A_511] : memref<1835008xf32, #tpu.memory_space<vmem_shared>> -> memref<4096xf32, #tpu.memory_space<vmem_shared>>
      tpu.enqueue_dma source(%arg6 : memref<4096xf32, #tpu.memory_space<vmem>>) target(%dma_start3A_649 : memref<4096xf32, #tpu.memory_space<vmem_shared>>) target_semaphore(%run_scoped3A : memref<!tpu.dma_semaphore, #tpu.memory_space<semaphore_mem>>)
      %dma_wait3A = tpu.memref_slice %arg7[%add3A_511] : memref<1835008xf32, #tpu.memory_space<vmem_shared>> -> memref<4096xf32, #tpu.memory_space<vmem_shared>>
      %dma_wait3A_650 = tpu.memref_slice %arg7[%add3A_511] : memref<1835008xf32, #tpu.memory_space<vmem_shared>> -> memref<4096xf32, #tpu.memory_space<vmem_shared>>
      tpu.wait_dma2 semaphore(%run_scoped3A : memref<!tpu.dma_semaphore, #tpu.memory_space<semaphore_mem>>) src(%arg6 : memref<4096xf32, #tpu.memory_space<vmem>>) dst(%dma_wait3A_650 : memref<4096xf32, #tpu.memory_space<vmem_shared>>)
      tpu.yield
    }) : () -> ()
    %mul3A_512 = arith.constant 114688 : i32
    %mul3A_513 = arith.muli %arg1, %mul3A_512 : i32
    %add3A_514 = arith.constant 81920 : i32
    %add3A_515 = arith.addi %mul3A_513, %add3A_514 : i32
    "tpu.region"() ({
      %run_scoped3A = tpu.sem_alloc : memref<!tpu.dma_semaphore, #tpu.memory_space<semaphore_mem>>
      %dma_start3A = tpu.memref_slice %arg7[%add3A_515] : memref<1835008xf32, #tpu.memory_space<vmem_shared>> -> memref<4096xf32, #tpu.memory_space<vmem_shared>>
      %dma_start3A_649 = tpu.memref_slice %arg7[%add3A_515] : memref<1835008xf32, #tpu.memory_space<vmem_shared>> -> memref<4096xf32, #tpu.memory_space<vmem_shared>>
      tpu.enqueue_dma source(%arg6 : memref<4096xf32, #tpu.memory_space<vmem>>) target(%dma_start3A_649 : memref<4096xf32, #tpu.memory_space<vmem_shared>>) target_semaphore(%run_scoped3A : memref<!tpu.dma_semaphore, #tpu.memory_space<semaphore_mem>>)
      %dma_wait3A = tpu.memref_slice %arg7[%add3A_515] : memref<1835008xf32, #tpu.memory_space<vmem_shared>> -> memref<4096xf32, #tpu.memory_space<vmem_shared>>
      %dma_wait3A_650 = tpu.memref_slice %arg7[%add3A_515] : memref<1835008xf32, #tpu.memory_space<vmem_shared>> -> memref<4096xf32, #tpu.memory_space<vmem_shared>>
      tpu.wait_dma2 semaphore(%run_scoped3A : memref<!tpu.dma_semaphore, #tpu.memory_space<semaphore_mem>>) src(%arg6 : memref<4096xf32, #tpu.memory_space<vmem>>) dst(%dma_wait3A_650 : memref<4096xf32, #tpu.memory_space<vmem_shared>>)
      tpu.yield
    }) : () -> ()
    %mul3A_516 = arith.constant 114688 : i32
    %mul3A_517 = arith.muli %arg1, %mul3A_516 : i32
    %add3A_518 = arith.constant 86016 : i32
    %add3A_519 = arith.addi %mul3A_517, %add3A_518 : i32
    "tpu.region"() ({
      %run_scoped3A = tpu.sem_alloc : memref<!tpu.dma_semaphore, #tpu.memory_space<semaphore_mem>>
      %dma_start3A = tpu.memref_slice %arg7[%add3A_519] : memref<1835008xf32, #tpu.memory_space<vmem_shared>> -> memref<4096xf32, #tpu.memory_space<vmem_shared>>
      %dma_start3A_649 = tpu.memref_slice %arg7[%add3A_519] : memref<1835008xf32, #tpu.memory_space<vmem_shared>> -> memref<4096xf32, #tpu.memory_space<vmem_shared>>
      tpu.enqueue_dma source(%arg6 : memref<4096xf32, #tpu.memory_space<vmem>>) target(%dma_start3A_649 : memref<4096xf32, #tpu.memory_space<vmem_shared>>) target_semaphore(%run_scoped3A : memref<!tpu.dma_semaphore, #tpu.memory_space<semaphore_mem>>)
      %dma_wait3A = tpu.memref_slice %arg7[%add3A_519] : memref<1835008xf32, #tpu.memory_space<vmem_shared>> -> memref<4096xf32, #tpu.memory_space<vmem_shared>>
      %dma_wait3A_650 = tpu.memref_slice %arg7[%add3A_519] : memref<1835008xf32, #tpu.memory_space<vmem_shared>> -> memref<4096xf32, #tpu.memory_space<vmem_shared>>
      tpu.wait_dma2 semaphore(%run_scoped3A : memref<!tpu.dma_semaphore, #tpu.memory_space<semaphore_mem>>) src(%arg6 : memref<4096xf32, #tpu.memory_space<vmem>>) dst(%dma_wait3A_650 : memref<4096xf32, #tpu.memory_space<vmem_shared>>)
      tpu.yield
    }) : () -> ()
    %mul3A_520 = arith.constant 114688 : i32
    %mul3A_521 = arith.muli %arg1, %mul3A_520 : i32
    %add3A_522 = arith.constant 90112 : i32
    %add3A_523 = arith.addi %mul3A_521, %add3A_522 : i32
    "tpu.region"() ({
      %run_scoped3A = tpu.sem_alloc : memref<!tpu.dma_semaphore, #tpu.memory_space<semaphore_mem>>
      %dma_start3A = tpu.memref_slice %arg7[%add3A_523] : memref<1835008xf32, #tpu.memory_space<vmem_shared>> -> memref<4096xf32, #tpu.memory_space<vmem_shared>>
      %dma_start3A_649 = tpu.memref_slice %arg7[%add3A_523] : memref<1835008xf32, #tpu.memory_space<vmem_shared>> -> memref<4096xf32, #tpu.memory_space<vmem_shared>>
      tpu.enqueue_dma source(%arg6 : memref<4096xf32, #tpu.memory_space<vmem>>) target(%dma_start3A_649 : memref<4096xf32, #tpu.memory_space<vmem_shared>>) target_semaphore(%run_scoped3A : memref<!tpu.dma_semaphore, #tpu.memory_space<semaphore_mem>>)
      %dma_wait3A = tpu.memref_slice %arg7[%add3A_523] : memref<1835008xf32, #tpu.memory_space<vmem_shared>> -> memref<4096xf32, #tpu.memory_space<vmem_shared>>
      %dma_wait3A_650 = tpu.memref_slice %arg7[%add3A_523] : memref<1835008xf32, #tpu.memory_space<vmem_shared>> -> memref<4096xf32, #tpu.memory_space<vmem_shared>>
      tpu.wait_dma2 semaphore(%run_scoped3A : memref<!tpu.dma_semaphore, #tpu.memory_space<semaphore_mem>>) src(%arg6 : memref<4096xf32, #tpu.memory_space<vmem>>) dst(%dma_wait3A_650 : memref<4096xf32, #tpu.memory_space<vmem_shared>>)
      tpu.yield
    }) : () -> ()
    %mul3A_524 = arith.constant 114688 : i32
    %mul3A_525 = arith.muli %arg1, %mul3A_524 : i32
    %add3A_526 = arith.constant 94208 : i32
    %add3A_527 = arith.addi %mul3A_525, %add3A_526 : i32
    "tpu.region"() ({
      %run_scoped3A = tpu.sem_alloc : memref<!tpu.dma_semaphore, #tpu.memory_space<semaphore_mem>>
      %dma_start3A = tpu.memref_slice %arg7[%add3A_527] : memref<1835008xf32, #tpu.memory_space<vmem_shared>> -> memref<4096xf32, #tpu.memory_space<vmem_shared>>
      %dma_start3A_649 = tpu.memref_slice %arg7[%add3A_527] : memref<1835008xf32, #tpu.memory_space<vmem_shared>> -> memref<4096xf32, #tpu.memory_space<vmem_shared>>
      tpu.enqueue_dma source(%arg6 : memref<4096xf32, #tpu.memory_space<vmem>>) target(%dma_start3A_649 : memref<4096xf32, #tpu.memory_space<vmem_shared>>) target_semaphore(%run_scoped3A : memref<!tpu.dma_semaphore, #tpu.memory_space<semaphore_mem>>)
      %dma_wait3A = tpu.memref_slice %arg7[%add3A_527] : memref<1835008xf32, #tpu.memory_space<vmem_shared>> -> memref<4096xf32, #tpu.memory_space<vmem_shared>>
      %dma_wait3A_650 = tpu.memref_slice %arg7[%add3A_527] : memref<1835008xf32, #tpu.memory_space<vmem_shared>> -> memref<4096xf32, #tpu.memory_space<vmem_shared>>
      tpu.wait_dma2 semaphore(%run_scoped3A : memref<!tpu.dma_semaphore, #tpu.memory_space<semaphore_mem>>) src(%arg6 : memref<4096xf32, #tpu.memory_space<vmem>>) dst(%dma_wait3A_650 : memref<4096xf32, #tpu.memory_space<vmem_shared>>)
      tpu.yield
    }) : () -> ()
    %mul3A_528 = arith.constant 114688 : i32
    %mul3A_529 = arith.muli %arg1, %mul3A_528 : i32
    %add3A_530 = arith.constant 98304 : i32
    %add3A_531 = arith.addi %mul3A_529, %add3A_530 : i32
    "tpu.region"() ({
      %run_scoped3A = tpu.sem_alloc : memref<!tpu.dma_semaphore, #tpu.memory_space<semaphore_mem>>
      %dma_start3A = tpu.memref_slice %arg7[%add3A_531] : memref<1835008xf32, #tpu.memory_space<vmem_shared>> -> memref<4096xf32, #tpu.memory_space<vmem_shared>>
      %dma_start3A_649 = tpu.memref_slice %arg7[%add3A_531] : memref<1835008xf32, #tpu.memory_space<vmem_shared>> -> memref<4096xf32, #tpu.memory_space<vmem_shared>>
      tpu.enqueue_dma source(%arg6 : memref<4096xf32, #tpu.memory_space<vmem>>) target(%dma_start3A_649 : memref<4096xf32, #tpu.memory_space<vmem_shared>>) target_semaphore(%run_scoped3A : memref<!tpu.dma_semaphore, #tpu.memory_space<semaphore_mem>>)
      %dma_wait3A = tpu.memref_slice %arg7[%add3A_531] : memref<1835008xf32, #tpu.memory_space<vmem_shared>> -> memref<4096xf32, #tpu.memory_space<vmem_shared>>
      %dma_wait3A_650 = tpu.memref_slice %arg7[%add3A_531] : memref<1835008xf32, #tpu.memory_space<vmem_shared>> -> memref<4096xf32, #tpu.memory_space<vmem_shared>>
      tpu.wait_dma2 semaphore(%run_scoped3A : memref<!tpu.dma_semaphore, #tpu.memory_space<semaphore_mem>>) src(%arg6 : memref<4096xf32, #tpu.memory_space<vmem>>) dst(%dma_wait3A_650 : memref<4096xf32, #tpu.memory_space<vmem_shared>>)
      tpu.yield
    }) : () -> ()
    %mul3A_532 = arith.constant 114688 : i32
    %mul3A_533 = arith.muli %arg1, %mul3A_532 : i32
    %add3A_534 = arith.constant 102400 : i32
    %add3A_535 = arith.addi %mul3A_533, %add3A_534 : i32
    "tpu.region"() ({
      %run_scoped3A = tpu.sem_alloc : memref<!tpu.dma_semaphore, #tpu.memory_space<semaphore_mem>>
      %dma_start3A = tpu.memref_slice %arg7[%add3A_535] : memref<1835008xf32, #tpu.memory_space<vmem_shared>> -> memref<4096xf32, #tpu.memory_space<vmem_shared>>
      %dma_start3A_649 = tpu.memref_slice %arg7[%add3A_535] : memref<1835008xf32, #tpu.memory_space<vmem_shared>> -> memref<4096xf32, #tpu.memory_space<vmem_shared>>
      tpu.enqueue_dma source(%arg6 : memref<4096xf32, #tpu.memory_space<vmem>>) target(%dma_start3A_649 : memref<4096xf32, #tpu.memory_space<vmem_shared>>) target_semaphore(%run_scoped3A : memref<!tpu.dma_semaphore, #tpu.memory_space<semaphore_mem>>)
      %dma_wait3A = tpu.memref_slice %arg7[%add3A_535] : memref<1835008xf32, #tpu.memory_space<vmem_shared>> -> memref<4096xf32, #tpu.memory_space<vmem_shared>>
      %dma_wait3A_650 = tpu.memref_slice %arg7[%add3A_535] : memref<1835008xf32, #tpu.memory_space<vmem_shared>> -> memref<4096xf32, #tpu.memory_space<vmem_shared>>
      tpu.wait_dma2 semaphore(%run_scoped3A : memref<!tpu.dma_semaphore, #tpu.memory_space<semaphore_mem>>) src(%arg6 : memref<4096xf32, #tpu.memory_space<vmem>>) dst(%dma_wait3A_650 : memref<4096xf32, #tpu.memory_space<vmem_shared>>)
      tpu.yield
    }) : () -> ()
    %mul3A_536 = arith.constant 114688 : i32
    %mul3A_537 = arith.muli %arg1, %mul3A_536 : i32
    %add3A_538 = arith.constant 106496 : i32
    %add3A_539 = arith.addi %mul3A_537, %add3A_538 : i32
    "tpu.region"() ({
      %run_scoped3A = tpu.sem_alloc : memref<!tpu.dma_semaphore, #tpu.memory_space<semaphore_mem>>
      %dma_start3A = tpu.memref_slice %arg7[%add3A_539] : memref<1835008xf32, #tpu.memory_space<vmem_shared>> -> memref<4096xf32, #tpu.memory_space<vmem_shared>>
      %dma_start3A_649 = tpu.memref_slice %arg7[%add3A_539] : memref<1835008xf32, #tpu.memory_space<vmem_shared>> -> memref<4096xf32, #tpu.memory_space<vmem_shared>>
      tpu.enqueue_dma source(%arg6 : memref<4096xf32, #tpu.memory_space<vmem>>) target(%dma_start3A_649 : memref<4096xf32, #tpu.memory_space<vmem_shared>>) target_semaphore(%run_scoped3A : memref<!tpu.dma_semaphore, #tpu.memory_space<semaphore_mem>>)
      %dma_wait3A = tpu.memref_slice %arg7[%add3A_539] : memref<1835008xf32, #tpu.memory_space<vmem_shared>> -> memref<4096xf32, #tpu.memory_space<vmem_shared>>
      %dma_wait3A_650 = tpu.memref_slice %arg7[%add3A_539] : memref<1835008xf32, #tpu.memory_space<vmem_shared>> -> memref<4096xf32, #tpu.memory_space<vmem_shared>>
      tpu.wait_dma2 semaphore(%run_scoped3A : memref<!tpu.dma_semaphore, #tpu.memory_space<semaphore_mem>>) src(%arg6 : memref<4096xf32, #tpu.memory_space<vmem>>) dst(%dma_wait3A_650 : memref<4096xf32, #tpu.memory_space<vmem_shared>>)
      tpu.yield
    }) : () -> ()
    %mul3A_540 = arith.constant 114688 : i32
    %mul3A_541 = arith.muli %arg1, %mul3A_540 : i32
    %add3A_542 = arith.constant 110592 : i32
    %add3A_543 = arith.addi %mul3A_541, %add3A_542 : i32
    "tpu.region"() ({
      %run_scoped3A = tpu.sem_alloc : memref<!tpu.dma_semaphore, #tpu.memory_space<semaphore_mem>>
      %dma_start3A = tpu.memref_slice %arg7[%add3A_543] : memref<1835008xf32, #tpu.memory_space<vmem_shared>> -> memref<4096xf32, #tpu.memory_space<vmem_shared>>
      %dma_start3A_649 = tpu.memref_slice %arg7[%add3A_543] : memref<1835008xf32, #tpu.memory_space<vmem_shared>> -> memref<4096xf32, #tpu.memory_space<vmem_shared>>
      tpu.enqueue_dma source(%arg6 : memref<4096xf32, #tpu.memory_space<vmem>>) target(%dma_start3A_649 : memref<4096xf32, #tpu.memory_space<vmem_shared>>) target_semaphore(%run_scoped3A : memref<!tpu.dma_semaphore, #tpu.memory_space<semaphore_mem>>)
      %dma_wait3A = tpu.memref_slice %arg7[%add3A_543] : memref<1835008xf32, #tpu.memory_space<vmem_shared>> -> memref<4096xf32, #tpu.memory_space<vmem_shared>>
      %dma_wait3A_650 = tpu.memref_slice %arg7[%add3A_543] : memref<1835008xf32, #tpu.memory_space<vmem_shared>> -> memref<4096xf32, #tpu.memory_space<vmem_shared>>
      tpu.wait_dma2 semaphore(%run_scoped3A : memref<!tpu.dma_semaphore, #tpu.memory_space<semaphore_mem>>) src(%arg6 : memref<4096xf32, #tpu.memory_space<vmem>>) dst(%dma_wait3A_650 : memref<4096xf32, #tpu.memory_space<vmem_shared>>)
      tpu.yield
    }) : () -> ()
    %barrier3A_544 = arith.constant 0 : index
    tpu.barrier barrier_id(%barrier3A_544)
    %scan3A_545 = arith.constant 0 : i32
    %scan3A_546 = arith.constant 0 : i32
    %scan3A_547 = arith.constant 64 : i32
    %scan3A_548 = arith.addi %scan3A_546, %scan3A_547 : i32
    %scan3A_549 = arith.constant 1 : i32
    %scan3A_550 = scf.for %scan3A_649 = %scan3A_546 to %scan3A_548 step %scan3A_549 iter_args(%scan3A_650 = %scan3A_545) -> (i32)  : i32 {
      %mul3A_651 = arith.constant 4096 : i32
      %mul3A_652 = arith.muli %scan3A_649, %mul3A_651 : i32
      %add3A_653 = arith.addi %mul3A_0, %mul3A_652 : i32
      "tpu.region"() ({
        %run_scoped3A = tpu.sem_alloc : memref<!tpu.dma_semaphore, #tpu.memory_space<semaphore_mem>>
        %dma_start3A = tpu.memref_slice %arg2[%add3A_653] : memref<4194304xi32, #tpu.memory_space<hbm>> -> memref<4096xi32, #tpu.memory_space<hbm>>
        %dma_start3A_662 = tpu.memref_slice %arg2[%add3A_653] : memref<4194304xi32, #tpu.memory_space<hbm>> -> memref<4096xi32, #tpu.memory_space<hbm>>
        tpu.enqueue_dma source(%dma_start3A_662 : memref<4096xi32, #tpu.memory_space<hbm>>) target(%arg5 : memref<4096xi32, #tpu.memory_space<vmem>>) target_semaphore(%run_scoped3A : memref<!tpu.dma_semaphore, #tpu.memory_space<semaphore_mem>>)
        %dma_wait3A = tpu.memref_slice %arg2[%add3A_653] : memref<4194304xi32, #tpu.memory_space<hbm>> -> memref<4096xi32, #tpu.memory_space<hbm>>
        %dma_wait3A_663 = tpu.memref_slice %arg2[%add3A_653] : memref<4194304xi32, #tpu.memory_space<hbm>> -> memref<4096xi32, #tpu.memory_space<hbm>>
        tpu.wait_dma2 semaphore(%run_scoped3A : memref<!tpu.dma_semaphore, #tpu.memory_space<semaphore_mem>>) src(%dma_wait3A_663 : memref<4096xi32, #tpu.memory_space<hbm>>) dst(%arg5 : memref<4096xi32, #tpu.memory_space<vmem>>)
        tpu.yield
      }) : () -> ()
      "tpu.region"() ({
        %run_scoped3A = tpu.sem_alloc : memref<!tpu.dma_semaphore, #tpu.memory_space<semaphore_mem>>
        %dma_start3A = tpu.memref_slice %arg3[%add3A_653] : memref<4194304xf32, #tpu.memory_space<hbm>> -> memref<4096xf32, #tpu.memory_space<hbm>>
        %dma_start3A_662 = tpu.memref_slice %arg3[%add3A_653] : memref<4194304xf32, #tpu.memory_space<hbm>> -> memref<4096xf32, #tpu.memory_space<hbm>>
        tpu.enqueue_dma source(%dma_start3A_662 : memref<4096xf32, #tpu.memory_space<hbm>>) target(%arg6 : memref<4096xf32, #tpu.memory_space<vmem>>) target_semaphore(%run_scoped3A : memref<!tpu.dma_semaphore, #tpu.memory_space<semaphore_mem>>)
        %dma_wait3A = tpu.memref_slice %arg3[%add3A_653] : memref<4194304xf32, #tpu.memory_space<hbm>> -> memref<4096xf32, #tpu.memory_space<hbm>>
        %dma_wait3A_663 = tpu.memref_slice %arg3[%add3A_653] : memref<4194304xf32, #tpu.memory_space<hbm>> -> memref<4096xf32, #tpu.memory_space<hbm>>
        tpu.wait_dma2 semaphore(%run_scoped3A : memref<!tpu.dma_semaphore, #tpu.memory_space<semaphore_mem>>) src(%dma_wait3A_663 : memref<4096xf32, #tpu.memory_space<hbm>>) dst(%arg6 : memref<4096xf32, #tpu.memory_space<vmem>>)
        tpu.yield
      }) : () -> ()
      %scan3A_654 = arith.constant 0 : i32
      %scan3A_655 = arith.constant 0 : i32
      %scan3A_656 = arith.constant 32 : i32
      %scan3A_657 = arith.addi %scan3A_655, %scan3A_656 : i32
      %scan3A_658 = arith.constant 1 : i32
      %scan3A_659 = scf.for %scan3A_662 = %scan3A_655 to %scan3A_657 step %scan3A_658 iter_args(%scan3A_663 = %scan3A_654) -> (i32)  : i32 {
        %mul3A_664 = arith.constant 128 : i32
        %mul3A_665 = arith.muli %scan3A_662, %mul3A_664 : i32
        %add3A_666 = arith.constant 0 : i32
        %add3A_667 = arith.addi %mul3A_665, %add3A_666 : i32
        %get3A = arith.index_cast %add3A_667 : i32 to index
        %get3A_668 = tpu.vector_load %arg5[%get3A] {strides = array<i32>} : memref<4096xi32, #tpu.memory_space<vmem>>, vector<16xi32>,
        %sub3A = vector.broadcast %mul3A_424 : i32 to vector<16xi32>
        %sub3A_669 = arith.subi %get3A_668, %sub3A : vector<16xi32>
        %ge3A = arith.constant 0 : i32
        %ge3A_670 = vector.broadcast %ge3A : i32 to vector<16xi32>
        %ge3A_671 = arith.cmpi sge, %sub3A_669, %ge3A_670 : vector<16xi32>
        %lt3A = arith.constant 1835008 : i32
        %lt3A_672 = vector.broadcast %lt3A : i32 to vector<16xi32>
        %lt3A_673 = arith.cmpi slt, %sub3A_669, %lt3A_672 : vector<16xi32>
        %and3A = arith.andi %ge3A_671, %lt3A_673 : vector<16xi1>
        %add3A_674 = vector.broadcast %add3A_667 : i32 to vector<16xi32>
        %add3A_675 = arith.addi %iota3A, %add3A_674 : vector<16xi32>
        %select_n3A = arith.select %and3A, %sub3A_669, %add3A_675 : vector<16xi1>, vector<16xi32>
        %swap3A = arith.index_cast %add3A_667 : i32 to index
        %swap3A_676 = tpu.vector_load %arg5[%swap3A] {strides = array<i32>} : memref<4096xi32, #tpu.memory_space<vmem>>, vector<16xi32>,
        tpu.vector_store %arg5[%swap3A], %select_n3A {strides = array<i32>} : memref<4096xi32, #tpu.memory_space<vmem>>, vector<16xi32>,
        %get3A_677 = arith.index_cast %add3A_667 : i32 to index
        %get3A_678 = tpu.vector_load %arg6[%get3A_677] {strides = array<i32>} : memref<4096xf32, #tpu.memory_space<vmem>>, vector<16xf32>,
        %jit3A = arith.constant 0.000000e+00 : f32
        %broadcast_in_dim3A_679 = vector.broadcast %jit3A : f32 to vector<16xf32>
        %select_n3A_680 = arith.select %and3A, %get3A_678, %broadcast_in_dim3A_679 : vector<16xi1>, vector<16xf32>
        %swap3A_681 = arith.index_cast %add3A_667 : i32 to index
        %swap3A_682 = tpu.vector_load %arg6[%swap3A_681] {strides = array<i32>} : memref<4096xf32, #tpu.memory_space<vmem>>, vector<16xf32>,
        tpu.vector_store %arg6[%swap3A_681], %select_n3A_680 {strides = array<i32>} : memref<4096xf32, #tpu.memory_space<vmem>>, vector<16xf32>,
        %mul3A_683 = arith.constant 128 : i32
        %mul3A_684 = arith.muli %scan3A_662, %mul3A_683 : i32
        %add3A_685 = arith.constant 16 : i32
        %add3A_686 = arith.addi %mul3A_684, %add3A_685 : i32
        %get3A_687 = arith.index_cast %add3A_686 : i32 to index
        %get3A_688 = tpu.vector_load %arg5[%get3A_687] {strides = array<i32>} : memref<4096xi32, #tpu.memory_space<vmem>>, vector<16xi32>,
        %sub3A_689 = vector.broadcast %mul3A_424 : i32 to vector<16xi32>
        %sub3A_690 = arith.subi %get3A_688, %sub3A_689 : vector<16xi32>
        %ge3A_691 = arith.constant 0 : i32
        %ge3A_692 = vector.broadcast %ge3A_691 : i32 to vector<16xi32>
        %ge3A_693 = arith.cmpi sge, %sub3A_690, %ge3A_692 : vector<16xi32>
        %lt3A_694 = arith.constant 1835008 : i32
        %lt3A_695 = vector.broadcast %lt3A_694 : i32 to vector<16xi32>
        %lt3A_696 = arith.cmpi slt, %sub3A_690, %lt3A_695 : vector<16xi32>
        %and3A_697 = arith.andi %ge3A_693, %lt3A_696 : vector<16xi1>
        %add3A_698 = vector.broadcast %add3A_686 : i32 to vector<16xi32>
        %add3A_699 = arith.addi %iota3A, %add3A_698 : vector<16xi32>
        %select_n3A_700 = arith.select %and3A_697, %sub3A_690, %add3A_699 : vector<16xi1>, vector<16xi32>
        %swap3A_701 = arith.index_cast %add3A_686 : i32 to index
        %swap3A_702 = tpu.vector_load %arg5[%swap3A_701] {strides = array<i32>} : memref<4096xi32, #tpu.memory_space<vmem>>, vector<16xi32>,
        tpu.vector_store %arg5[%swap3A_701], %select_n3A_700 {strides = array<i32>} : memref<4096xi32, #tpu.memory_space<vmem>>, vector<16xi32>,
        %get3A_703 = arith.index_cast %add3A_686 : i32 to index
        %get3A_704 = tpu.vector_load %arg6[%get3A_703] {strides = array<i32>} : memref<4096xf32, #tpu.memory_space<vmem>>, vector<16xf32>,
        %jit3A_705 = arith.constant 0.000000e+00 : f32
        %broadcast_in_dim3A_706 = vector.broadcast %jit3A_705 : f32 to vector<16xf32>
        %select_n3A_707 = arith.select %and3A_697, %get3A_704, %broadcast_in_dim3A_706 : vector<16xi1>, vector<16xf32>
        %swap3A_708 = arith.index_cast %add3A_686 : i32 to index
        %swap3A_709 = tpu.vector_load %arg6[%swap3A_708] {strides = array<i32>} : memref<4096xf32, #tpu.memory_space<vmem>>, vector<16xf32>,
        tpu.vector_store %arg6[%swap3A_708], %select_n3A_707 {strides = array<i32>} : memref<4096xf32, #tpu.memory_space<vmem>>, vector<16xf32>,
        %mul3A_710 = arith.constant 128 : i32
        %mul3A_711 = arith.muli %scan3A_662, %mul3A_710 : i32
        %add3A_712 = arith.constant 32 : i32
        %add3A_713 = arith.addi %mul3A_711, %add3A_712 : i32
        %get3A_714 = arith.index_cast %add3A_713 : i32 to index
        %get3A_715 = tpu.vector_load %arg5[%get3A_714] {strides = array<i32>} : memref<4096xi32, #tpu.memory_space<vmem>>, vector<16xi32>,
        %sub3A_716 = vector.broadcast %mul3A_424 : i32 to vector<16xi32>
        %sub3A_717 = arith.subi %get3A_715, %sub3A_716 : vector<16xi32>
        %ge3A_718 = arith.constant 0 : i32
        %ge3A_719 = vector.broadcast %ge3A_718 : i32 to vector<16xi32>
        %ge3A_720 = arith.cmpi sge, %sub3A_717, %ge3A_719 : vector<16xi32>
        %lt3A_721 = arith.constant 1835008 : i32
        %lt3A_722 = vector.broadcast %lt3A_721 : i32 to vector<16xi32>
        %lt3A_723 = arith.cmpi slt, %sub3A_717, %lt3A_722 : vector<16xi32>
        %and3A_724 = arith.andi %ge3A_720, %lt3A_723 : vector<16xi1>
        %add3A_725 = vector.broadcast %add3A_713 : i32 to vector<16xi32>
        %add3A_726 = arith.addi %iota3A, %add3A_725 : vector<16xi32>
        %select_n3A_727 = arith.select %and3A_724, %sub3A_717, %add3A_726 : vector<16xi1>, vector<16xi32>
        %swap3A_728 = arith.index_cast %add3A_713 : i32 to index
        %swap3A_729 = tpu.vector_load %arg5[%swap3A_728] {strides = array<i32>} : memref<4096xi32, #tpu.memory_space<vmem>>, vector<16xi32>,
        tpu.vector_store %arg5[%swap3A_728], %select_n3A_727 {strides = array<i32>} : memref<4096xi32, #tpu.memory_space<vmem>>, vector<16xi32>,
        %get3A_730 = arith.index_cast %add3A_713 : i32 to index
        %get3A_731 = tpu.vector_load %arg6[%get3A_730] {strides = array<i32>} : memref<4096xf32, #tpu.memory_space<vmem>>, vector<16xf32>,
        %jit3A_732 = arith.constant 0.000000e+00 : f32
        %broadcast_in_dim3A_733 = vector.broadcast %jit3A_732 : f32 to vector<16xf32>
        %select_n3A_734 = arith.select %and3A_724, %get3A_731, %broadcast_in_dim3A_733 : vector<16xi1>, vector<16xf32>
        %swap3A_735 = arith.index_cast %add3A_713 : i32 to index
        %swap3A_736 = tpu.vector_load %arg6[%swap3A_735] {strides = array<i32>} : memref<4096xf32, #tpu.memory_space<vmem>>, vector<16xf32>,
        tpu.vector_store %arg6[%swap3A_735], %select_n3A_734 {strides = array<i32>} : memref<4096xf32, #tpu.memory_space<vmem>>, vector<16xf32>,
        %mul3A_737 = arith.constant 128 : i32
        %mul3A_738 = arith.muli %scan3A_662, %mul3A_737 : i32
        %add3A_739 = arith.constant 48 : i32
        %add3A_740 = arith.addi %mul3A_738, %add3A_739 : i32
        %get3A_741 = arith.index_cast %add3A_740 : i32 to index
        %get3A_742 = tpu.vector_load %arg5[%get3A_741] {strides = array<i32>} : memref<4096xi32, #tpu.memory_space<vmem>>, vector<16xi32>,
        %sub3A_743 = vector.broadcast %mul3A_424 : i32 to vector<16xi32>
        %sub3A_744 = arith.subi %get3A_742, %sub3A_743 : vector<16xi32>
        %ge3A_745 = arith.constant 0 : i32
        %ge3A_746 = vector.broadcast %ge3A_745 : i32 to vector<16xi32>
        %ge3A_747 = arith.cmpi sge, %sub3A_744, %ge3A_746 : vector<16xi32>
        %lt3A_748 = arith.constant 1835008 : i32
        %lt3A_749 = vector.broadcast %lt3A_748 : i32 to vector<16xi32>
        %lt3A_750 = arith.cmpi slt, %sub3A_744, %lt3A_749 : vector<16xi32>
        %and3A_751 = arith.andi %ge3A_747, %lt3A_750 : vector<16xi1>
        %add3A_752 = vector.broadcast %add3A_740 : i32 to vector<16xi32>
        %add3A_753 = arith.addi %iota3A, %add3A_752 : vector<16xi32>
        %select_n3A_754 = arith.select %and3A_751, %sub3A_744, %add3A_753 : vector<16xi1>, vector<16xi32>
        %swap3A_755 = arith.index_cast %add3A_740 : i32 to index
        %swap3A_756 = tpu.vector_load %arg5[%swap3A_755] {strides = array<i32>} : memref<4096xi32, #tpu.memory_space<vmem>>, vector<16xi32>,
        tpu.vector_store %arg5[%swap3A_755], %select_n3A_754 {strides = array<i32>} : memref<4096xi32, #tpu.memory_space<vmem>>, vector<16xi32>,
        %get3A_757 = arith.index_cast %add3A_740 : i32 to index
        %get3A_758 = tpu.vector_load %arg6[%get3A_757] {strides = array<i32>} : memref<4096xf32, #tpu.memory_space<vmem>>, vector<16xf32>,
        %jit3A_759 = arith.constant 0.000000e+00 : f32
        %broadcast_in_dim3A_760 = vector.broadcast %jit3A_759 : f32 to vector<16xf32>
        %select_n3A_761 = arith.select %and3A_751, %get3A_758, %broadcast_in_dim3A_760 : vector<16xi1>, vector<16xf32>
        %swap3A_762 = arith.index_cast %add3A_740 : i32 to index
        %swap3A_763 = tpu.vector_load %arg6[%swap3A_762] {strides = array<i32>} : memref<4096xf32, #tpu.memory_space<vmem>>, vector<16xf32>,
        tpu.vector_store %arg6[%swap3A_762], %select_n3A_761 {strides = array<i32>} : memref<4096xf32, #tpu.memory_space<vmem>>, vector<16xf32>,
        %mul3A_764 = arith.constant 128 : i32
        %mul3A_765 = arith.muli %scan3A_662, %mul3A_764 : i32
        %add3A_766 = arith.constant 64 : i32
        %add3A_767 = arith.addi %mul3A_765, %add3A_766 : i32
        %get3A_768 = arith.index_cast %add3A_767 : i32 to index
        %get3A_769 = tpu.vector_load %arg5[%get3A_768] {strides = array<i32>} : memref<4096xi32, #tpu.memory_space<vmem>>, vector<16xi32>,
        %sub3A_770 = vector.broadcast %mul3A_424 : i32 to vector<16xi32>
        %sub3A_771 = arith.subi %get3A_769, %sub3A_770 : vector<16xi32>
        %ge3A_772 = arith.constant 0 : i32
        %ge3A_773 = vector.broadcast %ge3A_772 : i32 to vector<16xi32>
        %ge3A_774 = arith.cmpi sge, %sub3A_771, %ge3A_773 : vector<16xi32>
        %lt3A_775 = arith.constant 1835008 : i32
        %lt3A_776 = vector.broadcast %lt3A_775 : i32 to vector<16xi32>
        %lt3A_777 = arith.cmpi slt, %sub3A_771, %lt3A_776 : vector<16xi32>
        %and3A_778 = arith.andi %ge3A_774, %lt3A_777 : vector<16xi1>
        %add3A_779 = vector.broadcast %add3A_767 : i32 to vector<16xi32>
        %add3A_780 = arith.addi %iota3A, %add3A_779 : vector<16xi32>
        %select_n3A_781 = arith.select %and3A_778, %sub3A_771, %add3A_780 : vector<16xi1>, vector<16xi32>
        %swap3A_782 = arith.index_cast %add3A_767 : i32 to index
        %swap3A_783 = tpu.vector_load %arg5[%swap3A_782] {strides = array<i32>} : memref<4096xi32, #tpu.memory_space<vmem>>, vector<16xi32>,
        tpu.vector_store %arg5[%swap3A_782], %select_n3A_781 {strides = array<i32>} : memref<4096xi32, #tpu.memory_space<vmem>>, vector<16xi32>,
        %get3A_784 = arith.index_cast %add3A_767 : i32 to index
        %get3A_785 = tpu.vector_load %arg6[%get3A_784] {strides = array<i32>} : memref<4096xf32, #tpu.memory_space<vmem>>, vector<16xf32>,
        %jit3A_786 = arith.constant 0.000000e+00 : f32
        %broadcast_in_dim3A_787 = vector.broadcast %jit3A_786 : f32 to vector<16xf32>
        %select_n3A_788 = arith.select %and3A_778, %get3A_785, %broadcast_in_dim3A_787 : vector<16xi1>, vector<16xf32>
        %swap3A_789 = arith.index_cast %add3A_767 : i32 to index
        %swap3A_790 = tpu.vector_load %arg6[%swap3A_789] {strides = array<i32>} : memref<4096xf32, #tpu.memory_space<vmem>>, vector<16xf32>,
        tpu.vector_store %arg6[%swap3A_789], %select_n3A_788 {strides = array<i32>} : memref<4096xf32, #tpu.memory_space<vmem>>, vector<16xf32>,
        %mul3A_791 = arith.constant 128 : i32
        %mul3A_792 = arith.muli %scan3A_662, %mul3A_791 : i32
        %add3A_793 = arith.constant 80 : i32
        %add3A_794 = arith.addi %mul3A_792, %add3A_793 : i32
        %get3A_795 = arith.index_cast %add3A_794 : i32 to index
        %get3A_796 = tpu.vector_load %arg5[%get3A_795] {strides = array<i32>} : memref<4096xi32, #tpu.memory_space<vmem>>, vector<16xi32>,
        %sub3A_797 = vector.broadcast %mul3A_424 : i32 to vector<16xi32>
        %sub3A_798 = arith.subi %get3A_796, %sub3A_797 : vector<16xi32>
        %ge3A_799 = arith.constant 0 : i32
        %ge3A_800 = vector.broadcast %ge3A_799 : i32 to vector<16xi32>
        %ge3A_801 = arith.cmpi sge, %sub3A_798, %ge3A_800 : vector<16xi32>
        %lt3A_802 = arith.constant 1835008 : i32
        %lt3A_803 = vector.broadcast %lt3A_802 : i32 to vector<16xi32>
        %lt3A_804 = arith.cmpi slt, %sub3A_798, %lt3A_803 : vector<16xi32>
        %and3A_805 = arith.andi %ge3A_801, %lt3A_804 : vector<16xi1>
        %add3A_806 = vector.broadcast %add3A_794 : i32 to vector<16xi32>
        %add3A_807 = arith.addi %iota3A, %add3A_806 : vector<16xi32>
        %select_n3A_808 = arith.select %and3A_805, %sub3A_798, %add3A_807 : vector<16xi1>, vector<16xi32>
        %swap3A_809 = arith.index_cast %add3A_794 : i32 to index
        %swap3A_810 = tpu.vector_load %arg5[%swap3A_809] {strides = array<i32>} : memref<4096xi32, #tpu.memory_space<vmem>>, vector<16xi32>,
        tpu.vector_store %arg5[%swap3A_809], %select_n3A_808 {strides = array<i32>} : memref<4096xi32, #tpu.memory_space<vmem>>, vector<16xi32>,
        %get3A_811 = arith.index_cast %add3A_794 : i32 to index
        %get3A_812 = tpu.vector_load %arg6[%get3A_811] {strides = array<i32>} : memref<4096xf32, #tpu.memory_space<vmem>>, vector<16xf32>,
        %jit3A_813 = arith.constant 0.000000e+00 : f32
        %broadcast_in_dim3A_814 = vector.broadcast %jit3A_813 : f32 to vector<16xf32>
        %select_n3A_815 = arith.select %and3A_805, %get3A_812, %broadcast_in_dim3A_814 : vector<16xi1>, vector<16xf32>
        %swap3A_816 = arith.index_cast %add3A_794 : i32 to index
        %swap3A_817 = tpu.vector_load %arg6[%swap3A_816] {strides = array<i32>} : memref<4096xf32, #tpu.memory_space<vmem>>, vector<16xf32>,
        tpu.vector_store %arg6[%swap3A_816], %select_n3A_815 {strides = array<i32>} : memref<4096xf32, #tpu.memory_space<vmem>>, vector<16xf32>,
        %mul3A_818 = arith.constant 128 : i32
        %mul3A_819 = arith.muli %scan3A_662, %mul3A_818 : i32
        %add3A_820 = arith.constant 96 : i32
        %add3A_821 = arith.addi %mul3A_819, %add3A_820 : i32
        %get3A_822 = arith.index_cast %add3A_821 : i32 to index
        %get3A_823 = tpu.vector_load %arg5[%get3A_822] {strides = array<i32>} : memref<4096xi32, #tpu.memory_space<vmem>>, vector<16xi32>,
        %sub3A_824 = vector.broadcast %mul3A_424 : i32 to vector<16xi32>
        %sub3A_825 = arith.subi %get3A_823, %sub3A_824 : vector<16xi32>
        %ge3A_826 = arith.constant 0 : i32
        %ge3A_827 = vector.broadcast %ge3A_826 : i32 to vector<16xi32>
        %ge3A_828 = arith.cmpi sge, %sub3A_825, %ge3A_827 : vector<16xi32>
        %lt3A_829 = arith.constant 1835008 : i32
        %lt3A_830 = vector.broadcast %lt3A_829 : i32 to vector<16xi32>
        %lt3A_831 = arith.cmpi slt, %sub3A_825, %lt3A_830 : vector<16xi32>
        %and3A_832 = arith.andi %ge3A_828, %lt3A_831 : vector<16xi1>
        %add3A_833 = vector.broadcast %add3A_821 : i32 to vector<16xi32>
        %add3A_834 = arith.addi %iota3A, %add3A_833 : vector<16xi32>
        %select_n3A_835 = arith.select %and3A_832, %sub3A_825, %add3A_834 : vector<16xi1>, vector<16xi32>
        %swap3A_836 = arith.index_cast %add3A_821 : i32 to index
        %swap3A_837 = tpu.vector_load %arg5[%swap3A_836] {strides = array<i32>} : memref<4096xi32, #tpu.memory_space<vmem>>, vector<16xi32>,
        tpu.vector_store %arg5[%swap3A_836], %select_n3A_835 {strides = array<i32>} : memref<4096xi32, #tpu.memory_space<vmem>>, vector<16xi32>,
        %get3A_838 = arith.index_cast %add3A_821 : i32 to index
        %get3A_839 = tpu.vector_load %arg6[%get3A_838] {strides = array<i32>} : memref<4096xf32, #tpu.memory_space<vmem>>, vector<16xf32>,
        %jit3A_840 = arith.constant 0.000000e+00 : f32
        %broadcast_in_dim3A_841 = vector.broadcast %jit3A_840 : f32 to vector<16xf32>
        %select_n3A_842 = arith.select %and3A_832, %get3A_839, %broadcast_in_dim3A_841 : vector<16xi1>, vector<16xf32>
        %swap3A_843 = arith.index_cast %add3A_821 : i32 to index
        %swap3A_844 = tpu.vector_load %arg6[%swap3A_843] {strides = array<i32>} : memref<4096xf32, #tpu.memory_space<vmem>>, vector<16xf32>,
        tpu.vector_store %arg6[%swap3A_843], %select_n3A_842 {strides = array<i32>} : memref<4096xf32, #tpu.memory_space<vmem>>, vector<16xf32>,
        %mul3A_845 = arith.constant 128 : i32
        %mul3A_846 = arith.muli %scan3A_662, %mul3A_845 : i32
        %add3A_847 = arith.constant 112 : i32
        %add3A_848 = arith.addi %mul3A_846, %add3A_847 : i32
        %get3A_849 = arith.index_cast %add3A_848 : i32 to index
        %get3A_850 = tpu.vector_load %arg5[%get3A_849] {strides = array<i32>} : memref<4096xi32, #tpu.memory_space<vmem>>, vector<16xi32>,
        %sub3A_851 = vector.broadcast %mul3A_424 : i32 to vector<16xi32>
        %sub3A_852 = arith.subi %get3A_850, %sub3A_851 : vector<16xi32>
        %ge3A_853 = arith.constant 0 : i32
        %ge3A_854 = vector.broadcast %ge3A_853 : i32 to vector<16xi32>
        %ge3A_855 = arith.cmpi sge, %sub3A_852, %ge3A_854 : vector<16xi32>
        %lt3A_856 = arith.constant 1835008 : i32
        %lt3A_857 = vector.broadcast %lt3A_856 : i32 to vector<16xi32>
        %lt3A_858 = arith.cmpi slt, %sub3A_852, %lt3A_857 : vector<16xi32>
        %and3A_859 = arith.andi %ge3A_855, %lt3A_858 : vector<16xi1>
        %add3A_860 = vector.broadcast %add3A_848 : i32 to vector<16xi32>
        %add3A_861 = arith.addi %iota3A, %add3A_860 : vector<16xi32>
        %select_n3A_862 = arith.select %and3A_859, %sub3A_852, %add3A_861 : vector<16xi1>, vector<16xi32>
        %swap3A_863 = arith.index_cast %add3A_848 : i32 to index
        %swap3A_864 = tpu.vector_load %arg5[%swap3A_863] {strides = array<i32>} : memref<4096xi32, #tpu.memory_space<vmem>>, vector<16xi32>,
        tpu.vector_store %arg5[%swap3A_863], %select_n3A_862 {strides = array<i32>} : memref<4096xi32, #tpu.memory_space<vmem>>, vector<16xi32>,
        %get3A_865 = arith.index_cast %add3A_848 : i32 to index
        %get3A_866 = tpu.vector_load %arg6[%get3A_865] {strides = array<i32>} : memref<4096xf32, #tpu.memory_space<vmem>>, vector<16xf32>,
        %jit3A_867 = arith.constant 0.000000e+00 : f32
        %broadcast_in_dim3A_868 = vector.broadcast %jit3A_867 : f32 to vector<16xf32>
        %select_n3A_869 = arith.select %and3A_859, %get3A_866, %broadcast_in_dim3A_868 : vector<16xi1>, vector<16xf32>
        %swap3A_870 = arith.index_cast %add3A_848 : i32 to index
        %swap3A_871 = tpu.vector_load %arg6[%swap3A_870] {strides = array<i32>} : memref<4096xf32, #tpu.memory_space<vmem>>, vector<16xf32>,
        tpu.vector_store %arg6[%swap3A_870], %select_n3A_869 {strides = array<i32>} : memref<4096xf32, #tpu.memory_space<vmem>>, vector<16xf32>,
        %scan3A_872 = arith.constant 0 : i32
        scf.yield %scan3A_872 : i32
      }
      %scan3A_660 = arith.constant 32 : i32
      "tpu.region"() ({
        %run_scoped3A = tpu.sem_alloc : memref<!tpu.dma_semaphore, #tpu.memory_space<semaphore_mem>>
        %dma_start3A = arith.constant 0 : i32
        %dma_start3A_662 = tpu.memref_slice %arg7[%dma_start3A] : memref<1835008xf32, #tpu.memory_space<vmem_shared>> -> memref<1835008xf32, #tpu.memory_space<vmem_shared>>
        tpu.enqueue_indirect_dma source(%arg6 : memref<4096xf32, #tpu.memory_space<vmem>>) target(%dma_start3A_662 : memref<1835008xf32, #tpu.memory_space<vmem_shared>>) offsets(%arg5 : memref<4096xi32, #tpu.memory_space<vmem>>) semaphore(%run_scoped3A : memref<!tpu.dma_semaphore, #tpu.memory_space<semaphore_mem>>) {add = true}
        %dma_wait3A = arith.constant 0 : i32
        %dma_wait3A_663 = tpu.memref_slice %arg7[%dma_wait3A] : memref<1835008xf32, #tpu.memory_space<vmem_shared>> -> memref<1835008xf32, #tpu.memory_space<vmem_shared>>
        tpu.wait_indirect_dma semaphore(%run_scoped3A : memref<!tpu.dma_semaphore, #tpu.memory_space<semaphore_mem>>) src(%arg6 : memref<4096xf32, #tpu.memory_space<vmem>>) dst(%dma_wait3A_663 : memref<1835008xf32, #tpu.memory_space<vmem_shared>>)
        tpu.yield
      }) : () -> ()
      %scan3A_661 = arith.constant 0 : i32
      scf.yield %scan3A_661 : i32
    }
    %scan3A_551 = arith.constant 64 : i32
    %barrier3A_552 = arith.constant 0 : index
    tpu.barrier barrier_id(%barrier3A_552)
    %mul3A_553 = arith.constant 114688 : i32
    %mul3A_554 = arith.muli %arg1, %mul3A_553 : i32
    %mul3A_555 = arith.constant 114688 : i32
    %mul3A_556 = arith.muli %arg1, %mul3A_555 : i32
    %add3A_557 = arith.addi %mul3A_424, %mul3A_556 : i32
    "tpu.region"() ({
      %run_scoped3A = tpu.sem_alloc : memref<!tpu.dma_semaphore, #tpu.memory_space<semaphore_mem>>
      %dma_start3A = tpu.memref_slice %arg4[%add3A_557] : memref<16777216xf32, #tpu.memory_space<hbm>> -> memref<114688xf32, #tpu.memory_space<hbm>>
      %dma_start3A_649 = tpu.memref_slice %arg7[%mul3A_554] : memref<1835008xf32, #tpu.memory_space<vmem_shared>> -> memref<114688xf32, #tpu.memory_space<vmem_shared>>
      tpu.enqueue_dma source(%dma_start3A_649 : memref<114688xf32, #tpu.memory_space<vmem_shared>>) target(%dma_start3A : memref<114688xf32, #tpu.memory_space<hbm>>) target_semaphore(%run_scoped3A : memref<!tpu.dma_semaphore, #tpu.memory_space<semaphore_mem>>)
      %dma_wait3A = tpu.memref_slice %arg4[%add3A_557] : memref<16777216xf32, #tpu.memory_space<hbm>> -> memref<114688xf32, #tpu.memory_space<hbm>>
      %dma_wait3A_650 = tpu.memref_slice %arg7[%mul3A_554] : memref<1835008xf32, #tpu.memory_space<vmem_shared>> -> memref<114688xf32, #tpu.memory_space<vmem_shared>>
      tpu.wait_dma2 semaphore(%run_scoped3A : memref<!tpu.dma_semaphore, #tpu.memory_space<semaphore_mem>>) src(%dma_wait3A_650 : memref<114688xf32, #tpu.memory_space<vmem_shared>>) dst(%dma_wait3A : memref<114688xf32, #tpu.memory_space<hbm>>)
      tpu.yield
    }) : () -> ()
    %barrier3A_558 = arith.constant 0 : index
    tpu.barrier barrier_id(%barrier3A_558)
    %mul3A_559 = arith.constant 1048576 : i32
    %mul3A_560 = arith.muli %arg0, %mul3A_559 : i32
    %add3A_561 = arith.constant 14680064 : i32
    %add3A_562 = arith.addi %add3A_561, %mul3A_560 : i32
    %scan3A_563 = arith.constant 0 : i32
    %scan3A_564 = arith.constant 0 : i32
    %scan3A_565 = arith.constant 256 : i32
    %scan3A_566 = arith.addi %scan3A_564, %scan3A_565 : i32
    %scan3A_567 = arith.constant 1 : i32
    %scan3A_568 = scf.for %scan3A_649 = %scan3A_564 to %scan3A_566 step %scan3A_567 iter_args(%scan3A_650 = %scan3A_563) -> (i32)  : i32 {
      %mul3A_651 = arith.constant 16 : i32
      %mul3A_652 = arith.muli %scan3A_649, %mul3A_651 : i32
      %swap3A = arith.index_cast %mul3A_652 : i32 to index
      %swap3A_653 = tpu.vector_load %arg6[%swap3A] {strides = array<i32>} : memref<4096xf32, #tpu.memory_space<vmem>>, vector<16xf32>,
      tpu.vector_store %arg6[%swap3A], %broadcast_in_dim3A_1 {strides = array<i32>} : memref<4096xf32, #tpu.memory_space<vmem>>, vector<16xf32>,
      %scan3A_654 = arith.constant 0 : i32
      scf.yield %scan3A_654 : i32
    }
    %scan3A_569 = arith.constant 256 : i32
    %mul3A_570 = arith.constant 65536 : i32
    %mul3A_571 = arith.muli %arg1, %mul3A_570 : i32
    %add3A_572 = arith.constant 0 : i32
    %add3A_573 = arith.addi %mul3A_571, %add3A_572 : i32
    "tpu.region"() ({
      %run_scoped3A = tpu.sem_alloc : memref<!tpu.dma_semaphore, #tpu.memory_space<semaphore_mem>>
      %dma_start3A = tpu.memref_slice %arg7[%add3A_573] : memref<1835008xf32, #tpu.memory_space<vmem_shared>> -> memref<4096xf32, #tpu.memory_space<vmem_shared>>
      %dma_start3A_649 = tpu.memref_slice %arg7[%add3A_573] : memref<1835008xf32, #tpu.memory_space<vmem_shared>> -> memref<4096xf32, #tpu.memory_space<vmem_shared>>
      tpu.enqueue_dma source(%arg6 : memref<4096xf32, #tpu.memory_space<vmem>>) target(%dma_start3A_649 : memref<4096xf32, #tpu.memory_space<vmem_shared>>) target_semaphore(%run_scoped3A : memref<!tpu.dma_semaphore, #tpu.memory_space<semaphore_mem>>)
      %dma_wait3A = tpu.memref_slice %arg7[%add3A_573] : memref<1835008xf32, #tpu.memory_space<vmem_shared>> -> memref<4096xf32, #tpu.memory_space<vmem_shared>>
      %dma_wait3A_650 = tpu.memref_slice %arg7[%add3A_573] : memref<1835008xf32, #tpu.memory_space<vmem_shared>> -> memref<4096xf32, #tpu.memory_space<vmem_shared>>
      tpu.wait_dma2 semaphore(%run_scoped3A : memref<!tpu.dma_semaphore, #tpu.memory_space<semaphore_mem>>) src(%arg6 : memref<4096xf32, #tpu.memory_space<vmem>>) dst(%dma_wait3A_650 : memref<4096xf32, #tpu.memory_space<vmem_shared>>)
      tpu.yield
    }) : () -> ()
    %mul3A_574 = arith.constant 65536 : i32
    %mul3A_575 = arith.muli %arg1, %mul3A_574 : i32
    %add3A_576 = arith.constant 4096 : i32
    %add3A_577 = arith.addi %mul3A_575, %add3A_576 : i32
    "tpu.region"() ({
      %run_scoped3A = tpu.sem_alloc : memref<!tpu.dma_semaphore, #tpu.memory_space<semaphore_mem>>
      %dma_start3A = tpu.memref_slice %arg7[%add3A_577] : memref<1835008xf32, #tpu.memory_space<vmem_shared>> -> memref<4096xf32, #tpu.memory_space<vmem_shared>>
      %dma_start3A_649 = tpu.memref_slice %arg7[%add3A_577] : memref<1835008xf32, #tpu.memory_space<vmem_shared>> -> memref<4096xf32, #tpu.memory_space<vmem_shared>>
      tpu.enqueue_dma source(%arg6 : memref<4096xf32, #tpu.memory_space<vmem>>) target(%dma_start3A_649 : memref<4096xf32, #tpu.memory_space<vmem_shared>>) target_semaphore(%run_scoped3A : memref<!tpu.dma_semaphore, #tpu.memory_space<semaphore_mem>>)
      %dma_wait3A = tpu.memref_slice %arg7[%add3A_577] : memref<1835008xf32, #tpu.memory_space<vmem_shared>> -> memref<4096xf32, #tpu.memory_space<vmem_shared>>
      %dma_wait3A_650 = tpu.memref_slice %arg7[%add3A_577] : memref<1835008xf32, #tpu.memory_space<vmem_shared>> -> memref<4096xf32, #tpu.memory_space<vmem_shared>>
      tpu.wait_dma2 semaphore(%run_scoped3A : memref<!tpu.dma_semaphore, #tpu.memory_space<semaphore_mem>>) src(%arg6 : memref<4096xf32, #tpu.memory_space<vmem>>) dst(%dma_wait3A_650 : memref<4096xf32, #tpu.memory_space<vmem_shared>>)
      tpu.yield
    }) : () -> ()
    %mul3A_578 = arith.constant 65536 : i32
    %mul3A_579 = arith.muli %arg1, %mul3A_578 : i32
    %add3A_580 = arith.constant 8192 : i32
    %add3A_581 = arith.addi %mul3A_579, %add3A_580 : i32
    "tpu.region"() ({
      %run_scoped3A = tpu.sem_alloc : memref<!tpu.dma_semaphore, #tpu.memory_space<semaphore_mem>>
      %dma_start3A = tpu.memref_slice %arg7[%add3A_581] : memref<1835008xf32, #tpu.memory_space<vmem_shared>> -> memref<4096xf32, #tpu.memory_space<vmem_shared>>
      %dma_start3A_649 = tpu.memref_slice %arg7[%add3A_581] : memref<1835008xf32, #tpu.memory_space<vmem_shared>> -> memref<4096xf32, #tpu.memory_space<vmem_shared>>
      tpu.enqueue_dma source(%arg6 : memref<4096xf32, #tpu.memory_space<vmem>>) target(%dma_start3A_649 : memref<4096xf32, #tpu.memory_space<vmem_shared>>) target_semaphore(%run_scoped3A : memref<!tpu.dma_semaphore, #tpu.memory_space<semaphore_mem>>)
      %dma_wait3A = tpu.memref_slice %arg7[%add3A_581] : memref<1835008xf32, #tpu.memory_space<vmem_shared>> -> memref<4096xf32, #tpu.memory_space<vmem_shared>>
      %dma_wait3A_650 = tpu.memref_slice %arg7[%add3A_581] : memref<1835008xf32, #tpu.memory_space<vmem_shared>> -> memref<4096xf32, #tpu.memory_space<vmem_shared>>
      tpu.wait_dma2 semaphore(%run_scoped3A : memref<!tpu.dma_semaphore, #tpu.memory_space<semaphore_mem>>) src(%arg6 : memref<4096xf32, #tpu.memory_space<vmem>>) dst(%dma_wait3A_650 : memref<4096xf32, #tpu.memory_space<vmem_shared>>)
      tpu.yield
    }) : () -> ()
    %mul3A_582 = arith.constant 65536 : i32
    %mul3A_583 = arith.muli %arg1, %mul3A_582 : i32
    %add3A_584 = arith.constant 12288 : i32
    %add3A_585 = arith.addi %mul3A_583, %add3A_584 : i32
    "tpu.region"() ({
      %run_scoped3A = tpu.sem_alloc : memref<!tpu.dma_semaphore, #tpu.memory_space<semaphore_mem>>
      %dma_start3A = tpu.memref_slice %arg7[%add3A_585] : memref<1835008xf32, #tpu.memory_space<vmem_shared>> -> memref<4096xf32, #tpu.memory_space<vmem_shared>>
      %dma_start3A_649 = tpu.memref_slice %arg7[%add3A_585] : memref<1835008xf32, #tpu.memory_space<vmem_shared>> -> memref<4096xf32, #tpu.memory_space<vmem_shared>>
      tpu.enqueue_dma source(%arg6 : memref<4096xf32, #tpu.memory_space<vmem>>) target(%dma_start3A_649 : memref<4096xf32, #tpu.memory_space<vmem_shared>>) target_semaphore(%run_scoped3A : memref<!tpu.dma_semaphore, #tpu.memory_space<semaphore_mem>>)
      %dma_wait3A = tpu.memref_slice %arg7[%add3A_585] : memref<1835008xf32, #tpu.memory_space<vmem_shared>> -> memref<4096xf32, #tpu.memory_space<vmem_shared>>
      %dma_wait3A_650 = tpu.memref_slice %arg7[%add3A_585] : memref<1835008xf32, #tpu.memory_space<vmem_shared>> -> memref<4096xf32, #tpu.memory_space<vmem_shared>>
      tpu.wait_dma2 semaphore(%run_scoped3A : memref<!tpu.dma_semaphore, #tpu.memory_space<semaphore_mem>>) src(%arg6 : memref<4096xf32, #tpu.memory_space<vmem>>) dst(%dma_wait3A_650 : memref<4096xf32, #tpu.memory_space<vmem_shared>>)
      tpu.yield
    }) : () -> ()
    %mul3A_586 = arith.constant 65536 : i32
    %mul3A_587 = arith.muli %arg1, %mul3A_586 : i32
    %add3A_588 = arith.constant 16384 : i32
    %add3A_589 = arith.addi %mul3A_587, %add3A_588 : i32
    "tpu.region"() ({
      %run_scoped3A = tpu.sem_alloc : memref<!tpu.dma_semaphore, #tpu.memory_space<semaphore_mem>>
      %dma_start3A = tpu.memref_slice %arg7[%add3A_589] : memref<1835008xf32, #tpu.memory_space<vmem_shared>> -> memref<4096xf32, #tpu.memory_space<vmem_shared>>
      %dma_start3A_649 = tpu.memref_slice %arg7[%add3A_589] : memref<1835008xf32, #tpu.memory_space<vmem_shared>> -> memref<4096xf32, #tpu.memory_space<vmem_shared>>
      tpu.enqueue_dma source(%arg6 : memref<4096xf32, #tpu.memory_space<vmem>>) target(%dma_start3A_649 : memref<4096xf32, #tpu.memory_space<vmem_shared>>) target_semaphore(%run_scoped3A : memref<!tpu.dma_semaphore, #tpu.memory_space<semaphore_mem>>)
      %dma_wait3A = tpu.memref_slice %arg7[%add3A_589] : memref<1835008xf32, #tpu.memory_space<vmem_shared>> -> memref<4096xf32, #tpu.memory_space<vmem_shared>>
      %dma_wait3A_650 = tpu.memref_slice %arg7[%add3A_589] : memref<1835008xf32, #tpu.memory_space<vmem_shared>> -> memref<4096xf32, #tpu.memory_space<vmem_shared>>
      tpu.wait_dma2 semaphore(%run_scoped3A : memref<!tpu.dma_semaphore, #tpu.memory_space<semaphore_mem>>) src(%arg6 : memref<4096xf32, #tpu.memory_space<vmem>>) dst(%dma_wait3A_650 : memref<4096xf32, #tpu.memory_space<vmem_shared>>)
      tpu.yield
    }) : () -> ()
    %mul3A_590 = arith.constant 65536 : i32
    %mul3A_591 = arith.muli %arg1, %mul3A_590 : i32
    %add3A_592 = arith.constant 20480 : i32
    %add3A_593 = arith.addi %mul3A_591, %add3A_592 : i32
    "tpu.region"() ({
      %run_scoped3A = tpu.sem_alloc : memref<!tpu.dma_semaphore, #tpu.memory_space<semaphore_mem>>
      %dma_start3A = tpu.memref_slice %arg7[%add3A_593] : memref<1835008xf32, #tpu.memory_space<vmem_shared>> -> memref<4096xf32, #tpu.memory_space<vmem_shared>>
      %dma_start3A_649 = tpu.memref_slice %arg7[%add3A_593] : memref<1835008xf32, #tpu.memory_space<vmem_shared>> -> memref<4096xf32, #tpu.memory_space<vmem_shared>>
      tpu.enqueue_dma source(%arg6 : memref<4096xf32, #tpu.memory_space<vmem>>) target(%dma_start3A_649 : memref<4096xf32, #tpu.memory_space<vmem_shared>>) target_semaphore(%run_scoped3A : memref<!tpu.dma_semaphore, #tpu.memory_space<semaphore_mem>>)
      %dma_wait3A = tpu.memref_slice %arg7[%add3A_593] : memref<1835008xf32, #tpu.memory_space<vmem_shared>> -> memref<4096xf32, #tpu.memory_space<vmem_shared>>
      %dma_wait3A_650 = tpu.memref_slice %arg7[%add3A_593] : memref<1835008xf32, #tpu.memory_space<vmem_shared>> -> memref<4096xf32, #tpu.memory_space<vmem_shared>>
      tpu.wait_dma2 semaphore(%run_scoped3A : memref<!tpu.dma_semaphore, #tpu.memory_space<semaphore_mem>>) src(%arg6 : memref<4096xf32, #tpu.memory_space<vmem>>) dst(%dma_wait3A_650 : memref<4096xf32, #tpu.memory_space<vmem_shared>>)
      tpu.yield
    }) : () -> ()
    %mul3A_594 = arith.constant 65536 : i32
    %mul3A_595 = arith.muli %arg1, %mul3A_594 : i32
    %add3A_596 = arith.constant 24576 : i32
    %add3A_597 = arith.addi %mul3A_595, %add3A_596 : i32
    "tpu.region"() ({
      %run_scoped3A = tpu.sem_alloc : memref<!tpu.dma_semaphore, #tpu.memory_space<semaphore_mem>>
      %dma_start3A = tpu.memref_slice %arg7[%add3A_597] : memref<1835008xf32, #tpu.memory_space<vmem_shared>> -> memref<4096xf32, #tpu.memory_space<vmem_shared>>
      %dma_start3A_649 = tpu.memref_slice %arg7[%add3A_597] : memref<1835008xf32, #tpu.memory_space<vmem_shared>> -> memref<4096xf32, #tpu.memory_space<vmem_shared>>
      tpu.enqueue_dma source(%arg6 : memref<4096xf32, #tpu.memory_space<vmem>>) target(%dma_start3A_649 : memref<4096xf32, #tpu.memory_space<vmem_shared>>) target_semaphore(%run_scoped3A : memref<!tpu.dma_semaphore, #tpu.memory_space<semaphore_mem>>)
      %dma_wait3A = tpu.memref_slice %arg7[%add3A_597] : memref<1835008xf32, #tpu.memory_space<vmem_shared>> -> memref<4096xf32, #tpu.memory_space<vmem_shared>>
      %dma_wait3A_650 = tpu.memref_slice %arg7[%add3A_597] : memref<1835008xf32, #tpu.memory_space<vmem_shared>> -> memref<4096xf32, #tpu.memory_space<vmem_shared>>
      tpu.wait_dma2 semaphore(%run_scoped3A : memref<!tpu.dma_semaphore, #tpu.memory_space<semaphore_mem>>) src(%arg6 : memref<4096xf32, #tpu.memory_space<vmem>>) dst(%dma_wait3A_650 : memref<4096xf32, #tpu.memory_space<vmem_shared>>)
      tpu.yield
    }) : () -> ()
    %mul3A_598 = arith.constant 65536 : i32
    %mul3A_599 = arith.muli %arg1, %mul3A_598 : i32
    %add3A_600 = arith.constant 28672 : i32
    %add3A_601 = arith.addi %mul3A_599, %add3A_600 : i32
    "tpu.region"() ({
      %run_scoped3A = tpu.sem_alloc : memref<!tpu.dma_semaphore, #tpu.memory_space<semaphore_mem>>
      %dma_start3A = tpu.memref_slice %arg7[%add3A_601] : memref<1835008xf32, #tpu.memory_space<vmem_shared>> -> memref<4096xf32, #tpu.memory_space<vmem_shared>>
      %dma_start3A_649 = tpu.memref_slice %arg7[%add3A_601] : memref<1835008xf32, #tpu.memory_space<vmem_shared>> -> memref<4096xf32, #tpu.memory_space<vmem_shared>>
      tpu.enqueue_dma source(%arg6 : memref<4096xf32, #tpu.memory_space<vmem>>) target(%dma_start3A_649 : memref<4096xf32, #tpu.memory_space<vmem_shared>>) target_semaphore(%run_scoped3A : memref<!tpu.dma_semaphore, #tpu.memory_space<semaphore_mem>>)
      %dma_wait3A = tpu.memref_slice %arg7[%add3A_601] : memref<1835008xf32, #tpu.memory_space<vmem_shared>> -> memref<4096xf32, #tpu.memory_space<vmem_shared>>
      %dma_wait3A_650 = tpu.memref_slice %arg7[%add3A_601] : memref<1835008xf32, #tpu.memory_space<vmem_shared>> -> memref<4096xf32, #tpu.memory_space<vmem_shared>>
      tpu.wait_dma2 semaphore(%run_scoped3A : memref<!tpu.dma_semaphore, #tpu.memory_space<semaphore_mem>>) src(%arg6 : memref<4096xf32, #tpu.memory_space<vmem>>) dst(%dma_wait3A_650 : memref<4096xf32, #tpu.memory_space<vmem_shared>>)
      tpu.yield
    }) : () -> ()
    %mul3A_602 = arith.constant 65536 : i32
    %mul3A_603 = arith.muli %arg1, %mul3A_602 : i32
    %add3A_604 = arith.constant 32768 : i32
    %add3A_605 = arith.addi %mul3A_603, %add3A_604 : i32
    "tpu.region"() ({
      %run_scoped3A = tpu.sem_alloc : memref<!tpu.dma_semaphore, #tpu.memory_space<semaphore_mem>>
      %dma_start3A = tpu.memref_slice %arg7[%add3A_605] : memref<1835008xf32, #tpu.memory_space<vmem_shared>> -> memref<4096xf32, #tpu.memory_space<vmem_shared>>
      %dma_start3A_649 = tpu.memref_slice %arg7[%add3A_605] : memref<1835008xf32, #tpu.memory_space<vmem_shared>> -> memref<4096xf32, #tpu.memory_space<vmem_shared>>
      tpu.enqueue_dma source(%arg6 : memref<4096xf32, #tpu.memory_space<vmem>>) target(%dma_start3A_649 : memref<4096xf32, #tpu.memory_space<vmem_shared>>) target_semaphore(%run_scoped3A : memref<!tpu.dma_semaphore, #tpu.memory_space<semaphore_mem>>)
      %dma_wait3A = tpu.memref_slice %arg7[%add3A_605] : memref<1835008xf32, #tpu.memory_space<vmem_shared>> -> memref<4096xf32, #tpu.memory_space<vmem_shared>>
      %dma_wait3A_650 = tpu.memref_slice %arg7[%add3A_605] : memref<1835008xf32, #tpu.memory_space<vmem_shared>> -> memref<4096xf32, #tpu.memory_space<vmem_shared>>
      tpu.wait_dma2 semaphore(%run_scoped3A : memref<!tpu.dma_semaphore, #tpu.memory_space<semaphore_mem>>) src(%arg6 : memref<4096xf32, #tpu.memory_space<vmem>>) dst(%dma_wait3A_650 : memref<4096xf32, #tpu.memory_space<vmem_shared>>)
      tpu.yield
    }) : () -> ()
    %mul3A_606 = arith.constant 65536 : i32
    %mul3A_607 = arith.muli %arg1, %mul3A_606 : i32
    %add3A_608 = arith.constant 36864 : i32
    %add3A_609 = arith.addi %mul3A_607, %add3A_608 : i32
    "tpu.region"() ({
      %run_scoped3A = tpu.sem_alloc : memref<!tpu.dma_semaphore, #tpu.memory_space<semaphore_mem>>
      %dma_start3A = tpu.memref_slice %arg7[%add3A_609] : memref<1835008xf32, #tpu.memory_space<vmem_shared>> -> memref<4096xf32, #tpu.memory_space<vmem_shared>>
      %dma_start3A_649 = tpu.memref_slice %arg7[%add3A_609] : memref<1835008xf32, #tpu.memory_space<vmem_shared>> -> memref<4096xf32, #tpu.memory_space<vmem_shared>>
      tpu.enqueue_dma source(%arg6 : memref<4096xf32, #tpu.memory_space<vmem>>) target(%dma_start3A_649 : memref<4096xf32, #tpu.memory_space<vmem_shared>>) target_semaphore(%run_scoped3A : memref<!tpu.dma_semaphore, #tpu.memory_space<semaphore_mem>>)
      %dma_wait3A = tpu.memref_slice %arg7[%add3A_609] : memref<1835008xf32, #tpu.memory_space<vmem_shared>> -> memref<4096xf32, #tpu.memory_space<vmem_shared>>
      %dma_wait3A_650 = tpu.memref_slice %arg7[%add3A_609] : memref<1835008xf32, #tpu.memory_space<vmem_shared>> -> memref<4096xf32, #tpu.memory_space<vmem_shared>>
      tpu.wait_dma2 semaphore(%run_scoped3A : memref<!tpu.dma_semaphore, #tpu.memory_space<semaphore_mem>>) src(%arg6 : memref<4096xf32, #tpu.memory_space<vmem>>) dst(%dma_wait3A_650 : memref<4096xf32, #tpu.memory_space<vmem_shared>>)
      tpu.yield
    }) : () -> ()
    %mul3A_610 = arith.constant 65536 : i32
    %mul3A_611 = arith.muli %arg1, %mul3A_610 : i32
    %add3A_612 = arith.constant 40960 : i32
    %add3A_613 = arith.addi %mul3A_611, %add3A_612 : i32
    "tpu.region"() ({
      %run_scoped3A = tpu.sem_alloc : memref<!tpu.dma_semaphore, #tpu.memory_space<semaphore_mem>>
      %dma_start3A = tpu.memref_slice %arg7[%add3A_613] : memref<1835008xf32, #tpu.memory_space<vmem_shared>> -> memref<4096xf32, #tpu.memory_space<vmem_shared>>
      %dma_start3A_649 = tpu.memref_slice %arg7[%add3A_613] : memref<1835008xf32, #tpu.memory_space<vmem_shared>> -> memref<4096xf32, #tpu.memory_space<vmem_shared>>
      tpu.enqueue_dma source(%arg6 : memref<4096xf32, #tpu.memory_space<vmem>>) target(%dma_start3A_649 : memref<4096xf32, #tpu.memory_space<vmem_shared>>) target_semaphore(%run_scoped3A : memref<!tpu.dma_semaphore, #tpu.memory_space<semaphore_mem>>)
      %dma_wait3A = tpu.memref_slice %arg7[%add3A_613] : memref<1835008xf32, #tpu.memory_space<vmem_shared>> -> memref<4096xf32, #tpu.memory_space<vmem_shared>>
      %dma_wait3A_650 = tpu.memref_slice %arg7[%add3A_613] : memref<1835008xf32, #tpu.memory_space<vmem_shared>> -> memref<4096xf32, #tpu.memory_space<vmem_shared>>
      tpu.wait_dma2 semaphore(%run_scoped3A : memref<!tpu.dma_semaphore, #tpu.memory_space<semaphore_mem>>) src(%arg6 : memref<4096xf32, #tpu.memory_space<vmem>>) dst(%dma_wait3A_650 : memref<4096xf32, #tpu.memory_space<vmem_shared>>)
      tpu.yield
    }) : () -> ()
    %mul3A_614 = arith.constant 65536 : i32
    %mul3A_615 = arith.muli %arg1, %mul3A_614 : i32
    %add3A_616 = arith.constant 45056 : i32
    %add3A_617 = arith.addi %mul3A_615, %add3A_616 : i32
    "tpu.region"() ({
      %run_scoped3A = tpu.sem_alloc : memref<!tpu.dma_semaphore, #tpu.memory_space<semaphore_mem>>
      %dma_start3A = tpu.memref_slice %arg7[%add3A_617] : memref<1835008xf32, #tpu.memory_space<vmem_shared>> -> memref<4096xf32, #tpu.memory_space<vmem_shared>>
      %dma_start3A_649 = tpu.memref_slice %arg7[%add3A_617] : memref<1835008xf32, #tpu.memory_space<vmem_shared>> -> memref<4096xf32, #tpu.memory_space<vmem_shared>>
      tpu.enqueue_dma source(%arg6 : memref<4096xf32, #tpu.memory_space<vmem>>) target(%dma_start3A_649 : memref<4096xf32, #tpu.memory_space<vmem_shared>>) target_semaphore(%run_scoped3A : memref<!tpu.dma_semaphore, #tpu.memory_space<semaphore_mem>>)
      %dma_wait3A = tpu.memref_slice %arg7[%add3A_617] : memref<1835008xf32, #tpu.memory_space<vmem_shared>> -> memref<4096xf32, #tpu.memory_space<vmem_shared>>
      %dma_wait3A_650 = tpu.memref_slice %arg7[%add3A_617] : memref<1835008xf32, #tpu.memory_space<vmem_shared>> -> memref<4096xf32, #tpu.memory_space<vmem_shared>>
      tpu.wait_dma2 semaphore(%run_scoped3A : memref<!tpu.dma_semaphore, #tpu.memory_space<semaphore_mem>>) src(%arg6 : memref<4096xf32, #tpu.memory_space<vmem>>) dst(%dma_wait3A_650 : memref<4096xf32, #tpu.memory_space<vmem_shared>>)
      tpu.yield
    }) : () -> ()
    %mul3A_618 = arith.constant 65536 : i32
    %mul3A_619 = arith.muli %arg1, %mul3A_618 : i32
    %add3A_620 = arith.constant 49152 : i32
    %add3A_621 = arith.addi %mul3A_619, %add3A_620 : i32
    "tpu.region"() ({
      %run_scoped3A = tpu.sem_alloc : memref<!tpu.dma_semaphore, #tpu.memory_space<semaphore_mem>>
      %dma_start3A = tpu.memref_slice %arg7[%add3A_621] : memref<1835008xf32, #tpu.memory_space<vmem_shared>> -> memref<4096xf32, #tpu.memory_space<vmem_shared>>
      %dma_start3A_649 = tpu.memref_slice %arg7[%add3A_621] : memref<1835008xf32, #tpu.memory_space<vmem_shared>> -> memref<4096xf32, #tpu.memory_space<vmem_shared>>
      tpu.enqueue_dma source(%arg6 : memref<4096xf32, #tpu.memory_space<vmem>>) target(%dma_start3A_649 : memref<4096xf32, #tpu.memory_space<vmem_shared>>) target_semaphore(%run_scoped3A : memref<!tpu.dma_semaphore, #tpu.memory_space<semaphore_mem>>)
      %dma_wait3A = tpu.memref_slice %arg7[%add3A_621] : memref<1835008xf32, #tpu.memory_space<vmem_shared>> -> memref<4096xf32, #tpu.memory_space<vmem_shared>>
      %dma_wait3A_650 = tpu.memref_slice %arg7[%add3A_621] : memref<1835008xf32, #tpu.memory_space<vmem_shared>> -> memref<4096xf32, #tpu.memory_space<vmem_shared>>
      tpu.wait_dma2 semaphore(%run_scoped3A : memref<!tpu.dma_semaphore, #tpu.memory_space<semaphore_mem>>) src(%arg6 : memref<4096xf32, #tpu.memory_space<vmem>>) dst(%dma_wait3A_650 : memref<4096xf32, #tpu.memory_space<vmem_shared>>)
      tpu.yield
    }) : () -> ()
    %mul3A_622 = arith.constant 65536 : i32
    %mul3A_623 = arith.muli %arg1, %mul3A_622 : i32
    %add3A_624 = arith.constant 53248 : i32
    %add3A_625 = arith.addi %mul3A_623, %add3A_624 : i32
    "tpu.region"() ({
      %run_scoped3A = tpu.sem_alloc : memref<!tpu.dma_semaphore, #tpu.memory_space<semaphore_mem>>
      %dma_start3A = tpu.memref_slice %arg7[%add3A_625] : memref<1835008xf32, #tpu.memory_space<vmem_shared>> -> memref<4096xf32, #tpu.memory_space<vmem_shared>>
      %dma_start3A_649 = tpu.memref_slice %arg7[%add3A_625] : memref<1835008xf32, #tpu.memory_space<vmem_shared>> -> memref<4096xf32, #tpu.memory_space<vmem_shared>>
      tpu.enqueue_dma source(%arg6 : memref<4096xf32, #tpu.memory_space<vmem>>) target(%dma_start3A_649 : memref<4096xf32, #tpu.memory_space<vmem_shared>>) target_semaphore(%run_scoped3A : memref<!tpu.dma_semaphore, #tpu.memory_space<semaphore_mem>>)
      %dma_wait3A = tpu.memref_slice %arg7[%add3A_625] : memref<1835008xf32, #tpu.memory_space<vmem_shared>> -> memref<4096xf32, #tpu.memory_space<vmem_shared>>
      %dma_wait3A_650 = tpu.memref_slice %arg7[%add3A_625] : memref<1835008xf32, #tpu.memory_space<vmem_shared>> -> memref<4096xf32, #tpu.memory_space<vmem_shared>>
      tpu.wait_dma2 semaphore(%run_scoped3A : memref<!tpu.dma_semaphore, #tpu.memory_space<semaphore_mem>>) src(%arg6 : memref<4096xf32, #tpu.memory_space<vmem>>) dst(%dma_wait3A_650 : memref<4096xf32, #tpu.memory_space<vmem_shared>>)
      tpu.yield
    }) : () -> ()
    %mul3A_626 = arith.constant 65536 : i32
    %mul3A_627 = arith.muli %arg1, %mul3A_626 : i32
    %add3A_628 = arith.constant 57344 : i32
    %add3A_629 = arith.addi %mul3A_627, %add3A_628 : i32
    "tpu.region"() ({
      %run_scoped3A = tpu.sem_alloc : memref<!tpu.dma_semaphore, #tpu.memory_space<semaphore_mem>>
      %dma_start3A = tpu.memref_slice %arg7[%add3A_629] : memref<1835008xf32, #tpu.memory_space<vmem_shared>> -> memref<4096xf32, #tpu.memory_space<vmem_shared>>
      %dma_start3A_649 = tpu.memref_slice %arg7[%add3A_629] : memref<1835008xf32, #tpu.memory_space<vmem_shared>> -> memref<4096xf32, #tpu.memory_space<vmem_shared>>
      tpu.enqueue_dma source(%arg6 : memref<4096xf32, #tpu.memory_space<vmem>>) target(%dma_start3A_649 : memref<4096xf32, #tpu.memory_space<vmem_shared>>) target_semaphore(%run_scoped3A : memref<!tpu.dma_semaphore, #tpu.memory_space<semaphore_mem>>)
      %dma_wait3A = tpu.memref_slice %arg7[%add3A_629] : memref<1835008xf32, #tpu.memory_space<vmem_shared>> -> memref<4096xf32, #tpu.memory_space<vmem_shared>>
      %dma_wait3A_650 = tpu.memref_slice %arg7[%add3A_629] : memref<1835008xf32, #tpu.memory_space<vmem_shared>> -> memref<4096xf32, #tpu.memory_space<vmem_shared>>
      tpu.wait_dma2 semaphore(%run_scoped3A : memref<!tpu.dma_semaphore, #tpu.memory_space<semaphore_mem>>) src(%arg6 : memref<4096xf32, #tpu.memory_space<vmem>>) dst(%dma_wait3A_650 : memref<4096xf32, #tpu.memory_space<vmem_shared>>)
      tpu.yield
    }) : () -> ()
    %mul3A_630 = arith.constant 65536 : i32
    %mul3A_631 = arith.muli %arg1, %mul3A_630 : i32
    %add3A_632 = arith.constant 61440 : i32
    %add3A_633 = arith.addi %mul3A_631, %add3A_632 : i32
    "tpu.region"() ({
      %run_scoped3A = tpu.sem_alloc : memref<!tpu.dma_semaphore, #tpu.memory_space<semaphore_mem>>
      %dma_start3A = tpu.memref_slice %arg7[%add3A_633] : memref<1835008xf32, #tpu.memory_space<vmem_shared>> -> memref<4096xf32, #tpu.memory_space<vmem_shared>>
      %dma_start3A_649 = tpu.memref_slice %arg7[%add3A_633] : memref<1835008xf32, #tpu.memory_space<vmem_shared>> -> memref<4096xf32, #tpu.memory_space<vmem_shared>>
      tpu.enqueue_dma source(%arg6 : memref<4096xf32, #tpu.memory_space<vmem>>) target(%dma_start3A_649 : memref<4096xf32, #tpu.memory_space<vmem_shared>>) target_semaphore(%run_scoped3A : memref<!tpu.dma_semaphore, #tpu.memory_space<semaphore_mem>>)
      %dma_wait3A = tpu.memref_slice %arg7[%add3A_633] : memref<1835008xf32, #tpu.memory_space<vmem_shared>> -> memref<4096xf32, #tpu.memory_space<vmem_shared>>
      %dma_wait3A_650 = tpu.memref_slice %arg7[%add3A_633] : memref<1835008xf32, #tpu.memory_space<vmem_shared>> -> memref<4096xf32, #tpu.memory_space<vmem_shared>>
      tpu.wait_dma2 semaphore(%run_scoped3A : memref<!tpu.dma_semaphore, #tpu.memory_space<semaphore_mem>>) src(%arg6 : memref<4096xf32, #tpu.memory_space<vmem>>) dst(%dma_wait3A_650 : memref<4096xf32, #tpu.memory_space<vmem_shared>>)
      tpu.yield
    }) : () -> ()
    %barrier3A_634 = arith.constant 0 : index
    tpu.barrier barrier_id(%barrier3A_634)
    %scan3A_635 = arith.constant 0 : i32
    %scan3A_636 = arith.constant 0 : i32
    %scan3A_637 = arith.constant 64 : i32
    %scan3A_638 = arith.addi %scan3A_636, %scan3A_637 : i32
    %scan3A_639 = arith.constant 1 : i32
    %scan3A_640 = scf.for %scan3A_649 = %scan3A_636 to %scan3A_638 step %scan3A_639 iter_args(%scan3A_650 = %scan3A_635) -> (i32)  : i32 {
      %mul3A_651 = arith.constant 4096 : i32
      %mul3A_652 = arith.muli %scan3A_649, %mul3A_651 : i32
      %add3A_653 = arith.addi %mul3A_0, %mul3A_652 : i32
      "tpu.region"() ({
        %run_scoped3A = tpu.sem_alloc : memref<!tpu.dma_semaphore, #tpu.memory_space<semaphore_mem>>
        %dma_start3A = tpu.memref_slice %arg2[%add3A_653] : memref<4194304xi32, #tpu.memory_space<hbm>> -> memref<4096xi32, #tpu.memory_space<hbm>>
        %dma_start3A_662 = tpu.memref_slice %arg2[%add3A_653] : memref<4194304xi32, #tpu.memory_space<hbm>> -> memref<4096xi32, #tpu.memory_space<hbm>>
        tpu.enqueue_dma source(%dma_start3A_662 : memref<4096xi32, #tpu.memory_space<hbm>>) target(%arg5 : memref<4096xi32, #tpu.memory_space<vmem>>) target_semaphore(%run_scoped3A : memref<!tpu.dma_semaphore, #tpu.memory_space<semaphore_mem>>)
        %dma_wait3A = tpu.memref_slice %arg2[%add3A_653] : memref<4194304xi32, #tpu.memory_space<hbm>> -> memref<4096xi32, #tpu.memory_space<hbm>>
        %dma_wait3A_663 = tpu.memref_slice %arg2[%add3A_653] : memref<4194304xi32, #tpu.memory_space<hbm>> -> memref<4096xi32, #tpu.memory_space<hbm>>
        tpu.wait_dma2 semaphore(%run_scoped3A : memref<!tpu.dma_semaphore, #tpu.memory_space<semaphore_mem>>) src(%dma_wait3A_663 : memref<4096xi32, #tpu.memory_space<hbm>>) dst(%arg5 : memref<4096xi32, #tpu.memory_space<vmem>>)
        tpu.yield
      }) : () -> ()
      "tpu.region"() ({
        %run_scoped3A = tpu.sem_alloc : memref<!tpu.dma_semaphore, #tpu.memory_space<semaphore_mem>>
        %dma_start3A = tpu.memref_slice %arg3[%add3A_653] : memref<4194304xf32, #tpu.memory_space<hbm>> -> memref<4096xf32, #tpu.memory_space<hbm>>
        %dma_start3A_662 = tpu.memref_slice %arg3[%add3A_653] : memref<4194304xf32, #tpu.memory_space<hbm>> -> memref<4096xf32, #tpu.memory_space<hbm>>
        tpu.enqueue_dma source(%dma_start3A_662 : memref<4096xf32, #tpu.memory_space<hbm>>) target(%arg6 : memref<4096xf32, #tpu.memory_space<vmem>>) target_semaphore(%run_scoped3A : memref<!tpu.dma_semaphore, #tpu.memory_space<semaphore_mem>>)
        %dma_wait3A = tpu.memref_slice %arg3[%add3A_653] : memref<4194304xf32, #tpu.memory_space<hbm>> -> memref<4096xf32, #tpu.memory_space<hbm>>
        %dma_wait3A_663 = tpu.memref_slice %arg3[%add3A_653] : memref<4194304xf32, #tpu.memory_space<hbm>> -> memref<4096xf32, #tpu.memory_space<hbm>>
        tpu.wait_dma2 semaphore(%run_scoped3A : memref<!tpu.dma_semaphore, #tpu.memory_space<semaphore_mem>>) src(%dma_wait3A_663 : memref<4096xf32, #tpu.memory_space<hbm>>) dst(%arg6 : memref<4096xf32, #tpu.memory_space<vmem>>)
        tpu.yield
      }) : () -> ()
      %scan3A_654 = arith.constant 0 : i32
      %scan3A_655 = arith.constant 0 : i32
      %scan3A_656 = arith.constant 32 : i32
      %scan3A_657 = arith.addi %scan3A_655, %scan3A_656 : i32
      %scan3A_658 = arith.constant 1 : i32
      %scan3A_659 = scf.for %scan3A_662 = %scan3A_655 to %scan3A_657 step %scan3A_658 iter_args(%scan3A_663 = %scan3A_654) -> (i32)  : i32 {
        %mul3A_664 = arith.constant 128 : i32
        %mul3A_665 = arith.muli %scan3A_662, %mul3A_664 : i32
        %add3A_666 = arith.constant 0 : i32
        %add3A_667 = arith.addi %mul3A_665, %add3A_666 : i32
        %get3A = arith.index_cast %add3A_667 : i32 to index
        %get3A_668 = tpu.vector_load %arg5[%get3A] {strides = array<i32>} : memref<4096xi32, #tpu.memory_space<vmem>>, vector<16xi32>,
        %sub3A = vector.broadcast %add3A_562 : i32 to vector<16xi32>
        %sub3A_669 = arith.subi %get3A_668, %sub3A : vector<16xi32>
        %ge3A = arith.constant 0 : i32
        %ge3A_670 = vector.broadcast %ge3A : i32 to vector<16xi32>
        %ge3A_671 = arith.cmpi sge, %sub3A_669, %ge3A_670 : vector<16xi32>
        %lt3A = arith.constant 1048576 : i32
        %lt3A_672 = vector.broadcast %lt3A : i32 to vector<16xi32>
        %lt3A_673 = arith.cmpi slt, %sub3A_669, %lt3A_672 : vector<16xi32>
        %and3A = arith.andi %ge3A_671, %lt3A_673 : vector<16xi1>
        %add3A_674 = vector.broadcast %add3A_667 : i32 to vector<16xi32>
        %add3A_675 = arith.addi %iota3A, %add3A_674 : vector<16xi32>
        %select_n3A = arith.select %and3A, %sub3A_669, %add3A_675 : vector<16xi1>, vector<16xi32>
        %swap3A = arith.index_cast %add3A_667 : i32 to index
        %swap3A_676 = tpu.vector_load %arg5[%swap3A] {strides = array<i32>} : memref<4096xi32, #tpu.memory_space<vmem>>, vector<16xi32>,
        tpu.vector_store %arg5[%swap3A], %select_n3A {strides = array<i32>} : memref<4096xi32, #tpu.memory_space<vmem>>, vector<16xi32>,
        %get3A_677 = arith.index_cast %add3A_667 : i32 to index
        %get3A_678 = tpu.vector_load %arg6[%get3A_677] {strides = array<i32>} : memref<4096xf32, #tpu.memory_space<vmem>>, vector<16xf32>,
        %jit3A = arith.constant 0.000000e+00 : f32
        %broadcast_in_dim3A_679 = vector.broadcast %jit3A : f32 to vector<16xf32>
        %select_n3A_680 = arith.select %and3A, %get3A_678, %broadcast_in_dim3A_679 : vector<16xi1>, vector<16xf32>
        %swap3A_681 = arith.index_cast %add3A_667 : i32 to index
        %swap3A_682 = tpu.vector_load %arg6[%swap3A_681] {strides = array<i32>} : memref<4096xf32, #tpu.memory_space<vmem>>, vector<16xf32>,
        tpu.vector_store %arg6[%swap3A_681], %select_n3A_680 {strides = array<i32>} : memref<4096xf32, #tpu.memory_space<vmem>>, vector<16xf32>,
        %mul3A_683 = arith.constant 128 : i32
        %mul3A_684 = arith.muli %scan3A_662, %mul3A_683 : i32
        %add3A_685 = arith.constant 16 : i32
        %add3A_686 = arith.addi %mul3A_684, %add3A_685 : i32
        %get3A_687 = arith.index_cast %add3A_686 : i32 to index
        %get3A_688 = tpu.vector_load %arg5[%get3A_687] {strides = array<i32>} : memref<4096xi32, #tpu.memory_space<vmem>>, vector<16xi32>,
        %sub3A_689 = vector.broadcast %add3A_562 : i32 to vector<16xi32>
        %sub3A_690 = arith.subi %get3A_688, %sub3A_689 : vector<16xi32>
        %ge3A_691 = arith.constant 0 : i32
        %ge3A_692 = vector.broadcast %ge3A_691 : i32 to vector<16xi32>
        %ge3A_693 = arith.cmpi sge, %sub3A_690, %ge3A_692 : vector<16xi32>
        %lt3A_694 = arith.constant 1048576 : i32
        %lt3A_695 = vector.broadcast %lt3A_694 : i32 to vector<16xi32>
        %lt3A_696 = arith.cmpi slt, %sub3A_690, %lt3A_695 : vector<16xi32>
        %and3A_697 = arith.andi %ge3A_693, %lt3A_696 : vector<16xi1>
        %add3A_698 = vector.broadcast %add3A_686 : i32 to vector<16xi32>
        %add3A_699 = arith.addi %iota3A, %add3A_698 : vector<16xi32>
        %select_n3A_700 = arith.select %and3A_697, %sub3A_690, %add3A_699 : vector<16xi1>, vector<16xi32>
        %swap3A_701 = arith.index_cast %add3A_686 : i32 to index
        %swap3A_702 = tpu.vector_load %arg5[%swap3A_701] {strides = array<i32>} : memref<4096xi32, #tpu.memory_space<vmem>>, vector<16xi32>,
        tpu.vector_store %arg5[%swap3A_701], %select_n3A_700 {strides = array<i32>} : memref<4096xi32, #tpu.memory_space<vmem>>, vector<16xi32>,
        %get3A_703 = arith.index_cast %add3A_686 : i32 to index
        %get3A_704 = tpu.vector_load %arg6[%get3A_703] {strides = array<i32>} : memref<4096xf32, #tpu.memory_space<vmem>>, vector<16xf32>,
        %jit3A_705 = arith.constant 0.000000e+00 : f32
        %broadcast_in_dim3A_706 = vector.broadcast %jit3A_705 : f32 to vector<16xf32>
        %select_n3A_707 = arith.select %and3A_697, %get3A_704, %broadcast_in_dim3A_706 : vector<16xi1>, vector<16xf32>
        %swap3A_708 = arith.index_cast %add3A_686 : i32 to index
        %swap3A_709 = tpu.vector_load %arg6[%swap3A_708] {strides = array<i32>} : memref<4096xf32, #tpu.memory_space<vmem>>, vector<16xf32>,
        tpu.vector_store %arg6[%swap3A_708], %select_n3A_707 {strides = array<i32>} : memref<4096xf32, #tpu.memory_space<vmem>>, vector<16xf32>,
        %mul3A_710 = arith.constant 128 : i32
        %mul3A_711 = arith.muli %scan3A_662, %mul3A_710 : i32
        %add3A_712 = arith.constant 32 : i32
        %add3A_713 = arith.addi %mul3A_711, %add3A_712 : i32
        %get3A_714 = arith.index_cast %add3A_713 : i32 to index
        %get3A_715 = tpu.vector_load %arg5[%get3A_714] {strides = array<i32>} : memref<4096xi32, #tpu.memory_space<vmem>>, vector<16xi32>,
        %sub3A_716 = vector.broadcast %add3A_562 : i32 to vector<16xi32>
        %sub3A_717 = arith.subi %get3A_715, %sub3A_716 : vector<16xi32>
        %ge3A_718 = arith.constant 0 : i32
        %ge3A_719 = vector.broadcast %ge3A_718 : i32 to vector<16xi32>
        %ge3A_720 = arith.cmpi sge, %sub3A_717, %ge3A_719 : vector<16xi32>
        %lt3A_721 = arith.constant 1048576 : i32
        %lt3A_722 = vector.broadcast %lt3A_721 : i32 to vector<16xi32>
        %lt3A_723 = arith.cmpi slt, %sub3A_717, %lt3A_722 : vector<16xi32>
        %and3A_724 = arith.andi %ge3A_720, %lt3A_723 : vector<16xi1>
        %add3A_725 = vector.broadcast %add3A_713 : i32 to vector<16xi32>
        %add3A_726 = arith.addi %iota3A, %add3A_725 : vector<16xi32>
        %select_n3A_727 = arith.select %and3A_724, %sub3A_717, %add3A_726 : vector<16xi1>, vector<16xi32>
        %swap3A_728 = arith.index_cast %add3A_713 : i32 to index
        %swap3A_729 = tpu.vector_load %arg5[%swap3A_728] {strides = array<i32>} : memref<4096xi32, #tpu.memory_space<vmem>>, vector<16xi32>,
        tpu.vector_store %arg5[%swap3A_728], %select_n3A_727 {strides = array<i32>} : memref<4096xi32, #tpu.memory_space<vmem>>, vector<16xi32>,
        %get3A_730 = arith.index_cast %add3A_713 : i32 to index
        %get3A_731 = tpu.vector_load %arg6[%get3A_730] {strides = array<i32>} : memref<4096xf32, #tpu.memory_space<vmem>>, vector<16xf32>,
        %jit3A_732 = arith.constant 0.000000e+00 : f32
        %broadcast_in_dim3A_733 = vector.broadcast %jit3A_732 : f32 to vector<16xf32>
        %select_n3A_734 = arith.select %and3A_724, %get3A_731, %broadcast_in_dim3A_733 : vector<16xi1>, vector<16xf32>
        %swap3A_735 = arith.index_cast %add3A_713 : i32 to index
        %swap3A_736 = tpu.vector_load %arg6[%swap3A_735] {strides = array<i32>} : memref<4096xf32, #tpu.memory_space<vmem>>, vector<16xf32>,
        tpu.vector_store %arg6[%swap3A_735], %select_n3A_734 {strides = array<i32>} : memref<4096xf32, #tpu.memory_space<vmem>>, vector<16xf32>,
        %mul3A_737 = arith.constant 128 : i32
        %mul3A_738 = arith.muli %scan3A_662, %mul3A_737 : i32
        %add3A_739 = arith.constant 48 : i32
        %add3A_740 = arith.addi %mul3A_738, %add3A_739 : i32
        %get3A_741 = arith.index_cast %add3A_740 : i32 to index
        %get3A_742 = tpu.vector_load %arg5[%get3A_741] {strides = array<i32>} : memref<4096xi32, #tpu.memory_space<vmem>>, vector<16xi32>,
        %sub3A_743 = vector.broadcast %add3A_562 : i32 to vector<16xi32>
        %sub3A_744 = arith.subi %get3A_742, %sub3A_743 : vector<16xi32>
        %ge3A_745 = arith.constant 0 : i32
        %ge3A_746 = vector.broadcast %ge3A_745 : i32 to vector<16xi32>
        %ge3A_747 = arith.cmpi sge, %sub3A_744, %ge3A_746 : vector<16xi32>
        %lt3A_748 = arith.constant 1048576 : i32
        %lt3A_749 = vector.broadcast %lt3A_748 : i32 to vector<16xi32>
        %lt3A_750 = arith.cmpi slt, %sub3A_744, %lt3A_749 : vector<16xi32>
        %and3A_751 = arith.andi %ge3A_747, %lt3A_750 : vector<16xi1>
        %add3A_752 = vector.broadcast %add3A_740 : i32 to vector<16xi32>
        %add3A_753 = arith.addi %iota3A, %add3A_752 : vector<16xi32>
        %select_n3A_754 = arith.select %and3A_751, %sub3A_744, %add3A_753 : vector<16xi1>, vector<16xi32>
        %swap3A_755 = arith.index_cast %add3A_740 : i32 to index
        %swap3A_756 = tpu.vector_load %arg5[%swap3A_755] {strides = array<i32>} : memref<4096xi32, #tpu.memory_space<vmem>>, vector<16xi32>,
        tpu.vector_store %arg5[%swap3A_755], %select_n3A_754 {strides = array<i32>} : memref<4096xi32, #tpu.memory_space<vmem>>, vector<16xi32>,
        %get3A_757 = arith.index_cast %add3A_740 : i32 to index
        %get3A_758 = tpu.vector_load %arg6[%get3A_757] {strides = array<i32>} : memref<4096xf32, #tpu.memory_space<vmem>>, vector<16xf32>,
        %jit3A_759 = arith.constant 0.000000e+00 : f32
        %broadcast_in_dim3A_760 = vector.broadcast %jit3A_759 : f32 to vector<16xf32>
        %select_n3A_761 = arith.select %and3A_751, %get3A_758, %broadcast_in_dim3A_760 : vector<16xi1>, vector<16xf32>
        %swap3A_762 = arith.index_cast %add3A_740 : i32 to index
        %swap3A_763 = tpu.vector_load %arg6[%swap3A_762] {strides = array<i32>} : memref<4096xf32, #tpu.memory_space<vmem>>, vector<16xf32>,
        tpu.vector_store %arg6[%swap3A_762], %select_n3A_761 {strides = array<i32>} : memref<4096xf32, #tpu.memory_space<vmem>>, vector<16xf32>,
        %mul3A_764 = arith.constant 128 : i32
        %mul3A_765 = arith.muli %scan3A_662, %mul3A_764 : i32
        %add3A_766 = arith.constant 64 : i32
        %add3A_767 = arith.addi %mul3A_765, %add3A_766 : i32
        %get3A_768 = arith.index_cast %add3A_767 : i32 to index
        %get3A_769 = tpu.vector_load %arg5[%get3A_768] {strides = array<i32>} : memref<4096xi32, #tpu.memory_space<vmem>>, vector<16xi32>,
        %sub3A_770 = vector.broadcast %add3A_562 : i32 to vector<16xi32>
        %sub3A_771 = arith.subi %get3A_769, %sub3A_770 : vector<16xi32>
        %ge3A_772 = arith.constant 0 : i32
        %ge3A_773 = vector.broadcast %ge3A_772 : i32 to vector<16xi32>
        %ge3A_774 = arith.cmpi sge, %sub3A_771, %ge3A_773 : vector<16xi32>
        %lt3A_775 = arith.constant 1048576 : i32
        %lt3A_776 = vector.broadcast %lt3A_775 : i32 to vector<16xi32>
        %lt3A_777 = arith.cmpi slt, %sub3A_771, %lt3A_776 : vector<16xi32>
        %and3A_778 = arith.andi %ge3A_774, %lt3A_777 : vector<16xi1>
        %add3A_779 = vector.broadcast %add3A_767 : i32 to vector<16xi32>
        %add3A_780 = arith.addi %iota3A, %add3A_779 : vector<16xi32>
        %select_n3A_781 = arith.select %and3A_778, %sub3A_771, %add3A_780 : vector<16xi1>, vector<16xi32>
        %swap3A_782 = arith.index_cast %add3A_767 : i32 to index
        %swap3A_783 = tpu.vector_load %arg5[%swap3A_782] {strides = array<i32>} : memref<4096xi32, #tpu.memory_space<vmem>>, vector<16xi32>,
        tpu.vector_store %arg5[%swap3A_782], %select_n3A_781 {strides = array<i32>} : memref<4096xi32, #tpu.memory_space<vmem>>, vector<16xi32>,
        %get3A_784 = arith.index_cast %add3A_767 : i32 to index
        %get3A_785 = tpu.vector_load %arg6[%get3A_784] {strides = array<i32>} : memref<4096xf32, #tpu.memory_space<vmem>>, vector<16xf32>,
        %jit3A_786 = arith.constant 0.000000e+00 : f32
        %broadcast_in_dim3A_787 = vector.broadcast %jit3A_786 : f32 to vector<16xf32>
        %select_n3A_788 = arith.select %and3A_778, %get3A_785, %broadcast_in_dim3A_787 : vector<16xi1>, vector<16xf32>
        %swap3A_789 = arith.index_cast %add3A_767 : i32 to index
        %swap3A_790 = tpu.vector_load %arg6[%swap3A_789] {strides = array<i32>} : memref<4096xf32, #tpu.memory_space<vmem>>, vector<16xf32>,
        tpu.vector_store %arg6[%swap3A_789], %select_n3A_788 {strides = array<i32>} : memref<4096xf32, #tpu.memory_space<vmem>>, vector<16xf32>,
        %mul3A_791 = arith.constant 128 : i32
        %mul3A_792 = arith.muli %scan3A_662, %mul3A_791 : i32
        %add3A_793 = arith.constant 80 : i32
        %add3A_794 = arith.addi %mul3A_792, %add3A_793 : i32
        %get3A_795 = arith.index_cast %add3A_794 : i32 to index
        %get3A_796 = tpu.vector_load %arg5[%get3A_795] {strides = array<i32>} : memref<4096xi32, #tpu.memory_space<vmem>>, vector<16xi32>,
        %sub3A_797 = vector.broadcast %add3A_562 : i32 to vector<16xi32>
        %sub3A_798 = arith.subi %get3A_796, %sub3A_797 : vector<16xi32>
        %ge3A_799 = arith.constant 0 : i32
        %ge3A_800 = vector.broadcast %ge3A_799 : i32 to vector<16xi32>
        %ge3A_801 = arith.cmpi sge, %sub3A_798, %ge3A_800 : vector<16xi32>
        %lt3A_802 = arith.constant 1048576 : i32
        %lt3A_803 = vector.broadcast %lt3A_802 : i32 to vector<16xi32>
        %lt3A_804 = arith.cmpi slt, %sub3A_798, %lt3A_803 : vector<16xi32>
        %and3A_805 = arith.andi %ge3A_801, %lt3A_804 : vector<16xi1>
        %add3A_806 = vector.broadcast %add3A_794 : i32 to vector<16xi32>
        %add3A_807 = arith.addi %iota3A, %add3A_806 : vector<16xi32>
        %select_n3A_808 = arith.select %and3A_805, %sub3A_798, %add3A_807 : vector<16xi1>, vector<16xi32>
        %swap3A_809 = arith.index_cast %add3A_794 : i32 to index
        %swap3A_810 = tpu.vector_load %arg5[%swap3A_809] {strides = array<i32>} : memref<4096xi32, #tpu.memory_space<vmem>>, vector<16xi32>,
        tpu.vector_store %arg5[%swap3A_809], %select_n3A_808 {strides = array<i32>} : memref<4096xi32, #tpu.memory_space<vmem>>, vector<16xi32>,
        %get3A_811 = arith.index_cast %add3A_794 : i32 to index
        %get3A_812 = tpu.vector_load %arg6[%get3A_811] {strides = array<i32>} : memref<4096xf32, #tpu.memory_space<vmem>>, vector<16xf32>,
        %jit3A_813 = arith.constant 0.000000e+00 : f32
        %broadcast_in_dim3A_814 = vector.broadcast %jit3A_813 : f32 to vector<16xf32>
        %select_n3A_815 = arith.select %and3A_805, %get3A_812, %broadcast_in_dim3A_814 : vector<16xi1>, vector<16xf32>
        %swap3A_816 = arith.index_cast %add3A_794 : i32 to index
        %swap3A_817 = tpu.vector_load %arg6[%swap3A_816] {strides = array<i32>} : memref<4096xf32, #tpu.memory_space<vmem>>, vector<16xf32>,
        tpu.vector_store %arg6[%swap3A_816], %select_n3A_815 {strides = array<i32>} : memref<4096xf32, #tpu.memory_space<vmem>>, vector<16xf32>,
        %mul3A_818 = arith.constant 128 : i32
        %mul3A_819 = arith.muli %scan3A_662, %mul3A_818 : i32
        %add3A_820 = arith.constant 96 : i32
        %add3A_821 = arith.addi %mul3A_819, %add3A_820 : i32
        %get3A_822 = arith.index_cast %add3A_821 : i32 to index
        %get3A_823 = tpu.vector_load %arg5[%get3A_822] {strides = array<i32>} : memref<4096xi32, #tpu.memory_space<vmem>>, vector<16xi32>,
        %sub3A_824 = vector.broadcast %add3A_562 : i32 to vector<16xi32>
        %sub3A_825 = arith.subi %get3A_823, %sub3A_824 : vector<16xi32>
        %ge3A_826 = arith.constant 0 : i32
        %ge3A_827 = vector.broadcast %ge3A_826 : i32 to vector<16xi32>
        %ge3A_828 = arith.cmpi sge, %sub3A_825, %ge3A_827 : vector<16xi32>
        %lt3A_829 = arith.constant 1048576 : i32
        %lt3A_830 = vector.broadcast %lt3A_829 : i32 to vector<16xi32>
        %lt3A_831 = arith.cmpi slt, %sub3A_825, %lt3A_830 : vector<16xi32>
        %and3A_832 = arith.andi %ge3A_828, %lt3A_831 : vector<16xi1>
        %add3A_833 = vector.broadcast %add3A_821 : i32 to vector<16xi32>
        %add3A_834 = arith.addi %iota3A, %add3A_833 : vector<16xi32>
        %select_n3A_835 = arith.select %and3A_832, %sub3A_825, %add3A_834 : vector<16xi1>, vector<16xi32>
        %swap3A_836 = arith.index_cast %add3A_821 : i32 to index
        %swap3A_837 = tpu.vector_load %arg5[%swap3A_836] {strides = array<i32>} : memref<4096xi32, #tpu.memory_space<vmem>>, vector<16xi32>,
        tpu.vector_store %arg5[%swap3A_836], %select_n3A_835 {strides = array<i32>} : memref<4096xi32, #tpu.memory_space<vmem>>, vector<16xi32>,
        %get3A_838 = arith.index_cast %add3A_821 : i32 to index
        %get3A_839 = tpu.vector_load %arg6[%get3A_838] {strides = array<i32>} : memref<4096xf32, #tpu.memory_space<vmem>>, vector<16xf32>,
        %jit3A_840 = arith.constant 0.000000e+00 : f32
        %broadcast_in_dim3A_841 = vector.broadcast %jit3A_840 : f32 to vector<16xf32>
        %select_n3A_842 = arith.select %and3A_832, %get3A_839, %broadcast_in_dim3A_841 : vector<16xi1>, vector<16xf32>
        %swap3A_843 = arith.index_cast %add3A_821 : i32 to index
        %swap3A_844 = tpu.vector_load %arg6[%swap3A_843] {strides = array<i32>} : memref<4096xf32, #tpu.memory_space<vmem>>, vector<16xf32>,
        tpu.vector_store %arg6[%swap3A_843], %select_n3A_842 {strides = array<i32>} : memref<4096xf32, #tpu.memory_space<vmem>>, vector<16xf32>,
        %mul3A_845 = arith.constant 128 : i32
        %mul3A_846 = arith.muli %scan3A_662, %mul3A_845 : i32
        %add3A_847 = arith.constant 112 : i32
        %add3A_848 = arith.addi %mul3A_846, %add3A_847 : i32
        %get3A_849 = arith.index_cast %add3A_848 : i32 to index
        %get3A_850 = tpu.vector_load %arg5[%get3A_849] {strides = array<i32>} : memref<4096xi32, #tpu.memory_space<vmem>>, vector<16xi32>,
        %sub3A_851 = vector.broadcast %add3A_562 : i32 to vector<16xi32>
        %sub3A_852 = arith.subi %get3A_850, %sub3A_851 : vector<16xi32>
        %ge3A_853 = arith.constant 0 : i32
        %ge3A_854 = vector.broadcast %ge3A_853 : i32 to vector<16xi32>
        %ge3A_855 = arith.cmpi sge, %sub3A_852, %ge3A_854 : vector<16xi32>
        %lt3A_856 = arith.constant 1048576 : i32
        %lt3A_857 = vector.broadcast %lt3A_856 : i32 to vector<16xi32>
        %lt3A_858 = arith.cmpi slt, %sub3A_852, %lt3A_857 : vector<16xi32>
        %and3A_859 = arith.andi %ge3A_855, %lt3A_858 : vector<16xi1>
        %add3A_860 = vector.broadcast %add3A_848 : i32 to vector<16xi32>
        %add3A_861 = arith.addi %iota3A, %add3A_860 : vector<16xi32>
        %select_n3A_862 = arith.select %and3A_859, %sub3A_852, %add3A_861 : vector<16xi1>, vector<16xi32>
        %swap3A_863 = arith.index_cast %add3A_848 : i32 to index
        %swap3A_864 = tpu.vector_load %arg5[%swap3A_863] {strides = array<i32>} : memref<4096xi32, #tpu.memory_space<vmem>>, vector<16xi32>,
        tpu.vector_store %arg5[%swap3A_863], %select_n3A_862 {strides = array<i32>} : memref<4096xi32, #tpu.memory_space<vmem>>, vector<16xi32>,
        %get3A_865 = arith.index_cast %add3A_848 : i32 to index
        %get3A_866 = tpu.vector_load %arg6[%get3A_865] {strides = array<i32>} : memref<4096xf32, #tpu.memory_space<vmem>>, vector<16xf32>,
        %jit3A_867 = arith.constant 0.000000e+00 : f32
        %broadcast_in_dim3A_868 = vector.broadcast %jit3A_867 : f32 to vector<16xf32>
        %select_n3A_869 = arith.select %and3A_859, %get3A_866, %broadcast_in_dim3A_868 : vector<16xi1>, vector<16xf32>
        %swap3A_870 = arith.index_cast %add3A_848 : i32 to index
        %swap3A_871 = tpu.vector_load %arg6[%swap3A_870] {strides = array<i32>} : memref<4096xf32, #tpu.memory_space<vmem>>, vector<16xf32>,
        tpu.vector_store %arg6[%swap3A_870], %select_n3A_869 {strides = array<i32>} : memref<4096xf32, #tpu.memory_space<vmem>>, vector<16xf32>,
        %scan3A_872 = arith.constant 0 : i32
        scf.yield %scan3A_872 : i32
      }
      %scan3A_660 = arith.constant 32 : i32
      "tpu.region"() ({
        %run_scoped3A = tpu.sem_alloc : memref<!tpu.dma_semaphore, #tpu.memory_space<semaphore_mem>>
        %dma_start3A = arith.constant 0 : i32
        %dma_start3A_662 = tpu.memref_slice %arg7[%dma_start3A] : memref<1835008xf32, #tpu.memory_space<vmem_shared>> -> memref<1835008xf32, #tpu.memory_space<vmem_shared>>
        tpu.enqueue_indirect_dma source(%arg6 : memref<4096xf32, #tpu.memory_space<vmem>>) target(%dma_start3A_662 : memref<1835008xf32, #tpu.memory_space<vmem_shared>>) offsets(%arg5 : memref<4096xi32, #tpu.memory_space<vmem>>) semaphore(%run_scoped3A : memref<!tpu.dma_semaphore, #tpu.memory_space<semaphore_mem>>) {add = true}
        %dma_wait3A = arith.constant 0 : i32
        %dma_wait3A_663 = tpu.memref_slice %arg7[%dma_wait3A] : memref<1835008xf32, #tpu.memory_space<vmem_shared>> -> memref<1835008xf32, #tpu.memory_space<vmem_shared>>
        tpu.wait_indirect_dma semaphore(%run_scoped3A : memref<!tpu.dma_semaphore, #tpu.memory_space<semaphore_mem>>) src(%arg6 : memref<4096xf32, #tpu.memory_space<vmem>>) dst(%dma_wait3A_663 : memref<1835008xf32, #tpu.memory_space<vmem_shared>>)
        tpu.yield
      }) : () -> ()
      %scan3A_661 = arith.constant 0 : i32
      scf.yield %scan3A_661 : i32
    }
    %scan3A_641 = arith.constant 64 : i32
    %barrier3A_642 = arith.constant 0 : index
    tpu.barrier barrier_id(%barrier3A_642)
    %mul3A_643 = arith.constant 65536 : i32
    %mul3A_644 = arith.muli %arg1, %mul3A_643 : i32
    %mul3A_645 = arith.constant 65536 : i32
    %mul3A_646 = arith.muli %arg1, %mul3A_645 : i32
    %add3A_647 = arith.addi %add3A_562, %mul3A_646 : i32
    "tpu.region"() ({
      %run_scoped3A = tpu.sem_alloc : memref<!tpu.dma_semaphore, #tpu.memory_space<semaphore_mem>>
      %dma_start3A = tpu.memref_slice %arg4[%add3A_647] : memref<16777216xf32, #tpu.memory_space<hbm>> -> memref<65536xf32, #tpu.memory_space<hbm>>
      %dma_start3A_649 = tpu.memref_slice %arg7[%mul3A_644] : memref<1835008xf32, #tpu.memory_space<vmem_shared>> -> memref<65536xf32, #tpu.memory_space<vmem_shared>>
      tpu.enqueue_dma source(%dma_start3A_649 : memref<65536xf32, #tpu.memory_space<vmem_shared>>) target(%dma_start3A : memref<65536xf32, #tpu.memory_space<hbm>>) target_semaphore(%run_scoped3A : memref<!tpu.dma_semaphore, #tpu.memory_space<semaphore_mem>>)
      %dma_wait3A = tpu.memref_slice %arg4[%add3A_647] : memref<16777216xf32, #tpu.memory_space<hbm>> -> memref<65536xf32, #tpu.memory_space<hbm>>
      %dma_wait3A_650 = tpu.memref_slice %arg7[%mul3A_644] : memref<1835008xf32, #tpu.memory_space<vmem_shared>> -> memref<65536xf32, #tpu.memory_space<vmem_shared>>
      tpu.wait_dma2 semaphore(%run_scoped3A : memref<!tpu.dma_semaphore, #tpu.memory_space<semaphore_mem>>) src(%dma_wait3A_650 : memref<65536xf32, #tpu.memory_space<vmem_shared>>) dst(%dma_wait3A : memref<65536xf32, #tpu.memory_space<hbm>>)
      tpu.yield
    }) : () -> ()
    %barrier3A_648 = arith.constant 0 : index
    tpu.barrier barrier_id(%barrier3A_648)
    return
  }
}

module attributes {stable_mosaic.version = 14 : i64} {
  func.func @_cell_idx_body(%arg0: i32, %arg1: memref<512x1024xf32, #tpu.memory_space<vmem>>, %arg2: memref<512x1024xf32, #tpu.memory_space<vmem>>, %arg3: memref<512x1024xf32, #tpu.memory_space<vmem>>, %arg4: memref<512x1024xf32, #tpu.memory_space<vmem>>, %arg5: memref<512x1024xi32, #tpu.memory_space<vmem>>, %arg6: memref<512x1024xf32, #tpu.memory_space<vmem>>) attributes {dimension_semantics = [#tpu.dimension_semantics<arbitrary>], iteration_bounds = array<i64: 8>, scalar_prefetch = 0 : i64, scratch_operands = 0 : i64, tpu.core_type = #tpu.core_type<tc>, window_params = [{transform_indices = @transform_0, window_bounds = array<i64: 512, 1024>}, {transform_indices = @transform_1, window_bounds = array<i64: 512, 1024>}, {transform_indices = @transform_2, window_bounds = array<i64: 512, 1024>}, {transform_indices = @transform_3, window_bounds = array<i64: 512, 1024>}, {transform_indices = @transform_4, window_bounds = array<i64: 512, 1024>}, {transform_indices = @transform_5, window_bounds = array<i64: 512, 1024>}]} {
    %sub3A = arith.constant 1.000000e+01 : f32
    %sub3A_0 = arith.constant -1.000000e+01 : f32
    %sub3A_1 = arith.subf %sub3A, %sub3A_0 : f32
    %div3A = arith.constant 2.550000e+02 : f32
    %div3A_2 = arith.divf %sub3A_1, %div3A : f32
    %get3A = arith.constant 0 : index
    %get3A_3 = arith.constant 0 : index
    %get3A_4 = vector.load %arg1[%get3A, %get3A_3] : memref<512x1024xf32, #tpu.memory_space<vmem>>, vector<512x1024xf32>
    %sub3A_5 = arith.constant -1.000000e+01 : f32
    %sub3A_6 = vector.broadcast %sub3A_5 : f32 to vector<512x1024xf32>
    %sub3A_7 = arith.subf %get3A_4, %sub3A_6 : vector<512x1024xf32>
    %div3A_8 = vector.broadcast %div3A_2 : f32 to vector<512x1024xf32>
    %div3A_9 = arith.divf %sub3A_7, %div3A_8 : vector<512x1024xf32>
    %add3A = arith.constant 5.000000e-01 : f32
    %add3A_10 = vector.broadcast %add3A : f32 to vector<512x1024xf32>
    %add3A_11 = arith.addf %div3A_9, %add3A_10 : vector<512x1024xf32>
    %jit3A = arith.constant -4.000000e+00 : f32
    %jit3A_12 = arith.constant 3.000000e+02 : f32
    %max3A = vector.broadcast %jit3A : f32 to vector<512x1024xf32>
    %max3A_13 = arith.maximumf %max3A, %add3A_11 : vector<512x1024xf32>
    %min3A = vector.broadcast %jit3A_12 : f32 to vector<512x1024xf32>
    %min3A_14 = arith.minimumf %min3A, %max3A_13 : vector<512x1024xf32>
    %convert_element_type3A = arith.fptosi %min3A_14 : vector<512x1024xf32> to vector<512x1024xi32>
    %get3A_15 = arith.constant 0 : index
    %get3A_16 = arith.constant 0 : index
    %get3A_17 = vector.load %arg2[%get3A_15, %get3A_16] : memref<512x1024xf32, #tpu.memory_space<vmem>>, vector<512x1024xf32>
    %sub3A_18 = arith.constant -1.000000e+01 : f32
    %sub3A_19 = vector.broadcast %sub3A_18 : f32 to vector<512x1024xf32>
    %sub3A_20 = arith.subf %get3A_17, %sub3A_19 : vector<512x1024xf32>
    %div3A_21 = vector.broadcast %div3A_2 : f32 to vector<512x1024xf32>
    %div3A_22 = arith.divf %sub3A_20, %div3A_21 : vector<512x1024xf32>
    %add3A_23 = arith.constant 5.000000e-01 : f32
    %add3A_24 = vector.broadcast %add3A_23 : f32 to vector<512x1024xf32>
    %add3A_25 = arith.addf %div3A_22, %add3A_24 : vector<512x1024xf32>
    %jit3A_26 = arith.constant -4.000000e+00 : f32
    %jit3A_27 = arith.constant 3.000000e+02 : f32
    %max3A_28 = vector.broadcast %jit3A_26 : f32 to vector<512x1024xf32>
    %max3A_29 = arith.maximumf %max3A_28, %add3A_25 : vector<512x1024xf32>
    %min3A_30 = vector.broadcast %jit3A_27 : f32 to vector<512x1024xf32>
    %min3A_31 = arith.minimumf %min3A_30, %max3A_29 : vector<512x1024xf32>
    %convert_element_type3A_32 = arith.fptosi %min3A_31 : vector<512x1024xf32> to vector<512x1024xi32>
    %get3A_33 = arith.constant 0 : index
    %get3A_34 = arith.constant 0 : index
    %get3A_35 = vector.load %arg3[%get3A_33, %get3A_34] : memref<512x1024xf32, #tpu.memory_space<vmem>>, vector<512x1024xf32>
    %sub3A_36 = arith.constant -1.000000e+01 : f32
    %sub3A_37 = vector.broadcast %sub3A_36 : f32 to vector<512x1024xf32>
    %sub3A_38 = arith.subf %get3A_35, %sub3A_37 : vector<512x1024xf32>
    %div3A_39 = vector.broadcast %div3A_2 : f32 to vector<512x1024xf32>
    %div3A_40 = arith.divf %sub3A_38, %div3A_39 : vector<512x1024xf32>
    %add3A_41 = arith.constant 5.000000e-01 : f32
    %add3A_42 = vector.broadcast %add3A_41 : f32 to vector<512x1024xf32>
    %add3A_43 = arith.addf %div3A_40, %add3A_42 : vector<512x1024xf32>
    %jit3A_44 = arith.constant -4.000000e+00 : f32
    %jit3A_45 = arith.constant 3.000000e+02 : f32
    %max3A_46 = vector.broadcast %jit3A_44 : f32 to vector<512x1024xf32>
    %max3A_47 = arith.maximumf %max3A_46, %add3A_43 : vector<512x1024xf32>
    %min3A_48 = vector.broadcast %jit3A_45 : f32 to vector<512x1024xf32>
    %min3A_49 = arith.minimumf %min3A_48, %max3A_47 : vector<512x1024xf32>
    %convert_element_type3A_50 = arith.fptosi %min3A_49 : vector<512x1024xf32> to vector<512x1024xi32>
    %ge3A = arith.constant 0 : i32
    %ge3A_51 = vector.broadcast %ge3A : i32 to vector<512x1024xi32>
    %ge3A_52 = arith.cmpi sge, %convert_element_type3A, %ge3A_51 : vector<512x1024xi32>
    %lt3A = arith.constant 256 : i32
    %lt3A_53 = vector.broadcast %lt3A : i32 to vector<512x1024xi32>
    %lt3A_54 = arith.cmpi slt, %convert_element_type3A, %lt3A_53 : vector<512x1024xi32>
    %and3A = arith.andi %ge3A_52, %lt3A_54 : vector<512x1024xi1>
    %ge3A_55 = arith.constant 0 : i32
    %ge3A_56 = vector.broadcast %ge3A_55 : i32 to vector<512x1024xi32>
    %ge3A_57 = arith.cmpi sge, %convert_element_type3A_32, %ge3A_56 : vector<512x1024xi32>
    %and3A_58 = arith.andi %and3A, %ge3A_57 : vector<512x1024xi1>
    %lt3A_59 = arith.constant 256 : i32
    %lt3A_60 = vector.broadcast %lt3A_59 : i32 to vector<512x1024xi32>
    %lt3A_61 = arith.cmpi slt, %convert_element_type3A_32, %lt3A_60 : vector<512x1024xi32>
    %and3A_62 = arith.andi %and3A_58, %lt3A_61 : vector<512x1024xi1>
    %ge3A_63 = arith.constant 0 : i32
    %ge3A_64 = vector.broadcast %ge3A_63 : i32 to vector<512x1024xi32>
    %ge3A_65 = arith.cmpi sge, %convert_element_type3A_50, %ge3A_64 : vector<512x1024xi32>
    %and3A_66 = arith.andi %and3A_62, %ge3A_65 : vector<512x1024xi1>
    %lt3A_67 = arith.constant 256 : i32
    %lt3A_68 = vector.broadcast %lt3A_67 : i32 to vector<512x1024xi32>
    %lt3A_69 = arith.cmpi slt, %convert_element_type3A_50, %lt3A_68 : vector<512x1024xi32>
    %and3A_70 = arith.andi %and3A_66, %lt3A_69 : vector<512x1024xi1>
    %mul3A = arith.constant 256 : i32
    %mul3A_71 = vector.broadcast %mul3A : i32 to vector<512x1024xi32>
    %mul3A_72 = arith.muli %convert_element_type3A, %mul3A_71 : vector<512x1024xi32>
    %add3A_73 = arith.addi %mul3A_72, %convert_element_type3A_32 : vector<512x1024xi32>
    %mul3A_74 = arith.constant 256 : i32
    %mul3A_75 = vector.broadcast %mul3A_74 : i32 to vector<512x1024xi32>
    %mul3A_76 = arith.muli %add3A_73, %mul3A_75 : vector<512x1024xi32>
    %add3A_77 = arith.addi %mul3A_76, %convert_element_type3A_50 : vector<512x1024xi32>
    %iota3A = tpu.iota {dimensions = array<i32: 0>} : vector<512x1024xi32>
    %mul3A_78 = arith.constant 1024 : i32
    %mul3A_79 = vector.broadcast %mul3A_78 : i32 to vector<512x1024xi32>
    %mul3A_80 = arith.muli %iota3A, %mul3A_79 : vector<512x1024xi32>
    %iota3A_81 = tpu.iota {dimensions = array<i32: 1>} : vector<512x1024xi32>
    %add3A_82 = arith.addi %mul3A_80, %iota3A_81 : vector<512x1024xi32>
    %and3A_83 = arith.constant 16777215 : i32
    %and3A_84 = vector.broadcast %and3A_83 : i32 to vector<512x1024xi32>
    %and3A_85 = arith.andi %add3A_82, %and3A_84 : vector<512x1024xi32>
    %select_n3A = arith.select %and3A_70, %add3A_77, %and3A_85 : vector<512x1024xi1>, vector<512x1024xi32>
    %swap3A = arith.constant 0 : index
    %swap3A_86 = arith.constant 0 : index
    %swap3A_87 = vector.load %arg5[%swap3A, %swap3A_86] : memref<512x1024xi32, #tpu.memory_space<vmem>>, vector<512x1024xi32>
    tpu.vector_store %arg5[%swap3A, %swap3A_86], %select_n3A {strides = array<i32>} : memref<512x1024xi32, #tpu.memory_space<vmem>>, vector<512x1024xi32>,
    %get3A_88 = arith.constant 0 : index
    %get3A_89 = arith.constant 0 : index
    %get3A_90 = vector.load %arg4[%get3A_88, %get3A_89] : memref<512x1024xf32, #tpu.memory_space<vmem>>, vector<512x1024xf32>
    %jit3A_91 = arith.constant 0.000000e+00 : f32
    %broadcast_in_dim3A = vector.broadcast %jit3A_91 : f32 to vector<512x1024xf32>
    %select_n3A_92 = arith.select %and3A_70, %get3A_90, %broadcast_in_dim3A : vector<512x1024xi1>, vector<512x1024xf32>
    %swap3A_93 = arith.constant 0 : index
    %swap3A_94 = arith.constant 0 : index
    %swap3A_95 = vector.load %arg6[%swap3A_93, %swap3A_94] : memref<512x1024xf32, #tpu.memory_space<vmem>>, vector<512x1024xf32>
    tpu.vector_store %arg6[%swap3A_93, %swap3A_94], %select_n3A_92 {strides = array<i32>} : memref<512x1024xf32, #tpu.memory_space<vmem>>, vector<512x1024xf32>,
    return
  }
  func.func @transform_0(%arg0: i32) -> (i32, i32) {
    %c0_i32 = arith.constant 0 : i32
    %c0_i32_0 = arith.constant 0 : i32
    return %arg0, %c0_i32 : i32, i32
  }
  func.func @transform_1(%arg0: i32) -> (i32, i32) {
    %c0_i32 = arith.constant 0 : i32
    %c0_i32_0 = arith.constant 0 : i32
    return %arg0, %c0_i32 : i32, i32
  }
  func.func @transform_2(%arg0: i32) -> (i32, i32) {
    %c0_i32 = arith.constant 0 : i32
    %c0_i32_0 = arith.constant 0 : i32
    return %arg0, %c0_i32 : i32, i32
  }
  func.func @transform_3(%arg0: i32) -> (i32, i32) {
    %c0_i32 = arith.constant 0 : i32
    %c0_i32_0 = arith.constant 0 : i32
    return %arg0, %c0_i32 : i32, i32
  }
  func.func @transform_4(%arg0: i32) -> (i32, i32) {
    %c0_i32 = arith.constant 0 : i32
    %c0_i32_0 = arith.constant 0 : i32
    return %arg0, %c0_i32 : i32, i32
  }
  func.func @transform_5(%arg0: i32) -> (i32, i32) {
    %c0_i32 = arith.constant 0 : i32
    %c0_i32_0 = arith.constant 0 : i32
    return %arg0, %c0_i32 : i32, i32
  }
}

</mosaic_0001>

<sc_bundles>
// kernel: kernel.4.cloned.1.call-start
scs
__scs_entry_jumppad:
0x0: {  	(pc) =	sbr.rel $0x88, $3  }
0x1: {  	(tag) =	ssettag $0x0;
	lr =	simm.s32 $0x1  }
0x2: {  	[smem:$0x3F9F] =	sst lr;
	_ =	strace $0xD0000000  }
0x3: {  	_ = 	snop  }
0x4: {  	_ = 	snop  }
0x5: {  	_ = 	snop  }
0x6: {  	_ = 	snop  }
0x7: {  	_ = 	snop  }
__scs_overlays_trampoline_lowered:
0x8: {  	[smem:$0x3FAE] =	sst s0  }
0x9: {  	[smem:$0x3FAF] =	sst s1  }
0xa: {  	[smem:$0x3FB0] =	sst s2  }
0xb: {  	[smem:$0x3FB1] =	sst s3  }
0xc: {  	[smem:$0x3FB2] =	sst s4  }
0xd: {  	[smem:$0x3FB3] =	sst s5  }
0xe: {  	[smem:$0x3FB4] =	sst s6  }
0xf: {  	[smem:$0x3FB5] =	sst s7  }
0x10: {  	[smem:$0x3FB6] =	sst s8  }
0x11: {  	[smem:$0x3FB7] =	sst s9;
	s0 =	simm.s32 @!p0 $0x0  }
0x12: {  	s1 =	sld [smem:$0x3F9D];
	s0 =	simm.s32 @p0 $0x1  }
0x13: {  	[smem:$0x3FB8] =	sst s0;
	s0 =	simm.s32 @!p1 $0x0  }
0x14: {  	s2 =	sld [smem:$0x3F9C];
	s0 =	simm.s32 @p1 $0x1  }
0x15: {  	[smem:$0x3FB9] =	sst s0;
	s0 =	simm.s32 @!p2 $0x0  }
0x16: {  	s3 =	sld [smem:$0x3FDB];
	s0 =	simm.s32 @p2 $0x1  }
0x17: {  	s4 =	simm.s32 $0x1BF5;
	[smem:$0x3FBB] =	sst s0  }
0x18: {  	s0 =	sld [smem:$0x3F9E];
	_ =	swait.ge [sflag:s4], $0x0  }
0x19: {  	s7 =	sld [smem:$0x3F9F]  }
0x1a: {  	s8 =	sadd.s32 $0xFFFFE003, lr  }
0x1b: {  	s9 =	sadd.s32 $0xFFFFFEF7, lr;
	s5 =	simm.s32 $0xFFFFFFFF;
	p2 =	slt.u32 s8, $0xFFFFF086  }
0x1c: {  	p1 =	slt.u32 s9, $0xF7A;
	s5 =	simm.s32 @!p2 $0x0  }
0x1d: {  	s5 =	simm.s32 @p1 $0x1;
	p0 =	seq.s32 s7, s2  }
0x1e: {  	s7 =	smul.u32 @!p0 $0xF7A, s2;
	p2 =	seq.s32 @!p0 s5, $0x0  }
0x1f: {  	s9 =	smul.u32 $0xF7A, s1;
	s8 =	simm.s32 @!p0 $0x1BF5;
	p2 =	por !p2, p0  }
0x20: {  	[sflag:s8] =	ssyncset.s32 @!p0 $0xFFFFF086;
	s6 =	sadd.s32 @!p0 s3, s7;
	s7 =	simm.s32 @!p0 $0x108  }
0x21: {  	s3 =	sadd.s32 s3, s9;
	s6 =	sadd.s32 @!p0 $0x88, s6;
	s7 =	simm.s32 @p2 $0x1082  }
0x22: {  	[simem:s7], [sflag:s8] =	dma.local @!p0 [hbm:s6], $0xF7A  }
0x23: {  	s9 =	sor.u32 $0xD0000000, s2;
	s6 =	simm.s32 $0x108;
	_ =	swait.ge @!p0 [sflag:s8], $0x0  }
0x24: {  	s3 =	sadd.s32 $0x88, s3;
	s6 =	simm.s32 @!p1 $0x1082;
	[sflag:s4] =	ssyncset.s32 $0xFFFFF086  }
0x25: {  	[simem:s6], [sflag:s4] =	dma.local [hbm:s3], $0xF7A  }
0x26: {  	[smem:$0x3F9F] =	sst s1;
	(tag) =	ssettag s2;
	_ =	strace s9  }
0x27: {  	s1 =	sld [smem:$0x3FAF]  }
0x28: {  	s2 =	sld [smem:$0x3FB0]  }
0x29: {  	s4 =	sld [smem:$0x3FB2]  }
0x2a: {  	p0 =	seq.s32 s5, $0x0;
	s5 =	sld [smem:$0x3FB3]  }
0x2b: {  	s6 =	sld [smem:$0x3FB4]  }
0x2c: {  	s7 =	sld [smem:$0x3FB5]  }
0x2d: {  	s3 =	simm.s32 $0x108;
	s8 =	sld [smem:$0x3FB6]  }
0x2e: {  	s3 =	simm.s32 @!p0 $0x1082;
	s9 =	sld [smem:$0x3FB7]  }
0x2f: {  	lr =	sadd.s32 s0, s3;
	s0 =	sld [smem:$0x3FAE]  }
0x30: {  	s3 =	sld [smem:$0x3FB1]  }
0x31: {  	[smem:$0x3FBA] =	sst s10  }
0x32: {  	s10 =	sld [smem:$0x3FB8];
	_ =	sdelay $0x3  }
0x33: {  	p0 =	seq.s32 s10, $0x1;
	s10 =	sld [smem:$0x3FBA];
	_ =	sdelay $0x3  }
0x34: {  	[smem:$0x3FBA] =	sst s10  }
0x35: {  	s10 =	sld [smem:$0x3FB9];
	_ =	sdelay $0x3  }
0x36: {  	p1 =	seq.s32 s10, $0x1;
	s10 =	sld [smem:$0x3FBA];
	_ =	sdelay $0x3  }
0x37: {  	[smem:$0x3FBA] =	sst s10  }
0x38: {  	s10 =	sld [smem:$0x3FBB]  }
0x39: {  	_ = 	snop;
	(pc) =	sbr.ind lr, $3  }
0x3a: {  	_ = 	snop  }
0x3b: {  	_ = 	snop  }
0x3c: {  	p2 =	seq.s32 s10, $0x1;
	s10 =	sld [smem:$0x3FBA]  }
0x3d: {  	_ =	shalt  }
0x3e: {  	_ =	shalt  }
0x3f: {  	_ =	shalt  }
0x40: {  	_ =	shalt  }
0x41: {  	_ =	shalt  }
0x42: {  	_ =	shalt  }
0x43: {  	_ =	shalt  }
0x44: {  	_ =	shalt  }
0x45: {  	_ =	shalt  }
0x46: {  	_ =	shalt  }
0x47: {  	_ =	shalt  }
0x48: {  	_ =	shalt  }
0x49: {  	_ =	shalt  }
0x4a: {  	_ =	shalt  }
0x4b: {  	_ =	shalt  }
0x4c: {  	_ =	shalt  }
0x4d: {  	_ =	shalt  }
0x4e: {  	_ =	shalt  }
0x4f: {  	_ =	shalt  }
0x50: {  	_ =	shalt  }
0x51: {  	_ =	shalt  }
0x52: {  	_ =	shalt  }
0x53: {  	_ =	shalt  }
0x54: {  	_ =	shalt  }
0x55: {  	_ =	shalt  }
0x56: {  	_ =	shalt  }
0x57: {  	_ =	shalt  }
0x58: {  	_ =	shalt  }
0x59: {  	_ =	shalt  }
0x5a: {  	_ =	shalt  }
0x5b: {  	_ =	shalt  }
0x5c: {  	_ =	shalt  }
0x5d: {  	_ =	shalt  }
0x5e: {  	_ =	shalt  }
0x5f: {  	_ =	shalt  }
0x60: {  	_ =	shalt  }
0x61: {  	_ =	shalt  }
0x62: {  	_ =	shalt  }
0x63: {  	_ =	shalt  }
0x64: {  	_ =	shalt  }
0x65: {  	_ =	shalt  }
0x66: {  	_ =	shalt  }
0x67: {  	_ =	shalt  }
0x68: {  	_ =	shalt  }
0x69: {  	_ =	shalt  }
0x6a: {  	_ =	shalt  }
0x6b: {  	_ =	shalt  }
0x6c: {  	_ =	shalt  }
0x6d: {  	_ =	shalt  }
0x6e: {  	_ =	shalt  }
0x6f: {  	_ =	shalt  }
0x70: {  	_ =	shalt  }
0x71: {  	_ =	shalt  }
0x72: {  	_ =	shalt  }
0x73: {  	_ =	shalt  }
0x74: {  	_ =	shalt  }
0x75: {  	_ =	shalt  }
0x76: {  	_ =	shalt  }
0x77: {  	_ =	shalt  }
0x78: {  	_ =	shalt  }
0x79: {  	_ =	shalt  }
0x7a: {  	_ =	shalt  }
0x7b: {  	_ =	shalt  }
0x7c: {  	_ =	shalt  }
0x7d: {  	_ =	shalt  }
0x7e: {  	_ =	shalt  }
0x7f: {  	_ =	shalt  }
0x80: {  	_ =	shalt  }
0x81: {  	_ =	shalt  }
0x82: {  	_ =	shalt  }
0x83: {  	_ =	shalt  }
0x84: {  	_ =	shalt  }
0x85: {  	_ =	shalt  }
0x86: {  	_ =	shalt  }
0x87: {  	_ =	shalt  }
.Lfunc_end0:
.L_simem_size_0:
called_computation_lowered:
.L_overlay_start_0:
0x88: {  	s2 =	sld [smem:$0x3FD9]  }
0x89: {  	s3 =	sld [smem:$0x3FFE];
	_ =	sdelay $0x1  }
0x8a: {  	s1 =	srdreg.scid  }
0x8b: {  	s0 =	sand.u32 $0x1, s1  }
0x8c: {  	s17 =	sshll.u32 s0, $0xA;
	s2 =	sadd.s32 s3, s2  }
0x8d: {  	s2 =	sadd.s32 s2, s17  }
0x8e: {  	[smem:$0x3FC6] =	sst s2  }
0x8f: {  	_ = 	snop  }
0x90: {  	s2 =	sld [smem:$0x3FD0];
	(tm) =	ssettm $0x1  }
0x91: {  	s18 =	sld [smem:$0x3FFB];
	_ =	sdelay $0x3  }
0x92: {  	_ =	strace s18  }
0x93: {  	s3 =	sld [smem:$0x3FFC];
	_ =	sdelay $0x3  }
0x94: {  	_ =	strace s3  }
0x95: {  	s3 =	sld [smem:$0x3FFD];
	_ =	sdelay $0x3  }
0x96: {  	_ =	strace s3  }
0x97: {  	_ =	strace $0x8FFFFFFF  }
0x98: {  	s19 =	sld [smem:$0x3FDB];
	_ =	sdelay $0x1  }
0x99: {  	s4 =	simm.s32 $_scs_section_size  }
0x9a: {  	s5 =	simm.s32 $_size__tile_overlayer_lowered;
	s6 =	simm.s32 $_tile_overlayer_lowered  }
0x9b: {  	s22 =	simm.s32 $0x1BFF;
	s21 =	sshll.u32 s6, $0x1;
	s3 =	sadd.s32 s4, s19  }
0x9c: {  	s7 =	simm.s32 $0x0;
	s20 =	sshll.u32 s5, $0x1;
	s5 =	sadd.s32 s21, s3  }
0x9d: {  	[timem:s7], [sflag:s22] =	dma.local [hbm:s5], s20  }
0x9e: {  	_ =	swait.ge [sflag:s22], s20  }
0x9f: {  	s4 =	ssub.s32 $0x0, s20;
	[sflag:s22] =	ssyncset.done $0x0  }
0xa0: {  	[sflag:s22] =	ssyncadd.s32 s4;
	_ =	sdelay $0x1  }
0xa1: {  	s23 =	simm.s32 $0x1B8B  }
0xa2: {  	_ =	swait.ge [sflag:s23], $0x1  }
0xa3: {  	[sflag:s23] =	ssyncset.done $0x0  }
0xa4: {  	s25 =	simm.s32 $0x1B8E;
	s24 =	sld [smem:$0x3FFE];
	[sflag:s23] =	ssyncadd.s32 $0xFFFFFFFF  }
0xa5: {  	s26 =	simm.s32 $execute0_lowered;
	[smem:$0x3FD2] =	sst s25  }
0xa6: {  	s5 =	sshll.u32 s26, $0x1;
	_ =	strace $0x80000046;
	[dreg:$0x1] =	wrdreg $0xFFFFFFFF  }
0xa7: {  	s28 =	simm.s32 $_size_execute0_lowered;
	s3 =	sadd.s32 s3, s5;
	[dreg:$0x0] =	wrdreg $0x0  }
0xa8: {  	s5 =	sshll.u32 s28, $0x1;
	[dreg:$0x2] =	wrdreg s3  }
0xa9: {  	[dreg:$0x3] =	wrdreg s5  }
0xaa: {  	[dreg:$0x4] =	wrdreg $0xC0  }
0xab: {  	_ =	task [dreg:s7], $0x5FFFF  }
0xac: {  	[dreg:$0x1] =	wrdreg $0xFFFFFFFF  }
0xad: {  	[dreg:$0x0] =	wrdreg $0x60  }
0xae: {  	[dreg:$0x2] =	wrdreg s2  }
0xaf: {  	[dreg:$0x3] =	wrdreg s24  }
0xb0: {  	[dreg:$0x4] =	wrdreg $0x20000  }
0xb1: {  	[dreg:$0x5] =	wrdreg $0x9  }
0xb2: {  	_ =	task.clear_ibuf [dreg:s7], $0x6FFFF;
	_ =	strace $0x90000046  }
0xb3: {  	s29 =	simm.s32 $0x9;
	_ =	strace $0x80000048  }
0xb4: {  	_ =	swait.ge [sflag:s29], $0x1  }
0xb5: {  	[sflag:s29] =	ssyncadd.s32 $0xFFFFFFFF  }
0xb6: {  	_ =	strace $0x90000048  }
0xb7: {  	_ =	sfence  }
0xb8: {  	s30 =	sld [smem:$0x0];
	_ =	sdelay $0x2  }
0xb9: {  	s31 =	sshll.u32 s1, $0xD;
	s1 =	sshrl.u32 s1, $0x2  }
0xba: {  	s3 =	sand.u32 $0x4000, s31;
	s1 =	sadd.s32 s1, s30  }
0xbb: {  	s0 =	sor.u32 s3, s0;
	s1 =	sshll.u32 s1, $0x11  }
0xbc: {  	s0 =	sor.u32 s1, s0  }
0xbd: {  	s0 =	sadd.s32 $0x8F2B, s0  }
0xbe: {  	[sflag:s0] =	ssyncadd.remote.s32 $0x1  }
0xbf: {  	_ =	sfence.sel $0xFFFF  }
0xc0: {  	[dreg:$0x0] =	wrdreg $0xFFFFFFFF;
	(pc) =	sbr.abs _section_cstart, $3  }
0xc1: {  	[dreg:$0x1] =	wrdreg $0xFFFFFFFF  }
0xc2: {  	_ =	task.clear_ibuf [dreg:s7], $0x2FFFF;
	_ =	strace $0x9FFFFFFF  }
0xc3: {  	(tm) =	ssettm $0x7FFFFFFF  }
tec
execute0_lowered:
.L_overlay_start_1:
0x0: {  	(tag) =	ssettag $0x1  }
0x1: {  	s0 =	srdreg.scid  }
0x2: {  	s1 =	rddreg [dreg:$0x0];
	s14 =	stileid.u32;
	s0 =	sand.u32 $0x1, s0  }
0x3: {  	s2 =	rddreg [dreg:$0x1];
	s8 =	smul.u32 $0x1C000, s14;
	s3 =	ssub.s32 $0x2, s0  }
0x4: {  	s4 =	rddreg [dreg:$0x2];
	s6 =	sshrl.u32 s3, $0x1  }
0x5: {  	s5 =	simm.s32 $0x0;
	s3 =	ssub.s32 s3, s6;
	s6 =	sadd.s32 s8, s4  }
0x6: {  	[smem:$0x7FF] =	sst s5;
	s11 =	sadd.s32 $0x1000, s6  }
0x7: {  	_ =	strace $0x80000047;
	s21 =	sadd.s32 $0x2000, s6;
	[dreg:$0x4] =	wrdreg s11  }
0x8: {  	s22 =	sadd.s32 $0x3000, s6;
	[dreg:$0x5] =	wrdreg s21  }
0x9: {  	s9 =	sadd.s32 $0x80000, s2;
	s13 =	sadd.s32 $0x4000, s6;
	[dreg:$0x6] =	wrdreg s22  }
0xa: {  	s7 =	sshll.u32 s14, $0x12;
	s15 =	sadd.s32 $0x5000, s6;
	[dreg:$0x7] =	wrdreg s13  }
0xb: {  	s26 =	sshll.u32 s14, $0x10;
	s16 =	smax.u32 s3, $0x1;
	[dreg:$0x8] =	wrdreg s15  }
0xc: {  	s10 =	smul.u32 $0x700000, s0;
	s17 =	sadd.s32 $0x7000, s6;
	[dreg:$0x10] =	wrdreg s16  }
0xd: {  	s0 =	sshll.u32 s0, $0x14;
	s19 =	sadd.s32 $0x8000, s6;
	[dreg:$0x11] =	wrdreg s17  }
0xe: {  	s23 =	sadd.s32 s8, s10;
	s20 =	sadd.s32 $0x9000, s6;
	[dreg:$0x12] =	wrdreg s19  }
0xf: {  	s12 =	sadd.s32 $0x1C0000, s10;
	s15 =	sadd.s32 $0x6000, s6;
	[dreg:$0x13] =	wrdreg s20  }
0x10: {  	s24 =	sadd.s32 s8, s12;
	s22 =	sadd.s32 $0xA000, s6;
	[dreg:$0xe] =	wrdreg s15  }
0x11: {  	s11 =	sshrl.u32 s23, $0x3;
	s23 =	sadd.s32 $0xB000, s6;
	[dreg:$0x14] =	wrdreg s22  }
0x12: {  	s25 =	sshrl.u32 s24, $0x3;
	s24 =	sadd.s32 $0xC000, s6;
	[dreg:$0x15] =	wrdreg s23  }
0x13: {  	s21 =	sor.u32 $0xE00000, s0;
	s11 =	sadd.s32 s9, s11;
	[dreg:$0x16] =	wrdreg s24  }
0x14: {  	s18 =	sadd.s32 $0x540000, s10;
	s14 =	sor.u32 s26, s21;
	[dreg:$0x9] =	wrdreg s11  }
0x15: {  	s11 =	sadd.s32 s9, s25;
	s14 =	sshrl.u32 s14, $0x3;
	s25 =	sadd.s32 $0xD000, s6  }
0x16: {  	[dreg:$0xa] =	wrdreg s11;
	s11 =	sadd.s32 $0x380000, s10;
	s14 =	sadd.s32 s9, s14  }
0x17: {  	[dreg:$0x17] =	wrdreg s25;
	s28 =	sadd.s32 s8, s11;
	s8 =	sadd.s32 s8, s18  }
0x18: {  	[dreg:$0xd] =	wrdreg s14;
	s13 =	sshrl.u32 s28, $0x3;
	s28 =	sadd.s32 s26, s4  }
0x19: {  	s8 =	sshrl.u32 s8, $0x3;
	s13 =	sadd.s32 s9, s13;
	[dreg:$0xf] =	wrdreg s28  }
0x1a: {  	s8 =	sadd.s32 s9, s8;
	[dreg:$0xb] =	wrdreg s13  }
0x1b: {  	s29 =	sadd.s32 $0xE000, s6;
	s22 =	sadd.s32 $0x1000, s28;
	[dreg:$0xc] =	wrdreg s8  }
0x1c: {  	s30 =	sadd.s32 $0xF000, s6;
	s26 =	sadd.s32 $0x2000, s28;
	[dreg:$0x18] =	wrdreg s22  }
0x1d: {  	s31 =	sadd.s32 $0x10000, s6;
	s23 =	sadd.s32 $0x3000, s28;
	[dreg:$0x19] =	wrdreg s26  }
0x1e: {  	s3 =	sadd.s32 $0x12000, s6;
	s24 =	sadd.s32 $0x4000, s28;
	[dreg:$0x1a] =	wrdreg s23  }
0x1f: {  	v1 =	vmov s12;
	s12 =	simm.s32 $0x0;
	s25 =	sadd.s32 $0x5000, s28;
	[dreg:$0x1b] =	wrdreg s24  }
0x20: {  	s0 =	sadd.s32 $0x11000, s6;
	[dreg:$0x1c] =	wrdreg s25;
	s26 =	sadd.s32 $0x6000, s28  }
0x21: {  	s16 =	sadd.s32 $0x16000, s6;
	s23 =	sadd.s32 $0x7000, s28;
	[dreg:$0x1d] =	wrdreg s26  }
0x22: {  	s17 =	sadd.s32 $0x17000, s6;
	s24 =	sadd.s32 $0x8000, s28;
	[dreg:$0x1e] =	wrdreg s23  }
0x23: {  	s20 =	sadd.s32 $0x18000, s6;
	s25 =	sadd.s32 $0x9000, s28;
	[dreg:$0x1f] =	wrdreg s24  }
0x24: {  	s19 =	sadd.s32 $0x19000, s6;
	s22 =	sadd.s32 $0xB000, s28;
	[smem:$0x7F7] =	sst s25  }
0x25: {  	s15 =	sadd.s32 $0x15000, s6;
	s26 =	sadd.s32 $0xA000, s28;
	[smem:$0x7F9] =	sst s22  }
0x26: {  	v0 =	vmov s10;
	s10 =	simm.s32 $0x1000;
	s23 =	sadd.s32 $0xC000, s28;
	[smem:$0x7F8] =	sst s26  }
0x27: {  	s14 =	sadd.s32 $0x14000, s6;
	s24 =	sadd.s32 $0xD000, s28;
	[smem:$0x7FA] =	sst s23  }
0x28: {  	v2 =	vmov s11;
	s11 =	simm.s32 $0x1;
	s25 =	sadd.s32 $0xE000, s28;
	[smem:$0x7FB] =	sst s24  }
0x29: {  	v5 =	vimm.f32 $0.0e+00;
	s9 =	sadd.s32 $0x1B000, s6;
	[smem:$0x7FC] =	sst s25;
	s26 =	sadd.s32 $0xF000, s28  }
0x2a: {  	v6 =	vlaneseq.u32;
	v3 =	vmov s18;
	v4 =	vmov s21;
	s13 =	sadd.s32 $0x13000, s6;
	s8 =	sadd.s32 $0x1A000, s6;
	[smem:$0x7FD] =	sst s26  }
.LBB2_1:
0x2b: {  	s18 =	simm.s32 $0x40;
	s21 =	simm.s32 $0x0  }
.LBB2_2:
0x2c: {  	p0 =	sne.s32 s18, $0x3FC0;
	[tilespmem:s21+$0x1000] =	vst v5;
	s21 =	smov.u32 s18;
	s18 =	sadd.s32 $0x40, s18  }
.Ltmp0:
0x2d: {  	(pc) =	sbr.rel @p0 .LBB2_2-.Ltmp0, $2  }
0x2e: {  	_ =	sdelay $0x2  }
0x2f: {  	s21 =	sshra.s32 s21, $0x2  }
0x30: {  	[tilespmem:s21+$0x1000] =	vst v5  }
0x31: {  	[spmem:s6] =	stream.linear.scatter [tilespmem:s10], [sflag:$0x1], $0x1000, $0x38;
	[tilespmem:$0x1E000] =	vst v63  }
0x32: {  	_ =	swait.ge [sflag:s11], $0x1000  }
0x33: {  	[sflag:s11] =	ssyncset.done $0x0  }
0x34: {  	s18 =	rddreg [dreg:$0x4];
	[sflag:s11] =	ssyncadd.s32 $0xFFFFF000  }
0x35: {  	[spmem:s18] =	stream.linear.scatter [tilespmem:s10], [sflag:$0x1], $0x1000, $0x38;
	[tilespmem:$0x1E000] =	vst v63  }
0x36: {  	_ =	swait.ge [sflag:s11], $0x1000  }
0x37: {  	[sflag:s11] =	ssyncset.done $0x0  }
0x38: {  	s23 =	rddreg [dreg:$0x5];
	[sflag:s11] =	ssyncadd.s32 $0xFFFFF000  }
0x39: {  	[spmem:s23] =	stream.linear.scatter [tilespmem:s10], [sflag:$0x1], $0x1000, $0x38;
	[tilespmem:$0x1E000] =	vst v63  }
0x3a: {  	_ =	swait.ge [sflag:s11], $0x1000  }
0x3b: {  	[sflag:s11] =	ssyncset.done $0x0  }
0x3c: {  	s24 =	rddreg [dreg:$0x6];
	[sflag:s11] =	ssyncadd.s32 $0xFFFFF000  }
0x3d: {  	[spmem:s24] =	stream.linear.scatter [tilespmem:s10], [sflag:$0x1], $0x1000, $0x38;
	[tilespmem:$0x1E000] =	vst v63  }
0x3e: {  	_ =	swait.ge [sflag:s11], $0x1000  }
0x3f: {  	[sflag:s11] =	ssyncset.done $0x0  }
0x40: {  	s25 =	rddreg [dreg:$0x7];
	[sflag:s11] =	ssyncadd.s32 $0xFFFFF000  }
0x41: {  	[spmem:s25] =	stream.linear.scatter [tilespmem:s10], [sflag:$0x1], $0x1000, $0x38;
	[tilespmem:$0x1E000] =	vst v63  }
0x42: {  	_ =	swait.ge [sflag:s11], $0x1000  }
0x43: {  	[sflag:s11] =	ssyncset.done $0x0  }
0x44: {  	s26 =	rddreg [dreg:$0x8];
	[sflag:s11] =	ssyncadd.s32 $0xFFFFF000  }
0x45: {  	[spmem:s26] =	stream.linear.scatter [tilespmem:s10], [sflag:$0x1], $0x1000, $0x38;
	[tilespmem:$0x1E000] =	vst v63  }
0x46: {  	_ =	swait.ge [sflag:s11], $0x1000  }
0x47: {  	[sflag:s11] =	ssyncset.done $0x0  }
0x48: {  	s28 =	rddreg [dreg:$0xe];
	[sflag:s11] =	ssyncadd.s32 $0xFFFFF000  }
0x49: {  	[spmem:s28] =	stream.linear.scatter [tilespmem:s10], [sflag:$0x1], $0x1000, $0x38;
	[tilespmem:$0x1E000] =	vst v63  }
0x4a: {  	_ =	swait.ge [sflag:s11], $0x1000  }
0x4b: {  	[sflag:s11] =	ssyncset.done $0x0  }
0x4c: {  	s21 =	rddreg [dreg:$0x11];
	[sflag:s11] =	ssyncadd.s32 $0xFFFFF000  }
0x4d: {  	[spmem:s21] =	stream.linear.scatter [tilespmem:s10], [sflag:$0x1], $0x1000, $0x38;
	[tilespmem:$0x1E000] =	vst v63  }
0x4e: {  	_ =	swait.ge [sflag:s11], $0x1000  }
0x4f: {  	[sflag:s11] =	ssyncset.done $0x0  }
0x50: {  	s22 =	rddreg [dreg:$0x12];
	[sflag:s11] =	ssyncadd.s32 $0xFFFFF000  }
0x51: {  	[spmem:s22] =	stream.linear.scatter [tilespmem:s10], [sflag:$0x1], $0x1000, $0x38;
	[tilespmem:$0x1E000] =	vst v63  }
0x52: {  	_ =	swait.ge [sflag:s11], $0x1000  }
0x53: {  	[sflag:s11] =	ssyncset.done $0x0  }
0x54: {  	s23 =	rddreg [dreg:$0x13];
	[sflag:s11] =	ssyncadd.s32 $0xFFFFF000  }
0x55: {  	[spmem:s23] =	stream.linear.scatter [tilespmem:s10], [sflag:$0x1], $0x1000, $0x38;
	[tilespmem:$0x1E000] =	vst v63  }
0x56: {  	_ =	swait.ge [sflag:s11], $0x1000  }
0x57: {  	[sflag:s11] =	ssyncset.done $0x0  }
0x58: {  	s24 =	rddreg [dreg:$0x14];
	[sflag:s11] =	ssyncadd.s32 $0xFFFFF000  }
0x59: {  	[spmem:s24] =	stream.linear.scatter [tilespmem:s10], [sflag:$0x1], $0x1000, $0x38;
	[tilespmem:$0x1E000] =	vst v63  }
0x5a: {  	_ =	swait.ge [sflag:s11], $0x1000  }
0x5b: {  	[sflag:s11] =	ssyncset.done $0x0  }
0x5c: {  	s25 =	rddreg [dreg:$0x15];
	[sflag:s11] =	ssyncadd.s32 $0xFFFFF000  }
0x5d: {  	[spmem:s25] =	stream.linear.scatter [tilespmem:s10], [sflag:$0x1], $0x1000, $0x38;
	[tilespmem:$0x1E000] =	vst v63  }
0x5e: {  	_ =	swait.ge [sflag:s11], $0x1000  }
0x5f: {  	[sflag:s11] =	ssyncset.done $0x0  }
0x60: {  	s26 =	rddreg [dreg:$0x16];
	[sflag:s11] =	ssyncadd.s32 $0xFFFFF000  }
0x61: {  	[spmem:s26] =	stream.linear.scatter [tilespmem:s10], [sflag:$0x1], $0x1000, $0x38;
	[tilespmem:$0x1E000] =	vst v63  }
0x62: {  	_ =	swait.ge [sflag:s11], $0x1000  }
0x63: {  	[sflag:s11] =	ssyncset.done $0x0  }
0x64: {  	s28 =	rddreg [dreg:$0x17];
	[sflag:s11] =	ssyncadd.s32 $0xFFFFF000  }
0x65: {  	[spmem:s28] =	stream.linear.scatter [tilespmem:s10], [sflag:$0x1], $0x1000, $0x38;
	[tilespmem:$0x1E000] =	vst v63  }
0x66: {  	_ =	swait.ge [sflag:s11], $0x1000  }
0x67: {  	[sflag:s11] =	ssyncset.done $0x0  }
0x68: {  	[sflag:s11] =	ssyncadd.s32 $0xFFFFF000  }
0x69: {  	[spmem:s29] =	stream.linear.scatter [tilespmem:s10], [sflag:$0x1], $0x1000, $0x38;
	[tilespmem:$0x1E000] =	vst v63  }
0x6a: {  	_ =	swait.ge [sflag:s11], $0x1000  }
0x6b: {  	[sflag:s11] =	ssyncset.done $0x0  }
0x6c: {  	[sflag:s11] =	ssyncadd.s32 $0xFFFFF000  }
0x6d: {  	[spmem:s30] =	stream.linear.scatter [tilespmem:s10], [sflag:$0x1], $0x1000, $0x38;
	[tilespmem:$0x1E000] =	vst v63  }
0x6e: {  	_ =	swait.ge [sflag:s11], $0x1000  }
0x6f: {  	[sflag:s11] =	ssyncset.done $0x0  }
0x70: {  	[sflag:s11] =	ssyncadd.s32 $0xFFFFF000  }
0x71: {  	[spmem:s31] =	stream.linear.scatter [tilespmem:s10], [sflag:$0x1], $0x1000, $0x38;
	[tilespmem:$0x1E000] =	vst v63  }
0x72: {  	_ =	swait.ge [sflag:s11], $0x1000  }
0x73: {  	[sflag:s11] =	ssyncset.done $0x0  }
0x74: {  	[sflag:s11] =	ssyncadd.s32 $0xFFFFF000  }
0x75: {  	[spmem:s0] =	stream.linear.scatter [tilespmem:s10], [sflag:$0x1], $0x1000, $0x38;
	[tilespmem:$0x1E000] =	vst v63  }
0x76: {  	_ =	swait.ge [sflag:s11], $0x1000  }
0x77: {  	[sflag:s11] =	ssyncset.done $0x0  }
0x78: {  	[sflag:s11] =	ssyncadd.s32 $0xFFFFF000  }
0x79: {  	[spmem:s3] =	stream.linear.scatter [tilespmem:s10], [sflag:$0x1], $0x1000, $0x38;
	[tilespmem:$0x1E000] =	vst v63  }
0x7a: {  	_ =	swait.ge [sflag:s11], $0x1000  }
0x7b: {  	[sflag:s11] =	ssyncset.done $0x0  }
0x7c: {  	[sflag:s11] =	ssyncadd.s32 $0xFFFFF000  }
0x7d: {  	[spmem:s13] =	stream.linear.scatter [tilespmem:s10], [sflag:$0x1], $0x1000, $0x38;
	[tilespmem:$0x1E000] =	vst v63  }
0x7e: {  	_ =	swait.ge [sflag:s11], $0x1000  }
0x7f: {  	[sflag:s11] =	ssyncset.done $0x0  }
0x80: {  	[sflag:s11] =	ssyncadd.s32 $0xFFFFF000  }
0x81: {  	[spmem:s14] =	stream.linear.scatter [tilespmem:s10], [sflag:$0x1], $0x1000, $0x38;
	[tilespmem:$0x1E000] =	vst v63  }
0x82: {  	_ =	swait.ge [sflag:s11], $0x1000  }
0x83: {  	[sflag:s11] =	ssyncset.done $0x0  }
0x84: {  	[sflag:s11] =	ssyncadd.s32 $0xFFFFF000  }
0x85: {  	[spmem:s15] =	stream.linear.scatter [tilespmem:s10], [sflag:$0x1], $0x1000, $0x38;
	[tilespmem:$0x1E000] =	vst v63  }
0x86: {  	_ =	swait.ge [sflag:s11], $0x1000  }
0x87: {  	[sflag:s11] =	ssyncset.done $0x0  }
0x88: {  	[sflag:s11] =	ssyncadd.s32 $0xFFFFF000  }
0x89: {  	[spmem:s16] =	stream.linear.scatter [tilespmem:s10], [sflag:$0x1], $0x1000, $0x38;
	[tilespmem:$0x1E000] =	vst v63  }
0x8a: {  	_ =	swait.ge [sflag:s11], $0x1000  }
0x8b: {  	[sflag:s11] =	ssyncset.done $0x0  }
0x8c: {  	[sflag:s11] =	ssyncadd.s32 $0xFFFFF000  }
0x8d: {  	[spmem:s17] =	stream.linear.scatter [tilespmem:s10], [sflag:$0x1], $0x1000, $0x38;
	[tilespmem:$0x1E000] =	vst v63  }
0x8e: {  	_ =	swait.ge [sflag:s11], $0x1000  }
0x8f: {  	[sflag:s11] =	ssyncset.done $0x0  }
0x90: {  	[sflag:s11] =	ssyncadd.s32 $0xFFFFF000  }
0x91: {  	[spmem:s20] =	stream.linear.scatter [tilespmem:s10], [sflag:$0x1], $0x1000, $0x38;
	[tilespmem:$0x1E000] =	vst v63  }
0x92: {  	_ =	swait.ge [sflag:s11], $0x1000  }
0x93: {  	[sflag:s11] =	ssyncset.done $0x0  }
0x94: {  	[sflag:s11] =	ssyncadd.s32 $0xFFFFF000  }
0x95: {  	[spmem:s19] =	stream.linear.scatter [tilespmem:s10], [sflag:$0x1], $0x1000, $0x38;
	[tilespmem:$0x1E000] =	vst v63  }
0x96: {  	_ =	swait.ge [sflag:s11], $0x1000  }
0x97: {  	[sflag:s11] =	ssyncset.done $0x0  }
0x98: {  	[sflag:s11] =	ssyncadd.s32 $0xFFFFF000  }
0x99: {  	[spmem:s8] =	stream.linear.scatter [tilespmem:s10], [sflag:$0x1], $0x1000, $0x38;
	[tilespmem:$0x1E000] =	vst v63  }
0x9a: {  	_ =	swait.ge [sflag:s11], $0x1000  }
0x9b: {  	[sflag:s11] =	ssyncset.done $0x0  }
0x9c: {  	[sflag:s11] =	ssyncadd.s32 $0xFFFFF000  }
0x9d: {  	[spmem:s9] =	stream.linear.scatter [tilespmem:s10], [sflag:$0x1], $0x1000, $0x38;
	[tilespmem:$0x1E000] =	vst v63  }
0x9e: {  	_ =	swait.ge [sflag:s11], $0x1000  }
0x9f: {  	[sflag:s11] =	ssyncset.done $0x0  }
0xa0: {  	[sflag:s11] =	ssyncadd.s32 $0xFFFFF000  }
0xa1: {  	s18 =	simm.s32 $0x0;
	[bflag:$0x0] =	sbarrier.arrive $0xFFFF  }
.LBB2_4:
0xa2: {  	s21 =	sshll.u32 s18, $0xC  }
0xa3: {  	s21 =	sadd.s32 s7, s21  }
0xa4: {  	s21 =	sshrl.u32 s21, $0x3  }
0xa5: {  	s22 =	sadd.s32 s1, s21  }
0xa6: {  	[tilespmem:s5], [sflag:$0x1] =	stream.linear.gather [hbm4b:s22+s5], $0x1000, $0x38;
	[tilespmem:$0x1E000] =	vst v63  }
0xa7: {  	_ =	swait.ge [sflag:s11], $0x1000  }
0xa8: {  	[sflag:s11] =	ssyncset.done $0x0  }
0xa9: {  	s21 =	sadd.s32 s2, s21;
	[sflag:s11] =	ssyncadd.s32 $0xFFFFF000  }
0xaa: {  	[tilespmem:s10], [sflag:$0x1] =	stream.linear.gather [hbm4b:s21+s5], $0x1000, $0x38;
	[tilespmem:$0x1E000] =	vst v63  }
0xab: {  	_ =	swait.ge [sflag:s11], $0x1000  }
0xac: {  	[sflag:s11] =	ssyncset.done $0x0  }
0xad: {  	s21 =	simm.s32 $0x40;
	[sflag:s11] =	ssyncadd.s32 $0xFFFFF000  }
0xae: {  	v7 =	vld [tilespmem:s21+$0xFFFFFFC0];
	_ =	sdelay $0x4  }
0xaf: {  	s25 =	simm.s32 $0x0;
	v7 =	vsub.s32 v7, v0  }
0xb0: {  	v8 =	vor.u32 s25, v6;
	vm0 =	vlt.u32 v7, $0x1C0000  }
0xb1: {  	v7 =	vsel vm0, v7, v8  }
0xb2: {  	s22 =	simm.s32 $0x1040;
	[tilespmem:s21+$0xFFFFFFC0] =	vst v7  }
0xb3: {  	v7 =	vld [tilespmem:s22+$0xFFFFFFC0];
	_ =	sdelay $0x4  }
0xb4: {  	v7 =	vnsel vm0, $0x0, v7  }
0xb5: {  	[tilespmem:s22+$0xFFFFFFC0] =	vst v7  }
0xb6: {  	v7 =	vld [tilespmem:s21+$0xFFFFFFD0];
	_ =	sdelay $0x4  }
0xb7: {  	s23 =	simm.s32 $0x10;
	v7 =	vsub.s32 v7, v0  }
0xb8: {  	v8 =	vor.u32 s23, v6;
	vm9 =	vlt.u32 v7, $0x1C0000  }
0xb9: {  	v7 =	vsel vm9, v7, v8  }
0xba: {  	[tilespmem:s21+$0xFFFFFFD0] =	vst v7  }
0xbb: {  	v7 =	vld [tilespmem:s22+$0xFFFFFFD0];
	_ =	sdelay $0x4  }
0xbc: {  	v7 =	vnsel vm9, $0x0, v7  }
0xbd: {  	[tilespmem:s22+$0xFFFFFFD0] =	vst v7  }
0xbe: {  	v7 =	vld [tilespmem:s21+$0xFFFFFFE0];
	_ =	sdelay $0x4  }
0xbf: {  	s26 =	simm.s32 $0x20;
	v7 =	vsub.s32 v7, v0  }
0xc0: {  	v8 =	vor.u32 s26, v6;
	vm10 =	vlt.u32 v7, $0x1C0000  }
0xc1: {  	v7 =	vsel vm10, v7, v8  }
0xc2: {  	[tilespmem:s21+$0xFFFFFFE0] =	vst v7  }
0xc3: {  	v7 =	vld [tilespmem:s22+$0xFFFFFFE0];
	_ =	sdelay $0x4  }
0xc4: {  	v7 =	vnsel vm10, $0x0, v7  }
0xc5: {  	[tilespmem:s22+$0xFFFFFFE0] =	vst v7  }
0xc6: {  	v7 =	vld [tilespmem:s21+$0xFFFFFFF0];
	_ =	sdelay $0x4  }
0xc7: {  	s28 =	simm.s32 $0x30;
	v7 =	vsub.s32 v7, v0  }
0xc8: {  	v8 =	vor.u32 s28, v6;
	vm11 =	vlt.u32 v7, $0x1C0000  }
0xc9: {  	v7 =	vsel vm11, v7, v8  }
0xca: {  	[tilespmem:s21+$0xFFFFFFF0] =	vst v7  }
0xcb: {  	v7 =	vld [tilespmem:s22+$0xFFFFFFF0];
	_ =	sdelay $0x4  }
0xcc: {  	v7 =	vnsel vm11, $0x0, v7  }
0xcd: {  	[tilespmem:s22+$0xFFFFFFF0] =	vst v7  }
0xce: {  	v7 =	vld [tilespmem:s21+$0x0];
	_ =	sdelay $0x4  }
0xcf: {  	s24 =	simm.s32 $0x40;
	v7 =	vsub.s32 v7, v0  }
0xd0: {  	v8 =	vor.u32 s24, v6;
	vm12 =	vlt.u32 v7, $0x1C0000  }
0xd1: {  	v7 =	vsel vm12, v7, v8  }
0xd2: {  	[tilespmem:s21+$0x0] =	vst v7  }
0xd3: {  	v7 =	vld [tilespmem:s22+$0x0];
	_ =	sdelay $0x4  }
0xd4: {  	v7 =	vnsel vm12, $0x0, v7  }
0xd5: {  	[tilespmem:s22+$0x0] =	vst v7  }
0xd6: {  	v7 =	vld [tilespmem:s21+$0x10];
	_ =	sdelay $0x4  }
0xd7: {  	s25 =	simm.s32 $0x50;
	v7 =	vsub.s32 v7, v0  }
0xd8: {  	v8 =	vor.u32 s25, v6;
	vm13 =	vlt.u32 v7, $0x1C0000  }
0xd9: {  	v7 =	vsel vm13, v7, v8  }
0xda: {  	[tilespmem:s21+$0x10] =	vst v7  }
0xdb: {  	v7 =	vld [tilespmem:s22+$0x10];
	_ =	sdelay $0x4  }
0xdc: {  	v7 =	vnsel vm13, $0x0, v7  }
0xdd: {  	[tilespmem:s22+$0x10] =	vst v7  }
0xde: {  	v7 =	vld [tilespmem:s21+$0x20];
	_ =	sdelay $0x4  }
0xdf: {  	s26 =	simm.s32 $0x60;
	v7 =	vsub.s32 v7, v0  }
0xe0: {  	v8 =	vor.u32 s26, v6;
	vm14 =	vlt.u32 v7, $0x1C0000  }
0xe1: {  	v7 =	vsel vm14, v7, v8  }
0xe2: {  	[tilespmem:s21+$0x20] =	vst v7  }
0xe3: {  	v7 =	vld [tilespmem:s22+$0x20];
	_ =	sdelay $0x4  }
0xe4: {  	v7 =	vnsel vm14, $0x0, v7  }
0xe5: {  	[tilespmem:s22+$0x20] =	vst v7  }
0xe6: {  	v7 =	vld [tilespmem:s21+$0x30];
	_ =	sdelay $0x4  }
0xe7: {  	s28 =	simm.s32 $0x70;
	v7 =	vsub.s32 v7, v0  }
0xe8: {  	v8 =	vor.u32 s28, v6;
	vm15 =	vlt.u32 v7, $0x1C0000  }
0xe9: {  	v7 =	vsel vm15, v7, v8  }
0xea: {  	[tilespmem:s21+$0x30] =	vst v7  }
0xeb: {  	v7 =	vld [tilespmem:s22+$0x30];
	_ =	sdelay $0x4  }
0xec: {  	s23 =	simm.s32 $0xF0;
	v7 =	vnsel vm15, $0x0, v7  }
.LBB2_5:
0xed: {  	p0 =	sne.s32 s23, $0xFF0;
	[tilespmem:s22+$0x30] =	vst v7;
	s21 =	sadd.s32 $0x80, s21;
	s22 =	sadd.s32 $0x80, s22  }
0xee: {  	s24 =	smov.u32 s23;
	s23 =	sadd.s32 $0x80, s23;
	v7 =	vld [tilespmem:s21+$0xFFFFFFC0];
	_ =	sdelay $0x4  }
0xef: {  	s25 =	sadd.s32 $0xFFFFFF90, s24;
	v7 =	vsub.s32 v7, v0  }
0xf0: {  	v8 =	vor.u32 s25, v6;
	vm0 =	vlt.u32 v7, $0x1C0000  }
0xf1: {  	v7 =	vsel vm0, v7, v8  }
0xf2: {  	[tilespmem:s21+$0xFFFFFFC0] =	vst v7  }
0xf3: {  	v7 =	vld [tilespmem:s22+$0xFFFFFFC0];
	_ =	sdelay $0x4  }
0xf4: {  	v7 =	vnsel vm0, $0x0, v7  }
0xf5: {  	[tilespmem:s22+$0xFFFFFFC0] =	vst v7  }
0xf6: {  	v7 =	vld [tilespmem:s21+$0xFFFFFFD0];
	_ =	sdelay $0x4  }
0xf7: {  	s25 =	sadd.s32 $0xFFFFFFA0, s24;
	v7 =	vsub.s32 v7, v0  }
0xf8: {  	v8 =	vor.u32 s25, v6;
	vm0 =	vlt.u32 v7, $0x1C0000  }
0xf9: {  	v7 =	vsel vm0, v7, v8  }
0xfa: {  	[tilespmem:s21+$0xFFFFFFD0] =	vst v7  }
0xfb: {  	v7 =	vld [tilespmem:s22+$0xFFFFFFD0];
	_ =	sdelay $0x4  }
0xfc: {  	v7 =	vnsel vm0, $0x0, v7  }
0xfd: {  	[tilespmem:s22+$0xFFFFFFD0] =	vst v7  }
0xfe: {  	v7 =	vld [tilespmem:s21+$0xFFFFFFE0];
	_ =	sdelay $0x4  }
0xff: {  	s25 =	sadd.s32 $0xFFFFFFB0, s24;
	v7 =	vsub.s32 v7, v0  }
0x100: {  	v8 =	vor.u32 s25, v6;
	vm0 =	vlt.u32 v7, $0x1C0000  }
0x101: {  	v7 =	vsel vm0, v7, v8  }
0x102: {  	[tilespmem:s21+$0xFFFFFFE0] =	vst v7  }
0x103: {  	v7 =	vld [tilespmem:s22+$0xFFFFFFE0];
	_ =	sdelay $0x4  }
0x104: {  	v7 =	vnsel vm0, $0x0, v7  }
0x105: {  	[tilespmem:s22+$0xFFFFFFE0] =	vst v7  }
0x106: {  	v7 =	vld [tilespmem:s21+$0xFFFFFFF0];
	_ =	sdelay $0x4  }
0x107: {  	s25 =	sadd.s32 $0xFFFFFFC0, s24;
	v7 =	vsub.s32 v7, v0  }
0x108: {  	v8 =	vor.u32 s25, v6;
	vm0 =	vlt.u32 v7, $0x1C0000  }
0x109: {  	v7 =	vsel vm0, v7, v8  }
0x10a: {  	[tilespmem:s21+$0xFFFFFFF0] =	vst v7  }
0x10b: {  	v7 =	vld [tilespmem:s22+$0xFFFFFFF0];
	_ =	sdelay $0x4  }
0x10c: {  	v7 =	vnsel vm0, $0x0, v7  }
0x10d: {  	[tilespmem:s22+$0xFFFFFFF0] =	vst v7  }
0x10e: {  	v7 =	vld [tilespmem:s21+$0x0];
	_ =	sdelay $0x4  }
0x10f: {  	s25 =	sadd.s32 $0xFFFFFFD0, s24;
	v7 =	vsub.s32 v7, v0  }
0x110: {  	v8 =	vor.u32 s25, v6;
	vm0 =	vlt.u32 v7, $0x1C0000  }
0x111: {  	v7 =	vsel vm0, v7, v8  }
0x112: {  	[tilespmem:s21+$0x0] =	vst v7  }
0x113: {  	v7 =	vld [tilespmem:s22+$0x0];
	_ =	sdelay $0x4  }
0x114: {  	v7 =	vnsel vm0, $0x0, v7  }
0x115: {  	[tilespmem:s22+$0x0] =	vst v7  }
0x116: {  	v7 =	vld [tilespmem:s21+$0x10];
	_ =	sdelay $0x4  }
0x117: {  	s25 =	sadd.s32 $0xFFFFFFE0, s24;
	v7 =	vsub.s32 v7, v0  }
0x118: {  	v8 =	vor.u32 s25, v6;
	vm0 =	vlt.u32 v7, $0x1C0000  }
0x119: {  	v7 =	vsel vm0, v7, v8  }
0x11a: {  	[tilespmem:s21+$0x10] =	vst v7  }
0x11b: {  	v7 =	vld [tilespmem:s22+$0x10];
	_ =	sdelay $0x4  }
0x11c: {  	v7 =	vnsel vm0, $0x0, v7  }
0x11d: {  	[tilespmem:s22+$0x10] =	vst v7  }
0x11e: {  	v7 =	vld [tilespmem:s21+$0x20];
	_ =	sdelay $0x4  }
0x11f: {  	s25 =	sadd.s32 $0xFFFFFFF0, s24;
	v7 =	vsub.s32 v7, v0  }
0x120: {  	v8 =	vor.u32 s25, v6;
	vm0 =	vlt.u32 v7, $0x1C0000  }
0x121: {  	v7 =	vsel vm0, v7, v8  }
0x122: {  	[tilespmem:s21+$0x20] =	vst v7  }
0x123: {  	v7 =	vld [tilespmem:s22+$0x20];
	_ =	sdelay $0x4  }
0x124: {  	v7 =	vnsel vm0, $0x0, v7  }
0x125: {  	[tilespmem:s22+$0x20] =	vst v7  }
0x126: {  	v7 =	vld [tilespmem:s21+$0x30];
	_ =	sdelay $0x4  }
0x127: {  	v7 =	vsub.s32 v7, v0  }
0x128: {  	v8 =	vor.u32 s24, v6;
	vm0 =	vlt.u32 v7, $0x1C0000  }
0x129: {  	v7 =	vsel vm0, v7, v8  }
0x12a: {  	[tilespmem:s21+$0x30] =	vst v7  }
0x12b: {  	v7 =	vld [tilespmem:s22+$0x30]  }
.Ltmp1:
0x12c: {  	(pc) =	sbr.rel @p0 .LBB2_5-.Ltmp1, $2  }
0x12d: {  	_ =	sdelay $0x2  }
0x12e: {  	v7 =	vnsel vm0, $0x0, v7  }
0x12f: {  	s18 =	sadd.s32 $0x1, s18  }
0x130: {  	p0 =	sne.s32 s18, $0x40  }
.Ltmp2:
0x131: {  	[tilespmem:s22+$0x30] =	vst v7;
	(pc) =	sbr.rel @p0 .LBB2_4-.Ltmp2, $4  }
0x132: {  	[spmem:s4] =	stream.indirect.scatter.add.f32 [tilespmem:s10], [sflag:$0x1], $0x1, s5, s10, $0xb8;
	[tilespmem:$0x1E000] =	vst v63  }
0x133: {  	_ =	swait.ge [sflag:s11], $0x1000  }
0x134: {  	[sflag:s11] =	ssyncset.done $0x0  }
0x135: {  	[sflag:s11] =	ssyncadd.s32 $0xFFFFF000  }
0x136: {  	s18 =	stileid.u32  }
0x137: {  	[bflag:$0x0] =	sbarrier.arrive $0xFFFF;
	s18 =	sshll.u32 s18, $0x6  }
0x138: {  	s21 =	sshrl.u32 s6, $0x3;
	s22 =	rddreg [dreg:$0x9];
	s18 =	sor.u32 $0x1C01, s18  }
0x139: {  	[hbm:s22], [sflag:s18] =	dma.local [spmem:s21], $0x3800  }
0x13a: {  	_ =	swait.ge [sflag:s11], $0x3800  }
0x13b: {  	[sflag:s11] =	ssyncset.done $0x0  }
0x13c: {  	[sflag:s11] =	ssyncadd.s32 $0xFFFFC800  }
0x13d: {  	s23 =	simm.s32 $0x0;
	s22 =	simm.s32 $0x40;
	[bflag:$0x0] =	sbarrier.arrive $0xFFFF  }
.LBB2_8:
0x13e: {  	p0 =	sne.s32 s22, $0x3FC0;
	[tilespmem:s23+$0x1000] =	vst v5;
	s23 =	smov.u32 s22;
	s22 =	sadd.s32 $0x40, s22  }
.Ltmp3:
0x13f: {  	(pc) =	sbr.rel @p0 .LBB2_8-.Ltmp3, $2  }
0x140: {  	_ =	sdelay $0x2  }
0x141: {  	s23 =	sshra.s32 s23, $0x2  }
0x142: {  	[tilespmem:s23+$0x1000] =	vst v5  }
0x143: {  	[spmem:s6] =	stream.linear.scatter [tilespmem:s10], [sflag:$0x1], $0x1000, $0x38;
	[tilespmem:$0x1E000] =	vst v63  }
0x144: {  	_ =	swait.ge [sflag:s11], $0x1000  }
0x145: {  	[sflag:s11] =	ssyncset.done $0x0  }
0x146: {  	s22 =	rddreg [dreg:$0x4];
	[sflag:s11] =	ssyncadd.s32 $0xFFFFF000  }
0x147: {  	[spmem:s22] =	stream.linear.scatter [tilespmem:s10], [sflag:$0x1], $0x1000, $0x38;
	[tilespmem:$0x1E000] =	vst v63  }
0x148: {  	_ =	swait.ge [sflag:s11], $0x1000  }
0x149: {  	[sflag:s11] =	ssyncset.done $0x0  }
0x14a: {  	s26 =	rddreg [dreg:$0x5];
	[sflag:s11] =	ssyncadd.s32 $0xFFFFF000  }
0x14b: {  	[spmem:s26] =	stream.linear.scatter [tilespmem:s10], [sflag:$0x1], $0x1000, $0x38;
	[tilespmem:$0x1E000] =	vst v63  }
0x14c: {  	_ =	swait.ge [sflag:s11], $0x1000  }
0x14d: {  	[sflag:s11] =	ssyncset.done $0x0  }
0x14e: {  	s28 =	rddreg [dreg:$0x6];
	[sflag:s11] =	ssyncadd.s32 $0xFFFFF000  }
0x14f: {  	[spmem:s28] =	stream.linear.scatter [tilespmem:s10], [sflag:$0x1], $0x1000, $0x38;
	[tilespmem:$0x1E000] =	vst v63  }
0x150: {  	_ =	swait.ge [sflag:s11], $0x1000  }
0x151: {  	[sflag:s11] =	ssyncset.done $0x0  }
0x152: {  	s23 =	rddreg [dreg:$0x7];
	[sflag:s11] =	ssyncadd.s32 $0xFFFFF000  }
0x153: {  	[spmem:s23] =	stream.linear.scatter [tilespmem:s10], [sflag:$0x1], $0x1000, $0x38;
	[tilespmem:$0x1E000] =	vst v63  }
0x154: {  	_ =	swait.ge [sflag:s11], $0x1000  }
0x155: {  	[sflag:s11] =	ssyncset.done $0x0  }
0x156: {  	s24 =	rddreg [dreg:$0x8];
	[sflag:s11] =	ssyncadd.s32 $0xFFFFF000  }
0x157: {  	[spmem:s24] =	stream.linear.scatter [tilespmem:s10], [sflag:$0x1], $0x1000, $0x38;
	[tilespmem:$0x1E000] =	vst v63  }
0x158: {  	_ =	swait.ge [sflag:s11], $0x1000  }
0x159: {  	[sflag:s11] =	ssyncset.done $0x0  }
0x15a: {  	s25 =	rddreg [dreg:$0xe];
	[sflag:s11] =	ssyncadd.s32 $0xFFFFF000  }
0x15b: {  	[spmem:s25] =	stream.linear.scatter [tilespmem:s10], [sflag:$0x1], $0x1000, $0x38;
	[tilespmem:$0x1E000] =	vst v63  }
0x15c: {  	_ =	swait.ge [sflag:s11], $0x1000  }
0x15d: {  	[sflag:s11] =	ssyncset.done $0x0  }
0x15e: {  	s26 =	rddreg [dreg:$0x11];
	[sflag:s11] =	ssyncadd.s32 $0xFFFFF000  }
0x15f: {  	[spmem:s26] =	stream.linear.scatter [tilespmem:s10], [sflag:$0x1], $0x1000, $0x38;
	[tilespmem:$0x1E000] =	vst v63  }
0x160: {  	_ =	swait.ge [sflag:s11], $0x1000  }
0x161: {  	[sflag:s11] =	ssyncset.done $0x0  }
0x162: {  	s28 =	rddreg [dreg:$0x12];
	[sflag:s11] =	ssyncadd.s32 $0xFFFFF000  }
0x163: {  	[spmem:s28] =	stream.linear.scatter [tilespmem:s10], [sflag:$0x1], $0x1000, $0x38;
	[tilespmem:$0x1E000] =	vst v63  }
0x164: {  	_ =	swait.ge [sflag:s11], $0x1000  }
0x165: {  	[sflag:s11] =	ssyncset.done $0x0  }
0x166: {  	s23 =	rddreg [dreg:$0x13];
	[sflag:s11] =	ssyncadd.s32 $0xFFFFF000  }
0x167: {  	[spmem:s23] =	stream.linear.scatter [tilespmem:s10], [sflag:$0x1], $0x1000, $0x38;
	[tilespmem:$0x1E000] =	vst v63  }
0x168: {  	_ =	swait.ge [sflag:s11], $0x1000  }
0x169: {  	[sflag:s11] =	ssyncset.done $0x0  }
0x16a: {  	s24 =	rddreg [dreg:$0x14];
	[sflag:s11] =	ssyncadd.s32 $0xFFFFF000  }
0x16b: {  	[spmem:s24] =	stream.linear.scatter [tilespmem:s10], [sflag:$0x1], $0x1000, $0x38;
	[tilespmem:$0x1E000] =	vst v63  }
0x16c: {  	_ =	swait.ge [sflag:s11], $0x1000  }
0x16d: {  	[sflag:s11] =	ssyncset.done $0x0  }
0x16e: {  	s25 =	rddreg [dreg:$0x15];
	[sflag:s11] =	ssyncadd.s32 $0xFFFFF000  }
0x16f: {  	[spmem:s25] =	stream.linear.scatter [tilespmem:s10], [sflag:$0x1], $0x1000, $0x38;
	[tilespmem:$0x1E000] =	vst v63  }
0x170: {  	_ =	swait.ge [sflag:s11], $0x1000  }
0x171: {  	[sflag:s11] =	ssyncset.done $0x0  }
0x172: {  	s26 =	rddreg [dreg:$0x16];
	[sflag:s11] =	ssyncadd.s32 $0xFFFFF000  }
0x173: {  	[spmem:s26] =	stream.linear.scatter [tilespmem:s10], [sflag:$0x1], $0x1000, $0x38;
	[tilespmem:$0x1E000] =	vst v63  }
0x174: {  	_ =	swait.ge [sflag:s11], $0x1000  }
0x175: {  	[sflag:s11] =	ssyncset.done $0x0  }
0x176: {  	s28 =	rddreg [dreg:$0x17];
	[sflag:s11] =	ssyncadd.s32 $0xFFFFF000  }
0x177: {  	[spmem:s28] =	stream.linear.scatter [tilespmem:s10], [sflag:$0x1], $0x1000, $0x38;
	[tilespmem:$0x1E000] =	vst v63  }
0x178: {  	_ =	swait.ge [sflag:s11], $0x1000  }
0x179: {  	[sflag:s11] =	ssyncset.done $0x0  }
0x17a: {  	[sflag:s11] =	ssyncadd.s32 $0xFFFFF000  }
0x17b: {  	[spmem:s29] =	stream.linear.scatter [tilespmem:s10], [sflag:$0x1], $0x1000, $0x38;
	[tilespmem:$0x1E000] =	vst v63  }
0x17c: {  	_ =	swait.ge [sflag:s11], $0x1000  }
0x17d: {  	[sflag:s11] =	ssyncset.done $0x0  }
0x17e: {  	[sflag:s11] =	ssyncadd.s32 $0xFFFFF000  }
0x17f: {  	[spmem:s30] =	stream.linear.scatter [tilespmem:s10], [sflag:$0x1], $0x1000, $0x38;
	[tilespmem:$0x1E000] =	vst v63  }
0x180: {  	_ =	swait.ge [sflag:s11], $0x1000  }
0x181: {  	[sflag:s11] =	ssyncset.done $0x0  }
0x182: {  	[sflag:s11] =	ssyncadd.s32 $0xFFFFF000  }
0x183: {  	[spmem:s31] =	stream.linear.scatter [tilespmem:s10], [sflag:$0x1], $0x1000, $0x38;
	[tilespmem:$0x1E000] =	vst v63  }
0x184: {  	_ =	swait.ge [sflag:s11], $0x1000  }
0x185: {  	[sflag:s11] =	ssyncset.done $0x0  }
0x186: {  	[sflag:s11] =	ssyncadd.s32 $0xFFFFF000  }
0x187: {  	[spmem:s0] =	stream.linear.scatter [tilespmem:s10], [sflag:$0x1], $0x1000, $0x38;
	[tilespmem:$0x1E000] =	vst v63  }
0x188: {  	_ =	swait.ge [sflag:s11], $0x1000  }
0x189: {  	[sflag:s11] =	ssyncset.done $0x0  }
0x18a: {  	[sflag:s11] =	ssyncadd.s32 $0xFFFFF000  }
0x18b: {  	[spmem:s3] =	stream.linear.scatter [tilespmem:s10], [sflag:$0x1], $0x1000, $0x38;
	[tilespmem:$0x1E000] =	vst v63  }
0x18c: {  	_ =	swait.ge [sflag:s11], $0x1000  }
0x18d: {  	[sflag:s11] =	ssyncset.done $0x0  }
0x18e: {  	[sflag:s11] =	ssyncadd.s32 $0xFFFFF000  }
0x18f: {  	[spmem:s13] =	stream.linear.scatter [tilespmem:s10], [sflag:$0x1], $0x1000, $0x38;
	[tilespmem:$0x1E000] =	vst v63  }
0x190: {  	_ =	swait.ge [sflag:s11], $0x1000  }
0x191: {  	[sflag:s11] =	ssyncset.done $0x0  }
0x192: {  	[sflag:s11] =	ssyncadd.s32 $0xFFFFF000  }
0x193: {  	[spmem:s14] =	stream.linear.scatter [tilespmem:s10], [sflag:$0x1], $0x1000, $0x38;
	[tilespmem:$0x1E000] =	vst v63  }
0x194: {  	_ =	swait.ge [sflag:s11], $0x1000  }
0x195: {  	[sflag:s11] =	ssyncset.done $0x0  }
0x196: {  	[sflag:s11] =	ssyncadd.s32 $0xFFFFF000  }
0x197: {  	[spmem:s15] =	stream.linear.scatter [tilespmem:s10], [sflag:$0x1], $0x1000, $0x38;
	[tilespmem:$0x1E000] =	vst v63  }
0x198: {  	_ =	swait.ge [sflag:s11], $0x1000  }
0x199: {  	[sflag:s11] =	ssyncset.done $0x0  }
0x19a: {  	[sflag:s11] =	ssyncadd.s32 $0xFFFFF000  }
0x19b: {  	[spmem:s16] =	stream.linear.scatter [tilespmem:s10], [sflag:$0x1], $0x1000, $0x38;
	[tilespmem:$0x1E000] =	vst v63  }
0x19c: {  	_ =	swait.ge [sflag:s11], $0x1000  }
0x19d: {  	[sflag:s11] =	ssyncset.done $0x0  }
0x19e: {  	[sflag:s11] =	ssyncadd.s32 $0xFFFFF000  }
0x19f: {  	[spmem:s17] =	stream.linear.scatter [tilespmem:s10], [sflag:$0x1], $0x1000, $0x38;
	[tilespmem:$0x1E000] =	vst v63  }
0x1a0: {  	_ =	swait.ge [sflag:s11], $0x1000  }
0x1a1: {  	[sflag:s11] =	ssyncset.done $0x0  }
0x1a2: {  	[sflag:s11] =	ssyncadd.s32 $0xFFFFF000  }
0x1a3: {  	[spmem:s20] =	stream.linear.scatter [tilespmem:s10], [sflag:$0x1], $0x1000, $0x38;
	[tilespmem:$0x1E000] =	vst v63  }
0x1a4: {  	_ =	swait.ge [sflag:s11], $0x1000  }
0x1a5: {  	[sflag:s11] =	ssyncset.done $0x0  }
0x1a6: {  	[sflag:s11] =	ssyncadd.s32 $0xFFFFF000  }
0x1a7: {  	[spmem:s19] =	stream.linear.scatter [tilespmem:s10], [sflag:$0x1], $0x1000, $0x38;
	[tilespmem:$0x1E000] =	vst v63  }
0x1a8: {  	_ =	swait.ge [sflag:s11], $0x1000  }
0x1a9: {  	[sflag:s11] =	ssyncset.done $0x0  }
0x1aa: {  	[sflag:s11] =	ssyncadd.s32 $0xFFFFF000  }
0x1ab: {  	[spmem:s8] =	stream.linear.scatter [tilespmem:s10], [sflag:$0x1], $0x1000, $0x38;
	[tilespmem:$0x1E000] =	vst v63  }
0x1ac: {  	_ =	swait.ge [sflag:s11], $0x1000  }
0x1ad: {  	[sflag:s11] =	ssyncset.done $0x0  }
0x1ae: {  	[sflag:s11] =	ssyncadd.s32 $0xFFFFF000  }
0x1af: {  	[spmem:s9] =	stream.linear.scatter [tilespmem:s10], [sflag:$0x1], $0x1000, $0x38;
	[tilespmem:$0x1E000] =	vst v63  }
0x1b0: {  	_ =	swait.ge [sflag:s11], $0x1000  }
0x1b1: {  	[sflag:s11] =	ssyncset.done $0x0  }
0x1b2: {  	[sflag:s11] =	ssyncadd.s32 $0xFFFFF000  }
0x1b3: {  	s22 =	simm.s32 $0x0;
	[bflag:$0x0] =	sbarrier.arrive $0xFFFF  }
.LBB2_10:
0x1b4: {  	s23 =	sshll.u32 s22, $0xC  }
0x1b5: {  	s23 =	sadd.s32 s7, s23  }
0x1b6: {  	s23 =	sshrl.u32 s23, $0x3  }
0x1b7: {  	s24 =	sadd.s32 s1, s23  }
0x1b8: {  	[tilespmem:s5], [sflag:$0x1] =	stream.linear.gather [hbm4b:s24+s5], $0x1000, $0x38;
	[tilespmem:$0x1E000] =	vst v63  }
0x1b9: {  	_ =	swait.ge [sflag:s11], $0x1000  }
0x1ba: {  	[sflag:s11] =	ssyncset.done $0x0  }
0x1bb: {  	s23 =	sadd.s32 s2, s23;
	[sflag:s11] =	ssyncadd.s32 $0xFFFFF000  }
0x1bc: {  	[tilespmem:s10], [sflag:$0x1] =	stream.linear.gather [hbm4b:s23+s5], $0x1000, $0x38;
	[tilespmem:$0x1E000] =	vst v63  }
0x1bd: {  	_ =	swait.ge [sflag:s11], $0x1000  }
0x1be: {  	[sflag:s11] =	ssyncset.done $0x0  }
0x1bf: {  	s23 =	simm.s32 $0x40;
	[sflag:s11] =	ssyncadd.s32 $0xFFFFF000  }
0x1c0: {  	v7 =	vld [tilespmem:s23+$0xFFFFFFC0];
	_ =	sdelay $0x4  }
0x1c1: {  	s25 =	simm.s32 $0x0;
	v7 =	vsub.s32 v7, v1  }
0x1c2: {  	v8 =	vor.u32 s25, v6;
	vm0 =	vlt.u32 v7, $0x1C0000  }
0x1c3: {  	v7 =	vsel vm0, v7, v8  }
0x1c4: {  	s24 =	simm.s32 $0x1040;
	[tilespmem:s23+$0xFFFFFFC0] =	vst v7  }
0x1c5: {  	v7 =	vld [tilespmem:s24+$0xFFFFFFC0];
	_ =	sdelay $0x4  }
0x1c6: {  	v7 =	vnsel vm0, $0x0, v7  }
0x1c7: {  	[tilespmem:s24+$0xFFFFFFC0] =	vst v7  }
0x1c8: {  	v7 =	vld [tilespmem:s23+$0xFFFFFFD0];
	_ =	sdelay $0x4  }
0x1c9: {  	s25 =	simm.s32 $0x10;
	v7 =	vsub.s32 v7, v1  }
0x1ca: {  	v8 =	vor.u32 s25, v6;
	vm9 =	vlt.u32 v7, $0x1C0000  }
0x1cb: {  	v7 =	vsel vm9, v7, v8  }
0x1cc: {  	[tilespmem:s23+$0xFFFFFFD0] =	vst v7  }
0x1cd: {  	v7 =	vld [tilespmem:s24+$0xFFFFFFD0];
	_ =	sdelay $0x4  }
0x1ce: {  	v7 =	vnsel vm9, $0x0, v7  }
0x1cf: {  	[tilespmem:s24+$0xFFFFFFD0] =	vst v7  }
0x1d0: {  	v7 =	vld [tilespmem:s23+$0xFFFFFFE0];
	_ =	sdelay $0x4  }
0x1d1: {  	s26 =	simm.s32 $0x20;
	v7 =	vsub.s32 v7, v1  }
0x1d2: {  	v8 =	vor.u32 s26, v6;
	vm10 =	vlt.u32 v7, $0x1C0000  }
0x1d3: {  	v7 =	vsel vm10, v7, v8  }
0x1d4: {  	[tilespmem:s23+$0xFFFFFFE0] =	vst v7  }
0x1d5: {  	v7 =	vld [tilespmem:s24+$0xFFFFFFE0];
	_ =	sdelay $0x4  }
0x1d6: {  	v7 =	vnsel vm10, $0x0, v7  }
0x1d7: {  	[tilespmem:s24+$0xFFFFFFE0] =	vst v7  }
0x1d8: {  	v7 =	vld [tilespmem:s23+$0xFFFFFFF0];
	_ =	sdelay $0x4  }
0x1d9: {  	s28 =	simm.s32 $0x30;
	v7 =	vsub.s32 v7, v1  }
0x1da: {  	v8 =	vor.u32 s28, v6;
	vm11 =	vlt.u32 v7, $0x1C0000  }
0x1db: {  	v7 =	vsel vm11, v7, v8  }
0x1dc: {  	[tilespmem:s23+$0xFFFFFFF0] =	vst v7  }
0x1dd: {  	v7 =	vld [tilespmem:s24+$0xFFFFFFF0];
	_ =	sdelay $0x4  }
0x1de: {  	v7 =	vnsel vm11, $0x0, v7  }
0x1df: {  	[tilespmem:s24+$0xFFFFFFF0] =	vst v7  }
0x1e0: {  	v7 =	vld [tilespmem:s23+$0x0];
	_ =	sdelay $0x4  }
0x1e1: {  	s26 =	simm.s32 $0x40;
	v7 =	vsub.s32 v7, v1  }
0x1e2: {  	v8 =	vor.u32 s26, v6;
	vm12 =	vlt.u32 v7, $0x1C0000  }
0x1e3: {  	v7 =	vsel vm12, v7, v8  }
0x1e4: {  	[tilespmem:s23+$0x0] =	vst v7  }
0x1e5: {  	v7 =	vld [tilespmem:s24+$0x0];
	_ =	sdelay $0x4  }
0x1e6: {  	v7 =	vnsel vm12, $0x0, v7  }
0x1e7: {  	[tilespmem:s24+$0x0] =	vst v7  }
0x1e8: {  	v7 =	vld [tilespmem:s23+$0x10];
	_ =	sdelay $0x4  }
0x1e9: {  	s28 =	simm.s32 $0x50;
	v7 =	vsub.s32 v7, v1  }
0x1ea: {  	v8 =	vor.u32 s28, v6;
	vm13 =	vlt.u32 v7, $0x1C0000  }
0x1eb: {  	v7 =	vsel vm13, v7, v8  }
0x1ec: {  	[tilespmem:s23+$0x10] =	vst v7  }
0x1ed: {  	v7 =	vld [tilespmem:s24+$0x10];
	_ =	sdelay $0x4  }
0x1ee: {  	v7 =	vnsel vm13, $0x0, v7  }
0x1ef: {  	[tilespmem:s24+$0x10] =	vst v7  }
0x1f0: {  	v7 =	vld [tilespmem:s23+$0x20];
	_ =	sdelay $0x4  }
0x1f1: {  	s26 =	simm.s32 $0x60;
	v7 =	vsub.s32 v7, v1  }
0x1f2: {  	v8 =	vor.u32 s26, v6;
	vm14 =	vlt.u32 v7, $0x1C0000  }
0x1f3: {  	v7 =	vsel vm14, v7, v8  }
0x1f4: {  	[tilespmem:s23+$0x20] =	vst v7  }
0x1f5: {  	v7 =	vld [tilespmem:s24+$0x20];
	_ =	sdelay $0x4  }
0x1f6: {  	v7 =	vnsel vm14, $0x0, v7  }
0x1f7: {  	[tilespmem:s24+$0x20] =	vst v7  }
0x1f8: {  	v7 =	vld [tilespmem:s23+$0x30];
	_ =	sdelay $0x4  }
0x1f9: {  	s28 =	simm.s32 $0x70;
	v7 =	vsub.s32 v7, v1  }
0x1fa: {  	v8 =	vor.u32 s28, v6;
	vm15 =	vlt.u32 v7, $0x1C0000  }
0x1fb: {  	v7 =	vsel vm15, v7, v8  }
0x1fc: {  	[tilespmem:s23+$0x30] =	vst v7  }
0x1fd: {  	v7 =	vld [tilespmem:s24+$0x30];
	_ =	sdelay $0x4  }
0x1fe: {  	s25 =	simm.s32 $0xF0;
	v7 =	vnsel vm15, $0x0, v7  }
.LBB2_11:
0x1ff: {  	p0 =	sne.s32 s25, $0xFF0;
	[tilespmem:s24+$0x30] =	vst v7;
	s23 =	sadd.s32 $0x80, s23;
	s24 =	sadd.s32 $0x80, s24  }
0x200: {  	s26 =	smov.u32 s25;
	s25 =	sadd.s32 $0x80, s25;
	v7 =	vld [tilespmem:s23+$0xFFFFFFC0];
	_ =	sdelay $0x4  }
0x201: {  	s28 =	sadd.s32 $0xFFFFFF90, s26;
	v7 =	vsub.s32 v7, v1  }
0x202: {  	v8 =	vor.u32 s28, v6;
	vm0 =	vlt.u32 v7, $0x1C0000  }
0x203: {  	v7 =	vsel vm0, v7, v8  }
0x204: {  	[tilespmem:s23+$0xFFFFFFC0] =	vst v7  }
0x205: {  	v7 =	vld [tilespmem:s24+$0xFFFFFFC0];
	_ =	sdelay $0x4  }
0x206: {  	v7 =	vnsel vm0, $0x0, v7  }
0x207: {  	[tilespmem:s24+$0xFFFFFFC0] =	vst v7  }
0x208: {  	v7 =	vld [tilespmem:s23+$0xFFFFFFD0];
	_ =	sdelay $0x4  }
0x209: {  	s28 =	sadd.s32 $0xFFFFFFA0, s26;
	v7 =	vsub.s32 v7, v1  }
0x20a: {  	v8 =	vor.u32 s28, v6;
	vm0 =	vlt.u32 v7, $0x1C0000  }
0x20b: {  	v7 =	vsel vm0, v7, v8  }
0x20c: {  	[tilespmem:s23+$0xFFFFFFD0] =	vst v7  }
0x20d: {  	v7 =	vld [tilespmem:s24+$0xFFFFFFD0];
	_ =	sdelay $0x4  }
0x20e: {  	v7 =	vnsel vm0, $0x0, v7  }
0x20f: {  	[tilespmem:s24+$0xFFFFFFD0] =	vst v7  }
0x210: {  	v7 =	vld [tilespmem:s23+$0xFFFFFFE0];
	_ =	sdelay $0x4  }
0x211: {  	s28 =	sadd.s32 $0xFFFFFFB0, s26;
	v7 =	vsub.s32 v7, v1  }
0x212: {  	v8 =	vor.u32 s28, v6;
	vm0 =	vlt.u32 v7, $0x1C0000  }
0x213: {  	v7 =	vsel vm0, v7, v8  }
0x214: {  	[tilespmem:s23+$0xFFFFFFE0] =	vst v7  }
0x215: {  	v7 =	vld [tilespmem:s24+$0xFFFFFFE0];
	_ =	sdelay $0x4  }
0x216: {  	v7 =	vnsel vm0, $0x0, v7  }
0x217: {  	[tilespmem:s24+$0xFFFFFFE0] =	vst v7  }
0x218: {  	v7 =	vld [tilespmem:s23+$0xFFFFFFF0];
	_ =	sdelay $0x4  }
0x219: {  	s28 =	sadd.s32 $0xFFFFFFC0, s26;
	v7 =	vsub.s32 v7, v1  }
0x21a: {  	v8 =	vor.u32 s28, v6;
	vm0 =	vlt.u32 v7, $0x1C0000  }
0x21b: {  	v7 =	vsel vm0, v7, v8  }
0x21c: {  	[tilespmem:s23+$0xFFFFFFF0] =	vst v7  }
0x21d: {  	v7 =	vld [tilespmem:s24+$0xFFFFFFF0];
	_ =	sdelay $0x4  }
0x21e: {  	v7 =	vnsel vm0, $0x0, v7  }
0x21f: {  	[tilespmem:s24+$0xFFFFFFF0] =	vst v7  }
0x220: {  	v7 =	vld [tilespmem:s23+$0x0];
	_ =	sdelay $0x4  }
0x221: {  	s28 =	sadd.s32 $0xFFFFFFD0, s26;
	v7 =	vsub.s32 v7, v1  }
0x222: {  	v8 =	vor.u32 s28, v6;
	vm0 =	vlt.u32 v7, $0x1C0000  }
0x223: {  	v7 =	vsel vm0, v7, v8  }
0x224: {  	[tilespmem:s23+$0x0] =	vst v7  }
0x225: {  	v7 =	vld [tilespmem:s24+$0x0];
	_ =	sdelay $0x4  }
0x226: {  	v7 =	vnsel vm0, $0x0, v7  }
0x227: {  	[tilespmem:s24+$0x0] =	vst v7  }
0x228: {  	v7 =	vld [tilespmem:s23+$0x10];
	_ =	sdelay $0x4  }
0x229: {  	s28 =	sadd.s32 $0xFFFFFFE0, s26;
	v7 =	vsub.s32 v7, v1  }
0x22a: {  	v8 =	vor.u32 s28, v6;
	vm0 =	vlt.u32 v7, $0x1C0000  }
0x22b: {  	v7 =	vsel vm0, v7, v8  }
0x22c: {  	[tilespmem:s23+$0x10] =	vst v7  }
0x22d: {  	v7 =	vld [tilespmem:s24+$0x10];
	_ =	sdelay $0x4  }
0x22e: {  	v7 =	vnsel vm0, $0x0, v7  }
0x22f: {  	[tilespmem:s24+$0x10] =	vst v7  }
0x230: {  	v7 =	vld [tilespmem:s23+$0x20];
	_ =	sdelay $0x4  }
0x231: {  	s28 =	sadd.s32 $0xFFFFFFF0, s26;
	v7 =	vsub.s32 v7, v1  }
0x232: {  	v8 =	vor.u32 s28, v6;
	vm0 =	vlt.u32 v7, $0x1C0000  }
0x233: {  	v7 =	vsel vm0, v7, v8  }
0x234: {  	[tilespmem:s23+$0x20] =	vst v7  }
0x235: {  	v7 =	vld [tilespmem:s24+$0x20];
	_ =	sdelay $0x4  }
0x236: {  	v7 =	vnsel vm0, $0x0, v7  }
0x237: {  	[tilespmem:s24+$0x20] =	vst v7  }
0x238: {  	v7 =	vld [tilespmem:s23+$0x30];
	_ =	sdelay $0x4  }
0x239: {  	v7 =	vsub.s32 v7, v1  }
0x23a: {  	v8 =	vor.u32 s26, v6;
	vm0 =	vlt.u32 v7, $0x1C0000  }
0x23b: {  	v7 =	vsel vm0, v7, v8  }
0x23c: {  	[tilespmem:s23+$0x30] =	vst v7  }
0x23d: {  	v7 =	vld [tilespmem:s24+$0x30]  }
.Ltmp4:
0x23e: {  	(pc) =	sbr.rel @p0 .LBB2_11-.Ltmp4, $2  }
0x23f: {  	_ =	sdelay $0x2  }
0x240: {  	v7 =	vnsel vm0, $0x0, v7  }
0x241: {  	s22 =	sadd.s32 $0x1, s22  }
0x242: {  	p0 =	sne.s32 s22, $0x40  }
.Ltmp5:
0x243: {  	[tilespmem:s24+$0x30] =	vst v7;
	(pc) =	sbr.rel @p0 .LBB2_10-.Ltmp5, $4  }
0x244: {  	[spmem:s4] =	stream.indirect.scatter.add.f32 [tilespmem:s10], [sflag:$0x1], $0x1, s5, s10, $0xb8;
	[tilespmem:$0x1E000] =	vst v63  }
0x245: {  	_ =	swait.ge [sflag:s11], $0x1000  }
0x246: {  	[sflag:s11] =	ssyncset.done $0x0  }
0x247: {  	[sflag:s11] =	ssyncadd.s32 $0xFFFFF000  }
0x248: {  	[bflag:$0x0] =	sbarrier.arrive $0xFFFF  }
0x249: {  	s22 =	rddreg [dreg:$0xa]  }
0x24a: {  	[hbm:s22], [sflag:s18] =	dma.local [spmem:s21], $0x3800  }
0x24b: {  	_ =	swait.ge [sflag:s11], $0x3800  }
0x24c: {  	[sflag:s11] =	ssyncset.done $0x0  }
0x24d: {  	[sflag:s11] =	ssyncadd.s32 $0xFFFFC800  }
0x24e: {  	s23 =	simm.s32 $0x0;
	s22 =	simm.s32 $0x40;
	[bflag:$0x0] =	sbarrier.arrive $0xFFFF  }
.LBB2_14:
0x24f: {  	p0 =	sne.s32 s22, $0x3FC0;
	[tilespmem:s23+$0x1000] =	vst v5;
	s23 =	smov.u32 s22;
	s22 =	sadd.s32 $0x40, s22  }
.Ltmp6:
0x250: {  	(pc) =	sbr.rel @p0 .LBB2_14-.Ltmp6, $2  }
0x251: {  	_ =	sdelay $0x2  }
0x252: {  	s23 =	sshra.s32 s23, $0x2  }
0x253: {  	[tilespmem:s23+$0x1000] =	vst v5  }
0x254: {  	[spmem:s6] =	stream.linear.scatter [tilespmem:s10], [sflag:$0x1], $0x1000, $0x38;
	[tilespmem:$0x1E000] =	vst v63  }
0x255: {  	_ =	swait.ge [sflag:s11], $0x1000  }
0x256: {  	[sflag:s11] =	ssyncset.done $0x0  }
0x257: {  	s22 =	rddreg [dreg:$0x4];
	[sflag:s11] =	ssyncadd.s32 $0xFFFFF000  }
0x258: {  	[spmem:s22] =	stream.linear.scatter [tilespmem:s10], [sflag:$0x1], $0x1000, $0x38;
	[tilespmem:$0x1E000] =	vst v63  }
0x259: {  	_ =	swait.ge [sflag:s11], $0x1000  }
0x25a: {  	[sflag:s11] =	ssyncset.done $0x0  }
0x25b: {  	s26 =	rddreg [dreg:$0x5];
	[sflag:s11] =	ssyncadd.s32 $0xFFFFF000  }
0x25c: {  	[spmem:s26] =	stream.linear.scatter [tilespmem:s10], [sflag:$0x1], $0x1000, $0x38;
	[tilespmem:$0x1E000] =	vst v63  }
0x25d: {  	_ =	swait.ge [sflag:s11], $0x1000  }
0x25e: {  	[sflag:s11] =	ssyncset.done $0x0  }
0x25f: {  	s28 =	rddreg [dreg:$0x6];
	[sflag:s11] =	ssyncadd.s32 $0xFFFFF000  }
0x260: {  	[spmem:s28] =	stream.linear.scatter [tilespmem:s10], [sflag:$0x1], $0x1000, $0x38;
	[tilespmem:$0x1E000] =	vst v63  }
0x261: {  	_ =	swait.ge [sflag:s11], $0x1000  }
0x262: {  	[sflag:s11] =	ssyncset.done $0x0  }
0x263: {  	s23 =	rddreg [dreg:$0x7];
	[sflag:s11] =	ssyncadd.s32 $0xFFFFF000  }
0x264: {  	[spmem:s23] =	stream.linear.scatter [tilespmem:s10], [sflag:$0x1], $0x1000, $0x38;
	[tilespmem:$0x1E000] =	vst v63  }
0x265: {  	_ =	swait.ge [sflag:s11], $0x1000  }
0x266: {  	[sflag:s11] =	ssyncset.done $0x0  }
0x267: {  	s24 =	rddreg [dreg:$0x8];
	[sflag:s11] =	ssyncadd.s32 $0xFFFFF000  }
0x268: {  	[spmem:s24] =	stream.linear.scatter [tilespmem:s10], [sflag:$0x1], $0x1000, $0x38;
	[tilespmem:$0x1E000] =	vst v63  }
0x269: {  	_ =	swait.ge [sflag:s11], $0x1000  }
0x26a: {  	[sflag:s11] =	ssyncset.done $0x0  }
0x26b: {  	s25 =	rddreg [dreg:$0xe];
	[sflag:s11] =	ssyncadd.s32 $0xFFFFF000  }
0x26c: {  	[spmem:s25] =	stream.linear.scatter [tilespmem:s10], [sflag:$0x1], $0x1000, $0x38;
	[tilespmem:$0x1E000] =	vst v63  }
0x26d: {  	_ =	swait.ge [sflag:s11], $0x1000  }
0x26e: {  	[sflag:s11] =	ssyncset.done $0x0  }
0x26f: {  	s26 =	rddreg [dreg:$0x11];
	[sflag:s11] =	ssyncadd.s32 $0xFFFFF000  }
0x270: {  	[spmem:s26] =	stream.linear.scatter [tilespmem:s10], [sflag:$0x1], $0x1000, $0x38;
	[tilespmem:$0x1E000] =	vst v63  }
0x271: {  	_ =	swait.ge [sflag:s11], $0x1000  }
0x272: {  	[sflag:s11] =	ssyncset.done $0x0  }
0x273: {  	s28 =	rddreg [dreg:$0x12];
	[sflag:s11] =	ssyncadd.s32 $0xFFFFF000  }
0x274: {  	[spmem:s28] =	stream.linear.scatter [tilespmem:s10], [sflag:$0x1], $0x1000, $0x38;
	[tilespmem:$0x1E000] =	vst v63  }
0x275: {  	_ =	swait.ge [sflag:s11], $0x1000  }
0x276: {  	[sflag:s11] =	ssyncset.done $0x0  }
0x277: {  	s23 =	rddreg [dreg:$0x13];
	[sflag:s11] =	ssyncadd.s32 $0xFFFFF000  }
0x278: {  	[spmem:s23] =	stream.linear.scatter [tilespmem:s10], [sflag:$0x1], $0x1000, $0x38;
	[tilespmem:$0x1E000] =	vst v63  }
0x279: {  	_ =	swait.ge [sflag:s11], $0x1000  }
0x27a: {  	[sflag:s11] =	ssyncset.done $0x0  }
0x27b: {  	s24 =	rddreg [dreg:$0x14];
	[sflag:s11] =	ssyncadd.s32 $0xFFFFF000  }
0x27c: {  	[spmem:s24] =	stream.linear.scatter [tilespmem:s10], [sflag:$0x1], $0x1000, $0x38;
	[tilespmem:$0x1E000] =	vst v63  }
0x27d: {  	_ =	swait.ge [sflag:s11], $0x1000  }
0x27e: {  	[sflag:s11] =	ssyncset.done $0x0  }
0x27f: {  	s25 =	rddreg [dreg:$0x15];
	[sflag:s11] =	ssyncadd.s32 $0xFFFFF000  }
0x280: {  	[spmem:s25] =	stream.linear.scatter [tilespmem:s10], [sflag:$0x1], $0x1000, $0x38;
	[tilespmem:$0x1E000] =	vst v63  }
0x281: {  	_ =	swait.ge [sflag:s11], $0x1000  }
0x282: {  	[sflag:s11] =	ssyncset.done $0x0  }
0x283: {  	s26 =	rddreg [dreg:$0x16];
	[sflag:s11] =	ssyncadd.s32 $0xFFFFF000  }
0x284: {  	[spmem:s26] =	stream.linear.scatter [tilespmem:s10], [sflag:$0x1], $0x1000, $0x38;
	[tilespmem:$0x1E000] =	vst v63  }
0x285: {  	_ =	swait.ge [sflag:s11], $0x1000  }
0x286: {  	[sflag:s11] =	ssyncset.done $0x0  }
0x287: {  	s28 =	rddreg [dreg:$0x17];
	[sflag:s11] =	ssyncadd.s32 $0xFFFFF000  }
0x288: {  	[spmem:s28] =	stream.linear.scatter [tilespmem:s10], [sflag:$0x1], $0x1000, $0x38;
	[tilespmem:$0x1E000] =	vst v63  }
0x289: {  	_ =	swait.ge [sflag:s11], $0x1000  }
0x28a: {  	[sflag:s11] =	ssyncset.done $0x0  }
0x28b: {  	[sflag:s11] =	ssyncadd.s32 $0xFFFFF000  }
0x28c: {  	[spmem:s29] =	stream.linear.scatter [tilespmem:s10], [sflag:$0x1], $0x1000, $0x38;
	[tilespmem:$0x1E000] =	vst v63  }
0x28d: {  	_ =	swait.ge [sflag:s11], $0x1000  }
0x28e: {  	[sflag:s11] =	ssyncset.done $0x0  }
0x28f: {  	[sflag:s11] =	ssyncadd.s32 $0xFFFFF000  }
0x290: {  	[spmem:s30] =	stream.linear.scatter [tilespmem:s10], [sflag:$0x1], $0x1000, $0x38;
	[tilespmem:$0x1E000] =	vst v63  }
0x291: {  	_ =	swait.ge [sflag:s11], $0x1000  }
0x292: {  	[sflag:s11] =	ssyncset.done $0x0  }
0x293: {  	[sflag:s11] =	ssyncadd.s32 $0xFFFFF000  }
0x294: {  	[spmem:s31] =	stream.linear.scatter [tilespmem:s10], [sflag:$0x1], $0x1000, $0x38;
	[tilespmem:$0x1E000] =	vst v63  }
0x295: {  	_ =	swait.ge [sflag:s11], $0x1000  }
0x296: {  	[sflag:s11] =	ssyncset.done $0x0  }
0x297: {  	[sflag:s11] =	ssyncadd.s32 $0xFFFFF000  }
0x298: {  	[spmem:s0] =	stream.linear.scatter [tilespmem:s10], [sflag:$0x1], $0x1000, $0x38;
	[tilespmem:$0x1E000] =	vst v63  }
0x299: {  	_ =	swait.ge [sflag:s11], $0x1000  }
0x29a: {  	[sflag:s11] =	ssyncset.done $0x0  }
0x29b: {  	[sflag:s11] =	ssyncadd.s32 $0xFFFFF000  }
0x29c: {  	[spmem:s3] =	stream.linear.scatter [tilespmem:s10], [sflag:$0x1], $0x1000, $0x38;
	[tilespmem:$0x1E000] =	vst v63  }
0x29d: {  	_ =	swait.ge [sflag:s11], $0x1000  }
0x29e: {  	[sflag:s11] =	ssyncset.done $0x0  }
0x29f: {  	[sflag:s11] =	ssyncadd.s32 $0xFFFFF000  }
0x2a0: {  	[spmem:s13] =	stream.linear.scatter [tilespmem:s10], [sflag:$0x1], $0x1000, $0x38;
	[tilespmem:$0x1E000] =	vst v63  }
0x2a1: {  	_ =	swait.ge [sflag:s11], $0x1000  }
0x2a2: {  	[sflag:s11] =	ssyncset.done $0x0  }
0x2a3: {  	[sflag:s11] =	ssyncadd.s32 $0xFFFFF000  }
0x2a4: {  	[spmem:s14] =	stream.linear.scatter [tilespmem:s10], [sflag:$0x1], $0x1000, $0x38;
	[tilespmem:$0x1E000] =	vst v63  }
0x2a5: {  	_ =	swait.ge [sflag:s11], $0x1000  }
0x2a6: {  	[sflag:s11] =	ssyncset.done $0x0  }
0x2a7: {  	[sflag:s11] =	ssyncadd.s32 $0xFFFFF000  }
0x2a8: {  	[spmem:s15] =	stream.linear.scatter [tilespmem:s10], [sflag:$0x1], $0x1000, $0x38;
	[tilespmem:$0x1E000] =	vst v63  }
0x2a9: {  	_ =	swait.ge [sflag:s11], $0x1000  }
0x2aa: {  	[sflag:s11] =	ssyncset.done $0x0  }
0x2ab: {  	[sflag:s11] =	ssyncadd.s32 $0xFFFFF000  }
0x2ac: {  	[spmem:s16] =	stream.linear.scatter [tilespmem:s10], [sflag:$0x1], $0x1000, $0x38;
	[tilespmem:$0x1E000] =	vst v63  }
0x2ad: {  	_ =	swait.ge [sflag:s11], $0x1000  }
0x2ae: {  	[sflag:s11] =	ssyncset.done $0x0  }
0x2af: {  	[sflag:s11] =	ssyncadd.s32 $0xFFFFF000  }
0x2b0: {  	[spmem:s17] =	stream.linear.scatter [tilespmem:s10], [sflag:$0x1], $0x1000, $0x38;
	[tilespmem:$0x1E000] =	vst v63  }
0x2b1: {  	_ =	swait.ge [sflag:s11], $0x1000  }
0x2b2: {  	[sflag:s11] =	ssyncset.done $0x0  }
0x2b3: {  	[sflag:s11] =	ssyncadd.s32 $0xFFFFF000  }
0x2b4: {  	[spmem:s20] =	stream.linear.scatter [tilespmem:s10], [sflag:$0x1], $0x1000, $0x38;
	[tilespmem:$0x1E000] =	vst v63  }
0x2b5: {  	_ =	swait.ge [sflag:s11], $0x1000  }
0x2b6: {  	[sflag:s11] =	ssyncset.done $0x0  }
0x2b7: {  	[sflag:s11] =	ssyncadd.s32 $0xFFFFF000  }
0x2b8: {  	[spmem:s19] =	stream.linear.scatter [tilespmem:s10], [sflag:$0x1], $0x1000, $0x38;
	[tilespmem:$0x1E000] =	vst v63  }
0x2b9: {  	_ =	swait.ge [sflag:s11], $0x1000  }
0x2ba: {  	[sflag:s11] =	ssyncset.done $0x0  }
0x2bb: {  	[sflag:s11] =	ssyncadd.s32 $0xFFFFF000  }
0x2bc: {  	[spmem:s8] =	stream.linear.scatter [tilespmem:s10], [sflag:$0x1], $0x1000, $0x38;
	[tilespmem:$0x1E000] =	vst v63  }
0x2bd: {  	_ =	swait.ge [sflag:s11], $0x1000  }
0x2be: {  	[sflag:s11] =	ssyncset.done $0x0  }
0x2bf: {  	[sflag:s11] =	ssyncadd.s32 $0xFFFFF000  }
0x2c0: {  	[spmem:s9] =	stream.linear.scatter [tilespmem:s10], [sflag:$0x1], $0x1000, $0x38;
	[tilespmem:$0x1E000] =	vst v63  }
0x2c1: {  	_ =	swait.ge [sflag:s11], $0x1000  }
0x2c2: {  	[sflag:s11] =	ssyncset.done $0x0  }
0x2c3: {  	[sflag:s11] =	ssyncadd.s32 $0xFFFFF000  }
0x2c4: {  	s22 =	simm.s32 $0x0;
	[bflag:$0x0] =	sbarrier.arrive $0xFFFF  }
.LBB2_16:
0x2c5: {  	s23 =	sshll.u32 s22, $0xC  }
0x2c6: {  	s23 =	sadd.s32 s7, s23  }
0x2c7: {  	s23 =	sshrl.u32 s23, $0x3  }
0x2c8: {  	s24 =	sadd.s32 s1, s23  }
0x2c9: {  	[tilespmem:s5], [sflag:$0x1] =	stream.linear.gather [hbm4b:s24+s5], $0x1000, $0x38;
	[tilespmem:$0x1E000] =	vst v63  }
0x2ca: {  	_ =	swait.ge [sflag:s11], $0x1000  }
0x2cb: {  	[sflag:s11] =	ssyncset.done $0x0  }
0x2cc: {  	s23 =	sadd.s32 s2, s23;
	[sflag:s11] =	ssyncadd.s32 $0xFFFFF000  }
0x2cd: {  	[tilespmem:s10], [sflag:$0x1] =	stream.linear.gather [hbm4b:s23+s5], $0x1000, $0x38;
	[tilespmem:$0x1E000] =	vst v63  }
0x2ce: {  	_ =	swait.ge [sflag:s11], $0x1000  }
0x2cf: {  	[sflag:s11] =	ssyncset.done $0x0  }
0x2d0: {  	s23 =	simm.s32 $0x40;
	[sflag:s11] =	ssyncadd.s32 $0xFFFFF000  }
0x2d1: {  	v7 =	vld [tilespmem:s23+$0xFFFFFFC0];
	_ =	sdelay $0x4  }
0x2d2: {  	s25 =	simm.s32 $0x0;
	v7 =	vsub.s32 v7, v2  }
0x2d3: {  	v8 =	vor.u32 s25, v6;
	vm0 =	vlt.u32 v7, $0x1C0000  }
0x2d4: {  	v7 =	vsel vm0, v7, v8  }
0x2d5: {  	s24 =	simm.s32 $0x1040;
	[tilespmem:s23+$0xFFFFFFC0] =	vst v7  }
0x2d6: {  	v7 =	vld [tilespmem:s24+$0xFFFFFFC0];
	_ =	sdelay $0x4  }
0x2d7: {  	v7 =	vnsel vm0, $0x0, v7  }
0x2d8: {  	[tilespmem:s24+$0xFFFFFFC0] =	vst v7  }
0x2d9: {  	v7 =	vld [tilespmem:s23+$0xFFFFFFD0];
	_ =	sdelay $0x4  }
0x2da: {  	s25 =	simm.s32 $0x10;
	v7 =	vsub.s32 v7, v2  }
0x2db: {  	v8 =	vor.u32 s25, v6;
	vm9 =	vlt.u32 v7, $0x1C0000  }
0x2dc: {  	v7 =	vsel vm9, v7, v8  }
0x2dd: {  	[tilespmem:s23+$0xFFFFFFD0] =	vst v7  }
0x2de: {  	v7 =	vld [tilespmem:s24+$0xFFFFFFD0];
	_ =	sdelay $0x4  }
0x2df: {  	v7 =	vnsel vm9, $0x0, v7  }
0x2e0: {  	[tilespmem:s24+$0xFFFFFFD0] =	vst v7  }
0x2e1: {  	v7 =	vld [tilespmem:s23+$0xFFFFFFE0];
	_ =	sdelay $0x4  }
0x2e2: {  	s26 =	simm.s32 $0x20;
	v7 =	vsub.s32 v7, v2  }
0x2e3: {  	v8 =	vor.u32 s26, v6;
	vm10 =	vlt.u32 v7, $0x1C0000  }
0x2e4: {  	v7 =	vsel vm10, v7, v8  }
0x2e5: {  	[tilespmem:s23+$0xFFFFFFE0] =	vst v7  }
0x2e6: {  	v7 =	vld [tilespmem:s24+$0xFFFFFFE0];
	_ =	sdelay $0x4  }
0x2e7: {  	v7 =	vnsel vm10, $0x0, v7  }
0x2e8: {  	[tilespmem:s24+$0xFFFFFFE0] =	vst v7  }
0x2e9: {  	v7 =	vld [tilespmem:s23+$0xFFFFFFF0];
	_ =	sdelay $0x4  }
0x2ea: {  	s28 =	simm.s32 $0x30;
	v7 =	vsub.s32 v7, v2  }
0x2eb: {  	v8 =	vor.u32 s28, v6;
	vm11 =	vlt.u32 v7, $0x1C0000  }
0x2ec: {  	v7 =	vsel vm11, v7, v8  }
0x2ed: {  	[tilespmem:s23+$0xFFFFFFF0] =	vst v7  }
0x2ee: {  	v7 =	vld [tilespmem:s24+$0xFFFFFFF0];
	_ =	sdelay $0x4  }
0x2ef: {  	v7 =	vnsel vm11, $0x0, v7  }
0x2f0: {  	[tilespmem:s24+$0xFFFFFFF0] =	vst v7  }
0x2f1: {  	v7 =	vld [tilespmem:s23+$0x0];
	_ =	sdelay $0x4  }
0x2f2: {  	s26 =	simm.s32 $0x40;
	v7 =	vsub.s32 v7, v2  }
0x2f3: {  	v8 =	vor.u32 s26, v6;
	vm12 =	vlt.u32 v7, $0x1C0000  }
0x2f4: {  	v7 =	vsel vm12, v7, v8  }
0x2f5: {  	[tilespmem:s23+$0x0] =	vst v7  }
0x2f6: {  	v7 =	vld [tilespmem:s24+$0x0];
	_ =	sdelay $0x4  }
0x2f7: {  	v7 =	vnsel vm12, $0x0, v7  }
0x2f8: {  	[tilespmem:s24+$0x0] =	vst v7  }
0x2f9: {  	v7 =	vld [tilespmem:s23+$0x10];
	_ =	sdelay $0x4  }
0x2fa: {  	s28 =	simm.s32 $0x50;
	v7 =	vsub.s32 v7, v2  }
0x2fb: {  	v8 =	vor.u32 s28, v6;
	vm13 =	vlt.u32 v7, $0x1C0000  }
0x2fc: {  	v7 =	vsel vm13, v7, v8  }
0x2fd: {  	[tilespmem:s23+$0x10] =	vst v7  }
0x2fe: {  	v7 =	vld [tilespmem:s24+$0x10];
	_ =	sdelay $0x4  }
0x2ff: {  	v7 =	vnsel vm13, $0x0, v7  }
0x300: {  	[tilespmem:s24+$0x10] =	vst v7  }
0x301: {  	v7 =	vld [tilespmem:s23+$0x20];
	_ =	sdelay $0x4  }
0x302: {  	s26 =	simm.s32 $0x60;
	v7 =	vsub.s32 v7, v2  }
0x303: {  	v8 =	vor.u32 s26, v6;
	vm14 =	vlt.u32 v7, $0x1C0000  }
0x304: {  	v7 =	vsel vm14, v7, v8  }
0x305: {  	[tilespmem:s23+$0x20] =	vst v7  }
0x306: {  	v7 =	vld [tilespmem:s24+$0x20];
	_ =	sdelay $0x4  }
0x307: {  	v7 =	vnsel vm14, $0x0, v7  }
0x308: {  	[tilespmem:s24+$0x20] =	vst v7  }
0x309: {  	v7 =	vld [tilespmem:s23+$0x30];
	_ =	sdelay $0x4  }
0x30a: {  	s28 =	simm.s32 $0x70;
	v7 =	vsub.s32 v7, v2  }
0x30b: {  	v8 =	vor.u32 s28, v6;
	vm15 =	vlt.u32 v7, $0x1C0000  }
0x30c: {  	v7 =	vsel vm15, v7, v8  }
0x30d: {  	[tilespmem:s23+$0x30] =	vst v7  }
0x30e: {  	v7 =	vld [tilespmem:s24+$0x30];
	_ =	sdelay $0x4  }
0x30f: {  	s25 =	simm.s32 $0xF0;
	v7 =	vnsel vm15, $0x0, v7  }
.LBB2_17:
0x310: {  	p0 =	sne.s32 s25, $0xFF0;
	[tilespmem:s24+$0x30] =	vst v7;
	s23 =	sadd.s32 $0x80, s23;
	s24 =	sadd.s32 $0x80, s24  }
0x311: {  	s26 =	smov.u32 s25;
	s25 =	sadd.s32 $0x80, s25;
	v7 =	vld [tilespmem:s23+$0xFFFFFFC0];
	_ =	sdelay $0x4  }
0x312: {  	s28 =	sadd.s32 $0xFFFFFF90, s26;
	v7 =	vsub.s32 v7, v2  }
0x313: {  	v8 =	vor.u32 s28, v6;
	vm0 =	vlt.u32 v7, $0x1C0000  }
0x314: {  	v7 =	vsel vm0, v7, v8  }
0x315: {  	[tilespmem:s23+$0xFFFFFFC0] =	vst v7  }
0x316: {  	v7 =	vld [tilespmem:s24+$0xFFFFFFC0];
	_ =	sdelay $0x4  }
0x317: {  	v7 =	vnsel vm0, $0x0, v7  }
0x318: {  	[tilespmem:s24+$0xFFFFFFC0] =	vst v7  }
0x319: {  	v7 =	vld [tilespmem:s23+$0xFFFFFFD0];
	_ =	sdelay $0x4  }
0x31a: {  	s28 =	sadd.s32 $0xFFFFFFA0, s26;
	v7 =	vsub.s32 v7, v2  }
0x31b: {  	v8 =	vor.u32 s28, v6;
	vm0 =	vlt.u32 v7, $0x1C0000  }
0x31c: {  	v7 =	vsel vm0, v7, v8  }
0x31d: {  	[tilespmem:s23+$0xFFFFFFD0] =	vst v7  }
0x31e: {  	v7 =	vld [tilespmem:s24+$0xFFFFFFD0];
	_ =	sdelay $0x4  }
0x31f: {  	v7 =	vnsel vm0, $0x0, v7  }
0x320: {  	[tilespmem:s24+$0xFFFFFFD0] =	vst v7  }
0x321: {  	v7 =	vld [tilespmem:s23+$0xFFFFFFE0];
	_ =	sdelay $0x4  }
0x322: {  	s28 =	sadd.s32 $0xFFFFFFB0, s26;
	v7 =	vsub.s32 v7, v2  }
0x323: {  	v8 =	vor.u32 s28, v6;
	vm0 =	vlt.u32 v7, $0x1C0000  }
0x324: {  	v7 =	vsel vm0, v7, v8  }
0x325: {  	[tilespmem:s23+$0xFFFFFFE0] =	vst v7  }
0x326: {  	v7 =	vld [tilespmem:s24+$0xFFFFFFE0];
	_ =	sdelay $0x4  }
0x327: {  	v7 =	vnsel vm0, $0x0, v7  }
0x328: {  	[tilespmem:s24+$0xFFFFFFE0] =	vst v7  }
0x329: {  	v7 =	vld [tilespmem:s23+$0xFFFFFFF0];
	_ =	sdelay $0x4  }
0x32a: {  	s28 =	sadd.s32 $0xFFFFFFC0, s26;
	v7 =	vsub.s32 v7, v2  }
0x32b: {  	v8 =	vor.u32 s28, v6;
	vm0 =	vlt.u32 v7, $0x1C0000  }
0x32c: {  	v7 =	vsel vm0, v7, v8  }
0x32d: {  	[tilespmem:s23+$0xFFFFFFF0] =	vst v7  }
0x32e: {  	v7 =	vld [tilespmem:s24+$0xFFFFFFF0];
	_ =	sdelay $0x4  }
0x32f: {  	v7 =	vnsel vm0, $0x0, v7  }
0x330: {  	[tilespmem:s24+$0xFFFFFFF0] =	vst v7  }
0x331: {  	v7 =	vld [tilespmem:s23+$0x0];
	_ =	sdelay $0x4  }
0x332: {  	s28 =	sadd.s32 $0xFFFFFFD0, s26;
	v7 =	vsub.s32 v7, v2  }
0x333: {  	v8 =	vor.u32 s28, v6;
	vm0 =	vlt.u32 v7, $0x1C0000  }
0x334: {  	v7 =	vsel vm0, v7, v8  }
0x335: {  	[tilespmem:s23+$0x0] =	vst v7  }
0x336: {  	v7 =	vld [tilespmem:s24+$0x0];
	_ =	sdelay $0x4  }
0x337: {  	v7 =	vnsel vm0, $0x0, v7  }
0x338: {  	[tilespmem:s24+$0x0] =	vst v7  }
0x339: {  	v7 =	vld [tilespmem:s23+$0x10];
	_ =	sdelay $0x4  }
0x33a: {  	s28 =	sadd.s32 $0xFFFFFFE0, s26;
	v7 =	vsub.s32 v7, v2  }
0x33b: {  	v8 =	vor.u32 s28, v6;
	vm0 =	vlt.u32 v7, $0x1C0000  }
0x33c: {  	v7 =	vsel vm0, v7, v8  }
0x33d: {  	[tilespmem:s23+$0x10] =	vst v7  }
0x33e: {  	v7 =	vld [tilespmem:s24+$0x10];
	_ =	sdelay $0x4  }
0x33f: {  	v7 =	vnsel vm0, $0x0, v7  }
0x340: {  	[tilespmem:s24+$0x10] =	vst v7  }
0x341: {  	v7 =	vld [tilespmem:s23+$0x20];
	_ =	sdelay $0x4  }
0x342: {  	s28 =	sadd.s32 $0xFFFFFFF0, s26;
	v7 =	vsub.s32 v7, v2  }
0x343: {  	v8 =	vor.u32 s28, v6;
	vm0 =	vlt.u32 v7, $0x1C0000  }
0x344: {  	v7 =	vsel vm0, v7, v8  }
0x345: {  	[tilespmem:s23+$0x20] =	vst v7  }
0x346: {  	v7 =	vld [tilespmem:s24+$0x20];
	_ =	sdelay $0x4  }
0x347: {  	v7 =	vnsel vm0, $0x0, v7  }
0x348: {  	[tilespmem:s24+$0x20] =	vst v7  }
0x349: {  	v7 =	vld [tilespmem:s23+$0x30];
	_ =	sdelay $0x4  }
0x34a: {  	v7 =	vsub.s32 v7, v2  }
0x34b: {  	v8 =	vor.u32 s26, v6;
	vm0 =	vlt.u32 v7, $0x1C0000  }
0x34c: {  	v7 =	vsel vm0, v7, v8  }
0x34d: {  	[tilespmem:s23+$0x30] =	vst v7  }
0x34e: {  	v7 =	vld [tilespmem:s24+$0x30]  }
.Ltmp7:
0x34f: {  	(pc) =	sbr.rel @p0 .LBB2_17-.Ltmp7, $2  }
0x350: {  	_ =	sdelay $0x2  }
0x351: {  	v7 =	vnsel vm0, $0x0, v7  }
0x352: {  	s22 =	sadd.s32 $0x1, s22  }
0x353: {  	p0 =	sne.s32 s22, $0x40  }
.Ltmp8:
0x354: {  	[tilespmem:s24+$0x30] =	vst v7;
	(pc) =	sbr.rel @p0 .LBB2_16-.Ltmp8, $4  }
0x355: {  	[spmem:s4] =	stream.indirect.scatter.add.f32 [tilespmem:s10], [sflag:$0x1], $0x1, s5, s10, $0xb8;
	[tilespmem:$0x1E000] =	vst v63  }
0x356: {  	_ =	swait.ge [sflag:s11], $0x1000  }
0x357: {  	[sflag:s11] =	ssyncset.done $0x0  }
0x358: {  	[sflag:s11] =	ssyncadd.s32 $0xFFFFF000  }
0x359: {  	[bflag:$0x0] =	sbarrier.arrive $0xFFFF  }
0x35a: {  	s22 =	rddreg [dreg:$0xb]  }
0x35b: {  	[hbm:s22], [sflag:s18] =	dma.local [spmem:s21], $0x3800  }
0x35c: {  	_ =	swait.ge [sflag:s11], $0x3800  }
0x35d: {  	[sflag:s11] =	ssyncset.done $0x0  }
0x35e: {  	[sflag:s11] =	ssyncadd.s32 $0xFFFFC800  }
0x35f: {  	s23 =	simm.s32 $0x0;
	s22 =	simm.s32 $0x40;
	[bflag:$0x0] =	sbarrier.arrive $0xFFFF  }
.LBB2_20:
0x360: {  	p0 =	sne.s32 s22, $0x3FC0;
	[tilespmem:s23+$0x1000] =	vst v5;
	s23 =	smov.u32 s22;
	s22 =	sadd.s32 $0x40, s22  }
.Ltmp9:
0x361: {  	(pc) =	sbr.rel @p0 .LBB2_20-.Ltmp9, $2  }
0x362: {  	_ =	sdelay $0x2  }
0x363: {  	s23 =	sshra.s32 s23, $0x2  }
0x364: {  	[tilespmem:s23+$0x1000] =	vst v5  }
0x365: {  	[spmem:s6] =	stream.linear.scatter [tilespmem:s10], [sflag:$0x1], $0x1000, $0x38;
	[tilespmem:$0x1E000] =	vst v63  }
0x366: {  	_ =	swait.ge [sflag:s11], $0x1000  }
0x367: {  	[sflag:s11] =	ssyncset.done $0x0  }
0x368: {  	s22 =	rddreg [dreg:$0x4];
	[sflag:s11] =	ssyncadd.s32 $0xFFFFF000  }
0x369: {  	[spmem:s22] =	stream.linear.scatter [tilespmem:s10], [sflag:$0x1], $0x1000, $0x38;
	[tilespmem:$0x1E000] =	vst v63  }
0x36a: {  	_ =	swait.ge [sflag:s11], $0x1000  }
0x36b: {  	[sflag:s11] =	ssyncset.done $0x0  }
0x36c: {  	s26 =	rddreg [dreg:$0x5];
	[sflag:s11] =	ssyncadd.s32 $0xFFFFF000  }
0x36d: {  	[spmem:s26] =	stream.linear.scatter [tilespmem:s10], [sflag:$0x1], $0x1000, $0x38;
	[tilespmem:$0x1E000] =	vst v63  }
0x36e: {  	_ =	swait.ge [sflag:s11], $0x1000  }
0x36f: {  	[sflag:s11] =	ssyncset.done $0x0  }
0x370: {  	s28 =	rddreg [dreg:$0x6];
	[sflag:s11] =	ssyncadd.s32 $0xFFFFF000  }
0x371: {  	[spmem:s28] =	stream.linear.scatter [tilespmem:s10], [sflag:$0x1], $0x1000, $0x38;
	[tilespmem:$0x1E000] =	vst v63  }
0x372: {  	_ =	swait.ge [sflag:s11], $0x1000  }
0x373: {  	[sflag:s11] =	ssyncset.done $0x0  }
0x374: {  	s23 =	rddreg [dreg:$0x7];
	[sflag:s11] =	ssyncadd.s32 $0xFFFFF000  }
0x375: {  	[spmem:s23] =	stream.linear.scatter [tilespmem:s10], [sflag:$0x1], $0x1000, $0x38;
	[tilespmem:$0x1E000] =	vst v63  }
0x376: {  	_ =	swait.ge [sflag:s11], $0x1000  }
0x377: {  	[sflag:s11] =	ssyncset.done $0x0  }
0x378: {  	s24 =	rddreg [dreg:$0x8];
	[sflag:s11] =	ssyncadd.s32 $0xFFFFF000  }
0x379: {  	[spmem:s24] =	stream.linear.scatter [tilespmem:s10], [sflag:$0x1], $0x1000, $0x38;
	[tilespmem:$0x1E000] =	vst v63  }
0x37a: {  	_ =	swait.ge [sflag:s11], $0x1000  }
0x37b: {  	[sflag:s11] =	ssyncset.done $0x0  }
0x37c: {  	s25 =	rddreg [dreg:$0xe];
	[sflag:s11] =	ssyncadd.s32 $0xFFFFF000  }
0x37d: {  	[spmem:s25] =	stream.linear.scatter [tilespmem:s10], [sflag:$0x1], $0x1000, $0x38;
	[tilespmem:$0x1E000] =	vst v63  }
0x37e: {  	_ =	swait.ge [sflag:s11], $0x1000  }
0x37f: {  	[sflag:s11] =	ssyncset.done $0x0  }
0x380: {  	s26 =	rddreg [dreg:$0x11];
	[sflag:s11] =	ssyncadd.s32 $0xFFFFF000  }
0x381: {  	[spmem:s26] =	stream.linear.scatter [tilespmem:s10], [sflag:$0x1], $0x1000, $0x38;
	[tilespmem:$0x1E000] =	vst v63  }
0x382: {  	_ =	swait.ge [sflag:s11], $0x1000  }
0x383: {  	[sflag:s11] =	ssyncset.done $0x0  }
0x384: {  	s28 =	rddreg [dreg:$0x12];
	[sflag:s11] =	ssyncadd.s32 $0xFFFFF000  }
0x385: {  	[spmem:s28] =	stream.linear.scatter [tilespmem:s10], [sflag:$0x1], $0x1000, $0x38;
	[tilespmem:$0x1E000] =	vst v63  }
0x386: {  	_ =	swait.ge [sflag:s11], $0x1000  }
0x387: {  	[sflag:s11] =	ssyncset.done $0x0  }
0x388: {  	s23 =	rddreg [dreg:$0x13];
	[sflag:s11] =	ssyncadd.s32 $0xFFFFF000  }
0x389: {  	[spmem:s23] =	stream.linear.scatter [tilespmem:s10], [sflag:$0x1], $0x1000, $0x38;
	[tilespmem:$0x1E000] =	vst v63  }
0x38a: {  	_ =	swait.ge [sflag:s11], $0x1000  }
0x38b: {  	[sflag:s11] =	ssyncset.done $0x0  }
0x38c: {  	s24 =	rddreg [dreg:$0x14];
	[sflag:s11] =	ssyncadd.s32 $0xFFFFF000  }
0x38d: {  	[spmem:s24] =	stream.linear.scatter [tilespmem:s10], [sflag:$0x1], $0x1000, $0x38;
	[tilespmem:$0x1E000] =	vst v63  }
0x38e: {  	_ =	swait.ge [sflag:s11], $0x1000  }
0x38f: {  	[sflag:s11] =	ssyncset.done $0x0  }
0x390: {  	s25 =	rddreg [dreg:$0x15];
	[sflag:s11] =	ssyncadd.s32 $0xFFFFF000  }
0x391: {  	[spmem:s25] =	stream.linear.scatter [tilespmem:s10], [sflag:$0x1], $0x1000, $0x38;
	[tilespmem:$0x1E000] =	vst v63  }
0x392: {  	_ =	swait.ge [sflag:s11], $0x1000  }
0x393: {  	[sflag:s11] =	ssyncset.done $0x0  }
0x394: {  	s26 =	rddreg [dreg:$0x16];
	[sflag:s11] =	ssyncadd.s32 $0xFFFFF000  }
0x395: {  	[spmem:s26] =	stream.linear.scatter [tilespmem:s10], [sflag:$0x1], $0x1000, $0x38;
	[tilespmem:$0x1E000] =	vst v63  }
0x396: {  	_ =	swait.ge [sflag:s11], $0x1000  }
0x397: {  	[sflag:s11] =	ssyncset.done $0x0  }
0x398: {  	s28 =	rddreg [dreg:$0x17];
	[sflag:s11] =	ssyncadd.s32 $0xFFFFF000  }
0x399: {  	[spmem:s28] =	stream.linear.scatter [tilespmem:s10], [sflag:$0x1], $0x1000, $0x38;
	[tilespmem:$0x1E000] =	vst v63  }
0x39a: {  	_ =	swait.ge [sflag:s11], $0x1000  }
0x39b: {  	[sflag:s11] =	ssyncset.done $0x0  }
0x39c: {  	[sflag:s11] =	ssyncadd.s32 $0xFFFFF000  }
0x39d: {  	[spmem:s29] =	stream.linear.scatter [tilespmem:s10], [sflag:$0x1], $0x1000, $0x38;
	[tilespmem:$0x1E000] =	vst v63  }
0x39e: {  	_ =	swait.ge [sflag:s11], $0x1000  }
0x39f: {  	[sflag:s11] =	ssyncset.done $0x0  }
0x3a0: {  	[sflag:s11] =	ssyncadd.s32 $0xFFFFF000  }
0x3a1: {  	[spmem:s30] =	stream.linear.scatter [tilespmem:s10], [sflag:$0x1], $0x1000, $0x38;
	[tilespmem:$0x1E000] =	vst v63  }
0x3a2: {  	_ =	swait.ge [sflag:s11], $0x1000  }
0x3a3: {  	[sflag:s11] =	ssyncset.done $0x0  }
0x3a4: {  	[sflag:s11] =	ssyncadd.s32 $0xFFFFF000  }
0x3a5: {  	[spmem:s31] =	stream.linear.scatter [tilespmem:s10], [sflag:$0x1], $0x1000, $0x38;
	[tilespmem:$0x1E000] =	vst v63  }
0x3a6: {  	_ =	swait.ge [sflag:s11], $0x1000  }
0x3a7: {  	[sflag:s11] =	ssyncset.done $0x0  }
0x3a8: {  	[sflag:s11] =	ssyncadd.s32 $0xFFFFF000  }
0x3a9: {  	[spmem:s0] =	stream.linear.scatter [tilespmem:s10], [sflag:$0x1], $0x1000, $0x38;
	[tilespmem:$0x1E000] =	vst v63  }
0x3aa: {  	_ =	swait.ge [sflag:s11], $0x1000  }
0x3ab: {  	[sflag:s11] =	ssyncset.done $0x0  }
0x3ac: {  	[sflag:s11] =	ssyncadd.s32 $0xFFFFF000  }
0x3ad: {  	[spmem:s3] =	stream.linear.scatter [tilespmem:s10], [sflag:$0x1], $0x1000, $0x38;
	[tilespmem:$0x1E000] =	vst v63  }
0x3ae: {  	_ =	swait.ge [sflag:s11], $0x1000  }
0x3af: {  	[sflag:s11] =	ssyncset.done $0x0  }
0x3b0: {  	[sflag:s11] =	ssyncadd.s32 $0xFFFFF000  }
0x3b1: {  	[spmem:s13] =	stream.linear.scatter [tilespmem:s10], [sflag:$0x1], $0x1000, $0x38;
	[tilespmem:$0x1E000] =	vst v63  }
0x3b2: {  	_ =	swait.ge [sflag:s11], $0x1000  }
0x3b3: {  	[sflag:s11] =	ssyncset.done $0x0  }
0x3b4: {  	[sflag:s11] =	ssyncadd.s32 $0xFFFFF000  }
0x3b5: {  	[spmem:s14] =	stream.linear.scatter [tilespmem:s10], [sflag:$0x1], $0x1000, $0x38;
	[tilespmem:$0x1E000] =	vst v63  }
0x3b6: {  	_ =	swait.ge [sflag:s11], $0x1000  }
0x3b7: {  	[sflag:s11] =	ssyncset.done $0x0  }
0x3b8: {  	[sflag:s11] =	ssyncadd.s32 $0xFFFFF000  }
0x3b9: {  	[spmem:s15] =	stream.linear.scatter [tilespmem:s10], [sflag:$0x1], $0x1000, $0x38;
	[tilespmem:$0x1E000] =	vst v63  }
0x3ba: {  	_ =	swait.ge [sflag:s11], $0x1000  }
0x3bb: {  	[sflag:s11] =	ssyncset.done $0x0  }
0x3bc: {  	[sflag:s11] =	ssyncadd.s32 $0xFFFFF000  }
0x3bd: {  	[spmem:s16] =	stream.linear.scatter [tilespmem:s10], [sflag:$0x1], $0x1000, $0x38;
	[tilespmem:$0x1E000] =	vst v63  }
0x3be: {  	_ =	swait.ge [sflag:s11], $0x1000  }
0x3bf: {  	[sflag:s11] =	ssyncset.done $0x0  }
0x3c0: {  	[sflag:s11] =	ssyncadd.s32 $0xFFFFF000  }
0x3c1: {  	[spmem:s17] =	stream.linear.scatter [tilespmem:s10], [sflag:$0x1], $0x1000, $0x38;
	[tilespmem:$0x1E000] =	vst v63  }
0x3c2: {  	_ =	swait.ge [sflag:s11], $0x1000  }
0x3c3: {  	[sflag:s11] =	ssyncset.done $0x0  }
0x3c4: {  	[sflag:s11] =	ssyncadd.s32 $0xFFFFF000  }
0x3c5: {  	[spmem:s20] =	stream.linear.scatter [tilespmem:s10], [sflag:$0x1], $0x1000, $0x38;
	[tilespmem:$0x1E000] =	vst v63  }
0x3c6: {  	_ =	swait.ge [sflag:s11], $0x1000  }
0x3c7: {  	[sflag:s11] =	ssyncset.done $0x0  }
0x3c8: {  	[sflag:s11] =	ssyncadd.s32 $0xFFFFF000  }
0x3c9: {  	[spmem:s19] =	stream.linear.scatter [tilespmem:s10], [sflag:$0x1], $0x1000, $0x38;
	[tilespmem:$0x1E000] =	vst v63  }
0x3ca: {  	_ =	swait.ge [sflag:s11], $0x1000  }
0x3cb: {  	[sflag:s11] =	ssyncset.done $0x0  }
0x3cc: {  	[sflag:s11] =	ssyncadd.s32 $0xFFFFF000  }
0x3cd: {  	[spmem:s8] =	stream.linear.scatter [tilespmem:s10], [sflag:$0x1], $0x1000, $0x38;
	[tilespmem:$0x1E000] =	vst v63  }
0x3ce: {  	_ =	swait.ge [sflag:s11], $0x1000  }
0x3cf: {  	[sflag:s11] =	ssyncset.done $0x0  }
0x3d0: {  	[sflag:s11] =	ssyncadd.s32 $0xFFFFF000  }
0x3d1: {  	[spmem:s9] =	stream.linear.scatter [tilespmem:s10], [sflag:$0x1], $0x1000, $0x38;
	[tilespmem:$0x1E000] =	vst v63  }
0x3d2: {  	_ =	swait.ge [sflag:s11], $0x1000  }
0x3d3: {  	[sflag:s11] =	ssyncset.done $0x0  }
0x3d4: {  	[sflag:s11] =	ssyncadd.s32 $0xFFFFF000  }
0x3d5: {  	s22 =	simm.s32 $0x0;
	[bflag:$0x0] =	sbarrier.arrive $0xFFFF  }
.LBB2_22:
0x3d6: {  	s23 =	sshll.u32 s22, $0xC  }
0x3d7: {  	s23 =	sadd.s32 s7, s23  }
0x3d8: {  	s23 =	sshrl.u32 s23, $0x3  }
0x3d9: {  	s24 =	sadd.s32 s1, s23  }
0x3da: {  	[tilespmem:s5], [sflag:$0x1] =	stream.linear.gather [hbm4b:s24+s5], $0x1000, $0x38;
	[tilespmem:$0x1E000] =	vst v63  }
0x3db: {  	_ =	swait.ge [sflag:s11], $0x1000  }
0x3dc: {  	[sflag:s11] =	ssyncset.done $0x0  }
0x3dd: {  	s23 =	sadd.s32 s2, s23;
	[sflag:s11] =	ssyncadd.s32 $0xFFFFF000  }
0x3de: {  	[tilespmem:s10], [sflag:$0x1] =	stream.linear.gather [hbm4b:s23+s5], $0x1000, $0x38;
	[tilespmem:$0x1E000] =	vst v63  }
0x3df: {  	_ =	swait.ge [sflag:s11], $0x1000  }
0x3e0: {  	[sflag:s11] =	ssyncset.done $0x0  }
0x3e1: {  	s23 =	simm.s32 $0x40;
	[sflag:s11] =	ssyncadd.s32 $0xFFFFF000  }
0x3e2: {  	v7 =	vld [tilespmem:s23+$0xFFFFFFC0];
	_ =	sdelay $0x4  }
0x3e3: {  	s25 =	simm.s32 $0x0;
	v7 =	vsub.s32 v7, v3  }
0x3e4: {  	v8 =	vor.u32 s25, v6;
	vm0 =	vlt.u32 v7, $0x1C0000  }
0x3e5: {  	v7 =	vsel vm0, v7, v8  }
0x3e6: {  	s24 =	simm.s32 $0x1040;
	[tilespmem:s23+$0xFFFFFFC0] =	vst v7  }
0x3e7: {  	v7 =	vld [tilespmem:s24+$0xFFFFFFC0];
	_ =	sdelay $0x4  }
0x3e8: {  	v7 =	vnsel vm0, $0x0, v7  }
0x3e9: {  	[tilespmem:s24+$0xFFFFFFC0] =	vst v7  }
0x3ea: {  	v7 =	vld [tilespmem:s23+$0xFFFFFFD0];
	_ =	sdelay $0x4  }
0x3eb: {  	s25 =	simm.s32 $0x10;
	v7 =	vsub.s32 v7, v3  }
0x3ec: {  	v8 =	vor.u32 s25, v6;
	vm9 =	vlt.u32 v7, $0x1C0000  }
0x3ed: {  	v7 =	vsel vm9, v7, v8  }
0x3ee: {  	[tilespmem:s23+$0xFFFFFFD0] =	vst v7  }
0x3ef: {  	v7 =	vld [tilespmem:s24+$0xFFFFFFD0];
	_ =	sdelay $0x4  }
0x3f0: {  	v7 =	vnsel vm9, $0x0, v7  }
0x3f1: {  	[tilespmem:s24+$0xFFFFFFD0] =	vst v7  }
0x3f2: {  	v7 =	vld [tilespmem:s23+$0xFFFFFFE0];
	_ =	sdelay $0x4  }
0x3f3: {  	s26 =	simm.s32 $0x20;
	v7 =	vsub.s32 v7, v3  }
0x3f4: {  	v8 =	vor.u32 s26, v6;
	vm10 =	vlt.u32 v7, $0x1C0000  }
0x3f5: {  	v7 =	vsel vm10, v7, v8  }
0x3f6: {  	[tilespmem:s23+$0xFFFFFFE0] =	vst v7  }
0x3f7: {  	v7 =	vld [tilespmem:s24+$0xFFFFFFE0];
	_ =	sdelay $0x4  }
0x3f8: {  	v7 =	vnsel vm10, $0x0, v7  }
0x3f9: {  	[tilespmem:s24+$0xFFFFFFE0] =	vst v7  }
0x3fa: {  	v7 =	vld [tilespmem:s23+$0xFFFFFFF0];
	_ =	sdelay $0x4  }
0x3fb: {  	s28 =	simm.s32 $0x30;
	v7 =	vsub.s32 v7, v3  }
0x3fc: {  	v8 =	vor.u32 s28, v6;
	vm11 =	vlt.u32 v7, $0x1C0000  }
0x3fd: {  	v7 =	vsel vm11, v7, v8  }
0x3fe: {  	[tilespmem:s23+$0xFFFFFFF0] =	vst v7  }
0x3ff: {  	v7 =	vld [tilespmem:s24+$0xFFFFFFF0];
	_ =	sdelay $0x4  }
0x400: {  	v7 =	vnsel vm11, $0x0, v7  }
0x401: {  	[tilespmem:s24+$0xFFFFFFF0] =	vst v7  }
0x402: {  	v7 =	vld [tilespmem:s23+$0x0];
	_ =	sdelay $0x4  }
0x403: {  	s26 =	simm.s32 $0x40;
	v7 =	vsub.s32 v7, v3  }
0x404: {  	v8 =	vor.u32 s26, v6;
	vm12 =	vlt.u32 v7, $0x1C0000  }
0x405: {  	v7 =	vsel vm12, v7, v8  }
0x406: {  	[tilespmem:s23+$0x0] =	vst v7  }
0x407: {  	v7 =	vld [tilespmem:s24+$0x0];
	_ =	sdelay $0x4  }
0x408: {  	v7 =	vnsel vm12, $0x0, v7  }
0x409: {  	[tilespmem:s24+$0x0] =	vst v7  }
0x40a: {  	v7 =	vld [tilespmem:s23+$0x10];
	_ =	sdelay $0x4  }
0x40b: {  	s28 =	simm.s32 $0x50;
	v7 =	vsub.s32 v7, v3  }
0x40c: {  	v8 =	vor.u32 s28, v6;
	vm13 =	vlt.u32 v7, $0x1C0000  }
0x40d: {  	v7 =	vsel vm13, v7, v8  }
0x40e: {  	[tilespmem:s23+$0x10] =	vst v7  }
0x40f: {  	v7 =	vld [tilespmem:s24+$0x10];
	_ =	sdelay $0x4  }
0x410: {  	v7 =	vnsel vm13, $0x0, v7  }
0x411: {  	[tilespmem:s24+$0x10] =	vst v7  }
0x412: {  	v7 =	vld [tilespmem:s23+$0x20];
	_ =	sdelay $0x4  }
0x413: {  	s26 =	simm.s32 $0x60;
	v7 =	vsub.s32 v7, v3  }
0x414: {  	v8 =	vor.u32 s26, v6;
	vm14 =	vlt.u32 v7, $0x1C0000  }
0x415: {  	v7 =	vsel vm14, v7, v8  }
0x416: {  	[tilespmem:s23+$0x20] =	vst v7  }
0x417: {  	v7 =	vld [tilespmem:s24+$0x20];
	_ =	sdelay $0x4  }
0x418: {  	v7 =	vnsel vm14, $0x0, v7  }
0x419: {  	[tilespmem:s24+$0x20] =	vst v7  }
0x41a: {  	v7 =	vld [tilespmem:s23+$0x30];
	_ =	sdelay $0x4  }
0x41b: {  	s28 =	simm.s32 $0x70;
	v7 =	vsub.s32 v7, v3  }
0x41c: {  	v8 =	vor.u32 s28, v6;
	vm15 =	vlt.u32 v7, $0x1C0000  }
0x41d: {  	v7 =	vsel vm15, v7, v8  }
0x41e: {  	[tilespmem:s23+$0x30] =	vst v7  }
0x41f: {  	v7 =	vld [tilespmem:s24+$0x30];
	_ =	sdelay $0x4  }
0x420: {  	s25 =	simm.s32 $0xF0;
	v7 =	vnsel vm15, $0x0, v7  }
.LBB2_23:
0x421: {  	p0 =	sne.s32 s25, $0xFF0;
	[tilespmem:s24+$0x30] =	vst v7;
	s23 =	sadd.s32 $0x80, s23;
	s24 =	sadd.s32 $0x80, s24  }
0x422: {  	s26 =	smov.u32 s25;
	s25 =	sadd.s32 $0x80, s25;
	v7 =	vld [tilespmem:s23+$0xFFFFFFC0];
	_ =	sdelay $0x4  }
0x423: {  	s28 =	sadd.s32 $0xFFFFFF90, s26;
	v7 =	vsub.s32 v7, v3  }
0x424: {  	v8 =	vor.u32 s28, v6;
	vm0 =	vlt.u32 v7, $0x1C0000  }
0x425: {  	v7 =	vsel vm0, v7, v8  }
0x426: {  	[tilespmem:s23+$0xFFFFFFC0] =	vst v7  }
0x427: {  	v7 =	vld [tilespmem:s24+$0xFFFFFFC0];
	_ =	sdelay $0x4  }
0x428: {  	v7 =	vnsel vm0, $0x0, v7  }
0x429: {  	[tilespmem:s24+$0xFFFFFFC0] =	vst v7  }
0x42a: {  	v7 =	vld [tilespmem:s23+$0xFFFFFFD0];
	_ =	sdelay $0x4  }
0x42b: {  	s28 =	sadd.s32 $0xFFFFFFA0, s26;
	v7 =	vsub.s32 v7, v3  }
0x42c: {  	v8 =	vor.u32 s28, v6;
	vm0 =	vlt.u32 v7, $0x1C0000  }
0x42d: {  	v7 =	vsel vm0, v7, v8  }
0x42e: {  	[tilespmem:s23+$0xFFFFFFD0] =	vst v7  }
0x42f: {  	v7 =	vld [tilespmem:s24+$0xFFFFFFD0];
	_ =	sdelay $0x4  }
0x430: {  	v7 =	vnsel vm0, $0x0, v7  }
0x431: {  	[tilespmem:s24+$0xFFFFFFD0] =	vst v7  }
0x432: {  	v7 =	vld [tilespmem:s23+$0xFFFFFFE0];
	_ =	sdelay $0x4  }
0x433: {  	s28 =	sadd.s32 $0xFFFFFFB0, s26;
	v7 =	vsub.s32 v7, v3  }
0x434: {  	v8 =	vor.u32 s28, v6;
	vm0 =	vlt.u32 v7, $0x1C0000  }
0x435: {  	v7 =	vsel vm0, v7, v8  }
0x436: {  	[tilespmem:s23+$0xFFFFFFE0] =	vst v7  }
0x437: {  	v7 =	vld [tilespmem:s24+$0xFFFFFFE0];
	_ =	sdelay $0x4  }
0x438: {  	v7 =	vnsel vm0, $0x0, v7  }
0x439: {  	[tilespmem:s24+$0xFFFFFFE0] =	vst v7  }
0x43a: {  	v7 =	vld [tilespmem:s23+$0xFFFFFFF0];
	_ =	sdelay $0x4  }
0x43b: {  	s28 =	sadd.s32 $0xFFFFFFC0, s26;
	v7 =	vsub.s32 v7, v3  }
0x43c: {  	v8 =	vor.u32 s28, v6;
	vm0 =	vlt.u32 v7, $0x1C0000  }
0x43d: {  	v7 =	vsel vm0, v7, v8  }
0x43e: {  	[tilespmem:s23+$0xFFFFFFF0] =	vst v7  }
0x43f: {  	v7 =	vld [tilespmem:s24+$0xFFFFFFF0];
	_ =	sdelay $0x4  }
0x440: {  	v7 =	vnsel vm0, $0x0, v7  }
0x441: {  	[tilespmem:s24+$0xFFFFFFF0] =	vst v7  }
0x442: {  	v7 =	vld [tilespmem:s23+$0x0];
	_ =	sdelay $0x4  }
0x443: {  	s28 =	sadd.s32 $0xFFFFFFD0, s26;
	v7 =	vsub.s32 v7, v3  }
0x444: {  	v8 =	vor.u32 s28, v6;
	vm0 =	vlt.u32 v7, $0x1C0000  }
0x445: {  	v7 =	vsel vm0, v7, v8  }
0x446: {  	[tilespmem:s23+$0x0] =	vst v7  }
0x447: {  	v7 =	vld [tilespmem:s24+$0x0];
	_ =	sdelay $0x4  }
0x448: {  	v7 =	vnsel vm0, $0x0, v7  }
0x449: {  	[tilespmem:s24+$0x0] =	vst v7  }
0x44a: {  	v7 =	vld [tilespmem:s23+$0x10];
	_ =	sdelay $0x4  }
0x44b: {  	s28 =	sadd.s32 $0xFFFFFFE0, s26;
	v7 =	vsub.s32 v7, v3  }
0x44c: {  	v8 =	vor.u32 s28, v6;
	vm0 =	vlt.u32 v7, $0x1C0000  }
0x44d: {  	v7 =	vsel vm0, v7, v8  }
0x44e: {  	[tilespmem:s23+$0x10] =	vst v7  }
0x44f: {  	v7 =	vld [tilespmem:s24+$0x10];
	_ =	sdelay $0x4  }
0x450: {  	v7 =	vnsel vm0, $0x0, v7  }
0x451: {  	[tilespmem:s24+$0x10] =	vst v7  }
0x452: {  	v7 =	vld [tilespmem:s23+$0x20];
	_ =	sdelay $0x4  }
0x453: {  	s28 =	sadd.s32 $0xFFFFFFF0, s26;
	v7 =	vsub.s32 v7, v3  }
0x454: {  	v8 =	vor.u32 s28, v6;
	vm0 =	vlt.u32 v7, $0x1C0000  }
0x455: {  	v7 =	vsel vm0, v7, v8  }
0x456: {  	[tilespmem:s23+$0x20] =	vst v7  }
0x457: {  	v7 =	vld [tilespmem:s24+$0x20];
	_ =	sdelay $0x4  }
0x458: {  	v7 =	vnsel vm0, $0x0, v7  }
0x459: {  	[tilespmem:s24+$0x20] =	vst v7  }
0x45a: {  	v7 =	vld [tilespmem:s23+$0x30];
	_ =	sdelay $0x4  }
0x45b: {  	v7 =	vsub.s32 v7, v3  }
0x45c: {  	v8 =	vor.u32 s26, v6;
	vm0 =	vlt.u32 v7, $0x1C0000  }
0x45d: {  	v7 =	vsel vm0, v7, v8  }
0x45e: {  	[tilespmem:s23+$0x30] =	vst v7  }
0x45f: {  	v7 =	vld [tilespmem:s24+$0x30]  }
.Ltmp10:
0x460: {  	(pc) =	sbr.rel @p0 .LBB2_23-.Ltmp10, $2  }
0x461: {  	_ =	sdelay $0x2  }
0x462: {  	v7 =	vnsel vm0, $0x0, v7  }
0x463: {  	s22 =	sadd.s32 $0x1, s22  }
0x464: {  	p0 =	sne.s32 s22, $0x40  }
.Ltmp11:
0x465: {  	[tilespmem:s24+$0x30] =	vst v7;
	(pc) =	sbr.rel @p0 .LBB2_22-.Ltmp11, $4  }
0x466: {  	[spmem:s4] =	stream.indirect.scatter.add.f32 [tilespmem:s10], [sflag:$0x1], $0x1, s5, s10, $0xb8;
	[tilespmem:$0x1E000] =	vst v63  }
0x467: {  	_ =	swait.ge [sflag:s11], $0x1000  }
0x468: {  	[sflag:s11] =	ssyncset.done $0x0  }
0x469: {  	[sflag:s11] =	ssyncadd.s32 $0xFFFFF000  }
0x46a: {  	[bflag:$0x0] =	sbarrier.arrive $0xFFFF  }
0x46b: {  	s22 =	rddreg [dreg:$0xc]  }
0x46c: {  	[hbm:s22], [sflag:s18] =	dma.local [spmem:s21], $0x3800  }
0x46d: {  	_ =	swait.ge [sflag:s11], $0x3800  }
0x46e: {  	[sflag:s11] =	ssyncset.done $0x0  }
0x46f: {  	[sflag:s11] =	ssyncadd.s32 $0xFFFFC800  }
0x470: {  	s21 =	simm.s32 $0x40;
	s22 =	simm.s32 $0x0;
	[bflag:$0x0] =	sbarrier.arrive $0xFFFF  }
.LBB2_26:
0x471: {  	p0 =	sne.s32 s21, $0x3FC0;
	[tilespmem:s22+$0x1000] =	vst v5;
	s22 =	smov.u32 s21;
	s21 =	sadd.s32 $0x40, s21  }
.Ltmp12:
0x472: {  	(pc) =	sbr.rel @p0 .LBB2_26-.Ltmp12, $2  }
0x473: {  	_ =	sdelay $0x2  }
0x474: {  	s22 =	sshra.s32 s22, $0x2  }
0x475: {  	[tilespmem:s22+$0x1000] =	vst v5;
	s28 =	rddreg [dreg:$0xf]  }
0x476: {  	[spmem:s28] =	stream.linear.scatter [tilespmem:s10], [sflag:$0x1], $0x1000, $0x38;
	[tilespmem:$0x1E000] =	vst v63  }
0x477: {  	_ =	swait.ge [sflag:s11], $0x1000  }
0x478: {  	[sflag:s11] =	ssyncset.done $0x0  }
0x479: {  	s21 =	rddreg [dreg:$0x18];
	[sflag:s11] =	ssyncadd.s32 $0xFFFFF000  }
0x47a: {  	[spmem:s21] =	stream.linear.scatter [tilespmem:s10], [sflag:$0x1], $0x1000, $0x38;
	[tilespmem:$0x1E000] =	vst v63  }
0x47b: {  	_ =	swait.ge [sflag:s11], $0x1000  }
0x47c: {  	[sflag:s11] =	ssyncset.done $0x0  }
0x47d: {  	s23 =	rddreg [dreg:$0x19];
	[sflag:s11] =	ssyncadd.s32 $0xFFFFF000  }
0x47e: {  	[spmem:s23] =	stream.linear.scatter [tilespmem:s10], [sflag:$0x1], $0x1000, $0x38;
	[tilespmem:$0x1E000] =	vst v63  }
0x47f: {  	_ =	swait.ge [sflag:s11], $0x1000  }
0x480: {  	[sflag:s11] =	ssyncset.done $0x0  }
0x481: {  	s24 =	rddreg [dreg:$0x1a];
	[sflag:s11] =	ssyncadd.s32 $0xFFFFF000  }
0x482: {  	[spmem:s24] =	stream.linear.scatter [tilespmem:s10], [sflag:$0x1], $0x1000, $0x38;
	[tilespmem:$0x1E000] =	vst v63  }
0x483: {  	_ =	swait.ge [sflag:s11], $0x1000  }
0x484: {  	[sflag:s11] =	ssyncset.done $0x0  }
0x485: {  	s25 =	rddreg [dreg:$0x1b];
	[sflag:s11] =	ssyncadd.s32 $0xFFFFF000  }
0x486: {  	[spmem:s25] =	stream.linear.scatter [tilespmem:s10], [sflag:$0x1], $0x1000, $0x38;
	[tilespmem:$0x1E000] =	vst v63  }
0x487: {  	_ =	swait.ge [sflag:s11], $0x1000  }
0x488: {  	[sflag:s11] =	ssyncset.done $0x0  }
0x489: {  	s26 =	rddreg [dreg:$0x1c];
	[sflag:s11] =	ssyncadd.s32 $0xFFFFF000  }
0x48a: {  	[spmem:s26] =	stream.linear.scatter [tilespmem:s10], [sflag:$0x1], $0x1000, $0x38;
	[tilespmem:$0x1E000] =	vst v63  }
0x48b: {  	_ =	swait.ge [sflag:s11], $0x1000  }
0x48c: {  	[sflag:s11] =	ssyncset.done $0x0  }
0x48d: {  	s22 =	rddreg [dreg:$0x1d];
	[sflag:s11] =	ssyncadd.s32 $0xFFFFF000  }
0x48e: {  	[spmem:s22] =	stream.linear.scatter [tilespmem:s10], [sflag:$0x1], $0x1000, $0x38;
	[tilespmem:$0x1E000] =	vst v63  }
0x48f: {  	_ =	swait.ge [sflag:s11], $0x1000  }
0x490: {  	[sflag:s11] =	ssyncset.done $0x0  }
0x491: {  	s23 =	rddreg [dreg:$0x1e];
	[sflag:s11] =	ssyncadd.s32 $0xFFFFF000  }
0x492: {  	[spmem:s23] =	stream.linear.scatter [tilespmem:s10], [sflag:$0x1], $0x1000, $0x38;
	[tilespmem:$0x1E000] =	vst v63  }
0x493: {  	_ =	swait.ge [sflag:s11], $0x1000  }
0x494: {  	[sflag:s11] =	ssyncset.done $0x0  }
0x495: {  	s24 =	rddreg [dreg:$0x1f];
	[sflag:s11] =	ssyncadd.s32 $0xFFFFF000  }
0x496: {  	[spmem:s24] =	stream.linear.scatter [tilespmem:s10], [sflag:$0x1], $0x1000, $0x38;
	[tilespmem:$0x1E000] =	vst v63  }
0x497: {  	_ =	swait.ge [sflag:s11], $0x1000  }
0x498: {  	s25 =	sld [smem:$0x7F7]  }
0x499: {  	[sflag:s11] =	ssyncset.done $0x0  }
0x49a: {  	[sflag:s11] =	ssyncadd.s32 $0xFFFFF000  }
0x49b: {  	[spmem:s25] =	stream.linear.scatter [tilespmem:s10], [sflag:$0x1], $0x1000, $0x38;
	[tilespmem:$0x1E000] =	vst v63  }
0x49c: {  	_ =	swait.ge [sflag:s11], $0x1000  }
0x49d: {  	s26 =	sld [smem:$0x7F8]  }
0x49e: {  	[sflag:s11] =	ssyncset.done $0x0  }
0x49f: {  	[sflag:s11] =	ssyncadd.s32 $0xFFFFF000  }
0x4a0: {  	[spmem:s26] =	stream.linear.scatter [tilespmem:s10], [sflag:$0x1], $0x1000, $0x38;
	[tilespmem:$0x1E000] =	vst v63  }
0x4a1: {  	_ =	swait.ge [sflag:s11], $0x1000  }
0x4a2: {  	s22 =	sld [smem:$0x7F9]  }
0x4a3: {  	[sflag:s11] =	ssyncset.done $0x0  }
0x4a4: {  	[sflag:s11] =	ssyncadd.s32 $0xFFFFF000  }
0x4a5: {  	[spmem:s22] =	stream.linear.scatter [tilespmem:s10], [sflag:$0x1], $0x1000, $0x38;
	[tilespmem:$0x1E000] =	vst v63  }
0x4a6: {  	_ =	swait.ge [sflag:s11], $0x1000  }
0x4a7: {  	s23 =	sld [smem:$0x7FA]  }
0x4a8: {  	[sflag:s11] =	ssyncset.done $0x0  }
0x4a9: {  	[sflag:s11] =	ssyncadd.s32 $0xFFFFF000  }
0x4aa: {  	[spmem:s23] =	stream.linear.scatter [tilespmem:s10], [sflag:$0x1], $0x1000, $0x38;
	[tilespmem:$0x1E000] =	vst v63  }
0x4ab: {  	_ =	swait.ge [sflag:s11], $0x1000  }
0x4ac: {  	s24 =	sld [smem:$0x7FB]  }
0x4ad: {  	[sflag:s11] =	ssyncset.done $0x0  }
0x4ae: {  	[sflag:s11] =	ssyncadd.s32 $0xFFFFF000  }
0x4af: {  	[spmem:s24] =	stream.linear.scatter [tilespmem:s10], [sflag:$0x1], $0x1000, $0x38;
	[tilespmem:$0x1E000] =	vst v63  }
0x4b0: {  	_ =	swait.ge [sflag:s11], $0x1000  }
0x4b1: {  	s25 =	sld [smem:$0x7FC]  }
0x4b2: {  	[sflag:s11] =	ssyncset.done $0x0  }
0x4b3: {  	[sflag:s11] =	ssyncadd.s32 $0xFFFFF000  }
0x4b4: {  	[spmem:s25] =	stream.linear.scatter [tilespmem:s10], [sflag:$0x1], $0x1000, $0x38;
	[tilespmem:$0x1E000] =	vst v63  }
0x4b5: {  	_ =	swait.ge [sflag:s11], $0x1000  }
0x4b6: {  	s26 =	sld [smem:$0x7FD]  }
0x4b7: {  	[sflag:s11] =	ssyncset.done $0x0  }
0x4b8: {  	[sflag:s11] =	ssyncadd.s32 $0xFFFFF000  }
0x4b9: {  	[spmem:s26] =	stream.linear.scatter [tilespmem:s10], [sflag:$0x1], $0x1000, $0x38;
	[tilespmem:$0x1E000] =	vst v63  }
0x4ba: {  	_ =	swait.ge [sflag:s11], $0x1000  }
0x4bb: {  	[sflag:s11] =	ssyncset.done $0x0  }
0x4bc: {  	[sflag:s11] =	ssyncadd.s32 $0xFFFFF000  }
0x4bd: {  	s21 =	simm.s32 $0x0;
	[bflag:$0x0] =	sbarrier.arrive $0xFFFF  }
.LBB2_28:
0x4be: {  	s22 =	sshll.u32 s21, $0xC  }
0x4bf: {  	s22 =	sadd.s32 s7, s22  }
0x4c0: {  	s22 =	sshrl.u32 s22, $0x3  }
0x4c1: {  	s23 =	sadd.s32 s1, s22  }
0x4c2: {  	[tilespmem:s5], [sflag:$0x1] =	stream.linear.gather [hbm4b:s23+s5], $0x1000, $0x38;
	[tilespmem:$0x1E000] =	vst v63  }
0x4c3: {  	_ =	swait.ge [sflag:s11], $0x1000  }
0x4c4: {  	[sflag:s11] =	ssyncset.done $0x0  }
0x4c5: {  	s22 =	sadd.s32 s2, s22;
	[sflag:s11] =	ssyncadd.s32 $0xFFFFF000  }
0x4c6: {  	[tilespmem:s10], [sflag:$0x1] =	stream.linear.gather [hbm4b:s22+s5], $0x1000, $0x38;
	[tilespmem:$0x1E000] =	vst v63  }
0x4c7: {  	_ =	swait.ge [sflag:s11], $0x1000  }
0x4c8: {  	[sflag:s11] =	ssyncset.done $0x0  }
0x4c9: {  	s22 =	simm.s32 $0x40;
	[sflag:s11] =	ssyncadd.s32 $0xFFFFF000  }
0x4ca: {  	v7 =	vld [tilespmem:s22+$0xFFFFFFC0];
	_ =	sdelay $0x4  }
0x4cb: {  	s24 =	simm.s32 $0x0;
	v7 =	vsub.s32 v7, v4  }
0x4cc: {  	v8 =	vor.u32 s24, v6;
	vm0 =	vlt.u32 v7, $0x100000  }
0x4cd: {  	v7 =	vsel vm0, v7, v8  }
0x4ce: {  	s23 =	simm.s32 $0x1040;
	[tilespmem:s22+$0xFFFFFFC0] =	vst v7  }
0x4cf: {  	v7 =	vld [tilespmem:s23+$0xFFFFFFC0];
	_ =	sdelay $0x4  }
0x4d0: {  	v7 =	vnsel vm0, $0x0, v7  }
0x4d1: {  	[tilespmem:s23+$0xFFFFFFC0] =	vst v7  }
0x4d2: {  	v7 =	vld [tilespmem:s22+$0xFFFFFFD0];
	_ =	sdelay $0x4  }
0x4d3: {  	s24 =	simm.s32 $0x10;
	v7 =	vsub.s32 v7, v4  }
0x4d4: {  	v8 =	vor.u32 s24, v6;
	vm9 =	vlt.u32 v7, $0x100000  }
0x4d5: {  	v7 =	vsel vm9, v7, v8  }
0x4d6: {  	[tilespmem:s22+$0xFFFFFFD0] =	vst v7  }
0x4d7: {  	v7 =	vld [tilespmem:s23+$0xFFFFFFD0];
	_ =	sdelay $0x4  }
0x4d8: {  	v7 =	vnsel vm9, $0x0, v7  }
0x4d9: {  	[tilespmem:s23+$0xFFFFFFD0] =	vst v7  }
0x4da: {  	v7 =	vld [tilespmem:s22+$0xFFFFFFE0];
	_ =	sdelay $0x4  }
0x4db: {  	s25 =	simm.s32 $0x20;
	v7 =	vsub.s32 v7, v4  }
0x4dc: {  	v8 =	vor.u32 s25, v6;
	vm10 =	vlt.u32 v7, $0x100000  }
0x4dd: {  	v7 =	vsel vm10, v7, v8  }
0x4de: {  	[tilespmem:s22+$0xFFFFFFE0] =	vst v7  }
0x4df: {  	v7 =	vld [tilespmem:s23+$0xFFFFFFE0];
	_ =	sdelay $0x4  }
0x4e0: {  	v7 =	vnsel vm10, $0x0, v7  }
0x4e1: {  	[tilespmem:s23+$0xFFFFFFE0] =	vst v7  }
0x4e2: {  	v7 =	vld [tilespmem:s22+$0xFFFFFFF0];
	_ =	sdelay $0x4  }
0x4e3: {  	s26 =	simm.s32 $0x30;
	v7 =	vsub.s32 v7, v4  }
0x4e4: {  	v8 =	vor.u32 s26, v6;
	vm11 =	vlt.u32 v7, $0x100000  }
0x4e5: {  	v7 =	vsel vm11, v7, v8  }
0x4e6: {  	[tilespmem:s22+$0xFFFFFFF0] =	vst v7  }
0x4e7: {  	v7 =	vld [tilespmem:s23+$0xFFFFFFF0];
	_ =	sdelay $0x4  }
0x4e8: {  	v7 =	vnsel vm11, $0x0, v7  }
0x4e9: {  	[tilespmem:s23+$0xFFFFFFF0] =	vst v7  }
0x4ea: {  	v7 =	vld [tilespmem:s22+$0x0];
	_ =	sdelay $0x4  }
0x4eb: {  	s25 =	simm.s32 $0x40;
	v7 =	vsub.s32 v7, v4  }
0x4ec: {  	v8 =	vor.u32 s25, v6;
	vm12 =	vlt.u32 v7, $0x100000  }
0x4ed: {  	v7 =	vsel vm12, v7, v8  }
0x4ee: {  	[tilespmem:s22+$0x0] =	vst v7  }
0x4ef: {  	v7 =	vld [tilespmem:s23+$0x0];
	_ =	sdelay $0x4  }
0x4f0: {  	v7 =	vnsel vm12, $0x0, v7  }
0x4f1: {  	[tilespmem:s23+$0x0] =	vst v7  }
0x4f2: {  	v7 =	vld [tilespmem:s22+$0x10];
	_ =	sdelay $0x4  }
0x4f3: {  	s26 =	simm.s32 $0x50;
	v7 =	vsub.s32 v7, v4  }
0x4f4: {  	v8 =	vor.u32 s26, v6;
	vm13 =	vlt.u32 v7, $0x100000  }
0x4f5: {  	v7 =	vsel vm13, v7, v8  }
0x4f6: {  	[tilespmem:s22+$0x10] =	vst v7  }
0x4f7: {  	v7 =	vld [tilespmem:s23+$0x10];
	_ =	sdelay $0x4  }
0x4f8: {  	v7 =	vnsel vm13, $0x0, v7  }
0x4f9: {  	[tilespmem:s23+$0x10] =	vst v7  }
0x4fa: {  	v7 =	vld [tilespmem:s22+$0x20];
	_ =	sdelay $0x4  }
0x4fb: {  	s25 =	simm.s32 $0x60;
	v7 =	vsub.s32 v7, v4  }
0x4fc: {  	v8 =	vor.u32 s25, v6;
	vm14 =	vlt.u32 v7, $0x100000  }
0x4fd: {  	v7 =	vsel vm14, v7, v8  }
0x4fe: {  	[tilespmem:s22+$0x20] =	vst v7  }
0x4ff: {  	v7 =	vld [tilespmem:s23+$0x20];
	_ =	sdelay $0x4  }
0x500: {  	v7 =	vnsel vm14, $0x0, v7  }
0x501: {  	[tilespmem:s23+$0x20] =	vst v7  }
0x502: {  	v7 =	vld [tilespmem:s22+$0x30];
	_ =	sdelay $0x4  }
0x503: {  	s26 =	simm.s32 $0x70;
	v7 =	vsub.s32 v7, v4  }
0x504: {  	v8 =	vor.u32 s26, v6;
	vm15 =	vlt.u32 v7, $0x100000  }
0x505: {  	v7 =	vsel vm15, v7, v8  }
0x506: {  	[tilespmem:s22+$0x30] =	vst v7  }
0x507: {  	v7 =	vld [tilespmem:s23+$0x30];
	_ =	sdelay $0x4  }
0x508: {  	s24 =	simm.s32 $0xF0;
	v7 =	vnsel vm15, $0x0, v7  }
.LBB2_29:
0x509: {  	p0 =	sne.s32 s24, $0xFF0;
	[tilespmem:s23+$0x30] =	vst v7;
	s22 =	sadd.s32 $0x80, s22;
	s23 =	sadd.s32 $0x80, s23  }
0x50a: {  	s25 =	smov.u32 s24;
	s24 =	sadd.s32 $0x80, s24;
	v7 =	vld [tilespmem:s22+$0xFFFFFFC0];
	_ =	sdelay $0x4  }
0x50b: {  	s26 =	sadd.s32 $0xFFFFFF90, s25;
	v7 =	vsub.s32 v7, v4  }
0x50c: {  	v8 =	vor.u32 s26, v6;
	vm0 =	vlt.u32 v7, $0x100000  }
0x50d: {  	v7 =	vsel vm0, v7, v8  }
0x50e: {  	[tilespmem:s22+$0xFFFFFFC0] =	vst v7  }
0x50f: {  	v7 =	vld [tilespmem:s23+$0xFFFFFFC0];
	_ =	sdelay $0x4  }
0x510: {  	v7 =	vnsel vm0, $0x0, v7  }
0x511: {  	[tilespmem:s23+$0xFFFFFFC0] =	vst v7  }
0x512: {  	v7 =	vld [tilespmem:s22+$0xFFFFFFD0];
	_ =	sdelay $0x4  }
0x513: {  	s26 =	sadd.s32 $0xFFFFFFA0, s25;
	v7 =	vsub.s32 v7, v4  }
0x514: {  	v8 =	vor.u32 s26, v6;
	vm0 =	vlt.u32 v7, $0x100000  }
0x515: {  	v7 =	vsel vm0, v7, v8  }
0x516: {  	[tilespmem:s22+$0xFFFFFFD0] =	vst v7  }
0x517: {  	v7 =	vld [tilespmem:s23+$0xFFFFFFD0];
	_ =	sdelay $0x4  }
0x518: {  	v7 =	vnsel vm0, $0x0, v7  }
0x519: {  	[tilespmem:s23+$0xFFFFFFD0] =	vst v7  }
0x51a: {  	v7 =	vld [tilespmem:s22+$0xFFFFFFE0];
	_ =	sdelay $0x4  }
0x51b: {  	s26 =	sadd.s32 $0xFFFFFFB0, s25;
	v7 =	vsub.s32 v7, v4  }
0x51c: {  	v8 =	vor.u32 s26, v6;
	vm0 =	vlt.u32 v7, $0x100000  }
0x51d: {  	v7 =	vsel vm0, v7, v8  }
0x51e: {  	[tilespmem:s22+$0xFFFFFFE0] =	vst v7  }
0x51f: {  	v7 =	vld [tilespmem:s23+$0xFFFFFFE0];
	_ =	sdelay $0x4  }
0x520: {  	v7 =	vnsel vm0, $0x0, v7  }
0x521: {  	[tilespmem:s23+$0xFFFFFFE0] =	vst v7  }
0x522: {  	v7 =	vld [tilespmem:s22+$0xFFFFFFF0];
	_ =	sdelay $0x4  }
0x523: {  	s26 =	sadd.s32 $0xFFFFFFC0, s25;
	v7 =	vsub.s32 v7, v4  }
0x524: {  	v8 =	vor.u32 s26, v6;
	vm0 =	vlt.u32 v7, $0x100000  }
0x525: {  	v7 =	vsel vm0, v7, v8  }
0x526: {  	[tilespmem:s22+$0xFFFFFFF0] =	vst v7  }
0x527: {  	v7 =	vld [tilespmem:s23+$0xFFFFFFF0];
	_ =	sdelay $0x4  }
0x528: {  	v7 =	vnsel vm0, $0x0, v7  }
0x529: {  	[tilespmem:s23+$0xFFFFFFF0] =	vst v7  }
0x52a: {  	v7 =	vld [tilespmem:s22+$0x0];
	_ =	sdelay $0x4  }
0x52b: {  	s26 =	sadd.s32 $0xFFFFFFD0, s25;
	v7 =	vsub.s32 v7, v4  }
0x52c: {  	v8 =	vor.u32 s26, v6;
	vm0 =	vlt.u32 v7, $0x100000  }
0x52d: {  	v7 =	vsel vm0, v7, v8  }
0x52e: {  	[tilespmem:s22+$0x0] =	vst v7  }
0x52f: {  	v7 =	vld [tilespmem:s23+$0x0];
	_ =	sdelay $0x4  }
0x530: {  	v7 =	vnsel vm0, $0x0, v7  }
0x531: {  	[tilespmem:s23+$0x0] =	vst v7  }
0x532: {  	v7 =	vld [tilespmem:s22+$0x10];
	_ =	sdelay $0x4  }
0x533: {  	s26 =	sadd.s32 $0xFFFFFFE0, s25;
	v7 =	vsub.s32 v7, v4  }
0x534: {  	v8 =	vor.u32 s26, v6;
	vm0 =	vlt.u32 v7, $0x100000  }
0x535: {  	v7 =	vsel vm0, v7, v8  }
0x536: {  	[tilespmem:s22+$0x10] =	vst v7  }
0x537: {  	v7 =	vld [tilespmem:s23+$0x10];
	_ =	sdelay $0x4  }
0x538: {  	v7 =	vnsel vm0, $0x0, v7  }
0x539: {  	[tilespmem:s23+$0x10] =	vst v7  }
0x53a: {  	v7 =	vld [tilespmem:s22+$0x20];
	_ =	sdelay $0x4  }
0x53b: {  	s26 =	sadd.s32 $0xFFFFFFF0, s25;
	v7 =	vsub.s32 v7, v4  }
0x53c: {  	v8 =	vor.u32 s26, v6;
	vm0 =	vlt.u32 v7, $0x100000  }
0x53d: {  	v7 =	vsel vm0, v7, v8  }
0x53e: {  	[tilespmem:s22+$0x20] =	vst v7  }
0x53f: {  	v7 =	vld [tilespmem:s23+$0x20];
	_ =	sdelay $0x4  }
0x540: {  	v7 =	vnsel vm0, $0x0, v7  }
0x541: {  	[tilespmem:s23+$0x20] =	vst v7  }
0x542: {  	v7 =	vld [tilespmem:s22+$0x30];
	_ =	sdelay $0x4  }
0x543: {  	v7 =	vsub.s32 v7, v4  }
0x544: {  	v8 =	vor.u32 s25, v6;
	vm0 =	vlt.u32 v7, $0x100000  }
0x545: {  	v7 =	vsel vm0, v7, v8  }
0x546: {  	[tilespmem:s22+$0x30] =	vst v7  }
0x547: {  	v7 =	vld [tilespmem:s23+$0x30]  }
.Ltmp13:
0x548: {  	(pc) =	sbr.rel @p0 .LBB2_29-.Ltmp13, $2  }
0x549: {  	_ =	sdelay $0x2  }
0x54a: {  	v7 =	vnsel vm0, $0x0, v7  }
0x54b: {  	s21 =	sadd.s32 $0x1, s21  }
0x54c: {  	p0 =	sne.s32 s21, $0x40  }
.Ltmp14:
0x54d: {  	[tilespmem:s23+$0x30] =	vst v7;
	(pc) =	sbr.rel @p0 .LBB2_28-.Ltmp14, $4  }
0x54e: {  	[spmem:s4] =	stream.indirect.scatter.add.f32 [tilespmem:s10], [sflag:$0x1], $0x1, s5, s10, $0xb8;
	[tilespmem:$0x1E000] =	vst v63  }
0x54f: {  	_ =	swait.ge [sflag:s11], $0x1000  }
0x550: {  	[sflag:s11] =	ssyncset.done $0x0  }
0x551: {  	[sflag:s11] =	ssyncadd.s32 $0xFFFFF000  }
0x552: {  	[bflag:$0x0] =	sbarrier.arrive $0xFFFF  }
0x553: {  	s21 =	sshrl.u32 s28, $0x3;
	s22 =	rddreg [dreg:$0xd]  }
0x554: {  	[hbm:s22], [sflag:s18] =	dma.local [spmem:s21], $0x2000  }
0x555: {  	_ =	swait.ge [sflag:s11], $0x2000  }
0x556: {  	s12 =	sadd.s32 $0x1, s12;
	s28 =	rddreg [dreg:$0x10]  }
0x557: {  	p0 =	sne.s32 s12, s28  }
.Ltmp15:
0x558: {  	_ = 	snop;
	(pc) =	sbr.rel @p0 .LBB2_1-.Ltmp15, $3  }
0x559: {  	[sflag:s11] =	ssyncset.done $0x0  }
0x55a: {  	[sflag:s11] =	ssyncadd.s32 $0xFFFFE000  }
0x55b: {  	[bflag:$0x0] =	sbarrier.arrive $0xFFFF;
	_ =	sdelay $0x1  }
0x55c: {  	_ =	sfence.sel $0x180000  }
0x55d: {  	[bflag:$0x0] =	sbarrier.arrive $0xFFFF  }
0x55e: {  	_ =	strace $0x90000047  }
0x55f: {  	s0 =	stileid.u32;
	[bflag:$0x2] =	sbarrier.arrive $0xFFFF  }
0x560: {  	p0 =	sne.s32 s0, $0x0;
	s0 =	rddreg [dreg:$0x3]  }
0x561: {  	s0 =	sadd.s32 @!p0 $0x100000, s0  }
0x562: {  	[sflag:s0] =	ssyncadd.tile.s32 @!p0 $0x1;
	_ =	shalt  }
.Lfunc_end2:
_tile_overlayer_lowered:
.L_overlay_start_2:
0x563: {  	(tag) =	ssettag $0x2  }
0x564: {  	s0 =	rddreg [dreg:$0x0];
	s2 =	stileid.u32  }
0x565: {  	s1 =	rddreg [dreg:$0x1];
	p0 =	sne.s32 s2, $0x0  }
0x566: {  	s3 =	rddreg [dreg:$0x2];
	[bflag:$0x3] =	sbarrier.arrive $0xFFFF;
	s2 =	simm.s32 @!p0 $0x1C01  }
0x567: {  	[timem:s3], [sflag:s2] =	dma.local @!p0 [hbm:s0], s1  }
0x568: {  	s0 =	simm.s32 @!p0 $0x1  }
0x569: {  	_ =	swait.ge @!p0 [sflag:s0], s1  }
0x56a: {  	s1 =	ssub.s32 @!p0 $0x0, s1;
	[sflag:s0] =	ssyncset.done @!p0 $0x0  }
0x56b: {  	[sflag:s0] =	ssyncadd.s32 @!p0 s1  }
0x56c: {  	[bflag:$0x3] =	sbarrier.arrive $0xFFFF  }
0x56d: {  	_ =	shalt  }

</sc_bundles>
